<compile_context>
chip_gen: v7x
topology: tpu7x:2x2x1
jax: 0.10.2.dev20260603
libtpu: 0.0.44.dev20260713+nightly
codegen_flags: <defaults>
</compile_context>

<pallas_src>
import jax
import jax.numpy as jnp
from jax import lax
from jax.experimental import pallas as pl
from jax.experimental.pallas import tpu as pltpu
from jax.experimental.pallas import tpu_sc as plsc

N_USER = 10000
N_ITEM = 10000
CH = 128
SH = 64
NB = 8
E = 320000
NUM_LAYERS = 2

NS = 16
CHUNK = 128
K = 160
E_PAD = NS * K * CHUNK
N_PAD = 10112
ROWS_PER_TILE = N_PAD // NS


def _segsum_body(with_counts, *refs):
    if with_counts:
        (xu_t, xi_t, si_ui, di_ui, si_iu, di_iu, zrows_hbm, orows_hbm,
         sui_out, siu_out, cui_out, ciu_out,
         sidx0, sidx1, didx0, didx1, didx2, didx3, rows0, rows1, acc_sh,
         sem0, sem1, ssem) = refs
    else:
        (xu_t, xi_t, si_ui, di_ui, si_iu, di_iu, zrows_hbm,
         sui_out, siu_out,
         sidx0, sidx1, didx0, didx1, didx2, didx3, rows0, rows1, acc_sh,
         sem0, sem1, ssem) = refs
        orows_hbm = cui_out = ciu_out = None
    sidx = (sidx0, sidx1)
    didx = (didx0, didx1, didx2, didx3)
    rows = (rows0, rows1)
    gsem = (sem0, sem1)
    rows_v = rows0

    cid = lax.axis_index("c")
    sid = lax.axis_index("s")
    base = sid * ROWS_PER_TILE
    nfull = ROWS_PER_TILE // CHUNK
    rem = ROWS_PER_TILE % CHUNK

    def zero_acc():
        pltpu.sync_copy(zrows_hbm, rows_v)
        for r in range(nfull):
            pltpu.sync_copy(rows_v, acc_sh.at[pl.ds(base + r * CHUNK, CHUNK)])
        if rem:
            off = base + nfull * CHUNK
            pltpu.sync_copy(rows_v.at[pl.ds(0, rem)],
                            acc_sh.at[pl.ds(off, rem)])

    def edge_loop(table_hbm, si_h, di_h, gather):
        if gather:
            pltpu.sync_copy(si_h.at[sid, 0], sidx[0])
            pltpu.sync_copy(di_h.at[sid, 0], didx[0])
            pltpu.async_copy(table_hbm.at[sidx[0]], rows[0], gsem[0]).wait()
            pltpu.sync_copy(si_h.at[sid, 1], sidx[1])
            pltpu.sync_copy(di_h.at[sid, 1], didx[1])

            def quad(t, _):
                for u in range(4):
                    j = 4 * t + u
                    b = u & 1
                    nb = 1 - b
                    d = u
                    nd = (u + 2) % 4

                    @pl.when(j + 1 < K)
                    def _():
                        cp = pltpu.async_copy(table_hbm.at[sidx[nb]],
                                              rows[nb], gsem[nb])
                        sc = pltpu.async_copy(rows[b], acc_sh.at[didx[d]],
                                              ssem, add=True)

                        @pl.when(j + 2 < K)
                        def _():
                            pltpu.sync_copy(si_h.at[sid, j + 2], sidx[b])
                            pltpu.sync_copy(di_h.at[sid, j + 2], didx[nd])

                        sc.wait()
                        cp.wait()

                    @pl.when(j + 1 >= K)
                    def _():
                        pltpu.sync_copy(rows[b], acc_sh.at[didx[d]], add=True)
                return 0

            lax.fori_loop(0, K // 4, quad, 0)
        else:
            pltpu.sync_copy(di_h.at[sid, 0], didx[0])

            def pair(g, _):
                for b in range(2):
                    j = 2 * g + b
                    nb = 1 - b

                    @pl.when(j + 1 < K)
                    def _():
                        sc = pltpu.async_copy(rows[0], acc_sh.at[didx[b]],
                                              ssem, add=True)
                        pltpu.sync_copy(di_h.at[sid, j + 1], didx[nb])
                        sc.wait()

                    @pl.when(j + 1 >= K)
                    def _():
                        pltpu.sync_copy(rows[0], acc_sh.at[didx[b]], add=True)
                return 0

            lax.fori_loop(0, K // 2, pair, 0)

    def copy_out(out_h):
        for r in range(nfull):
            pltpu.sync_copy(acc_sh.at[pl.ds(base + r * CHUNK, CHUNK)], rows_v)
            pltpu.sync_copy(rows_v, out_h.at[pl.ds(base + r * CHUNK, CHUNK)])
        if rem:
            off = base + nfull * CHUNK
            pltpu.sync_copy(acc_sh.at[pl.ds(off, rem)],
                            rows_v.at[pl.ds(0, rem)])
            pltpu.sync_copy(rows_v.at[pl.ds(0, rem)], out_h.at[pl.ds(off, rem)])

    zero_acc()
    plsc.subcore_barrier()

    @pl.when(cid == 0)
    def _():
        edge_loop(xu_t, si_ui, di_ui, True)

    @pl.when(cid == 1)
    def _():
        edge_loop(xi_t, si_iu, di_iu, True)

    plsc.subcore_barrier()

    @pl.when(cid == 0)
    def _():
        copy_out(sui_out)

    @pl.when(cid == 1)
    def _():
        copy_out(siu_out)

    if with_counts:
        plsc.subcore_barrier()
        zero_acc()
        plsc.subcore_barrier()
        pltpu.sync_copy(orows_hbm, rows_v)

        @pl.when(cid == 0)
        def _():
            edge_loop(None, None, di_ui, False)

        @pl.when(cid == 1)
        def _():
            edge_loop(None, None, di_iu, False)

        plsc.subcore_barrier()

        @pl.when(cid == 0)
        def _():
            copy_out(cui_out)

        @pl.when(cid == 1)
        def _():
            copy_out(ciu_out)


def _make_segsum(with_counts):
    import functools
    mesh = plsc.VectorSubcoreMesh(core_axis_name="c", subcore_axis_name="s")
    n_out = 4 if with_counts else 2
    return pl.kernel(
        functools.partial(_segsum_body, with_counts),
        out_type=tuple(jax.ShapeDtypeStruct((N_PAD, CH), jnp.float32)
                       for _ in range(n_out)),
        mesh=mesh,
        scratch_types=[
            pltpu.VMEM((CHUNK,), jnp.int32),
            pltpu.VMEM((CHUNK,), jnp.int32),
            pltpu.VMEM((CHUNK,), jnp.int32),
            pltpu.VMEM((CHUNK,), jnp.int32),
            pltpu.VMEM((CHUNK,), jnp.int32),
            pltpu.VMEM((CHUNK,), jnp.int32),
            pltpu.VMEM((CHUNK, CH), jnp.float32),
            pltpu.VMEM((CHUNK, CH), jnp.float32),
            pltpu.VMEM_SHARED((N_PAD, CH), jnp.float32),
            pltpu.SemaphoreType.DMA,
            pltpu.SemaphoreType.DMA,
            pltpu.SemaphoreType.DMA,
        ],
    )


def _schema_body(sx_ref, preW_ref, gcnW_ref, coeffW_ref, aux_ref,
                 b0_ref, b1_ref, ei_ref,
                 sch_ref, ori_ref, w_ui0_ref, w_iu0_ref, w_ui1_ref, w_iu1_ref):
    f32 = jnp.float32
    dn = (((1,), (1,)), ((), ()))
    sx = sx_ref[...]
    h = lax.dot_general(sx, preW_ref[...], dn, preferred_element_type=f32)
    h = h + aux_ref[0:1, :SH]
    ori_ref[...] = h
    x = lax.dot_general(h, gcnW_ref[...], dn, preferred_element_type=f32)

    a = [[1.0, 0.0], [0.0, 1.0]]
    for e in range(4):
        s_e = ei_ref[0, e]
        d_e = ei_ref[1, e]
        for i in range(2):
            for j in range(2):
                hit = jnp.logical_and(d_e == i, s_e == j)
                a[i][j] = a[i][j] + jnp.where(hit, 1.0, 0.0)
    deg = [a[0][0] + a[0][1], a[1][0] + a[1][1]]
    dinv = [lax.rsqrt(deg[0]), lax.rsqrt(deg[1])]
    n = [[dinv[i] * a[i][j] * dinv[j] for j in range(2)] for i in range(2)]

    gb = aux_ref[1:2, :SH]
    row0 = n[0][0] * x[0:1, :] + n[0][1] * x[1:2, :] + gb
    row1 = n[1][0] * x[0:1, :] + n[1][1] * x[1:2, :] + gb
    sch = jnp.maximum(jnp.concatenate([row0, row1, jnp.zeros((6, SH), f32)], 0),
                      0.0)
    sch_ref[...] = sch

    cb = aux_ref[2:3, :NB]
    z_ui = jnp.concatenate([sch[0:1, :], sch[1:2, :]], axis=1)
    z_iu = jnp.concatenate([sch[1:2, :], sch[0:1, :]], axis=1)
    c_ui = lax.dot_general(z_ui, coeffW_ref[...], dn,
                           preferred_element_type=f32) + cb
    c_iu = lax.dot_general(z_iu, coeffW_ref[...], dn,
                           preferred_element_type=f32) + cb

    for b_ref, c, w_ref in ((b0_ref, c_ui, w_ui0_ref),
                            (b0_ref, c_iu, w_iu0_ref),
                            (b1_ref, c_ui, w_ui1_ref),
                            (b1_ref, c_iu, w_iu1_ref)):
        acc = jnp.zeros((CH, CH), f32)
        for i in range(NB):
            acc = acc + c[0:1, i:i + 1] * b_ref[i]
        w_ref[...] = acc


def _schema_call(sx, preW, gcnW, coeffW, aux, b0, b1, ei):
    vmem = pl.BlockSpec(memory_space=pltpu.VMEM)
    return pl.pallas_call(
        _schema_body,
        out_shape=(
            jax.ShapeDtypeStruct((8, SH), jnp.float32),
            jax.ShapeDtypeStruct((2, SH), jnp.float32),
            jax.ShapeDtypeStruct((CH, CH), jnp.float32),
            jax.ShapeDtypeStruct((CH, CH), jnp.float32),
            jax.ShapeDtypeStruct((CH, CH), jnp.float32),
            jax.ShapeDtypeStruct((CH, CH), jnp.float32),
        ),
        in_specs=[vmem] * 7 + [pl.BlockSpec(memory_space=pltpu.SMEM)],
        out_specs=(vmem,) * 6,
    )(sx, preW, gcnW, coeffW, aux, b0, b1, ei)


ROW_BLK = 1264


def _update_body(s_ref, cnt_ref, x_ref, w_ref, pp_ref, o_ref):
    f32 = jnp.float32
    cnt = jnp.maximum(cnt_ref[:, 0:1], 1.0)
    mean = s_ref[...] / cnt
    t = mean + x_ref[...]
    y = lax.dot_general(t, w_ref[...], (((1,), (1,)), ((), ())),
                        preferred_element_type=f32)
    y = y + pp_ref[0:1, :]
    mu = jnp.mean(y, axis=1, keepdims=True)
    d = y - mu
    var = jnp.mean(d * d, axis=1, keepdims=True)
    o = d * lax.rsqrt(var + 1e-5) * pp_ref[1:2, :] + pp_ref[2:3, :]
    o_ref[...] = jnp.maximum(o, 0.0)


def _update_call(s, cnt_t, x_dst, w, pp):
    nblk = N_PAD // ROW_BLK
    return pl.pallas_call(
        _update_body,
        grid=(nblk,),
        in_specs=[
            pl.BlockSpec((ROW_BLK, CH), lambda i: (i, 0)),
            pl.BlockSpec((ROW_BLK, CH), lambda i: (i, 0)),
            pl.BlockSpec((ROW_BLK, CH), lambda i: (i, 0)),
            pl.BlockSpec((CH, CH), lambda i: (0, 0)),
            pl.BlockSpec((8, CH), lambda i: (0, 0)),
        ],
        out_specs=pl.BlockSpec((ROW_BLK, CH), lambda i: (i, 0)),
        out_shape=jax.ShapeDtypeStruct((N_PAD, CH), jnp.float32),
    )(s, cnt_t, x_dst, w, pp)


def _prep_edges(ei):
    src = ei[0].astype(jnp.int32)
    dst = ei[1].astype(jnp.int32)
    pad = E_PAD - E
    src = jnp.concatenate([src, jnp.zeros((pad,), jnp.int32)])
    dst = jnp.concatenate([dst, jnp.full((pad,), N_PAD - 1, jnp.int32)])
    return src.reshape(NS, K, CHUNK), dst.reshape(NS, K, CHUNK)


def _pad_rows(x):
    return jnp.concatenate(
        [x, jnp.zeros((N_PAD - x.shape[0], x.shape[1]), x.dtype)], axis=0)


def _pack_pp(b, ln_w, ln_b):
    z = jnp.zeros_like(b)
    return jnp.stack([b, ln_w, ln_b, z, z, z, z, z], axis=0)


def kernel(x_user, x_item, schema_x, params, edge_index_ui, edge_index_iu,
           schema_edge_index):
    f32 = jnp.float32
    p = params

    aux = jnp.zeros((8, CH), f32)
    aux = aux.at[0, :SH].set(p['pre_b'])
    aux = aux.at[1, :SH].set(p['gcn_b'])
    aux = aux.at[2, :NB].set(p['coeff_b'])
    ei_s = schema_edge_index.astype(jnp.int32)
    sch8, ori, w_ui0, w_iu0, w_ui1, w_iu1 = _schema_call(
        schema_x, p['pre_W'], p['gcn_W'], p['coeff_W'], aux,
        p['bases0'], p['bases1'], ei_s)
    sch = sch8[:2, :]

    si_ui, di_ui = _prep_edges(edge_index_ui)
    si_iu, di_iu = _prep_edges(edge_index_iu)
    seg0 = _make_segsum(True)
    seg1 = _make_segsum(False)
    zrows = jnp.zeros((CHUNK, CH), f32)
    orows = jnp.ones((CHUNK, CH), f32)

    xu = _pad_rows(x_user)
    xi = _pad_rows(x_item)
    ws = ((w_ui0, w_iu0), (w_ui1, w_iu1))
    cnt_ui = cnt_iu = None
    for l in range(NUM_LAYERS):
        w_ui, w_iu = ws[l]
        if l == 0:
            s_ui, s_iu, cnt_ui, cnt_iu = seg0(xu, xi, si_ui, di_ui,
                                              si_iu, di_iu, zrows, orows)
        else:
            s_ui, s_iu = seg1(xu, xi, si_ui, di_ui, si_iu, di_iu, zrows)
        new_i = _update_call(s_ui, cnt_ui, xi, w_ui,
                             _pack_pp(p['b%d_ui' % l], p['ln%d_item_w' % l],
                                      p['ln%d_item_b' % l]))
        new_u = _update_call(s_iu, cnt_iu, xu, w_iu,
                             _pack_pp(p['b%d_iu' % l], p['ln%d_user_w' % l],
                                      p['ln%d_user_b' % l]))
        xu, xi = new_u, new_i

    return (xu[:N_USER], xi[:N_ITEM], sch, ori, p['bases0'], p['bases1'])

# --- scband reference (transcript-rebuilt; emitter-appended) ---
"""Pipeline reference for scband-dynamic-coeff-hetero-graph-sage-61151744361084 (READ-ONLY COPY).

The authoritative reference and input builder live on the scoring server;
editing this copy changes nothing except your own understanding.
"""

import jax, jax.numpy as jnp
import numpy as np

N_USER = 10000
N_ITEM = 10000
CH = 128
IN_CH = 128
SH = 64
NB = 8
E = 320000
N_SCHEMA = 2
NUM_LAYERS = 2


def gcn_conv(x, ei, W, b, n):
    x = x @ W.T
    src = jnp.concatenate([ei[0], jnp.arange(n)])
    dst = jnp.concatenate([ei[1], jnp.arange(n)])
    deg = jax.ops.segment_sum(jnp.ones(src.shape[0], x.dtype), dst, num_segments=n)
    dinv = jnp.where(deg > 0, 1.0 / jnp.sqrt(deg), 0.0)
    norm = dinv[src] * dinv[dst]
    out = jax.ops.segment_sum(x[src] * norm[:, None], dst, num_segments=n)
    return out + b


def sage_conv(x_src, x_dst, ei, W, b, n_dst):
    src, dst = ei[0], ei[1]
    s = jax.ops.segment_sum(x_src[src], dst, num_segments=n_dst)
    cnt = jax.ops.segment_sum(jnp.ones(src.shape[0], x_src.dtype), dst, num_segments=n_dst)
    mean = s / jnp.maximum(cnt, 1.0)[:, None]
    return mean @ W.T + b + x_dst @ W.T


def layer_norm_node(x, w, b, eps=1e-5):
    mu = jnp.mean(x, axis=-1, keepdims=True)
    var = jnp.var(x, axis=-1, keepdims=True)
    return (x - mu) / jnp.sqrt(var + eps) * w + b


def _forward(x_user, x_item, schema_x, p, ei_ui, ei_iu, schema_ei):
    # SchemaGCN: pre_process linear + 1 GCN layer with relu
    h = schema_x @ p['pre_W'].T + p['pre_b']
    ori = h
    sch = jax.nn.relu(gcn_conv(h, schema_ei, p['gcn_W'], p['gcn_b'], N_SCHEMA))
    xu, xi = x_user, x_item
    # table_to_index = {'user': 0, 'item': 1}
    for l in range(NUM_LAYERS):
        bases = p['bases%d' % l]
        # edge type (user, to, item): src=user(0), dst=item(1)
        c_ui = jnp.concatenate([sch[0], sch[1]]) @ p['coeff_W'].T + p['coeff_b']
        W_ui = jnp.einsum('i,ijk->jk', c_ui, bases)
        # edge type (item, rev, user): src=item(1), dst=user(0)
        c_iu = jnp.concatenate([sch[1], sch[0]]) @ p['coeff_W'].T + p['coeff_b']
        W_iu = jnp.einsum('i,ijk->jk', c_iu, bases)
        new_i = sage_conv(xu, xi, ei_ui, W_ui, p['b%d_ui' % l], N_ITEM)
        new_u = sage_conv(xi, xu, ei_iu, W_iu, p['b%d_iu' % l], N_USER)
        xu = jax.nn.relu(layer_norm_node(new_u, p['ln%d_user_w' % l], p['ln%d_user_b' % l]))
        xi = jax.nn.relu(layer_norm_node(new_i, p['ln%d_item_w' % l], p['ln%d_item_b' % l]))
    return xu, xi, sch, ori


def setup_inputs(seed: int = 0):
    key = jax.random.key(seed)
    ks = jax.random.split(key, 20)
    params = {
        'pre_W': jax.random.normal(ks[6], (SH, IN_CH), dtype=jnp.float32) * 0.05,
        'pre_b': jnp.zeros((SH,), jnp.float32),
        'gcn_W': jax.random.normal(ks[7], (SH, SH), dtype=jnp.float32) * 0.05,
        'gcn_b': jnp.zeros((SH,), jnp.float32),
        'coeff_W': jax.random.normal(ks[8], (NB, 2 * SH), dtype=jnp.float32) * 0.05,
        'coeff_b': jnp.zeros((NB,), jnp.float32),
    }
    for l in range(NUM_LAYERS):
        params['bases%d' % l] = jax.random.normal(ks[9 + l], (NB, CH, CH), dtype=jnp.float32) * 0.05
        params['b%d_ui' % l] = jnp.zeros((CH,), jnp.float32)
        params['b%d_iu' % l] = jnp.zeros((CH,), jnp.float32)
        params['ln%d_user_w' % l] = jnp.ones((CH,), jnp.float32)
        params['ln%d_user_b' % l] = jnp.zeros((CH,), jnp.float32)
        params['ln%d_item_w' % l] = jnp.ones((CH,), jnp.float32)
        params['ln%d_item_b' % l] = jnp.zeros((CH,), jnp.float32)
    return {
        'x_user': jax.random.normal(ks[0], (N_USER, CH), dtype=jnp.float32),
        'x_item': jax.random.normal(ks[1], (N_ITEM, CH), dtype=jnp.float32),
        'schema_x': jax.random.normal(ks[2], (N_SCHEMA, IN_CH), dtype=jnp.float32),
        'params': params,
        'edge_index_ui': jnp.stack([jax.random.randint(ks[3], (E,), 0, N_USER), jax.random.randint(ks[4], (E,), 0, N_ITEM)]),
        'edge_index_iu': jnp.stack([jax.random.randint(ks[5], (E,), 0, N_ITEM), jax.random.randint(ks[6], (E,), 0, N_USER)]),
        'schema_edge_index': jax.random.randint(ks[7], (2, 4), 0, N_SCHEMA),
    }


def reference(x_user, x_item, schema_x, params, edge_index_ui, edge_index_iu, schema_edge_index):
    xu, xi, sch, ori = _forward(x_user, x_item, schema_x, params, edge_index_ui, edge_index_iu, schema_edge_index)
    return (xu, xi, sch, ori, params['bases0'], params['bases1'])

if __name__ == "__main__":
    import jax
    _d = setup_inputs()
    print(jax.jit(kernel)(*tuple(_d.values())))

</pallas_src>

<mosaic_0001>
#map = affine_map<(d0, d1) -> (0, 0)>
#map1 = affine_map<(d0, d1) -> (0, 0, 0)>
module attributes {stable_mosaic.version = 14 : i64} {
  func.func @_segsum_body(%arg0: i32, %arg1: i32, %arg2: memref<10112x128xf32, #tpu.memory_space<hbm>>, %arg3: memref<10112x128xf32, #tpu.memory_space<hbm>>, %arg4: memref<16x160x128xi32, #tpu.memory_space<hbm>>, %arg5: memref<16x160x128xi32, #tpu.memory_space<hbm>>, %arg6: memref<16x160x128xi32, #tpu.memory_space<hbm>>, %arg7: memref<16x160x128xi32, #tpu.memory_space<hbm>>, %arg8: memref<128x128xf32, #tpu.memory_space<hbm>>, %arg9: memref<10112x128xf32, #tpu.memory_space<hbm>>, %arg10: memref<10112x128xf32, #tpu.memory_space<hbm>>, %arg11: memref<128xi32, #tpu.memory_space<vmem>>, %arg12: memref<128xi32, #tpu.memory_space<vmem>>, %arg13: memref<128xi32, #tpu.memory_space<vmem>>, %arg14: memref<128xi32, #tpu.memory_space<vmem>>, %arg15: memref<128xi32, #tpu.memory_space<vmem>>, %arg16: memref<128xi32, #tpu.memory_space<vmem>>, %arg17: memref<128x128xf32, #tpu.memory_space<vmem>>, %arg18: memref<128x128xf32, #tpu.memory_space<vmem>>, %arg19: memref<10112x128xf32, #tpu.memory_space<vmem_shared>>, %arg20: memref<!tpu.dma_semaphore, #tpu.memory_space<semaphore_mem>>, %arg21: memref<!tpu.dma_semaphore, #tpu.memory_space<semaphore_mem>>, %arg22: memref<!tpu.dma_semaphore, #tpu.memory_space<semaphore_mem>>) attributes {dimension_semantics = [#tpu.dimension_semantics<core_parallel>, #tpu.dimension_semantics<subcore_parallel>], iteration_bounds = array<i64: 2, 16>, scalar_prefetch = 0 : i64, scratch_operands = 12 : i64, tpu.core_type = #tpu.core_type<sc_vector_subcore>, window_params = [{transform_indices = #map}, {transform_indices = #map}, {transform_indices = #map1}, {transform_indices = #map1}, {transform_indices = #map1}, {transform_indices = #map1}, {transform_indices = #map}, {transform_indices = #map}, {transform_indices = #map}]} {
    %mul3A = arith.constant 632 : i32
    %mul3A_0 = arith.muli %arg1, %mul3A : i32
    "tpu.region"() ({
      %run_scoped3A = tpu.sem_alloc : memref<!tpu.dma_semaphore, #tpu.memory_space<semaphore_mem>>
      tpu.enqueue_dma source(%arg8 : memref<128x128xf32, #tpu.memory_space<hbm>>) target(%arg17 : memref<128x128xf32, #tpu.memory_space<vmem>>) target_semaphore(%run_scoped3A : memref<!tpu.dma_semaphore, #tpu.memory_space<semaphore_mem>>)
      tpu.wait_dma2 semaphore(%run_scoped3A : memref<!tpu.dma_semaphore, #tpu.memory_space<semaphore_mem>>) src(%arg8 : memref<128x128xf32, #tpu.memory_space<hbm>>) dst(%arg17 : memref<128x128xf32, #tpu.memory_space<vmem>>)
      tpu.yield
    }) : () -> ()
    %add3A = arith.constant 0 : i32
    %add3A_1 = arith.addi %mul3A_0, %add3A : i32
    "tpu.region"() ({
      %run_scoped3A = tpu.sem_alloc : memref<!tpu.dma_semaphore, #tpu.memory_space<semaphore_mem>>
      %dma_start3A = arith.constant 0 : i32
      %dma_start3A_28 = tpu.memref_slice %arg19[%add3A_1, %dma_start3A] : memref<10112x128xf32, #tpu.memory_space<vmem_shared>> -> memref<128x128xf32, #tpu.memory_space<vmem_shared>>
      %dma_start3A_29 = arith.constant 0 : i32
      %dma_start3A_30 = tpu.memref_slice %arg19[%add3A_1, %dma_start3A_29] : memref<10112x128xf32, #tpu.memory_space<vmem_shared>> -> memref<128x128xf32, #tpu.memory_space<vmem_shared>>
      tpu.enqueue_dma source(%arg17 : memref<128x128xf32, #tpu.memory_space<vmem>>) target(%dma_start3A_30 : memref<128x128xf32, #tpu.memory_space<vmem_shared>>) target_semaphore(%run_scoped3A : memref<!tpu.dma_semaphore, #tpu.memory_space<semaphore_mem>>)
      %dma_wait3A = arith.constant 0 : i32
      %dma_wait3A_31 = tpu.memref_slice %arg19[%add3A_1, %dma_wait3A] : memref<10112x128xf32, #tpu.memory_space<vmem_shared>> -> memref<128x128xf32, #tpu.memory_space<vmem_shared>>
      %dma_wait3A_32 = arith.constant 0 : i32
      %dma_wait3A_33 = tpu.memref_slice %arg19[%add3A_1, %dma_wait3A_32] : memref<10112x128xf32, #tpu.memory_space<vmem_shared>> -> memref<128x128xf32, #tpu.memory_space<vmem_shared>>
      tpu.wait_dma2 semaphore(%run_scoped3A : memref<!tpu.dma_semaphore, #tpu.memory_space<semaphore_mem>>) src(%arg17 : memref<128x128xf32, #tpu.memory_space<vmem>>) dst(%dma_wait3A_33 : memref<128x128xf32, #tpu.memory_space<vmem_shared>>)
      tpu.yield
    }) : () -> ()
    %add3A_2 = arith.constant 128 : i32
    %add3A_3 = arith.addi %mul3A_0, %add3A_2 : i32
    "tpu.region"() ({
      %run_scoped3A = tpu.sem_alloc : memref<!tpu.dma_semaphore, #tpu.memory_space<semaphore_mem>>
      %dma_start3A = arith.constant 0 : i32
      %dma_start3A_28 = tpu.memref_slice %arg19[%add3A_3, %dma_start3A] : memref<10112x128xf32, #tpu.memory_space<vmem_shared>> -> memref<128x128xf32, #tpu.memory_space<vmem_shared>>
      %dma_start3A_29 = arith.constant 0 : i32
      %dma_start3A_30 = tpu.memref_slice %arg19[%add3A_3, %dma_start3A_29] : memref<10112x128xf32, #tpu.memory_space<vmem_shared>> -> memref<128x128xf32, #tpu.memory_space<vmem_shared>>
      tpu.enqueue_dma source(%arg17 : memref<128x128xf32, #tpu.memory_space<vmem>>) target(%dma_start3A_30 : memref<128x128xf32, #tpu.memory_space<vmem_shared>>) target_semaphore(%run_scoped3A : memref<!tpu.dma_semaphore, #tpu.memory_space<semaphore_mem>>)
      %dma_wait3A = arith.constant 0 : i32
      %dma_wait3A_31 = tpu.memref_slice %arg19[%add3A_3, %dma_wait3A] : memref<10112x128xf32, #tpu.memory_space<vmem_shared>> -> memref<128x128xf32, #tpu.memory_space<vmem_shared>>
      %dma_wait3A_32 = arith.constant 0 : i32
      %dma_wait3A_33 = tpu.memref_slice %arg19[%add3A_3, %dma_wait3A_32] : memref<10112x128xf32, #tpu.memory_space<vmem_shared>> -> memref<128x128xf32, #tpu.memory_space<vmem_shared>>
      tpu.wait_dma2 semaphore(%run_scoped3A : memref<!tpu.dma_semaphore, #tpu.memory_space<semaphore_mem>>) src(%arg17 : memref<128x128xf32, #tpu.memory_space<vmem>>) dst(%dma_wait3A_33 : memref<128x128xf32, #tpu.memory_space<vmem_shared>>)
      tpu.yield
    }) : () -> ()
    %add3A_4 = arith.constant 256 : i32
    %add3A_5 = arith.addi %mul3A_0, %add3A_4 : i32
    "tpu.region"() ({
      %run_scoped3A = tpu.sem_alloc : memref<!tpu.dma_semaphore, #tpu.memory_space<semaphore_mem>>
      %dma_start3A = arith.constant 0 : i32
      %dma_start3A_28 = tpu.memref_slice %arg19[%add3A_5, %dma_start3A] : memref<10112x128xf32, #tpu.memory_space<vmem_shared>> -> memref<128x128xf32, #tpu.memory_space<vmem_shared>>
      %dma_start3A_29 = arith.constant 0 : i32
      %dma_start3A_30 = tpu.memref_slice %arg19[%add3A_5, %dma_start3A_29] : memref<10112x128xf32, #tpu.memory_space<vmem_shared>> -> memref<128x128xf32, #tpu.memory_space<vmem_shared>>
      tpu.enqueue_dma source(%arg17 : memref<128x128xf32, #tpu.memory_space<vmem>>) target(%dma_start3A_30 : memref<128x128xf32, #tpu.memory_space<vmem_shared>>) target_semaphore(%run_scoped3A : memref<!tpu.dma_semaphore, #tpu.memory_space<semaphore_mem>>)
      %dma_wait3A = arith.constant 0 : i32
      %dma_wait3A_31 = tpu.memref_slice %arg19[%add3A_5, %dma_wait3A] : memref<10112x128xf32, #tpu.memory_space<vmem_shared>> -> memref<128x128xf32, #tpu.memory_space<vmem_shared>>
      %dma_wait3A_32 = arith.constant 0 : i32
      %dma_wait3A_33 = tpu.memref_slice %arg19[%add3A_5, %dma_wait3A_32] : memref<10112x128xf32, #tpu.memory_space<vmem_shared>> -> memref<128x128xf32, #tpu.memory_space<vmem_shared>>
      tpu.wait_dma2 semaphore(%run_scoped3A : memref<!tpu.dma_semaphore, #tpu.memory_space<semaphore_mem>>) src(%arg17 : memref<128x128xf32, #tpu.memory_space<vmem>>) dst(%dma_wait3A_33 : memref<128x128xf32, #tpu.memory_space<vmem_shared>>)
      tpu.yield
    }) : () -> ()
    %add3A_6 = arith.constant 384 : i32
    %add3A_7 = arith.addi %mul3A_0, %add3A_6 : i32
    "tpu.region"() ({
      %run_scoped3A = tpu.sem_alloc : memref<!tpu.dma_semaphore, #tpu.memory_space<semaphore_mem>>
      %dma_start3A = arith.constant 0 : i32
      %dma_start3A_28 = tpu.memref_slice %arg19[%add3A_7, %dma_start3A] : memref<10112x128xf32, #tpu.memory_space<vmem_shared>> -> memref<128x128xf32, #tpu.memory_space<vmem_shared>>
      %dma_start3A_29 = arith.constant 0 : i32
      %dma_start3A_30 = tpu.memref_slice %arg19[%add3A_7, %dma_start3A_29] : memref<10112x128xf32, #tpu.memory_space<vmem_shared>> -> memref<128x128xf32, #tpu.memory_space<vmem_shared>>
      tpu.enqueue_dma source(%arg17 : memref<128x128xf32, #tpu.memory_space<vmem>>) target(%dma_start3A_30 : memref<128x128xf32, #tpu.memory_space<vmem_shared>>) target_semaphore(%run_scoped3A : memref<!tpu.dma_semaphore, #tpu.memory_space<semaphore_mem>>)
      %dma_wait3A = arith.constant 0 : i32
      %dma_wait3A_31 = tpu.memref_slice %arg19[%add3A_7, %dma_wait3A] : memref<10112x128xf32, #tpu.memory_space<vmem_shared>> -> memref<128x128xf32, #tpu.memory_space<vmem_shared>>
      %dma_wait3A_32 = arith.constant 0 : i32
      %dma_wait3A_33 = tpu.memref_slice %arg19[%add3A_7, %dma_wait3A_32] : memref<10112x128xf32, #tpu.memory_space<vmem_shared>> -> memref<128x128xf32, #tpu.memory_space<vmem_shared>>
      tpu.wait_dma2 semaphore(%run_scoped3A : memref<!tpu.dma_semaphore, #tpu.memory_space<semaphore_mem>>) src(%arg17 : memref<128x128xf32, #tpu.memory_space<vmem>>) dst(%dma_wait3A_33 : memref<128x128xf32, #tpu.memory_space<vmem_shared>>)
      tpu.yield
    }) : () -> ()
    %add3A_8 = arith.constant 512 : i32
    %add3A_9 = arith.addi %mul3A_0, %add3A_8 : i32
    "tpu.region"() ({
      %run_scoped3A = tpu.sem_alloc : memref<!tpu.dma_semaphore, #tpu.memory_space<semaphore_mem>>
      %dma_start3A = arith.constant 0 : i32
      %dma_start3A_28 = arith.constant 0 : i32
      %dma_start3A_29 = tpu.memref_slice %arg17[%dma_start3A, %dma_start3A_28] : memref<128x128xf32, #tpu.memory_space<vmem>> -> memref<120x128xf32, #tpu.memory_space<vmem>>
      %dma_start3A_30 = arith.constant 0 : i32
      %dma_start3A_31 = tpu.memref_slice %arg19[%add3A_9, %dma_start3A_30] : memref<10112x128xf32, #tpu.memory_space<vmem_shared>> -> memref<120x128xf32, #tpu.memory_space<vmem_shared>>
      %dma_start3A_32 = arith.constant 0 : i32
      %dma_start3A_33 = tpu.memref_slice %arg19[%add3A_9, %dma_start3A_32] : memref<10112x128xf32, #tpu.memory_space<vmem_shared>> -> memref<120x128xf32, #tpu.memory_space<vmem_shared>>
      %dma_start3A_34 = arith.constant 0 : i32
      %dma_start3A_35 = arith.constant 0 : i32
      %dma_start3A_36 = tpu.memref_slice %arg17[%dma_start3A_34, %dma_start3A_35] : memref<128x128xf32, #tpu.memory_space<vmem>> -> memref<120x128xf32, #tpu.memory_space<vmem>>
      tpu.enqueue_dma source(%dma_start3A_36 : memref<120x128xf32, #tpu.memory_space<vmem>>) target(%dma_start3A_33 : memref<120x128xf32, #tpu.memory_space<vmem_shared>>) target_semaphore(%run_scoped3A : memref<!tpu.dma_semaphore, #tpu.memory_space<semaphore_mem>>)
      %dma_wait3A = arith.constant 0 : i32
      %dma_wait3A_37 = arith.constant 0 : i32
      %dma_wait3A_38 = tpu.memref_slice %arg17[%dma_wait3A, %dma_wait3A_37] : memref<128x128xf32, #tpu.memory_space<vmem>> -> memref<120x128xf32, #tpu.memory_space<vmem>>
      %dma_wait3A_39 = arith.constant 0 : i32
      %dma_wait3A_40 = tpu.memref_slice %arg19[%add3A_9, %dma_wait3A_39] : memref<10112x128xf32, #tpu.memory_space<vmem_shared>> -> memref<120x128xf32, #tpu.memory_space<vmem_shared>>
      %dma_wait3A_41 = arith.constant 0 : i32
      %dma_wait3A_42 = tpu.memref_slice %arg19[%add3A_9, %dma_wait3A_41] : memref<10112x128xf32, #tpu.memory_space<vmem_shared>> -> memref<120x128xf32, #tpu.memory_space<vmem_shared>>
      %dma_wait3A_43 = arith.constant 0 : i32
      %dma_wait3A_44 = arith.constant 0 : i32
      %dma_wait3A_45 = tpu.memref_slice %arg17[%dma_wait3A_43, %dma_wait3A_44] : memref<128x128xf32, #tpu.memory_space<vmem>> -> memref<120x128xf32, #tpu.memory_space<vmem>>
      tpu.wait_dma2 semaphore(%run_scoped3A : memref<!tpu.dma_semaphore, #tpu.memory_space<semaphore_mem>>) src(%dma_wait3A_45 : memref<120x128xf32, #tpu.memory_space<vmem>>) dst(%dma_wait3A_42 : memref<120x128xf32, #tpu.memory_space<vmem_shared>>)
      tpu.yield
    }) : () -> ()
    %barrier3A = arith.constant 0 : index
    tpu.barrier barrier_id(%barrier3A)
    %eq3A = arith.constant 0 : i32
    %eq3A_10 = arith.cmpi eq, %arg0, %eq3A : i32
    %convert_element_type3A = arith.extui %eq3A_10 : i1 to i32
    %cond3A = arith.constant 0 : i32
    %cond3A_11 = arith.cmpi ne, %convert_element_type3A, %cond3A : i32
    scf.if %cond3A_11 {
      %run_scoped3A = arith.constant 0 : i32
      "tpu.region"() ({
        %run_scoped3A_41 = tpu.sem_alloc : memref<!tpu.dma_semaphore, #tpu.memory_space<semaphore_mem>>
        %dma_start3A_42 = arith.constant 0 : i32
        %dma_start3A_43 = tpu.memref_slice %arg4[%arg1, %run_scoped3A, %dma_start3A_42] : memref<16x160x128xi32, #tpu.memory_space<hbm>> -> memref<1x1x128xi32, #tpu.memory_space<hbm>>
        %dma_start3A_44 = tpu.memref_squeeze %dma_start3A_43 : memref<1x1x128xi32, #tpu.memory_space<hbm>> -> memref<128xi32, #tpu.memory_space<hbm>>
        %dma_start3A_45 = arith.constant 0 : i32
        %dma_start3A_46 = tpu.memref_slice %arg4[%arg1, %run_scoped3A, %dma_start3A_45] : memref<16x160x128xi32, #tpu.memory_space<hbm>> -> memref<1x1x128xi32, #tpu.memory_space<hbm>>
        %dma_start3A_47 = tpu.memref_squeeze %dma_start3A_46 : memref<1x1x128xi32, #tpu.memory_space<hbm>> -> memref<128xi32, #tpu.memory_space<hbm>>
        tpu.enqueue_dma source(%dma_start3A_47 : memref<128xi32, #tpu.memory_space<hbm>>) target(%arg11 : memref<128xi32, #tpu.memory_space<vmem>>) target_semaphore(%run_scoped3A_41 : memref<!tpu.dma_semaphore, #tpu.memory_space<semaphore_mem>>)
        %dma_wait3A_48 = arith.constant 0 : i32
        %dma_wait3A_49 = tpu.memref_slice %arg4[%arg1, %run_scoped3A, %dma_wait3A_48] : memref<16x160x128xi32, #tpu.memory_space<hbm>> -> memref<1x1x128xi32, #tpu.memory_space<hbm>>
        %dma_wait3A_50 = tpu.memref_squeeze %dma_wait3A_49 : memref<1x1x128xi32, #tpu.memory_space<hbm>> -> memref<128xi32, #tpu.memory_space<hbm>>
        %dma_wait3A_51 = arith.constant 0 : i32
        %dma_wait3A_52 = tpu.memref_slice %arg4[%arg1, %run_scoped3A, %dma_wait3A_51] : memref<16x160x128xi32, #tpu.memory_space<hbm>> -> memref<1x1x128xi32, #tpu.memory_space<hbm>>
        %dma_wait3A_53 = tpu.memref_squeeze %dma_wait3A_52 : memref<1x1x128xi32, #tpu.memory_space<hbm>> -> memref<128xi32, #tpu.memory_space<hbm>>
        tpu.wait_dma2 semaphore(%run_scoped3A_41 : memref<!tpu.dma_semaphore, #tpu.memory_space<semaphore_mem>>) src(%dma_wait3A_53 : memref<128xi32, #tpu.memory_space<hbm>>) dst(%arg11 : memref<128xi32, #tpu.memory_space<vmem>>)
        tpu.yield
      }) : () -> ()
      %run_scoped3A_28 = arith.constant 0 : i32
      "tpu.region"() ({
        %run_scoped3A_41 = tpu.sem_alloc : memref<!tpu.dma_semaphore, #tpu.memory_space<semaphore_mem>>
        %dma_start3A_42 = arith.constant 0 : i32
        %dma_start3A_43 = tpu.memref_slice %arg5[%arg1, %run_scoped3A_28, %dma_start3A_42] : memref<16x160x128xi32, #tpu.memory_space<hbm>> -> memref<1x1x128xi32, #tpu.memory_space<hbm>>
        %dma_start3A_44 = tpu.memref_squeeze %dma_start3A_43 : memref<1x1x128xi32, #tpu.memory_space<hbm>> -> memref<128xi32, #tpu.memory_space<hbm>>
        %dma_start3A_45 = arith.constant 0 : i32
        %dma_start3A_46 = tpu.memref_slice %arg5[%arg1, %run_scoped3A_28, %dma_start3A_45] : memref<16x160x128xi32, #tpu.memory_space<hbm>> -> memref<1x1x128xi32, #tpu.memory_space<hbm>>
        %dma_start3A_47 = tpu.memref_squeeze %dma_start3A_46 : memref<1x1x128xi32, #tpu.memory_space<hbm>> -> memref<128xi32, #tpu.memory_space<hbm>>
        tpu.enqueue_dma source(%dma_start3A_47 : memref<128xi32, #tpu.memory_space<hbm>>) target(%arg13 : memref<128xi32, #tpu.memory_space<vmem>>) target_semaphore(%run_scoped3A_41 : memref<!tpu.dma_semaphore, #tpu.memory_space<semaphore_mem>>)
        %dma_wait3A_48 = arith.constant 0 : i32
        %dma_wait3A_49 = tpu.memref_slice %arg5[%arg1, %run_scoped3A_28, %dma_wait3A_48] : memref<16x160x128xi32, #tpu.memory_space<hbm>> -> memref<1x1x128xi32, #tpu.memory_space<hbm>>
        %dma_wait3A_50 = tpu.memref_squeeze %dma_wait3A_49 : memref<1x1x128xi32, #tpu.memory_space<hbm>> -> memref<128xi32, #tpu.memory_space<hbm>>
        %dma_wait3A_51 = arith.constant 0 : i32
        %dma_wait3A_52 = tpu.memref_slice %arg5[%arg1, %run_scoped3A_28, %dma_wait3A_51] : memref<16x160x128xi32, #tpu.memory_space<hbm>> -> memref<1x1x128xi32, #tpu.memory_space<hbm>>
        %dma_wait3A_53 = tpu.memref_squeeze %dma_wait3A_52 : memref<1x1x128xi32, #tpu.memory_space<hbm>> -> memref<128xi32, #tpu.memory_space<hbm>>
        tpu.wait_dma2 semaphore(%run_scoped3A_41 : memref<!tpu.dma_semaphore, #tpu.memory_space<semaphore_mem>>) src(%dma_wait3A_53 : memref<128xi32, #tpu.memory_space<hbm>>) dst(%arg13 : memref<128xi32, #tpu.memory_space<vmem>>)
        tpu.yield
      }) : () -> ()
      %dma_start3A = arith.constant 0 : i32
      %dma_start3A_29 = arith.constant 0 : i32
      %dma_start3A_30 = tpu.memref_slice %arg2[%dma_start3A, %dma_start3A_29] : memref<10112x128xf32, #tpu.memory_space<hbm>> -> memref<10112x128xf32, #tpu.memory_space<hbm>>
      tpu.enqueue_indirect_dma source(%dma_start3A_30 : memref<10112x128xf32, #tpu.memory_space<hbm>>) target(%arg17 : memref<128x128xf32, #tpu.memory_space<vmem>>) offsets(%arg11 : memref<128xi32, #tpu.memory_space<vmem>>) semaphore(%arg20 : memref<!tpu.dma_semaphore, #tpu.memory_space<semaphore_mem>>)
      %dma_wait3A = arith.constant 0 : i32
      %dma_wait3A_31 = arith.constant 0 : i32
      %dma_wait3A_32 = tpu.memref_slice %arg2[%dma_wait3A, %dma_wait3A_31] : memref<10112x128xf32, #tpu.memory_space<hbm>> -> memref<10112x128xf32, #tpu.memory_space<hbm>>
      tpu.wait_indirect_dma semaphore(%arg20 : memref<!tpu.dma_semaphore, #tpu.memory_space<semaphore_mem>>) src(%dma_wait3A_32 : memref<10112x128xf32, #tpu.memory_space<hbm>>) dst(%arg17 : memref<128x128xf32, #tpu.memory_space<vmem>>)
      %run_scoped3A_33 = arith.constant 1 : i32
      "tpu.region"() ({
        %run_scoped3A_41 = tpu.sem_alloc : memref<!tpu.dma_semaphore, #tpu.memory_space<semaphore_mem>>
        %dma_start3A_42 = arith.constant 0 : i32
        %dma_start3A_43 = tpu.memref_slice %arg4[%arg1, %run_scoped3A_33, %dma_start3A_42] : memref<16x160x128xi32, #tpu.memory_space<hbm>> -> memref<1x1x128xi32, #tpu.memory_space<hbm>>
        %dma_start3A_44 = tpu.memref_squeeze %dma_start3A_43 : memref<1x1x128xi32, #tpu.memory_space<hbm>> -> memref<128xi32, #tpu.memory_space<hbm>>
        %dma_start3A_45 = arith.constant 0 : i32
        %dma_start3A_46 = tpu.memref_slice %arg4[%arg1, %run_scoped3A_33, %dma_start3A_45] : memref<16x160x128xi32, #tpu.memory_space<hbm>> -> memref<1x1x128xi32, #tpu.memory_space<hbm>>
        %dma_start3A_47 = tpu.memref_squeeze %dma_start3A_46 : memref<1x1x128xi32, #tpu.memory_space<hbm>> -> memref<128xi32, #tpu.memory_space<hbm>>
        tpu.enqueue_dma source(%dma_start3A_47 : memref<128xi32, #tpu.memory_space<hbm>>) target(%arg12 : memref<128xi32, #tpu.memory_space<vmem>>) target_semaphore(%run_scoped3A_41 : memref<!tpu.dma_semaphore, #tpu.memory_space<semaphore_mem>>)
        %dma_wait3A_48 = arith.constant 0 : i32
        %dma_wait3A_49 = tpu.memref_slice %arg4[%arg1, %run_scoped3A_33, %dma_wait3A_48] : memref<16x160x128xi32, #tpu.memory_space<hbm>> -> memref<1x1x128xi32, #tpu.memory_space<hbm>>
        %dma_wait3A_50 = tpu.memref_squeeze %dma_wait3A_49 : memref<1x1x128xi32, #tpu.memory_space<hbm>> -> memref<128xi32, #tpu.memory_space<hbm>>
        %dma_wait3A_51 = arith.constant 0 : i32
        %dma_wait3A_52 = tpu.memref_slice %arg4[%arg1, %run_scoped3A_33, %dma_wait3A_51] : memref<16x160x128xi32, #tpu.memory_space<hbm>> -> memref<1x1x128xi32, #tpu.memory_space<hbm>>
        %dma_wait3A_53 = tpu.memref_squeeze %dma_wait3A_52 : memref<1x1x128xi32, #tpu.memory_space<hbm>> -> memref<128xi32, #tpu.memory_space<hbm>>
        tpu.wait_dma2 semaphore(%run_scoped3A_41 : memref<!tpu.dma_semaphore, #tpu.memory_space<semaphore_mem>>) src(%dma_wait3A_53 : memref<128xi32, #tpu.memory_space<hbm>>) dst(%arg12 : memref<128xi32, #tpu.memory_space<vmem>>)
        tpu.yield
      }) : () -> ()
      %run_scoped3A_34 = arith.constant 1 : i32
      "tpu.region"() ({
        %run_scoped3A_41 = tpu.sem_alloc : memref<!tpu.dma_semaphore, #tpu.memory_space<semaphore_mem>>
        %dma_start3A_42 = arith.constant 0 : i32
        %dma_start3A_43 = tpu.memref_slice %arg5[%arg1, %run_scoped3A_34, %dma_start3A_42] : memref<16x160x128xi32, #tpu.memory_space<hbm>> -> memref<1x1x128xi32, #tpu.memory_space<hbm>>
        %dma_start3A_44 = tpu.memref_squeeze %dma_start3A_43 : memref<1x1x128xi32, #tpu.memory_space<hbm>> -> memref<128xi32, #tpu.memory_space<hbm>>
        %dma_start3A_45 = arith.constant 0 : i32
        %dma_start3A_46 = tpu.memref_slice %arg5[%arg1, %run_scoped3A_34, %dma_start3A_45] : memref<16x160x128xi32, #tpu.memory_space<hbm>> -> memref<1x1x128xi32, #tpu.memory_space<hbm>>
        %dma_start3A_47 = tpu.memref_squeeze %dma_start3A_46 : memref<1x1x128xi32, #tpu.memory_space<hbm>> -> memref<128xi32, #tpu.memory_space<hbm>>
        tpu.enqueue_dma source(%dma_start3A_47 : memref<128xi32, #tpu.memory_space<hbm>>) target(%arg14 : memref<128xi32, #tpu.memory_space<vmem>>) target_semaphore(%run_scoped3A_41 : memref<!tpu.dma_semaphore, #tpu.memory_space<semaphore_mem>>)
        %dma_wait3A_48 = arith.constant 0 : i32
        %dma_wait3A_49 = tpu.memref_slice %arg5[%arg1, %run_scoped3A_34, %dma_wait3A_48] : memref<16x160x128xi32, #tpu.memory_space<hbm>> -> memref<1x1x128xi32, #tpu.memory_space<hbm>>
        %dma_wait3A_50 = tpu.memref_squeeze %dma_wait3A_49 : memref<1x1x128xi32, #tpu.memory_space<hbm>> -> memref<128xi32, #tpu.memory_space<hbm>>
        %dma_wait3A_51 = arith.constant 0 : i32
        %dma_wait3A_52 = tpu.memref_slice %arg5[%arg1, %run_scoped3A_34, %dma_wait3A_51] : memref<16x160x128xi32, #tpu.memory_space<hbm>> -> memref<1x1x128xi32, #tpu.memory_space<hbm>>
        %dma_wait3A_53 = tpu.memref_squeeze %dma_wait3A_52 : memref<1x1x128xi32, #tpu.memory_space<hbm>> -> memref<128xi32, #tpu.memory_space<hbm>>
        tpu.wait_dma2 semaphore(%run_scoped3A_41 : memref<!tpu.dma_semaphore, #tpu.memory_space<semaphore_mem>>) src(%dma_wait3A_53 : memref<128xi32, #tpu.memory_space<hbm>>) dst(%arg14 : memref<128xi32, #tpu.memory_space<vmem>>)
        tpu.yield
      }) : () -> ()
      %scan3A = arith.constant 0 : i32
      %scan3A_35 = arith.constant 0 : i32
      %scan3A_36 = arith.constant 40 : i32
      %scan3A_37 = arith.addi %scan3A_35, %scan3A_36 : i32
      %scan3A_38 = arith.constant 1 : i32
      %scan3A_39 = scf.for %scan3A_41 = %scan3A_35 to %scan3A_37 step %scan3A_38 iter_args(%scan3A_42 = %scan3A) -> (i32)  : i32 {
        %mul3A_43 = arith.constant 4 : i32
        %mul3A_44 = arith.muli %mul3A_43, %scan3A_41 : i32
        %add3A_45 = arith.constant 0 : i32
        %add3A_46 = arith.addi %mul3A_44, %add3A_45 : i32
        %add3A_47 = arith.constant 1 : i32
        %add3A_48 = arith.addi %add3A_46, %add3A_47 : i32
        %lt3A = arith.constant 160 : i32
        %lt3A_49 = arith.cmpi slt, %add3A_48, %lt3A : i32
        %convert_element_type3A_50 = arith.extui %lt3A_49 : i1 to i32
        %cond3A_51 = arith.constant 0 : i32
        %cond3A_52 = arith.cmpi ne, %convert_element_type3A_50, %cond3A_51 : i32
        scf.if %cond3A_52 {
          %dma_start3A_114 = arith.constant 0 : i32
          %dma_start3A_115 = arith.constant 0 : i32
          %dma_start3A_116 = tpu.memref_slice %arg2[%dma_start3A_114, %dma_start3A_115] : memref<10112x128xf32, #tpu.memory_space<hbm>> -> memref<10112x128xf32, #tpu.memory_space<hbm>>
          tpu.enqueue_indirect_dma source(%dma_start3A_116 : memref<10112x128xf32, #tpu.memory_space<hbm>>) target(%arg18 : memref<128x128xf32, #tpu.memory_space<vmem>>) offsets(%arg12 : memref<128xi32, #tpu.memory_space<vmem>>) semaphore(%arg21 : memref<!tpu.dma_semaphore, #tpu.memory_space<semaphore_mem>>)
          %dma_start3A_117 = arith.constant 0 : i32
          %dma_start3A_118 = arith.constant 0 : i32
          %dma_start3A_119 = tpu.memref_slice %arg19[%dma_start3A_117, %dma_start3A_118] : memref<10112x128xf32, #tpu.memory_space<vmem_shared>> -> memref<10112x128xf32, #tpu.memory_space<vmem_shared>>
          tpu.enqueue_indirect_dma source(%arg17 : memref<128x128xf32, #tpu.memory_space<vmem>>) target(%dma_start3A_119 : memref<10112x128xf32, #tpu.memory_space<vmem_shared>>) offsets(%arg13 : memref<128xi32, #tpu.memory_space<vmem>>) semaphore(%arg22 : memref<!tpu.dma_semaphore, #tpu.memory_space<semaphore_mem>>) {add = true}
          %add3A_120 = arith.constant 2 : i32
          %add3A_121 = arith.addi %add3A_46, %add3A_120 : i32
          %lt3A_122 = arith.constant 160 : i32
          %lt3A_123 = arith.cmpi slt, %add3A_121, %lt3A_122 : i32
          %convert_element_type3A_124 = arith.extui %lt3A_123 : i1 to i32
          %cond3A_125 = arith.constant 0 : i32
          %cond3A_126 = arith.cmpi ne, %convert_element_type3A_124, %cond3A_125 : i32
          scf.if %cond3A_126 {
            %add3A_133 = arith.constant 2 : i32
            %add3A_134 = arith.addi %add3A_46, %add3A_133 : i32
            "tpu.region"() ({
              %run_scoped3A_137 = tpu.sem_alloc : memref<!tpu.dma_semaphore, #tpu.memory_space<semaphore_mem>>
              %dma_start3A_138 = arith.constant 0 : i32
              %dma_start3A_139 = tpu.memref_slice %arg4[%arg1, %add3A_134, %dma_start3A_138] : memref<16x160x128xi32, #tpu.memory_space<hbm>> -> memref<1x1x128xi32, #tpu.memory_space<hbm>>
              %dma_start3A_140 = tpu.memref_squeeze %dma_start3A_139 : memref<1x1x128xi32, #tpu.memory_space<hbm>> -> memref<128xi32, #tpu.memory_space<hbm>>
              %dma_start3A_141 = arith.constant 0 : i32
              %dma_start3A_142 = tpu.memref_slice %arg4[%arg1, %add3A_134, %dma_start3A_141] : memref<16x160x128xi32, #tpu.memory_space<hbm>> -> memref<1x1x128xi32, #tpu.memory_space<hbm>>
              %dma_start3A_143 = tpu.memref_squeeze %dma_start3A_142 : memref<1x1x128xi32, #tpu.memory_space<hbm>> -> memref<128xi32, #tpu.memory_space<hbm>>
              tpu.enqueue_dma source(%dma_start3A_143 : memref<128xi32, #tpu.memory_space<hbm>>) target(%arg11 : memref<128xi32, #tpu.memory_space<vmem>>) target_semaphore(%run_scoped3A_137 : memref<!tpu.dma_semaphore, #tpu.memory_space<semaphore_mem>>)
              %dma_wait3A_144 = arith.constant 0 : i32
              %dma_wait3A_145 = tpu.memref_slice %arg4[%arg1, %add3A_134, %dma_wait3A_144] : memref<16x160x128xi32, #tpu.memory_space<hbm>> -> memref<1x1x128xi32, #tpu.memory_space<hbm>>
              %dma_wait3A_146 = tpu.memref_squeeze %dma_wait3A_145 : memref<1x1x128xi32, #tpu.memory_space<hbm>> -> memref<128xi32, #tpu.memory_space<hbm>>
              %dma_wait3A_147 = arith.constant 0 : i32
              %dma_wait3A_148 = tpu.memref_slice %arg4[%arg1, %add3A_134, %dma_wait3A_147] : memref<16x160x128xi32, #tpu.memory_space<hbm>> -> memref<1x1x128xi32, #tpu.memory_space<hbm>>
              %dma_wait3A_149 = tpu.memref_squeeze %dma_wait3A_148 : memref<1x1x128xi32, #tpu.memory_space<hbm>> -> memref<128xi32, #tpu.memory_space<hbm>>
              tpu.wait_dma2 semaphore(%run_scoped3A_137 : memref<!tpu.dma_semaphore, #tpu.memory_space<semaphore_mem>>) src(%dma_wait3A_149 : memref<128xi32, #tpu.memory_space<hbm>>) dst(%arg11 : memref<128xi32, #tpu.memory_space<vmem>>)
              tpu.yield
            }) : () -> ()
            %add3A_135 = arith.constant 2 : i32
            %add3A_136 = arith.addi %add3A_46, %add3A_135 : i32
            "tpu.region"() ({
              %run_scoped3A_137 = tpu.sem_alloc : memref<!tpu.dma_semaphore, #tpu.memory_space<semaphore_mem>>
              %dma_start3A_138 = arith.constant 0 : i32
              %dma_start3A_139 = tpu.memref_slice %arg5[%arg1, %add3A_136, %dma_start3A_138] : memref<16x160x128xi32, #tpu.memory_space<hbm>> -> memref<1x1x128xi32, #tpu.memory_space<hbm>>
              %dma_start3A_140 = tpu.memref_squeeze %dma_start3A_139 : memref<1x1x128xi32, #tpu.memory_space<hbm>> -> memref<128xi32, #tpu.memory_space<hbm>>
              %dma_start3A_141 = arith.constant 0 : i32
              %dma_start3A_142 = tpu.memref_slice %arg5[%arg1, %add3A_136, %dma_start3A_141] : memref<16x160x128xi32, #tpu.memory_space<hbm>> -> memref<1x1x128xi32, #tpu.memory_space<hbm>>
              %dma_start3A_143 = tpu.memref_squeeze %dma_start3A_142 : memref<1x1x128xi32, #tpu.memory_space<hbm>> -> memref<128xi32, #tpu.memory_space<hbm>>
              tpu.enqueue_dma source(%dma_start3A_143 : memref<128xi32, #tpu.memory_space<hbm>>) target(%arg15 : memref<128xi32, #tpu.memory_space<vmem>>) target_semaphore(%run_scoped3A_137 : memref<!tpu.dma_semaphore, #tpu.memory_space<semaphore_mem>>)
              %dma_wait3A_144 = arith.constant 0 : i32
              %dma_wait3A_145 = tpu.memref_slice %arg5[%arg1, %add3A_136, %dma_wait3A_144] : memref<16x160x128xi32, #tpu.memory_space<hbm>> -> memref<1x1x128xi32, #tpu.memory_space<hbm>>
              %dma_wait3A_146 = tpu.memref_squeeze %dma_wait3A_145 : memref<1x1x128xi32, #tpu.memory_space<hbm>> -> memref<128xi32, #tpu.memory_space<hbm>>
              %dma_wait3A_147 = arith.constant 0 : i32
              %dma_wait3A_148 = tpu.memref_slice %arg5[%arg1, %add3A_136, %dma_wait3A_147] : memref<16x160x128xi32, #tpu.memory_space<hbm>> -> memref<1x1x128xi32, #tpu.memory_space<hbm>>
              %dma_wait3A_149 = tpu.memref_squeeze %dma_wait3A_148 : memref<1x1x128xi32, #tpu.memory_space<hbm>> -> memref<128xi32, #tpu.memory_space<hbm>>
              tpu.wait_dma2 semaphore(%run_scoped3A_137 : memref<!tpu.dma_semaphore, #tpu.memory_space<semaphore_mem>>) src(%dma_wait3A_149 : memref<128xi32, #tpu.memory_space<hbm>>) dst(%arg15 : memref<128xi32, #tpu.memory_space<vmem>>)
              tpu.yield
            }) : () -> ()
          } else {
          }
          %dma_wait3A_127 = arith.constant 0 : i32
          %dma_wait3A_128 = arith.constant 0 : i32
          %dma_wait3A_129 = tpu.memref_slice %arg19[%dma_wait3A_127, %dma_wait3A_128] : memref<10112x128xf32, #tpu.memory_space<vmem_shared>> -> memref<10112x128xf32, #tpu.memory_space<vmem_shared>>
          tpu.wait_indirect_dma semaphore(%arg22 : memref<!tpu.dma_semaphore, #tpu.memory_space<semaphore_mem>>) src(%arg17 : memref<128x128xf32, #tpu.memory_space<vmem>>) dst(%dma_wait3A_129 : memref<10112x128xf32, #tpu.memory_space<vmem_shared>>)
          %dma_wait3A_130 = arith.constant 0 : i32
          %dma_wait3A_131 = arith.constant 0 : i32
          %dma_wait3A_132 = tpu.memref_slice %arg2[%dma_wait3A_130, %dma_wait3A_131] : memref<10112x128xf32, #tpu.memory_space<hbm>> -> memref<10112x128xf32, #tpu.memory_space<hbm>>
          tpu.wait_indirect_dma semaphore(%arg21 : memref<!tpu.dma_semaphore, #tpu.memory_space<semaphore_mem>>) src(%dma_wait3A_132 : memref<10112x128xf32, #tpu.memory_space<hbm>>) dst(%arg18 : memref<128x128xf32, #tpu.memory_space<vmem>>)
        } else {
        }
        %add3A_53 = arith.constant 1 : i32
        %add3A_54 = arith.addi %add3A_46, %add3A_53 : i32
        %ge3A = arith.constant 160 : i32
        %ge3A_55 = arith.cmpi sge, %add3A_54, %ge3A : i32
        %convert_element_type3A_56 = arith.extui %ge3A_55 : i1 to i32
        %cond3A_57 = arith.constant 0 : i32
        %cond3A_58 = arith.cmpi ne, %convert_element_type3A_56, %cond3A_57 : i32
        scf.if %cond3A_58 {
          "tpu.region"() ({
            %run_scoped3A_114 = tpu.sem_alloc : memref<!tpu.dma_semaphore, #tpu.memory_space<semaphore_mem>>
            %dma_start3A_115 = arith.constant 0 : i32
            %dma_start3A_116 = arith.constant 0 : i32
            %dma_start3A_117 = tpu.memref_slice %arg19[%dma_start3A_115, %dma_start3A_116] : memref<10112x128xf32, #tpu.memory_space<vmem_shared>> -> memref<10112x128xf32, #tpu.memory_space<vmem_shared>>
            tpu.enqueue_indirect_dma source(%arg17 : memref<128x128xf32, #tpu.memory_space<vmem>>) target(%dma_start3A_117 : memref<10112x128xf32, #tpu.memory_space<vmem_shared>>) offsets(%arg13 : memref<128xi32, #tpu.memory_space<vmem>>) semaphore(%run_scoped3A_114 : memref<!tpu.dma_semaphore, #tpu.memory_space<semaphore_mem>>) {add = true}
            %dma_wait3A_118 = arith.constant 0 : i32
            %dma_wait3A_119 = arith.constant 0 : i32
            %dma_wait3A_120 = tpu.memref_slice %arg19[%dma_wait3A_118, %dma_wait3A_119] : memref<10112x128xf32, #tpu.memory_space<vmem_shared>> -> memref<10112x128xf32, #tpu.memory_space<vmem_shared>>
            tpu.wait_indirect_dma semaphore(%run_scoped3A_114 : memref<!tpu.dma_semaphore, #tpu.memory_space<semaphore_mem>>) src(%arg17 : memref<128x128xf32, #tpu.memory_space<vmem>>) dst(%dma_wait3A_120 : memref<10112x128xf32, #tpu.memory_space<vmem_shared>>)
            tpu.yield
          }) : () -> ()
        } else {
        }
        %mul3A_59 = arith.constant 4 : i32
        %mul3A_60 = arith.muli %mul3A_59, %scan3A_41 : i32
        %add3A_61 = arith.constant 1 : i32
        %add3A_62 = arith.addi %mul3A_60, %add3A_61 : i32
        %add3A_63 = arith.constant 1 : i32
        %add3A_64 = arith.addi %add3A_62, %add3A_63 : i32
        %lt3A_65 = arith.constant 160 : i32
        %lt3A_66 = arith.cmpi slt, %add3A_64, %lt3A_65 : i32
        %convert_element_type3A_67 = arith.extui %lt3A_66 : i1 to i32
        %cond3A_68 = arith.constant 0 : i32
        %cond3A_69 = arith.cmpi ne, %convert_element_type3A_67, %cond3A_68 : i32
        scf.if %cond3A_69 {
          %dma_start3A_114 = arith.constant 0 : i32
          %dma_start3A_115 = arith.constant 0 : i32
          %dma_start3A_116 = tpu.memref_slice %arg2[%dma_start3A_114, %dma_start3A_115] : memref<10112x128xf32, #tpu.memory_space<hbm>> -> memref<10112x128xf32, #tpu.memory_space<hbm>>
          tpu.enqueue_indirect_dma source(%dma_start3A_116 : memref<10112x128xf32, #tpu.memory_space<hbm>>) target(%arg17 : memref<128x128xf32, #tpu.memory_space<vmem>>) offsets(%arg11 : memref<128xi32, #tpu.memory_space<vmem>>) semaphore(%arg20 : memref<!tpu.dma_semaphore, #tpu.memory_space<semaphore_mem>>)
          %dma_start3A_117 = arith.constant 0 : i32
          %dma_start3A_118 = arith.constant 0 : i32
          %dma_start3A_119 = tpu.memref_slice %arg19[%dma_start3A_117, %dma_start3A_118] : memref<10112x128xf32, #tpu.memory_space<vmem_shared>> -> memref<10112x128xf32, #tpu.memory_space<vmem_shared>>
          tpu.enqueue_indirect_dma source(%arg18 : memref<128x128xf32, #tpu.memory_space<vmem>>) target(%dma_start3A_119 : memref<10112x128xf32, #tpu.memory_space<vmem_shared>>) offsets(%arg14 : memref<128xi32, #tpu.memory_space<vmem>>) semaphore(%arg22 : memref<!tpu.dma_semaphore, #tpu.memory_space<semaphore_mem>>) {add = true}
          %add3A_120 = arith.constant 2 : i32
          %add3A_121 = arith.addi %add3A_62, %add3A_120 : i32
          %lt3A_122 = arith.constant 160 : i32
          %lt3A_123 = arith.cmpi slt, %add3A_121, %lt3A_122 : i32
          %convert_element_type3A_124 = arith.extui %lt3A_123 : i1 to i32
          %cond3A_125 = arith.constant 0 : i32
          %cond3A_126 = arith.cmpi ne, %convert_element_type3A_124, %cond3A_125 : i32
          scf.if %cond3A_126 {
            %add3A_133 = arith.constant 2 : i32
            %add3A_134 = arith.addi %add3A_62, %add3A_133 : i32
            "tpu.region"() ({
              %run_scoped3A_137 = tpu.sem_alloc : memref<!tpu.dma_semaphore, #tpu.memory_space<semaphore_mem>>
              %dma_start3A_138 = arith.constant 0 : i32
              %dma_start3A_139 = tpu.memref_slice %arg4[%arg1, %add3A_134, %dma_start3A_138] : memref<16x160x128xi32, #tpu.memory_space<hbm>> -> memref<1x1x128xi32, #tpu.memory_space<hbm>>
              %dma_start3A_140 = tpu.memref_squeeze %dma_start3A_139 : memref<1x1x128xi32, #tpu.memory_space<hbm>> -> memref<128xi32, #tpu.memory_space<hbm>>
              %dma_start3A_141 = arith.constant 0 : i32
              %dma_start3A_142 = tpu.memref_slice %arg4[%arg1, %add3A_134, %dma_start3A_141] : memref<16x160x128xi32, #tpu.memory_space<hbm>> -> memref<1x1x128xi32, #tpu.memory_space<hbm>>
              %dma_start3A_143 = tpu.memref_squeeze %dma_start3A_142 : memref<1x1x128xi32, #tpu.memory_space<hbm>> -> memref<128xi32, #tpu.memory_space<hbm>>
              tpu.enqueue_dma source(%dma_start3A_143 : memref<128xi32, #tpu.memory_space<hbm>>) target(%arg12 : memref<128xi32, #tpu.memory_space<vmem>>) target_semaphore(%run_scoped3A_137 : memref<!tpu.dma_semaphore, #tpu.memory_space<semaphore_mem>>)
              %dma_wait3A_144 = arith.constant 0 : i32
              %dma_wait3A_145 = tpu.memref_slice %arg4[%arg1, %add3A_134, %dma_wait3A_144] : memref<16x160x128xi32, #tpu.memory_space<hbm>> -> memref<1x1x128xi32, #tpu.memory_space<hbm>>
              %dma_wait3A_146 = tpu.memref_squeeze %dma_wait3A_145 : memref<1x1x128xi32, #tpu.memory_space<hbm>> -> memref<128xi32, #tpu.memory_space<hbm>>
              %dma_wait3A_147 = arith.constant 0 : i32
              %dma_wait3A_148 = tpu.memref_slice %arg4[%arg1, %add3A_134, %dma_wait3A_147] : memref<16x160x128xi32, #tpu.memory_space<hbm>> -> memref<1x1x128xi32, #tpu.memory_space<hbm>>
              %dma_wait3A_149 = tpu.memref_squeeze %dma_wait3A_148 : memref<1x1x128xi32, #tpu.memory_space<hbm>> -> memref<128xi32, #tpu.memory_space<hbm>>
              tpu.wait_dma2 semaphore(%run_scoped3A_137 : memref<!tpu.dma_semaphore, #tpu.memory_space<semaphore_mem>>) src(%dma_wait3A_149 : memref<128xi32, #tpu.memory_space<hbm>>) dst(%arg12 : memref<128xi32, #tpu.memory_space<vmem>>)
              tpu.yield
            }) : () -> ()
            %add3A_135 = arith.constant 2 : i32
            %add3A_136 = arith.addi %add3A_62, %add3A_135 : i32
            "tpu.region"() ({
              %run_scoped3A_137 = tpu.sem_alloc : memref<!tpu.dma_semaphore, #tpu.memory_space<semaphore_mem>>
              %dma_start3A_138 = arith.constant 0 : i32
              %dma_start3A_139 = tpu.memref_slice %arg5[%arg1, %add3A_136, %dma_start3A_138] : memref<16x160x128xi32, #tpu.memory_space<hbm>> -> memref<1x1x128xi32, #tpu.memory_space<hbm>>
              %dma_start3A_140 = tpu.memref_squeeze %dma_start3A_139 : memref<1x1x128xi32, #tpu.memory_space<hbm>> -> memref<128xi32, #tpu.memory_space<hbm>>
              %dma_start3A_141 = arith.constant 0 : i32
              %dma_start3A_142 = tpu.memref_slice %arg5[%arg1, %add3A_136, %dma_start3A_141] : memref<16x160x128xi32, #tpu.memory_space<hbm>> -> memref<1x1x128xi32, #tpu.memory_space<hbm>>
              %dma_start3A_143 = tpu.memref_squeeze %dma_start3A_142 : memref<1x1x128xi32, #tpu.memory_space<hbm>> -> memref<128xi32, #tpu.memory_space<hbm>>
              tpu.enqueue_dma source(%dma_start3A_143 : memref<128xi32, #tpu.memory_space<hbm>>) target(%arg16 : memref<128xi32, #tpu.memory_space<vmem>>) target_semaphore(%run_scoped3A_137 : memref<!tpu.dma_semaphore, #tpu.memory_space<semaphore_mem>>)
              %dma_wait3A_144 = arith.constant 0 : i32
              %dma_wait3A_145 = tpu.memref_slice %arg5[%arg1, %add3A_136, %dma_wait3A_144] : memref<16x160x128xi32, #tpu.memory_space<hbm>> -> memref<1x1x128xi32, #tpu.memory_space<hbm>>
              %dma_wait3A_146 = tpu.memref_squeeze %dma_wait3A_145 : memref<1x1x128xi32, #tpu.memory_space<hbm>> -> memref<128xi32, #tpu.memory_space<hbm>>
              %dma_wait3A_147 = arith.constant 0 : i32
              %dma_wait3A_148 = tpu.memref_slice %arg5[%arg1, %add3A_136, %dma_wait3A_147] : memref<16x160x128xi32, #tpu.memory_space<hbm>> -> memref<1x1x128xi32, #tpu.memory_space<hbm>>
              %dma_wait3A_149 = tpu.memref_squeeze %dma_wait3A_148 : memref<1x1x128xi32, #tpu.memory_space<hbm>> -> memref<128xi32, #tpu.memory_space<hbm>>
              tpu.wait_dma2 semaphore(%run_scoped3A_137 : memref<!tpu.dma_semaphore, #tpu.memory_space<semaphore_mem>>) src(%dma_wait3A_149 : memref<128xi32, #tpu.memory_space<hbm>>) dst(%arg16 : memref<128xi32, #tpu.memory_space<vmem>>)
              tpu.yield
            }) : () -> ()
          } else {
          }
          %dma_wait3A_127 = arith.constant 0 : i32
          %dma_wait3A_128 = arith.constant 0 : i32
          %dma_wait3A_129 = tpu.memref_slice %arg19[%dma_wait3A_127, %dma_wait3A_128] : memref<10112x128xf32, #tpu.memory_space<vmem_shared>> -> memref<10112x128xf32, #tpu.memory_space<vmem_shared>>
          tpu.wait_indirect_dma semaphore(%arg22 : memref<!tpu.dma_semaphore, #tpu.memory_space<semaphore_mem>>) src(%arg18 : memref<128x128xf32, #tpu.memory_space<vmem>>) dst(%dma_wait3A_129 : memref<10112x128xf32, #tpu.memory_space<vmem_shared>>)
          %dma_wait3A_130 = arith.constant 0 : i32
          %dma_wait3A_131 = arith.constant 0 : i32
          %dma_wait3A_132 = tpu.memref_slice %arg2[%dma_wait3A_130, %dma_wait3A_131] : memref<10112x128xf32, #tpu.memory_space<hbm>> -> memref<10112x128xf32, #tpu.memory_space<hbm>>
          tpu.wait_indirect_dma semaphore(%arg20 : memref<!tpu.dma_semaphore, #tpu.memory_space<semaphore_mem>>) src(%dma_wait3A_132 : memref<10112x128xf32, #tpu.memory_space<hbm>>) dst(%arg17 : memref<128x128xf32, #tpu.memory_space<vmem>>)
        } else {
        }
        %add3A_70 = arith.constant 1 : i32
        %add3A_71 = arith.addi %add3A_62, %add3A_70 : i32
        %ge3A_72 = arith.constant 160 : i32
        %ge3A_73 = arith.cmpi sge, %add3A_71, %ge3A_72 : i32
        %convert_element_type3A_74 = arith.extui %ge3A_73 : i1 to i32
        %cond3A_75 = arith.constant 0 : i32
        %cond3A_76 = arith.cmpi ne, %convert_element_type3A_74, %cond3A_75 : i32
        scf.if %cond3A_76 {
          "tpu.region"() ({
            %run_scoped3A_114 = tpu.sem_alloc : memref<!tpu.dma_semaphore, #tpu.memory_space<semaphore_mem>>
            %dma_start3A_115 = arith.constant 0 : i32
            %dma_start3A_116 = arith.constant 0 : i32
            %dma_start3A_117 = tpu.memref_slice %arg19[%dma_start3A_115, %dma_start3A_116] : memref<10112x128xf32, #tpu.memory_space<vmem_shared>> -> memref<10112x128xf32, #tpu.memory_space<vmem_shared>>
            tpu.enqueue_indirect_dma source(%arg18 : memref<128x128xf32, #tpu.memory_space<vmem>>) target(%dma_start3A_117 : memref<10112x128xf32, #tpu.memory_space<vmem_shared>>) offsets(%arg14 : memref<128xi32, #tpu.memory_space<vmem>>) semaphore(%run_scoped3A_114 : memref<!tpu.dma_semaphore, #tpu.memory_space<semaphore_mem>>) {add = true}
            %dma_wait3A_118 = arith.constant 0 : i32
            %dma_wait3A_119 = arith.constant 0 : i32
            %dma_wait3A_120 = tpu.memref_slice %arg19[%dma_wait3A_118, %dma_wait3A_119] : memref<10112x128xf32, #tpu.memory_space<vmem_shared>> -> memref<10112x128xf32, #tpu.memory_space<vmem_shared>>
            tpu.wait_indirect_dma semaphore(%run_scoped3A_114 : memref<!tpu.dma_semaphore, #tpu.memory_space<semaphore_mem>>) src(%arg18 : memref<128x128xf32, #tpu.memory_space<vmem>>) dst(%dma_wait3A_120 : memref<10112x128xf32, #tpu.memory_space<vmem_shared>>)
            tpu.yield
          }) : () -> ()
        } else {
        }
        %mul3A_77 = arith.constant 4 : i32
        %mul3A_78 = arith.muli %mul3A_77, %scan3A_41 : i32
        %add3A_79 = arith.constant 2 : i32
        %add3A_80 = arith.addi %mul3A_78, %add3A_79 : i32
        %add3A_81 = arith.constant 1 : i32
        %add3A_82 = arith.addi %add3A_80, %add3A_81 : i32
        %lt3A_83 = arith.constant 160 : i32
        %lt3A_84 = arith.cmpi slt, %add3A_82, %lt3A_83 : i32
        %convert_element_type3A_85 = arith.extui %lt3A_84 : i1 to i32
        %cond3A_86 = arith.constant 0 : i32
        %cond3A_87 = arith.cmpi ne, %convert_element_type3A_85, %cond3A_86 : i32
        scf.if %cond3A_87 {
          %dma_start3A_114 = arith.constant 0 : i32
          %dma_start3A_115 = arith.constant 0 : i32
          %dma_start3A_116 = tpu.memref_slice %arg2[%dma_start3A_114, %dma_start3A_115] : memref<10112x128xf32, #tpu.memory_space<hbm>> -> memref<10112x128xf32, #tpu.memory_space<hbm>>
          tpu.enqueue_indirect_dma source(%dma_start3A_116 : memref<10112x128xf32, #tpu.memory_space<hbm>>) target(%arg18 : memref<128x128xf32, #tpu.memory_space<vmem>>) offsets(%arg12 : memref<128xi32, #tpu.memory_space<vmem>>) semaphore(%arg21 : memref<!tpu.dma_semaphore, #tpu.memory_space<semaphore_mem>>)
          %dma_start3A_117 = arith.constant 0 : i32
          %dma_start3A_118 = arith.constant 0 : i32
          %dma_start3A_119 = tpu.memref_slice %arg19[%dma_start3A_117, %dma_start3A_118] : memref<10112x128xf32, #tpu.memory_space<vmem_shared>> -> memref<10112x128xf32, #tpu.memory_space<vmem_shared>>
          tpu.enqueue_indirect_dma source(%arg17 : memref<128x128xf32, #tpu.memory_space<vmem>>) target(%dma_start3A_119 : memref<10112x128xf32, #tpu.memory_space<vmem_shared>>) offsets(%arg15 : memref<128xi32, #tpu.memory_space<vmem>>) semaphore(%arg22 : memref<!tpu.dma_semaphore, #tpu.memory_space<semaphore_mem>>) {add = true}
          %add3A_120 = arith.constant 2 : i32
          %add3A_121 = arith.addi %add3A_80, %add3A_120 : i32
          %lt3A_122 = arith.constant 160 : i32
          %lt3A_123 = arith.cmpi slt, %add3A_121, %lt3A_122 : i32
          %convert_element_type3A_124 = arith.extui %lt3A_123 : i1 to i32
          %cond3A_125 = arith.constant 0 : i32
          %cond3A_126 = arith.cmpi ne, %convert_element_type3A_124, %cond3A_125 : i32
          scf.if %cond3A_126 {
            %add3A_133 = arith.constant 2 : i32
            %add3A_134 = arith.addi %add3A_80, %add3A_133 : i32
            "tpu.region"() ({
              %run_scoped3A_137 = tpu.sem_alloc : memref<!tpu.dma_semaphore, #tpu.memory_space<semaphore_mem>>
              %dma_start3A_138 = arith.constant 0 : i32
              %dma_start3A_139 = tpu.memref_slice %arg4[%arg1, %add3A_134, %dma_start3A_138] : memref<16x160x128xi32, #tpu.memory_space<hbm>> -> memref<1x1x128xi32, #tpu.memory_space<hbm>>
              %dma_start3A_140 = tpu.memref_squeeze %dma_start3A_139 : memref<1x1x128xi32, #tpu.memory_space<hbm>> -> memref<128xi32, #tpu.memory_space<hbm>>
              %dma_start3A_141 = arith.constant 0 : i32
              %dma_start3A_142 = tpu.memref_slice %arg4[%arg1, %add3A_134, %dma_start3A_141] : memref<16x160x128xi32, #tpu.memory_space<hbm>> -> memref<1x1x128xi32, #tpu.memory_space<hbm>>
              %dma_start3A_143 = tpu.memref_squeeze %dma_start3A_142 : memref<1x1x128xi32, #tpu.memory_space<hbm>> -> memref<128xi32, #tpu.memory_space<hbm>>
              tpu.enqueue_dma source(%dma_start3A_143 : memref<128xi32, #tpu.memory_space<hbm>>) target(%arg11 : memref<128xi32, #tpu.memory_space<vmem>>) target_semaphore(%run_scoped3A_137 : memref<!tpu.dma_semaphore, #tpu.memory_space<semaphore_mem>>)
              %dma_wait3A_144 = arith.constant 0 : i32
              %dma_wait3A_145 = tpu.memref_slice %arg4[%arg1, %add3A_134, %dma_wait3A_144] : memref<16x160x128xi32, #tpu.memory_space<hbm>> -> memref<1x1x128xi32, #tpu.memory_space<hbm>>
              %dma_wait3A_146 = tpu.memref_squeeze %dma_wait3A_145 : memref<1x1x128xi32, #tpu.memory_space<hbm>> -> memref<128xi32, #tpu.memory_space<hbm>>
              %dma_wait3A_147 = arith.constant 0 : i32
              %dma_wait3A_148 = tpu.memref_slice %arg4[%arg1, %add3A_134, %dma_wait3A_147] : memref<16x160x128xi32, #tpu.memory_space<hbm>> -> memref<1x1x128xi32, #tpu.memory_space<hbm>>
              %dma_wait3A_149 = tpu.memref_squeeze %dma_wait3A_148 : memref<1x1x128xi32, #tpu.memory_space<hbm>> -> memref<128xi32, #tpu.memory_space<hbm>>
              tpu.wait_dma2 semaphore(%run_scoped3A_137 : memref<!tpu.dma_semaphore, #tpu.memory_space<semaphore_mem>>) src(%dma_wait3A_149 : memref<128xi32, #tpu.memory_space<hbm>>) dst(%arg11 : memref<128xi32, #tpu.memory_space<vmem>>)
              tpu.yield
            }) : () -> ()
            %add3A_135 = arith.constant 2 : i32
            %add3A_136 = arith.addi %add3A_80, %add3A_135 : i32
            "tpu.region"() ({
              %run_scoped3A_137 = tpu.sem_alloc : memref<!tpu.dma_semaphore, #tpu.memory_space<semaphore_mem>>
              %dma_start3A_138 = arith.constant 0 : i32
              %dma_start3A_139 = tpu.memref_slice %arg5[%arg1, %add3A_136, %dma_start3A_138] : memref<16x160x128xi32, #tpu.memory_space<hbm>> -> memref<1x1x128xi32, #tpu.memory_space<hbm>>
              %dma_start3A_140 = tpu.memref_squeeze %dma_start3A_139 : memref<1x1x128xi32, #tpu.memory_space<hbm>> -> memref<128xi32, #tpu.memory_space<hbm>>
              %dma_start3A_141 = arith.constant 0 : i32
              %dma_start3A_142 = tpu.memref_slice %arg5[%arg1, %add3A_136, %dma_start3A_141] : memref<16x160x128xi32, #tpu.memory_space<hbm>> -> memref<1x1x128xi32, #tpu.memory_space<hbm>>
              %dma_start3A_143 = tpu.memref_squeeze %dma_start3A_142 : memref<1x1x128xi32, #tpu.memory_space<hbm>> -> memref<128xi32, #tpu.memory_space<hbm>>
              tpu.enqueue_dma source(%dma_start3A_143 : memref<128xi32, #tpu.memory_space<hbm>>) target(%arg13 : memref<128xi32, #tpu.memory_space<vmem>>) target_semaphore(%run_scoped3A_137 : memref<!tpu.dma_semaphore, #tpu.memory_space<semaphore_mem>>)
              %dma_wait3A_144 = arith.constant 0 : i32
              %dma_wait3A_145 = tpu.memref_slice %arg5[%arg1, %add3A_136, %dma_wait3A_144] : memref<16x160x128xi32, #tpu.memory_space<hbm>> -> memref<1x1x128xi32, #tpu.memory_space<hbm>>
              %dma_wait3A_146 = tpu.memref_squeeze %dma_wait3A_145 : memref<1x1x128xi32, #tpu.memory_space<hbm>> -> memref<128xi32, #tpu.memory_space<hbm>>
              %dma_wait3A_147 = arith.constant 0 : i32
              %dma_wait3A_148 = tpu.memref_slice %arg5[%arg1, %add3A_136, %dma_wait3A_147] : memref<16x160x128xi32, #tpu.memory_space<hbm>> -> memref<1x1x128xi32, #tpu.memory_space<hbm>>
              %dma_wait3A_149 = tpu.memref_squeeze %dma_wait3A_148 : memref<1x1x128xi32, #tpu.memory_space<hbm>> -> memref<128xi32, #tpu.memory_space<hbm>>
              tpu.wait_dma2 semaphore(%run_scoped3A_137 : memref<!tpu.dma_semaphore, #tpu.memory_space<semaphore_mem>>) src(%dma_wait3A_149 : memref<128xi32, #tpu.memory_space<hbm>>) dst(%arg13 : memref<128xi32, #tpu.memory_space<vmem>>)
              tpu.yield
            }) : () -> ()
          } else {
          }
          %dma_wait3A_127 = arith.constant 0 : i32
          %dma_wait3A_128 = arith.constant 0 : i32
          %dma_wait3A_129 = tpu.memref_slice %arg19[%dma_wait3A_127, %dma_wait3A_128] : memref<10112x128xf32, #tpu.memory_space<vmem_shared>> -> memref<10112x128xf32, #tpu.memory_space<vmem_shared>>
          tpu.wait_indirect_dma semaphore(%arg22 : memref<!tpu.dma_semaphore, #tpu.memory_space<semaphore_mem>>) src(%arg17 : memref<128x128xf32, #tpu.memory_space<vmem>>) dst(%dma_wait3A_129 : memref<10112x128xf32, #tpu.memory_space<vmem_shared>>)
          %dma_wait3A_130 = arith.constant 0 : i32
          %dma_wait3A_131 = arith.constant 0 : i32
          %dma_wait3A_132 = tpu.memref_slice %arg2[%dma_wait3A_130, %dma_wait3A_131] : memref<10112x128xf32, #tpu.memory_space<hbm>> -> memref<10112x128xf32, #tpu.memory_space<hbm>>
          tpu.wait_indirect_dma semaphore(%arg21 : memref<!tpu.dma_semaphore, #tpu.memory_space<semaphore_mem>>) src(%dma_wait3A_132 : memref<10112x128xf32, #tpu.memory_space<hbm>>) dst(%arg18 : memref<128x128xf32, #tpu.memory_space<vmem>>)
        } else {
        }
        %add3A_88 = arith.constant 1 : i32
        %add3A_89 = arith.addi %add3A_80, %add3A_88 : i32
        %ge3A_90 = arith.constant 160 : i32
        %ge3A_91 = arith.cmpi sge, %add3A_89, %ge3A_90 : i32
        %convert_element_type3A_92 = arith.extui %ge3A_91 : i1 to i32
        %cond3A_93 = arith.constant 0 : i32
        %cond3A_94 = arith.cmpi ne, %convert_element_type3A_92, %cond3A_93 : i32
        scf.if %cond3A_94 {
          "tpu.region"() ({
            %run_scoped3A_114 = tpu.sem_alloc : memref<!tpu.dma_semaphore, #tpu.memory_space<semaphore_mem>>
            %dma_start3A_115 = arith.constant 0 : i32
            %dma_start3A_116 = arith.constant 0 : i32
            %dma_start3A_117 = tpu.memref_slice %arg19[%dma_start3A_115, %dma_start3A_116] : memref<10112x128xf32, #tpu.memory_space<vmem_shared>> -> memref<10112x128xf32, #tpu.memory_space<vmem_shared>>
            tpu.enqueue_indirect_dma source(%arg17 : memref<128x128xf32, #tpu.memory_space<vmem>>) target(%dma_start3A_117 : memref<10112x128xf32, #tpu.memory_space<vmem_shared>>) offsets(%arg15 : memref<128xi32, #tpu.memory_space<vmem>>) semaphore(%run_scoped3A_114 : memref<!tpu.dma_semaphore, #tpu.memory_space<semaphore_mem>>) {add = true}
            %dma_wait3A_118 = arith.constant 0 : i32
            %dma_wait3A_119 = arith.constant 0 : i32
            %dma_wait3A_120 = tpu.memref_slice %arg19[%dma_wait3A_118, %dma_wait3A_119] : memref<10112x128xf32, #tpu.memory_space<vmem_shared>> -> memref<10112x128xf32, #tpu.memory_space<vmem_shared>>
            tpu.wait_indirect_dma semaphore(%run_scoped3A_114 : memref<!tpu.dma_semaphore, #tpu.memory_space<semaphore_mem>>) src(%arg17 : memref<128x128xf32, #tpu.memory_space<vmem>>) dst(%dma_wait3A_120 : memref<10112x128xf32, #tpu.memory_space<vmem_shared>>)
            tpu.yield
          }) : () -> ()
        } else {
        }
        %mul3A_95 = arith.constant 4 : i32
        %mul3A_96 = arith.muli %mul3A_95, %scan3A_41 : i32
        %add3A_97 = arith.constant 3 : i32
        %add3A_98 = arith.addi %mul3A_96, %add3A_97 : i32
        %add3A_99 = arith.constant 1 : i32
        %add3A_100 = arith.addi %add3A_98, %add3A_99 : i32
        %lt3A_101 = arith.constant 160 : i32
        %lt3A_102 = arith.cmpi slt, %add3A_100, %lt3A_101 : i32
        %convert_element_type3A_103 = arith.extui %lt3A_102 : i1 to i32
        %cond3A_104 = arith.constant 0 : i32
        %cond3A_105 = arith.cmpi ne, %convert_element_type3A_103, %cond3A_104 : i32
        scf.if %cond3A_105 {
          %dma_start3A_114 = arith.constant 0 : i32
          %dma_start3A_115 = arith.constant 0 : i32
          %dma_start3A_116 = tpu.memref_slice %arg2[%dma_start3A_114, %dma_start3A_115] : memref<10112x128xf32, #tpu.memory_space<hbm>> -> memref<10112x128xf32, #tpu.memory_space<hbm>>
          tpu.enqueue_indirect_dma source(%dma_start3A_116 : memref<10112x128xf32, #tpu.memory_space<hbm>>) target(%arg17 : memref<128x128xf32, #tpu.memory_space<vmem>>) offsets(%arg11 : memref<128xi32, #tpu.memory_space<vmem>>) semaphore(%arg20 : memref<!tpu.dma_semaphore, #tpu.memory_space<semaphore_mem>>)
          %dma_start3A_117 = arith.constant 0 : i32
          %dma_start3A_118 = arith.constant 0 : i32
          %dma_start3A_119 = tpu.memref_slice %arg19[%dma_start3A_117, %dma_start3A_118] : memref<10112x128xf32, #tpu.memory_space<vmem_shared>> -> memref<10112x128xf32, #tpu.memory_space<vmem_shared>>
          tpu.enqueue_indirect_dma source(%arg18 : memref<128x128xf32, #tpu.memory_space<vmem>>) target(%dma_start3A_119 : memref<10112x128xf32, #tpu.memory_space<vmem_shared>>) offsets(%arg16 : memref<128xi32, #tpu.memory_space<vmem>>) semaphore(%arg22 : memref<!tpu.dma_semaphore, #tpu.memory_space<semaphore_mem>>) {add = true}
          %add3A_120 = arith.constant 2 : i32
          %add3A_121 = arith.addi %add3A_98, %add3A_120 : i32
          %lt3A_122 = arith.constant 160 : i32
          %lt3A_123 = arith.cmpi slt, %add3A_121, %lt3A_122 : i32
          %convert_element_type3A_124 = arith.extui %lt3A_123 : i1 to i32
          %cond3A_125 = arith.constant 0 : i32
          %cond3A_126 = arith.cmpi ne, %convert_element_type3A_124, %cond3A_125 : i32
          scf.if %cond3A_126 {
            %add3A_133 = arith.constant 2 : i32
            %add3A_134 = arith.addi %add3A_98, %add3A_133 : i32
            "tpu.region"() ({
              %run_scoped3A_137 = tpu.sem_alloc : memref<!tpu.dma_semaphore, #tpu.memory_space<semaphore_mem>>
              %dma_start3A_138 = arith.constant 0 : i32
              %dma_start3A_139 = tpu.memref_slice %arg4[%arg1, %add3A_134, %dma_start3A_138] : memref<16x160x128xi32, #tpu.memory_space<hbm>> -> memref<1x1x128xi32, #tpu.memory_space<hbm>>
              %dma_start3A_140 = tpu.memref_squeeze %dma_start3A_139 : memref<1x1x128xi32, #tpu.memory_space<hbm>> -> memref<128xi32, #tpu.memory_space<hbm>>
              %dma_start3A_141 = arith.constant 0 : i32
              %dma_start3A_142 = tpu.memref_slice %arg4[%arg1, %add3A_134, %dma_start3A_141] : memref<16x160x128xi32, #tpu.memory_space<hbm>> -> memref<1x1x128xi32, #tpu.memory_space<hbm>>
              %dma_start3A_143 = tpu.memref_squeeze %dma_start3A_142 : memref<1x1x128xi32, #tpu.memory_space<hbm>> -> memref<128xi32, #tpu.memory_space<hbm>>
              tpu.enqueue_dma source(%dma_start3A_143 : memref<128xi32, #tpu.memory_space<hbm>>) target(%arg12 : memref<128xi32, #tpu.memory_space<vmem>>) target_semaphore(%run_scoped3A_137 : memref<!tpu.dma_semaphore, #tpu.memory_space<semaphore_mem>>)
              %dma_wait3A_144 = arith.constant 0 : i32
              %dma_wait3A_145 = tpu.memref_slice %arg4[%arg1, %add3A_134, %dma_wait3A_144] : memref<16x160x128xi32, #tpu.memory_space<hbm>> -> memref<1x1x128xi32, #tpu.memory_space<hbm>>
              %dma_wait3A_146 = tpu.memref_squeeze %dma_wait3A_145 : memref<1x1x128xi32, #tpu.memory_space<hbm>> -> memref<128xi32, #tpu.memory_space<hbm>>
              %dma_wait3A_147 = arith.constant 0 : i32
              %dma_wait3A_148 = tpu.memref_slice %arg4[%arg1, %add3A_134, %dma_wait3A_147] : memref<16x160x128xi32, #tpu.memory_space<hbm>> -> memref<1x1x128xi32, #tpu.memory_space<hbm>>
              %dma_wait3A_149 = tpu.memref_squeeze %dma_wait3A_148 : memref<1x1x128xi32, #tpu.memory_space<hbm>> -> memref<128xi32, #tpu.memory_space<hbm>>
              tpu.wait_dma2 semaphore(%run_scoped3A_137 : memref<!tpu.dma_semaphore, #tpu.memory_space<semaphore_mem>>) src(%dma_wait3A_149 : memref<128xi32, #tpu.memory_space<hbm>>) dst(%arg12 : memref<128xi32, #tpu.memory_space<vmem>>)
              tpu.yield
            }) : () -> ()
            %add3A_135 = arith.constant 2 : i32
            %add3A_136 = arith.addi %add3A_98, %add3A_135 : i32
            "tpu.region"() ({
              %run_scoped3A_137 = tpu.sem_alloc : memref<!tpu.dma_semaphore, #tpu.memory_space<semaphore_mem>>
              %dma_start3A_138 = arith.constant 0 : i32
              %dma_start3A_139 = tpu.memref_slice %arg5[%arg1, %add3A_136, %dma_start3A_138] : memref<16x160x128xi32, #tpu.memory_space<hbm>> -> memref<1x1x128xi32, #tpu.memory_space<hbm>>
              %dma_start3A_140 = tpu.memref_squeeze %dma_start3A_139 : memref<1x1x128xi32, #tpu.memory_space<hbm>> -> memref<128xi32, #tpu.memory_space<hbm>>
              %dma_start3A_141 = arith.constant 0 : i32
              %dma_start3A_142 = tpu.memref_slice %arg5[%arg1, %add3A_136, %dma_start3A_141] : memref<16x160x128xi32, #tpu.memory_space<hbm>> -> memref<1x1x128xi32, #tpu.memory_space<hbm>>
              %dma_start3A_143 = tpu.memref_squeeze %dma_start3A_142 : memref<1x1x128xi32, #tpu.memory_space<hbm>> -> memref<128xi32, #tpu.memory_space<hbm>>
              tpu.enqueue_dma source(%dma_start3A_143 : memref<128xi32, #tpu.memory_space<hbm>>) target(%arg14 : memref<128xi32, #tpu.memory_space<vmem>>) target_semaphore(%run_scoped3A_137 : memref<!tpu.dma_semaphore, #tpu.memory_space<semaphore_mem>>)
              %dma_wait3A_144 = arith.constant 0 : i32
              %dma_wait3A_145 = tpu.memref_slice %arg5[%arg1, %add3A_136, %dma_wait3A_144] : memref<16x160x128xi32, #tpu.memory_space<hbm>> -> memref<1x1x128xi32, #tpu.memory_space<hbm>>
              %dma_wait3A_146 = tpu.memref_squeeze %dma_wait3A_145 : memref<1x1x128xi32, #tpu.memory_space<hbm>> -> memref<128xi32, #tpu.memory_space<hbm>>
              %dma_wait3A_147 = arith.constant 0 : i32
              %dma_wait3A_148 = tpu.memref_slice %arg5[%arg1, %add3A_136, %dma_wait3A_147] : memref<16x160x128xi32, #tpu.memory_space<hbm>> -> memref<1x1x128xi32, #tpu.memory_space<hbm>>
              %dma_wait3A_149 = tpu.memref_squeeze %dma_wait3A_148 : memref<1x1x128xi32, #tpu.memory_space<hbm>> -> memref<128xi32, #tpu.memory_space<hbm>>
              tpu.wait_dma2 semaphore(%run_scoped3A_137 : memref<!tpu.dma_semaphore, #tpu.memory_space<semaphore_mem>>) src(%dma_wait3A_149 : memref<128xi32, #tpu.memory_space<hbm>>) dst(%arg14 : memref<128xi32, #tpu.memory_space<vmem>>)
              tpu.yield
            }) : () -> ()
          } else {
          }
          %dma_wait3A_127 = arith.constant 0 : i32
          %dma_wait3A_128 = arith.constant 0 : i32
          %dma_wait3A_129 = tpu.memref_slice %arg19[%dma_wait3A_127, %dma_wait3A_128] : memref<10112x128xf32, #tpu.memory_space<vmem_shared>> -> memref<10112x128xf32, #tpu.memory_space<vmem_shared>>
          tpu.wait_indirect_dma semaphore(%arg22 : memref<!tpu.dma_semaphore, #tpu.memory_space<semaphore_mem>>) src(%arg18 : memref<128x128xf32, #tpu.memory_space<vmem>>) dst(%dma_wait3A_129 : memref<10112x128xf32, #tpu.memory_space<vmem_shared>>)
          %dma_wait3A_130 = arith.constant 0 : i32
          %dma_wait3A_131 = arith.constant 0 : i32
          %dma_wait3A_132 = tpu.memref_slice %arg2[%dma_wait3A_130, %dma_wait3A_131] : memref<10112x128xf32, #tpu.memory_space<hbm>> -> memref<10112x128xf32, #tpu.memory_space<hbm>>
          tpu.wait_indirect_dma semaphore(%arg20 : memref<!tpu.dma_semaphore, #tpu.memory_space<semaphore_mem>>) src(%dma_wait3A_132 : memref<10112x128xf32, #tpu.memory_space<hbm>>) dst(%arg17 : memref<128x128xf32, #tpu.memory_space<vmem>>)
        } else {
        }
        %add3A_106 = arith.constant 1 : i32
        %add3A_107 = arith.addi %add3A_98, %add3A_106 : i32
        %ge3A_108 = arith.constant 160 : i32
        %ge3A_109 = arith.cmpi sge, %add3A_107, %ge3A_108 : i32
        %convert_element_type3A_110 = arith.extui %ge3A_109 : i1 to i32
        %cond3A_111 = arith.constant 0 : i32
        %cond3A_112 = arith.cmpi ne, %convert_element_type3A_110, %cond3A_111 : i32
        scf.if %cond3A_112 {
          "tpu.region"() ({
            %run_scoped3A_114 = tpu.sem_alloc : memref<!tpu.dma_semaphore, #tpu.memory_space<semaphore_mem>>
            %dma_start3A_115 = arith.constant 0 : i32
            %dma_start3A_116 = arith.constant 0 : i32
            %dma_start3A_117 = tpu.memref_slice %arg19[%dma_start3A_115, %dma_start3A_116] : memref<10112x128xf32, #tpu.memory_space<vmem_shared>> -> memref<10112x128xf32, #tpu.memory_space<vmem_shared>>
            tpu.enqueue_indirect_dma source(%arg18 : memref<128x128xf32, #tpu.memory_space<vmem>>) target(%dma_start3A_117 : memref<10112x128xf32, #tpu.memory_space<vmem_shared>>) offsets(%arg16 : memref<128xi32, #tpu.memory_space<vmem>>) semaphore(%run_scoped3A_114 : memref<!tpu.dma_semaphore, #tpu.memory_space<semaphore_mem>>) {add = true}
            %dma_wait3A_118 = arith.constant 0 : i32
            %dma_wait3A_119 = arith.constant 0 : i32
            %dma_wait3A_120 = tpu.memref_slice %arg19[%dma_wait3A_118, %dma_wait3A_119] : memref<10112x128xf32, #tpu.memory_space<vmem_shared>> -> memref<10112x128xf32, #tpu.memory_space<vmem_shared>>
            tpu.wait_indirect_dma semaphore(%run_scoped3A_114 : memref<!tpu.dma_semaphore, #tpu.memory_space<semaphore_mem>>) src(%arg18 : memref<128x128xf32, #tpu.memory_space<vmem>>) dst(%dma_wait3A_120 : memref<10112x128xf32, #tpu.memory_space<vmem_shared>>)
            tpu.yield
          }) : () -> ()
        } else {
        }
        %scan3A_113 = arith.constant 0 : i32
        scf.yield %scan3A_113 : i32
      }
      %scan3A_40 = arith.constant 40 : i32
    } else {
    }
    %eq3A_12 = arith.constant 1 : i32
    %eq3A_13 = arith.cmpi eq, %arg0, %eq3A_12 : i32
    %convert_element_type3A_14 = arith.extui %eq3A_13 : i1 to i32
    %cond3A_15 = arith.constant 0 : i32
    %cond3A_16 = arith.cmpi ne, %convert_element_type3A_14, %cond3A_15 : i32
    scf.if %cond3A_16 {
      %run_scoped3A = arith.constant 0 : i32
      "tpu.region"() ({
        %run_scoped3A_41 = tpu.sem_alloc : memref<!tpu.dma_semaphore, #tpu.memory_space<semaphore_mem>>
        %dma_start3A_42 = arith.constant 0 : i32
        %dma_start3A_43 = tpu.memref_slice %arg6[%arg1, %run_scoped3A, %dma_start3A_42] : memref<16x160x128xi32, #tpu.memory_space<hbm>> -> memref<1x1x128xi32, #tpu.memory_space<hbm>>
        %dma_start3A_44 = tpu.memref_squeeze %dma_start3A_43 : memref<1x1x128xi32, #tpu.memory_space<hbm>> -> memref<128xi32, #tpu.memory_space<hbm>>
        %dma_start3A_45 = arith.constant 0 : i32
        %dma_start3A_46 = tpu.memref_slice %arg6[%arg1, %run_scoped3A, %dma_start3A_45] : memref<16x160x128xi32, #tpu.memory_space<hbm>> -> memref<1x1x128xi32, #tpu.memory_space<hbm>>
        %dma_start3A_47 = tpu.memref_squeeze %dma_start3A_46 : memref<1x1x128xi32, #tpu.memory_space<hbm>> -> memref<128xi32, #tpu.memory_space<hbm>>
        tpu.enqueue_dma source(%dma_start3A_47 : memref<128xi32, #tpu.memory_space<hbm>>) target(%arg11 : memref<128xi32, #tpu.memory_space<vmem>>) target_semaphore(%run_scoped3A_41 : memref<!tpu.dma_semaphore, #tpu.memory_space<semaphore_mem>>)
        %dma_wait3A_48 = arith.constant 0 : i32
        %dma_wait3A_49 = tpu.memref_slice %arg6[%arg1, %run_scoped3A, %dma_wait3A_48] : memref<16x160x128xi32, #tpu.memory_space<hbm>> -> memref<1x1x128xi32, #tpu.memory_space<hbm>>
        %dma_wait3A_50 = tpu.memref_squeeze %dma_wait3A_49 : memref<1x1x128xi32, #tpu.memory_space<hbm>> -> memref<128xi32, #tpu.memory_space<hbm>>
        %dma_wait3A_51 = arith.constant 0 : i32
        %dma_wait3A_52 = tpu.memref_slice %arg6[%arg1, %run_scoped3A, %dma_wait3A_51] : memref<16x160x128xi32, #tpu.memory_space<hbm>> -> memref<1x1x128xi32, #tpu.memory_space<hbm>>
        %dma_wait3A_53 = tpu.memref_squeeze %dma_wait3A_52 : memref<1x1x128xi32, #tpu.memory_space<hbm>> -> memref<128xi32, #tpu.memory_space<hbm>>
        tpu.wait_dma2 semaphore(%run_scoped3A_41 : memref<!tpu.dma_semaphore, #tpu.memory_space<semaphore_mem>>) src(%dma_wait3A_53 : memref<128xi32, #tpu.memory_space<hbm>>) dst(%arg11 : memref<128xi32, #tpu.memory_space<vmem>>)
        tpu.yield
      }) : () -> ()
      %run_scoped3A_28 = arith.constant 0 : i32
      "tpu.region"() ({
        %run_scoped3A_41 = tpu.sem_alloc : memref<!tpu.dma_semaphore, #tpu.memory_space<semaphore_mem>>
        %dma_start3A_42 = arith.constant 0 : i32
        %dma_start3A_43 = tpu.memref_slice %arg7[%arg1, %run_scoped3A_28, %dma_start3A_42] : memref<16x160x128xi32, #tpu.memory_space<hbm>> -> memref<1x1x128xi32, #tpu.memory_space<hbm>>
        %dma_start3A_44 = tpu.memref_squeeze %dma_start3A_43 : memref<1x1x128xi32, #tpu.memory_space<hbm>> -> memref<128xi32, #tpu.memory_space<hbm>>
        %dma_start3A_45 = arith.constant 0 : i32
        %dma_start3A_46 = tpu.memref_slice %arg7[%arg1, %run_scoped3A_28, %dma_start3A_45] : memref<16x160x128xi32, #tpu.memory_space<hbm>> -> memref<1x1x128xi32, #tpu.memory_space<hbm>>
        %dma_start3A_47 = tpu.memref_squeeze %dma_start3A_46 : memref<1x1x128xi32, #tpu.memory_space<hbm>> -> memref<128xi32, #tpu.memory_space<hbm>>
        tpu.enqueue_dma source(%dma_start3A_47 : memref<128xi32, #tpu.memory_space<hbm>>) target(%arg13 : memref<128xi32, #tpu.memory_space<vmem>>) target_semaphore(%run_scoped3A_41 : memref<!tpu.dma_semaphore, #tpu.memory_space<semaphore_mem>>)
        %dma_wait3A_48 = arith.constant 0 : i32
        %dma_wait3A_49 = tpu.memref_slice %arg7[%arg1, %run_scoped3A_28, %dma_wait3A_48] : memref<16x160x128xi32, #tpu.memory_space<hbm>> -> memref<1x1x128xi32, #tpu.memory_space<hbm>>
        %dma_wait3A_50 = tpu.memref_squeeze %dma_wait3A_49 : memref<1x1x128xi32, #tpu.memory_space<hbm>> -> memref<128xi32, #tpu.memory_space<hbm>>
        %dma_wait3A_51 = arith.constant 0 : i32
        %dma_wait3A_52 = tpu.memref_slice %arg7[%arg1, %run_scoped3A_28, %dma_wait3A_51] : memref<16x160x128xi32, #tpu.memory_space<hbm>> -> memref<1x1x128xi32, #tpu.memory_space<hbm>>
        %dma_wait3A_53 = tpu.memref_squeeze %dma_wait3A_52 : memref<1x1x128xi32, #tpu.memory_space<hbm>> -> memref<128xi32, #tpu.memory_space<hbm>>
        tpu.wait_dma2 semaphore(%run_scoped3A_41 : memref<!tpu.dma_semaphore, #tpu.memory_space<semaphore_mem>>) src(%dma_wait3A_53 : memref<128xi32, #tpu.memory_space<hbm>>) dst(%arg13 : memref<128xi32, #tpu.memory_space<vmem>>)
        tpu.yield
      }) : () -> ()
      %dma_start3A = arith.constant 0 : i32
      %dma_start3A_29 = arith.constant 0 : i32
      %dma_start3A_30 = tpu.memref_slice %arg3[%dma_start3A, %dma_start3A_29] : memref<10112x128xf32, #tpu.memory_space<hbm>> -> memref<10112x128xf32, #tpu.memory_space<hbm>>
      tpu.enqueue_indirect_dma source(%dma_start3A_30 : memref<10112x128xf32, #tpu.memory_space<hbm>>) target(%arg17 : memref<128x128xf32, #tpu.memory_space<vmem>>) offsets(%arg11 : memref<128xi32, #tpu.memory_space<vmem>>) semaphore(%arg20 : memref<!tpu.dma_semaphore, #tpu.memory_space<semaphore_mem>>)
      %dma_wait3A = arith.constant 0 : i32
      %dma_wait3A_31 = arith.constant 0 : i32
      %dma_wait3A_32 = tpu.memref_slice %arg3[%dma_wait3A, %dma_wait3A_31] : memref<10112x128xf32, #tpu.memory_space<hbm>> -> memref<10112x128xf32, #tpu.memory_space<hbm>>
      tpu.wait_indirect_dma semaphore(%arg20 : memref<!tpu.dma_semaphore, #tpu.memory_space<semaphore_mem>>) src(%dma_wait3A_32 : memref<10112x128xf32, #tpu.memory_space<hbm>>) dst(%arg17 : memref<128x128xf32, #tpu.memory_space<vmem>>)
      %run_scoped3A_33 = arith.constant 1 : i32
      "tpu.region"() ({
        %run_scoped3A_41 = tpu.sem_alloc : memref<!tpu.dma_semaphore, #tpu.memory_space<semaphore_mem>>
        %dma_start3A_42 = arith.constant 0 : i32
        %dma_start3A_43 = tpu.memref_slice %arg6[%arg1, %run_scoped3A_33, %dma_start3A_42] : memref<16x160x128xi32, #tpu.memory_space<hbm>> -> memref<1x1x128xi32, #tpu.memory_space<hbm>>
        %dma_start3A_44 = tpu.memref_squeeze %dma_start3A_43 : memref<1x1x128xi32, #tpu.memory_space<hbm>> -> memref<128xi32, #tpu.memory_space<hbm>>
        %dma_start3A_45 = arith.constant 0 : i32
        %dma_start3A_46 = tpu.memref_slice %arg6[%arg1, %run_scoped3A_33, %dma_start3A_45] : memref<16x160x128xi32, #tpu.memory_space<hbm>> -> memref<1x1x128xi32, #tpu.memory_space<hbm>>
        %dma_start3A_47 = tpu.memref_squeeze %dma_start3A_46 : memref<1x1x128xi32, #tpu.memory_space<hbm>> -> memref<128xi32, #tpu.memory_space<hbm>>
        tpu.enqueue_dma source(%dma_start3A_47 : memref<128xi32, #tpu.memory_space<hbm>>) target(%arg12 : memref<128xi32, #tpu.memory_space<vmem>>) target_semaphore(%run_scoped3A_41 : memref<!tpu.dma_semaphore, #tpu.memory_space<semaphore_mem>>)
        %dma_wait3A_48 = arith.constant 0 : i32
        %dma_wait3A_49 = tpu.memref_slice %arg6[%arg1, %run_scoped3A_33, %dma_wait3A_48] : memref<16x160x128xi32, #tpu.memory_space<hbm>> -> memref<1x1x128xi32, #tpu.memory_space<hbm>>
        %dma_wait3A_50 = tpu.memref_squeeze %dma_wait3A_49 : memref<1x1x128xi32, #tpu.memory_space<hbm>> -> memref<128xi32, #tpu.memory_space<hbm>>
        %dma_wait3A_51 = arith.constant 0 : i32
        %dma_wait3A_52 = tpu.memref_slice %arg6[%arg1, %run_scoped3A_33, %dma_wait3A_51] : memref<16x160x128xi32, #tpu.memory_space<hbm>> -> memref<1x1x128xi32, #tpu.memory_space<hbm>>
        %dma_wait3A_53 = tpu.memref_squeeze %dma_wait3A_52 : memref<1x1x128xi32, #tpu.memory_space<hbm>> -> memref<128xi32, #tpu.memory_space<hbm>>
        tpu.wait_dma2 semaphore(%run_scoped3A_41 : memref<!tpu.dma_semaphore, #tpu.memory_space<semaphore_mem>>) src(%dma_wait3A_53 : memref<128xi32, #tpu.memory_space<hbm>>) dst(%arg12 : memref<128xi32, #tpu.memory_space<vmem>>)
        tpu.yield
      }) : () -> ()
      %run_scoped3A_34 = arith.constant 1 : i32
      "tpu.region"() ({
        %run_scoped3A_41 = tpu.sem_alloc : memref<!tpu.dma_semaphore, #tpu.memory_space<semaphore_mem>>
        %dma_start3A_42 = arith.constant 0 : i32
        %dma_start3A_43 = tpu.memref_slice %arg7[%arg1, %run_scoped3A_34, %dma_start3A_42] : memref<16x160x128xi32, #tpu.memory_space<hbm>> -> memref<1x1x128xi32, #tpu.memory_space<hbm>>
        %dma_start3A_44 = tpu.memref_squeeze %dma_start3A_43 : memref<1x1x128xi32, #tpu.memory_space<hbm>> -> memref<128xi32, #tpu.memory_space<hbm>>
        %dma_start3A_45 = arith.constant 0 : i32
        %dma_start3A_46 = tpu.memref_slice %arg7[%arg1, %run_scoped3A_34, %dma_start3A_45] : memref<16x160x128xi32, #tpu.memory_space<hbm>> -> memref<1x1x128xi32, #tpu.memory_space<hbm>>
        %dma_start3A_47 = tpu.memref_squeeze %dma_start3A_46 : memref<1x1x128xi32, #tpu.memory_space<hbm>> -> memref<128xi32, #tpu.memory_space<hbm>>
        tpu.enqueue_dma source(%dma_start3A_47 : memref<128xi32, #tpu.memory_space<hbm>>) target(%arg14 : memref<128xi32, #tpu.memory_space<vmem>>) target_semaphore(%run_scoped3A_41 : memref<!tpu.dma_semaphore, #tpu.memory_space<semaphore_mem>>)
        %dma_wait3A_48 = arith.constant 0 : i32
        %dma_wait3A_49 = tpu.memref_slice %arg7[%arg1, %run_scoped3A_34, %dma_wait3A_48] : memref<16x160x128xi32, #tpu.memory_space<hbm>> -> memref<1x1x128xi32, #tpu.memory_space<hbm>>
        %dma_wait3A_50 = tpu.memref_squeeze %dma_wait3A_49 : memref<1x1x128xi32, #tpu.memory_space<hbm>> -> memref<128xi32, #tpu.memory_space<hbm>>
        %dma_wait3A_51 = arith.constant 0 : i32
        %dma_wait3A_52 = tpu.memref_slice %arg7[%arg1, %run_scoped3A_34, %dma_wait3A_51] : memref<16x160x128xi32, #tpu.memory_space<hbm>> -> memref<1x1x128xi32, #tpu.memory_space<hbm>>
        %dma_wait3A_53 = tpu.memref_squeeze %dma_wait3A_52 : memref<1x1x128xi32, #tpu.memory_space<hbm>> -> memref<128xi32, #tpu.memory_space<hbm>>
        tpu.wait_dma2 semaphore(%run_scoped3A_41 : memref<!tpu.dma_semaphore, #tpu.memory_space<semaphore_mem>>) src(%dma_wait3A_53 : memref<128xi32, #tpu.memory_space<hbm>>) dst(%arg14 : memref<128xi32, #tpu.memory_space<vmem>>)
        tpu.yield
      }) : () -> ()
      %scan3A = arith.constant 0 : i32
      %scan3A_35 = arith.constant 0 : i32
      %scan3A_36 = arith.constant 40 : i32
      %scan3A_37 = arith.addi %scan3A_35, %scan3A_36 : i32
      %scan3A_38 = arith.constant 1 : i32
      %scan3A_39 = scf.for %scan3A_41 = %scan3A_35 to %scan3A_37 step %scan3A_38 iter_args(%scan3A_42 = %scan3A) -> (i32)  : i32 {
        %mul3A_43 = arith.constant 4 : i32
        %mul3A_44 = arith.muli %mul3A_43, %scan3A_41 : i32
        %add3A_45 = arith.constant 0 : i32
        %add3A_46 = arith.addi %mul3A_44, %add3A_45 : i32
        %add3A_47 = arith.constant 1 : i32
        %add3A_48 = arith.addi %add3A_46, %add3A_47 : i32
        %lt3A = arith.constant 160 : i32
        %lt3A_49 = arith.cmpi slt, %add3A_48, %lt3A : i32
        %convert_element_type3A_50 = arith.extui %lt3A_49 : i1 to i32
        %cond3A_51 = arith.constant 0 : i32
        %cond3A_52 = arith.cmpi ne, %convert_element_type3A_50, %cond3A_51 : i32
        scf.if %cond3A_52 {
          %dma_start3A_114 = arith.constant 0 : i32
          %dma_start3A_115 = arith.constant 0 : i32
          %dma_start3A_116 = tpu.memref_slice %arg3[%dma_start3A_114, %dma_start3A_115] : memref<10112x128xf32, #tpu.memory_space<hbm>> -> memref<10112x128xf32, #tpu.memory_space<hbm>>
          tpu.enqueue_indirect_dma source(%dma_start3A_116 : memref<10112x128xf32, #tpu.memory_space<hbm>>) target(%arg18 : memref<128x128xf32, #tpu.memory_space<vmem>>) offsets(%arg12 : memref<128xi32, #tpu.memory_space<vmem>>) semaphore(%arg21 : memref<!tpu.dma_semaphore, #tpu.memory_space<semaphore_mem>>)
          %dma_start3A_117 = arith.constant 0 : i32
          %dma_start3A_118 = arith.constant 0 : i32
          %dma_start3A_119 = tpu.memref_slice %arg19[%dma_start3A_117, %dma_start3A_118] : memref<10112x128xf32, #tpu.memory_space<vmem_shared>> -> memref<10112x128xf32, #tpu.memory_space<vmem_shared>>
          tpu.enqueue_indirect_dma source(%arg17 : memref<128x128xf32, #tpu.memory_space<vmem>>) target(%dma_start3A_119 : memref<10112x128xf32, #tpu.memory_space<vmem_shared>>) offsets(%arg13 : memref<128xi32, #tpu.memory_space<vmem>>) semaphore(%arg22 : memref<!tpu.dma_semaphore, #tpu.memory_space<semaphore_mem>>) {add = true}
          %add3A_120 = arith.constant 2 : i32
          %add3A_121 = arith.addi %add3A_46, %add3A_120 : i32
          %lt3A_122 = arith.constant 160 : i32
          %lt3A_123 = arith.cmpi slt, %add3A_121, %lt3A_122 : i32
          %convert_element_type3A_124 = arith.extui %lt3A_123 : i1 to i32
          %cond3A_125 = arith.constant 0 : i32
          %cond3A_126 = arith.cmpi ne, %convert_element_type3A_124, %cond3A_125 : i32
          scf.if %cond3A_126 {
            %add3A_133 = arith.constant 2 : i32
            %add3A_134 = arith.addi %add3A_46, %add3A_133 : i32
            "tpu.region"() ({
              %run_scoped3A_137 = tpu.sem_alloc : memref<!tpu.dma_semaphore, #tpu.memory_space<semaphore_mem>>
              %dma_start3A_138 = arith.constant 0 : i32
              %dma_start3A_139 = tpu.memref_slice %arg6[%arg1, %add3A_134, %dma_start3A_138] : memref<16x160x128xi32, #tpu.memory_space<hbm>> -> memref<1x1x128xi32, #tpu.memory_space<hbm>>
              %dma_start3A_140 = tpu.memref_squeeze %dma_start3A_139 : memref<1x1x128xi32, #tpu.memory_space<hbm>> -> memref<128xi32, #tpu.memory_space<hbm>>
              %dma_start3A_141 = arith.constant 0 : i32
              %dma_start3A_142 = tpu.memref_slice %arg6[%arg1, %add3A_134, %dma_start3A_141] : memref<16x160x128xi32, #tpu.memory_space<hbm>> -> memref<1x1x128xi32, #tpu.memory_space<hbm>>
              %dma_start3A_143 = tpu.memref_squeeze %dma_start3A_142 : memref<1x1x128xi32, #tpu.memory_space<hbm>> -> memref<128xi32, #tpu.memory_space<hbm>>
              tpu.enqueue_dma source(%dma_start3A_143 : memref<128xi32, #tpu.memory_space<hbm>>) target(%arg11 : memref<128xi32, #tpu.memory_space<vmem>>) target_semaphore(%run_scoped3A_137 : memref<!tpu.dma_semaphore, #tpu.memory_space<semaphore_mem>>)
              %dma_wait3A_144 = arith.constant 0 : i32
              %dma_wait3A_145 = tpu.memref_slice %arg6[%arg1, %add3A_134, %dma_wait3A_144] : memref<16x160x128xi32, #tpu.memory_space<hbm>> -> memref<1x1x128xi32, #tpu.memory_space<hbm>>
              %dma_wait3A_146 = tpu.memref_squeeze %dma_wait3A_145 : memref<1x1x128xi32, #tpu.memory_space<hbm>> -> memref<128xi32, #tpu.memory_space<hbm>>
              %dma_wait3A_147 = arith.constant 0 : i32
              %dma_wait3A_148 = tpu.memref_slice %arg6[%arg1, %add3A_134, %dma_wait3A_147] : memref<16x160x128xi32, #tpu.memory_space<hbm>> -> memref<1x1x128xi32, #tpu.memory_space<hbm>>
              %dma_wait3A_149 = tpu.memref_squeeze %dma_wait3A_148 : memref<1x1x128xi32, #tpu.memory_space<hbm>> -> memref<128xi32, #tpu.memory_space<hbm>>
              tpu.wait_dma2 semaphore(%run_scoped3A_137 : memref<!tpu.dma_semaphore, #tpu.memory_space<semaphore_mem>>) src(%dma_wait3A_149 : memref<128xi32, #tpu.memory_space<hbm>>) dst(%arg11 : memref<128xi32, #tpu.memory_space<vmem>>)
              tpu.yield
            }) : () -> ()
            %add3A_135 = arith.constant 2 : i32
            %add3A_136 = arith.addi %add3A_46, %add3A_135 : i32
            "tpu.region"() ({
              %run_scoped3A_137 = tpu.sem_alloc : memref<!tpu.dma_semaphore, #tpu.memory_space<semaphore_mem>>
              %dma_start3A_138 = arith.constant 0 : i32
              %dma_start3A_139 = tpu.memref_slice %arg7[%arg1, %add3A_136, %dma_start3A_138] : memref<16x160x128xi32, #tpu.memory_space<hbm>> -> memref<1x1x128xi32, #tpu.memory_space<hbm>>
              %dma_start3A_140 = tpu.memref_squeeze %dma_start3A_139 : memref<1x1x128xi32, #tpu.memory_space<hbm>> -> memref<128xi32, #tpu.memory_space<hbm>>
              %dma_start3A_141 = arith.constant 0 : i32
              %dma_start3A_142 = tpu.memref_slice %arg7[%arg1, %add3A_136, %dma_start3A_141] : memref<16x160x128xi32, #tpu.memory_space<hbm>> -> memref<1x1x128xi32, #tpu.memory_space<hbm>>
              %dma_start3A_143 = tpu.memref_squeeze %dma_start3A_142 : memref<1x1x128xi32, #tpu.memory_space<hbm>> -> memref<128xi32, #tpu.memory_space<hbm>>
              tpu.enqueue_dma source(%dma_start3A_143 : memref<128xi32, #tpu.memory_space<hbm>>) target(%arg15 : memref<128xi32, #tpu.memory_space<vmem>>) target_semaphore(%run_scoped3A_137 : memref<!tpu.dma_semaphore, #tpu.memory_space<semaphore_mem>>)
              %dma_wait3A_144 = arith.constant 0 : i32
              %dma_wait3A_145 = tpu.memref_slice %arg7[%arg1, %add3A_136, %dma_wait3A_144] : memref<16x160x128xi32, #tpu.memory_space<hbm>> -> memref<1x1x128xi32, #tpu.memory_space<hbm>>
              %dma_wait3A_146 = tpu.memref_squeeze %dma_wait3A_145 : memref<1x1x128xi32, #tpu.memory_space<hbm>> -> memref<128xi32, #tpu.memory_space<hbm>>
              %dma_wait3A_147 = arith.constant 0 : i32
              %dma_wait3A_148 = tpu.memref_slice %arg7[%arg1, %add3A_136, %dma_wait3A_147] : memref<16x160x128xi32, #tpu.memory_space<hbm>> -> memref<1x1x128xi32, #tpu.memory_space<hbm>>
              %dma_wait3A_149 = tpu.memref_squeeze %dma_wait3A_148 : memref<1x1x128xi32, #tpu.memory_space<hbm>> -> memref<128xi32, #tpu.memory_space<hbm>>
              tpu.wait_dma2 semaphore(%run_scoped3A_137 : memref<!tpu.dma_semaphore, #tpu.memory_space<semaphore_mem>>) src(%dma_wait3A_149 : memref<128xi32, #tpu.memory_space<hbm>>) dst(%arg15 : memref<128xi32, #tpu.memory_space<vmem>>)
              tpu.yield
            }) : () -> ()
          } else {
          }
          %dma_wait3A_127 = arith.constant 0 : i32
          %dma_wait3A_128 = arith.constant 0 : i32
          %dma_wait3A_129 = tpu.memref_slice %arg19[%dma_wait3A_127, %dma_wait3A_128] : memref<10112x128xf32, #tpu.memory_space<vmem_shared>> -> memref<10112x128xf32, #tpu.memory_space<vmem_shared>>
          tpu.wait_indirect_dma semaphore(%arg22 : memref<!tpu.dma_semaphore, #tpu.memory_space<semaphore_mem>>) src(%arg17 : memref<128x128xf32, #tpu.memory_space<vmem>>) dst(%dma_wait3A_129 : memref<10112x128xf32, #tpu.memory_space<vmem_shared>>)
          %dma_wait3A_130 = arith.constant 0 : i32
          %dma_wait3A_131 = arith.constant 0 : i32
          %dma_wait3A_132 = tpu.memref_slice %arg3[%dma_wait3A_130, %dma_wait3A_131] : memref<10112x128xf32, #tpu.memory_space<hbm>> -> memref<10112x128xf32, #tpu.memory_space<hbm>>
          tpu.wait_indirect_dma semaphore(%arg21 : memref<!tpu.dma_semaphore, #tpu.memory_space<semaphore_mem>>) src(%dma_wait3A_132 : memref<10112x128xf32, #tpu.memory_space<hbm>>) dst(%arg18 : memref<128x128xf32, #tpu.memory_space<vmem>>)
        } else {
        }
        %add3A_53 = arith.constant 1 : i32
        %add3A_54 = arith.addi %add3A_46, %add3A_53 : i32
        %ge3A = arith.constant 160 : i32
        %ge3A_55 = arith.cmpi sge, %add3A_54, %ge3A : i32
        %convert_element_type3A_56 = arith.extui %ge3A_55 : i1 to i32
        %cond3A_57 = arith.constant 0 : i32
        %cond3A_58 = arith.cmpi ne, %convert_element_type3A_56, %cond3A_57 : i32
        scf.if %cond3A_58 {
          "tpu.region"() ({
            %run_scoped3A_114 = tpu.sem_alloc : memref<!tpu.dma_semaphore, #tpu.memory_space<semaphore_mem>>
            %dma_start3A_115 = arith.constant 0 : i32
            %dma_start3A_116 = arith.constant 0 : i32
            %dma_start3A_117 = tpu.memref_slice %arg19[%dma_start3A_115, %dma_start3A_116] : memref<10112x128xf32, #tpu.memory_space<vmem_shared>> -> memref<10112x128xf32, #tpu.memory_space<vmem_shared>>
            tpu.enqueue_indirect_dma source(%arg17 : memref<128x128xf32, #tpu.memory_space<vmem>>) target(%dma_start3A_117 : memref<10112x128xf32, #tpu.memory_space<vmem_shared>>) offsets(%arg13 : memref<128xi32, #tpu.memory_space<vmem>>) semaphore(%run_scoped3A_114 : memref<!tpu.dma_semaphore, #tpu.memory_space<semaphore_mem>>) {add = true}
            %dma_wait3A_118 = arith.constant 0 : i32
            %dma_wait3A_119 = arith.constant 0 : i32
            %dma_wait3A_120 = tpu.memref_slice %arg19[%dma_wait3A_118, %dma_wait3A_119] : memref<10112x128xf32, #tpu.memory_space<vmem_shared>> -> memref<10112x128xf32, #tpu.memory_space<vmem_shared>>
            tpu.wait_indirect_dma semaphore(%run_scoped3A_114 : memref<!tpu.dma_semaphore, #tpu.memory_space<semaphore_mem>>) src(%arg17 : memref<128x128xf32, #tpu.memory_space<vmem>>) dst(%dma_wait3A_120 : memref<10112x128xf32, #tpu.memory_space<vmem_shared>>)
            tpu.yield
          }) : () -> ()
        } else {
        }
        %mul3A_59 = arith.constant 4 : i32
        %mul3A_60 = arith.muli %mul3A_59, %scan3A_41 : i32
        %add3A_61 = arith.constant 1 : i32
        %add3A_62 = arith.addi %mul3A_60, %add3A_61 : i32
        %add3A_63 = arith.constant 1 : i32
        %add3A_64 = arith.addi %add3A_62, %add3A_63 : i32
        %lt3A_65 = arith.constant 160 : i32
        %lt3A_66 = arith.cmpi slt, %add3A_64, %lt3A_65 : i32
        %convert_element_type3A_67 = arith.extui %lt3A_66 : i1 to i32
        %cond3A_68 = arith.constant 0 : i32
        %cond3A_69 = arith.cmpi ne, %convert_element_type3A_67, %cond3A_68 : i32
        scf.if %cond3A_69 {
          %dma_start3A_114 = arith.constant 0 : i32
          %dma_start3A_115 = arith.constant 0 : i32
          %dma_start3A_116 = tpu.memref_slice %arg3[%dma_start3A_114, %dma_start3A_115] : memref<10112x128xf32, #tpu.memory_space<hbm>> -> memref<10112x128xf32, #tpu.memory_space<hbm>>
          tpu.enqueue_indirect_dma source(%dma_start3A_116 : memref<10112x128xf32, #tpu.memory_space<hbm>>) target(%arg17 : memref<128x128xf32, #tpu.memory_space<vmem>>) offsets(%arg11 : memref<128xi32, #tpu.memory_space<vmem>>) semaphore(%arg20 : memref<!tpu.dma_semaphore, #tpu.memory_space<semaphore_mem>>)
          %dma_start3A_117 = arith.constant 0 : i32
          %dma_start3A_118 = arith.constant 0 : i32
          %dma_start3A_119 = tpu.memref_slice %arg19[%dma_start3A_117, %dma_start3A_118] : memref<10112x128xf32, #tpu.memory_space<vmem_shared>> -> memref<10112x128xf32, #tpu.memory_space<vmem_shared>>
          tpu.enqueue_indirect_dma source(%arg18 : memref<128x128xf32, #tpu.memory_space<vmem>>) target(%dma_start3A_119 : memref<10112x128xf32, #tpu.memory_space<vmem_shared>>) offsets(%arg14 : memref<128xi32, #tpu.memory_space<vmem>>) semaphore(%arg22 : memref<!tpu.dma_semaphore, #tpu.memory_space<semaphore_mem>>) {add = true}
          %add3A_120 = arith.constant 2 : i32
          %add3A_121 = arith.addi %add3A_62, %add3A_120 : i32
          %lt3A_122 = arith.constant 160 : i32
          %lt3A_123 = arith.cmpi slt, %add3A_121, %lt3A_122 : i32
          %convert_element_type3A_124 = arith.extui %lt3A_123 : i1 to i32
          %cond3A_125 = arith.constant 0 : i32
          %cond3A_126 = arith.cmpi ne, %convert_element_type3A_124, %cond3A_125 : i32
          scf.if %cond3A_126 {
            %add3A_133 = arith.constant 2 : i32
            %add3A_134 = arith.addi %add3A_62, %add3A_133 : i32
            "tpu.region"() ({
              %run_scoped3A_137 = tpu.sem_alloc : memref<!tpu.dma_semaphore, #tpu.memory_space<semaphore_mem>>
              %dma_start3A_138 = arith.constant 0 : i32
              %dma_start3A_139 = tpu.memref_slice %arg6[%arg1, %add3A_134, %dma_start3A_138] : memref<16x160x128xi32, #tpu.memory_space<hbm>> -> memref<1x1x128xi32, #tpu.memory_space<hbm>>
              %dma_start3A_140 = tpu.memref_squeeze %dma_start3A_139 : memref<1x1x128xi32, #tpu.memory_space<hbm>> -> memref<128xi32, #tpu.memory_space<hbm>>
              %dma_start3A_141 = arith.constant 0 : i32
              %dma_start3A_142 = tpu.memref_slice %arg6[%arg1, %add3A_134, %dma_start3A_141] : memref<16x160x128xi32, #tpu.memory_space<hbm>> -> memref<1x1x128xi32, #tpu.memory_space<hbm>>
              %dma_start3A_143 = tpu.memref_squeeze %dma_start3A_142 : memref<1x1x128xi32, #tpu.memory_space<hbm>> -> memref<128xi32, #tpu.memory_space<hbm>>
              tpu.enqueue_dma source(%dma_start3A_143 : memref<128xi32, #tpu.memory_space<hbm>>) target(%arg12 : memref<128xi32, #tpu.memory_space<vmem>>) target_semaphore(%run_scoped3A_137 : memref<!tpu.dma_semaphore, #tpu.memory_space<semaphore_mem>>)
              %dma_wait3A_144 = arith.constant 0 : i32
              %dma_wait3A_145 = tpu.memref_slice %arg6[%arg1, %add3A_134, %dma_wait3A_144] : memref<16x160x128xi32, #tpu.memory_space<hbm>> -> memref<1x1x128xi32, #tpu.memory_space<hbm>>
              %dma_wait3A_146 = tpu.memref_squeeze %dma_wait3A_145 : memref<1x1x128xi32, #tpu.memory_space<hbm>> -> memref<128xi32, #tpu.memory_space<hbm>>
              %dma_wait3A_147 = arith.constant 0 : i32
              %dma_wait3A_148 = tpu.memref_slice %arg6[%arg1, %add3A_134, %dma_wait3A_147] : memref<16x160x128xi32, #tpu.memory_space<hbm>> -> memref<1x1x128xi32, #tpu.memory_space<hbm>>
              %dma_wait3A_149 = tpu.memref_squeeze %dma_wait3A_148 : memref<1x1x128xi32, #tpu.memory_space<hbm>> -> memref<128xi32, #tpu.memory_space<hbm>>
              tpu.wait_dma2 semaphore(%run_scoped3A_137 : memref<!tpu.dma_semaphore, #tpu.memory_space<semaphore_mem>>) src(%dma_wait3A_149 : memref<128xi32, #tpu.memory_space<hbm>>) dst(%arg12 : memref<128xi32, #tpu.memory_space<vmem>>)
              tpu.yield
            }) : () -> ()
            %add3A_135 = arith.constant 2 : i32
            %add3A_136 = arith.addi %add3A_62, %add3A_135 : i32
            "tpu.region"() ({
              %run_scoped3A_137 = tpu.sem_alloc : memref<!tpu.dma_semaphore, #tpu.memory_space<semaphore_mem>>
              %dma_start3A_138 = arith.constant 0 : i32
              %dma_start3A_139 = tpu.memref_slice %arg7[%arg1, %add3A_136, %dma_start3A_138] : memref<16x160x128xi32, #tpu.memory_space<hbm>> -> memref<1x1x128xi32, #tpu.memory_space<hbm>>
              %dma_start3A_140 = tpu.memref_squeeze %dma_start3A_139 : memref<1x1x128xi32, #tpu.memory_space<hbm>> -> memref<128xi32, #tpu.memory_space<hbm>>
              %dma_start3A_141 = arith.constant 0 : i32
              %dma_start3A_142 = tpu.memref_slice %arg7[%arg1, %add3A_136, %dma_start3A_141] : memref<16x160x128xi32, #tpu.memory_space<hbm>> -> memref<1x1x128xi32, #tpu.memory_space<hbm>>
              %dma_start3A_143 = tpu.memref_squeeze %dma_start3A_142 : memref<1x1x128xi32, #tpu.memory_space<hbm>> -> memref<128xi32, #tpu.memory_space<hbm>>
              tpu.enqueue_dma source(%dma_start3A_143 : memref<128xi32, #tpu.memory_space<hbm>>) target(%arg16 : memref<128xi32, #tpu.memory_space<vmem>>) target_semaphore(%run_scoped3A_137 : memref<!tpu.dma_semaphore, #tpu.memory_space<semaphore_mem>>)
              %dma_wait3A_144 = arith.constant 0 : i32
              %dma_wait3A_145 = tpu.memref_slice %arg7[%arg1, %add3A_136, %dma_wait3A_144] : memref<16x160x128xi32, #tpu.memory_space<hbm>> -> memref<1x1x128xi32, #tpu.memory_space<hbm>>
              %dma_wait3A_146 = tpu.memref_squeeze %dma_wait3A_145 : memref<1x1x128xi32, #tpu.memory_space<hbm>> -> memref<128xi32, #tpu.memory_space<hbm>>
              %dma_wait3A_147 = arith.constant 0 : i32
              %dma_wait3A_148 = tpu.memref_slice %arg7[%arg1, %add3A_136, %dma_wait3A_147] : memref<16x160x128xi32, #tpu.memory_space<hbm>> -> memref<1x1x128xi32, #tpu.memory_space<hbm>>
              %dma_wait3A_149 = tpu.memref_squeeze %dma_wait3A_148 : memref<1x1x128xi32, #tpu.memory_space<hbm>> -> memref<128xi32, #tpu.memory_space<hbm>>
              tpu.wait_dma2 semaphore(%run_scoped3A_137 : memref<!tpu.dma_semaphore, #tpu.memory_space<semaphore_mem>>) src(%dma_wait3A_149 : memref<128xi32, #tpu.memory_space<hbm>>) dst(%arg16 : memref<128xi32, #tpu.memory_space<vmem>>)
              tpu.yield
            }) : () -> ()
          } else {
          }
          %dma_wait3A_127 = arith.constant 0 : i32
          %dma_wait3A_128 = arith.constant 0 : i32
          %dma_wait3A_129 = tpu.memref_slice %arg19[%dma_wait3A_127, %dma_wait3A_128] : memref<10112x128xf32, #tpu.memory_space<vmem_shared>> -> memref<10112x128xf32, #tpu.memory_space<vmem_shared>>
          tpu.wait_indirect_dma semaphore(%arg22 : memref<!tpu.dma_semaphore, #tpu.memory_space<semaphore_mem>>) src(%arg18 : memref<128x128xf32, #tpu.memory_space<vmem>>) dst(%dma_wait3A_129 : memref<10112x128xf32, #tpu.memory_space<vmem_shared>>)
          %dma_wait3A_130 = arith.constant 0 : i32
          %dma_wait3A_131 = arith.constant 0 : i32
          %dma_wait3A_132 = tpu.memref_slice %arg3[%dma_wait3A_130, %dma_wait3A_131] : memref<10112x128xf32, #tpu.memory_space<hbm>> -> memref<10112x128xf32, #tpu.memory_space<hbm>>
          tpu.wait_indirect_dma semaphore(%arg20 : memref<!tpu.dma_semaphore, #tpu.memory_space<semaphore_mem>>) src(%dma_wait3A_132 : memref<10112x128xf32, #tpu.memory_space<hbm>>) dst(%arg17 : memref<128x128xf32, #tpu.memory_space<vmem>>)
        } else {
        }
        %add3A_70 = arith.constant 1 : i32
        %add3A_71 = arith.addi %add3A_62, %add3A_70 : i32
        %ge3A_72 = arith.constant 160 : i32
        %ge3A_73 = arith.cmpi sge, %add3A_71, %ge3A_72 : i32
        %convert_element_type3A_74 = arith.extui %ge3A_73 : i1 to i32
        %cond3A_75 = arith.constant 0 : i32
        %cond3A_76 = arith.cmpi ne, %convert_element_type3A_74, %cond3A_75 : i32
        scf.if %cond3A_76 {
          "tpu.region"() ({
            %run_scoped3A_114 = tpu.sem_alloc : memref<!tpu.dma_semaphore, #tpu.memory_space<semaphore_mem>>
            %dma_start3A_115 = arith.constant 0 : i32
            %dma_start3A_116 = arith.constant 0 : i32
            %dma_start3A_117 = tpu.memref_slice %arg19[%dma_start3A_115, %dma_start3A_116] : memref<10112x128xf32, #tpu.memory_space<vmem_shared>> -> memref<10112x128xf32, #tpu.memory_space<vmem_shared>>
            tpu.enqueue_indirect_dma source(%arg18 : memref<128x128xf32, #tpu.memory_space<vmem>>) target(%dma_start3A_117 : memref<10112x128xf32, #tpu.memory_space<vmem_shared>>) offsets(%arg14 : memref<128xi32, #tpu.memory_space<vmem>>) semaphore(%run_scoped3A_114 : memref<!tpu.dma_semaphore, #tpu.memory_space<semaphore_mem>>) {add = true}
            %dma_wait3A_118 = arith.constant 0 : i32
            %dma_wait3A_119 = arith.constant 0 : i32
            %dma_wait3A_120 = tpu.memref_slice %arg19[%dma_wait3A_118, %dma_wait3A_119] : memref<10112x128xf32, #tpu.memory_space<vmem_shared>> -> memref<10112x128xf32, #tpu.memory_space<vmem_shared>>
            tpu.wait_indirect_dma semaphore(%run_scoped3A_114 : memref<!tpu.dma_semaphore, #tpu.memory_space<semaphore_mem>>) src(%arg18 : memref<128x128xf32, #tpu.memory_space<vmem>>) dst(%dma_wait3A_120 : memref<10112x128xf32, #tpu.memory_space<vmem_shared>>)
            tpu.yield
          }) : () -> ()
        } else {
        }
        %mul3A_77 = arith.constant 4 : i32
        %mul3A_78 = arith.muli %mul3A_77, %scan3A_41 : i32
        %add3A_79 = arith.constant 2 : i32
        %add3A_80 = arith.addi %mul3A_78, %add3A_79 : i32
        %add3A_81 = arith.constant 1 : i32
        %add3A_82 = arith.addi %add3A_80, %add3A_81 : i32
        %lt3A_83 = arith.constant 160 : i32
        %lt3A_84 = arith.cmpi slt, %add3A_82, %lt3A_83 : i32
        %convert_element_type3A_85 = arith.extui %lt3A_84 : i1 to i32
        %cond3A_86 = arith.constant 0 : i32
        %cond3A_87 = arith.cmpi ne, %convert_element_type3A_85, %cond3A_86 : i32
        scf.if %cond3A_87 {
          %dma_start3A_114 = arith.constant 0 : i32
          %dma_start3A_115 = arith.constant 0 : i32
          %dma_start3A_116 = tpu.memref_slice %arg3[%dma_start3A_114, %dma_start3A_115] : memref<10112x128xf32, #tpu.memory_space<hbm>> -> memref<10112x128xf32, #tpu.memory_space<hbm>>
          tpu.enqueue_indirect_dma source(%dma_start3A_116 : memref<10112x128xf32, #tpu.memory_space<hbm>>) target(%arg18 : memref<128x128xf32, #tpu.memory_space<vmem>>) offsets(%arg12 : memref<128xi32, #tpu.memory_space<vmem>>) semaphore(%arg21 : memref<!tpu.dma_semaphore, #tpu.memory_space<semaphore_mem>>)
          %dma_start3A_117 = arith.constant 0 : i32
          %dma_start3A_118 = arith.constant 0 : i32
          %dma_start3A_119 = tpu.memref_slice %arg19[%dma_start3A_117, %dma_start3A_118] : memref<10112x128xf32, #tpu.memory_space<vmem_shared>> -> memref<10112x128xf32, #tpu.memory_space<vmem_shared>>
          tpu.enqueue_indirect_dma source(%arg17 : memref<128x128xf32, #tpu.memory_space<vmem>>) target(%dma_start3A_119 : memref<10112x128xf32, #tpu.memory_space<vmem_shared>>) offsets(%arg15 : memref<128xi32, #tpu.memory_space<vmem>>) semaphore(%arg22 : memref<!tpu.dma_semaphore, #tpu.memory_space<semaphore_mem>>) {add = true}
          %add3A_120 = arith.constant 2 : i32
          %add3A_121 = arith.addi %add3A_80, %add3A_120 : i32
          %lt3A_122 = arith.constant 160 : i32
          %lt3A_123 = arith.cmpi slt, %add3A_121, %lt3A_122 : i32
          %convert_element_type3A_124 = arith.extui %lt3A_123 : i1 to i32
          %cond3A_125 = arith.constant 0 : i32
          %cond3A_126 = arith.cmpi ne, %convert_element_type3A_124, %cond3A_125 : i32
          scf.if %cond3A_126 {
            %add3A_133 = arith.constant 2 : i32
            %add3A_134 = arith.addi %add3A_80, %add3A_133 : i32
            "tpu.region"() ({
              %run_scoped3A_137 = tpu.sem_alloc : memref<!tpu.dma_semaphore, #tpu.memory_space<semaphore_mem>>
              %dma_start3A_138 = arith.constant 0 : i32
              %dma_start3A_139 = tpu.memref_slice %arg6[%arg1, %add3A_134, %dma_start3A_138] : memref<16x160x128xi32, #tpu.memory_space<hbm>> -> memref<1x1x128xi32, #tpu.memory_space<hbm>>
              %dma_start3A_140 = tpu.memref_squeeze %dma_start3A_139 : memref<1x1x128xi32, #tpu.memory_space<hbm>> -> memref<128xi32, #tpu.memory_space<hbm>>
              %dma_start3A_141 = arith.constant 0 : i32
              %dma_start3A_142 = tpu.memref_slice %arg6[%arg1, %add3A_134, %dma_start3A_141] : memref<16x160x128xi32, #tpu.memory_space<hbm>> -> memref<1x1x128xi32, #tpu.memory_space<hbm>>
              %dma_start3A_143 = tpu.memref_squeeze %dma_start3A_142 : memref<1x1x128xi32, #tpu.memory_space<hbm>> -> memref<128xi32, #tpu.memory_space<hbm>>
              tpu.enqueue_dma source(%dma_start3A_143 : memref<128xi32, #tpu.memory_space<hbm>>) target(%arg11 : memref<128xi32, #tpu.memory_space<vmem>>) target_semaphore(%run_scoped3A_137 : memref<!tpu.dma_semaphore, #tpu.memory_space<semaphore_mem>>)
              %dma_wait3A_144 = arith.constant 0 : i32
              %dma_wait3A_145 = tpu.memref_slice %arg6[%arg1, %add3A_134, %dma_wait3A_144] : memref<16x160x128xi32, #tpu.memory_space<hbm>> -> memref<1x1x128xi32, #tpu.memory_space<hbm>>
              %dma_wait3A_146 = tpu.memref_squeeze %dma_wait3A_145 : memref<1x1x128xi32, #tpu.memory_space<hbm>> -> memref<128xi32, #tpu.memory_space<hbm>>
              %dma_wait3A_147 = arith.constant 0 : i32
              %dma_wait3A_148 = tpu.memref_slice %arg6[%arg1, %add3A_134, %dma_wait3A_147] : memref<16x160x128xi32, #tpu.memory_space<hbm>> -> memref<1x1x128xi32, #tpu.memory_space<hbm>>
              %dma_wait3A_149 = tpu.memref_squeeze %dma_wait3A_148 : memref<1x1x128xi32, #tpu.memory_space<hbm>> -> memref<128xi32, #tpu.memory_space<hbm>>
              tpu.wait_dma2 semaphore(%run_scoped3A_137 : memref<!tpu.dma_semaphore, #tpu.memory_space<semaphore_mem>>) src(%dma_wait3A_149 : memref<128xi32, #tpu.memory_space<hbm>>) dst(%arg11 : memref<128xi32, #tpu.memory_space<vmem>>)
              tpu.yield
            }) : () -> ()
            %add3A_135 = arith.constant 2 : i32
            %add3A_136 = arith.addi %add3A_80, %add3A_135 : i32
            "tpu.region"() ({
              %run_scoped3A_137 = tpu.sem_alloc : memref<!tpu.dma_semaphore, #tpu.memory_space<semaphore_mem>>
              %dma_start3A_138 = arith.constant 0 : i32
              %dma_start3A_139 = tpu.memref_slice %arg7[%arg1, %add3A_136, %dma_start3A_138] : memref<16x160x128xi32, #tpu.memory_space<hbm>> -> memref<1x1x128xi32, #tpu.memory_space<hbm>>
              %dma_start3A_140 = tpu.memref_squeeze %dma_start3A_139 : memref<1x1x128xi32, #tpu.memory_space<hbm>> -> memref<128xi32, #tpu.memory_space<hbm>>
              %dma_start3A_141 = arith.constant 0 : i32
              %dma_start3A_142 = tpu.memref_slice %arg7[%arg1, %add3A_136, %dma_start3A_141] : memref<16x160x128xi32, #tpu.memory_space<hbm>> -> memref<1x1x128xi32, #tpu.memory_space<hbm>>
              %dma_start3A_143 = tpu.memref_squeeze %dma_start3A_142 : memref<1x1x128xi32, #tpu.memory_space<hbm>> -> memref<128xi32, #tpu.memory_space<hbm>>
              tpu.enqueue_dma source(%dma_start3A_143 : memref<128xi32, #tpu.memory_space<hbm>>) target(%arg13 : memref<128xi32, #tpu.memory_space<vmem>>) target_semaphore(%run_scoped3A_137 : memref<!tpu.dma_semaphore, #tpu.memory_space<semaphore_mem>>)
              %dma_wait3A_144 = arith.constant 0 : i32
              %dma_wait3A_145 = tpu.memref_slice %arg7[%arg1, %add3A_136, %dma_wait3A_144] : memref<16x160x128xi32, #tpu.memory_space<hbm>> -> memref<1x1x128xi32, #tpu.memory_space<hbm>>
              %dma_wait3A_146 = tpu.memref_squeeze %dma_wait3A_145 : memref<1x1x128xi32, #tpu.memory_space<hbm>> -> memref<128xi32, #tpu.memory_space<hbm>>
              %dma_wait3A_147 = arith.constant 0 : i32
              %dma_wait3A_148 = tpu.memref_slice %arg7[%arg1, %add3A_136, %dma_wait3A_147] : memref<16x160x128xi32, #tpu.memory_space<hbm>> -> memref<1x1x128xi32, #tpu.memory_space<hbm>>
              %dma_wait3A_149 = tpu.memref_squeeze %dma_wait3A_148 : memref<1x1x128xi32, #tpu.memory_space<hbm>> -> memref<128xi32, #tpu.memory_space<hbm>>
              tpu.wait_dma2 semaphore(%run_scoped3A_137 : memref<!tpu.dma_semaphore, #tpu.memory_space<semaphore_mem>>) src(%dma_wait3A_149 : memref<128xi32, #tpu.memory_space<hbm>>) dst(%arg13 : memref<128xi32, #tpu.memory_space<vmem>>)
              tpu.yield
            }) : () -> ()
          } else {
          }
          %dma_wait3A_127 = arith.constant 0 : i32
          %dma_wait3A_128 = arith.constant 0 : i32
          %dma_wait3A_129 = tpu.memref_slice %arg19[%dma_wait3A_127, %dma_wait3A_128] : memref<10112x128xf32, #tpu.memory_space<vmem_shared>> -> memref<10112x128xf32, #tpu.memory_space<vmem_shared>>
          tpu.wait_indirect_dma semaphore(%arg22 : memref<!tpu.dma_semaphore, #tpu.memory_space<semaphore_mem>>) src(%arg17 : memref<128x128xf32, #tpu.memory_space<vmem>>) dst(%dma_wait3A_129 : memref<10112x128xf32, #tpu.memory_space<vmem_shared>>)
          %dma_wait3A_130 = arith.constant 0 : i32
          %dma_wait3A_131 = arith.constant 0 : i32
          %dma_wait3A_132 = tpu.memref_slice %arg3[%dma_wait3A_130, %dma_wait3A_131] : memref<10112x128xf32, #tpu.memory_space<hbm>> -> memref<10112x128xf32, #tpu.memory_space<hbm>>
          tpu.wait_indirect_dma semaphore(%arg21 : memref<!tpu.dma_semaphore, #tpu.memory_space<semaphore_mem>>) src(%dma_wait3A_132 : memref<10112x128xf32, #tpu.memory_space<hbm>>) dst(%arg18 : memref<128x128xf32, #tpu.memory_space<vmem>>)
        } else {
        }
        %add3A_88 = arith.constant 1 : i32
        %add3A_89 = arith.addi %add3A_80, %add3A_88 : i32
        %ge3A_90 = arith.constant 160 : i32
        %ge3A_91 = arith.cmpi sge, %add3A_89, %ge3A_90 : i32
        %convert_element_type3A_92 = arith.extui %ge3A_91 : i1 to i32
        %cond3A_93 = arith.constant 0 : i32
        %cond3A_94 = arith.cmpi ne, %convert_element_type3A_92, %cond3A_93 : i32
        scf.if %cond3A_94 {
          "tpu.region"() ({
            %run_scoped3A_114 = tpu.sem_alloc : memref<!tpu.dma_semaphore, #tpu.memory_space<semaphore_mem>>
            %dma_start3A_115 = arith.constant 0 : i32
            %dma_start3A_116 = arith.constant 0 : i32
            %dma_start3A_117 = tpu.memref_slice %arg19[%dma_start3A_115, %dma_start3A_116] : memref<10112x128xf32, #tpu.memory_space<vmem_shared>> -> memref<10112x128xf32, #tpu.memory_space<vmem_shared>>
            tpu.enqueue_indirect_dma source(%arg17 : memref<128x128xf32, #tpu.memory_space<vmem>>) target(%dma_start3A_117 : memref<10112x128xf32, #tpu.memory_space<vmem_shared>>) offsets(%arg15 : memref<128xi32, #tpu.memory_space<vmem>>) semaphore(%run_scoped3A_114 : memref<!tpu.dma_semaphore, #tpu.memory_space<semaphore_mem>>) {add = true}
            %dma_wait3A_118 = arith.constant 0 : i32
            %dma_wait3A_119 = arith.constant 0 : i32
            %dma_wait3A_120 = tpu.memref_slice %arg19[%dma_wait3A_118, %dma_wait3A_119] : memref<10112x128xf32, #tpu.memory_space<vmem_shared>> -> memref<10112x128xf32, #tpu.memory_space<vmem_shared>>
            tpu.wait_indirect_dma semaphore(%run_scoped3A_114 : memref<!tpu.dma_semaphore, #tpu.memory_space<semaphore_mem>>) src(%arg17 : memref<128x128xf32, #tpu.memory_space<vmem>>) dst(%dma_wait3A_120 : memref<10112x128xf32, #tpu.memory_space<vmem_shared>>)
            tpu.yield
          }) : () -> ()
        } else {
        }
        %mul3A_95 = arith.constant 4 : i32
        %mul3A_96 = arith.muli %mul3A_95, %scan3A_41 : i32
        %add3A_97 = arith.constant 3 : i32
        %add3A_98 = arith.addi %mul3A_96, %add3A_97 : i32
        %add3A_99 = arith.constant 1 : i32
        %add3A_100 = arith.addi %add3A_98, %add3A_99 : i32
        %lt3A_101 = arith.constant 160 : i32
        %lt3A_102 = arith.cmpi slt, %add3A_100, %lt3A_101 : i32
        %convert_element_type3A_103 = arith.extui %lt3A_102 : i1 to i32
        %cond3A_104 = arith.constant 0 : i32
        %cond3A_105 = arith.cmpi ne, %convert_element_type3A_103, %cond3A_104 : i32
        scf.if %cond3A_105 {
          %dma_start3A_114 = arith.constant 0 : i32
          %dma_start3A_115 = arith.constant 0 : i32
          %dma_start3A_116 = tpu.memref_slice %arg3[%dma_start3A_114, %dma_start3A_115] : memref<10112x128xf32, #tpu.memory_space<hbm>> -> memref<10112x128xf32, #tpu.memory_space<hbm>>
          tpu.enqueue_indirect_dma source(%dma_start3A_116 : memref<10112x128xf32, #tpu.memory_space<hbm>>) target(%arg17 : memref<128x128xf32, #tpu.memory_space<vmem>>) offsets(%arg11 : memref<128xi32, #tpu.memory_space<vmem>>) semaphore(%arg20 : memref<!tpu.dma_semaphore, #tpu.memory_space<semaphore_mem>>)
          %dma_start3A_117 = arith.constant 0 : i32
          %dma_start3A_118 = arith.constant 0 : i32
          %dma_start3A_119 = tpu.memref_slice %arg19[%dma_start3A_117, %dma_start3A_118] : memref<10112x128xf32, #tpu.memory_space<vmem_shared>> -> memref<10112x128xf32, #tpu.memory_space<vmem_shared>>
          tpu.enqueue_indirect_dma source(%arg18 : memref<128x128xf32, #tpu.memory_space<vmem>>) target(%dma_start3A_119 : memref<10112x128xf32, #tpu.memory_space<vmem_shared>>) offsets(%arg16 : memref<128xi32, #tpu.memory_space<vmem>>) semaphore(%arg22 : memref<!tpu.dma_semaphore, #tpu.memory_space<semaphore_mem>>) {add = true}
          %add3A_120 = arith.constant 2 : i32
          %add3A_121 = arith.addi %add3A_98, %add3A_120 : i32
          %lt3A_122 = arith.constant 160 : i32
          %lt3A_123 = arith.cmpi slt, %add3A_121, %lt3A_122 : i32
          %convert_element_type3A_124 = arith.extui %lt3A_123 : i1 to i32
          %cond3A_125 = arith.constant 0 : i32
          %cond3A_126 = arith.cmpi ne, %convert_element_type3A_124, %cond3A_125 : i32
          scf.if %cond3A_126 {
            %add3A_133 = arith.constant 2 : i32
            %add3A_134 = arith.addi %add3A_98, %add3A_133 : i32
            "tpu.region"() ({
              %run_scoped3A_137 = tpu.sem_alloc : memref<!tpu.dma_semaphore, #tpu.memory_space<semaphore_mem>>
              %dma_start3A_138 = arith.constant 0 : i32
              %dma_start3A_139 = tpu.memref_slice %arg6[%arg1, %add3A_134, %dma_start3A_138] : memref<16x160x128xi32, #tpu.memory_space<hbm>> -> memref<1x1x128xi32, #tpu.memory_space<hbm>>
              %dma_start3A_140 = tpu.memref_squeeze %dma_start3A_139 : memref<1x1x128xi32, #tpu.memory_space<hbm>> -> memref<128xi32, #tpu.memory_space<hbm>>
              %dma_start3A_141 = arith.constant 0 : i32
              %dma_start3A_142 = tpu.memref_slice %arg6[%arg1, %add3A_134, %dma_start3A_141] : memref<16x160x128xi32, #tpu.memory_space<hbm>> -> memref<1x1x128xi32, #tpu.memory_space<hbm>>
              %dma_start3A_143 = tpu.memref_squeeze %dma_start3A_142 : memref<1x1x128xi32, #tpu.memory_space<hbm>> -> memref<128xi32, #tpu.memory_space<hbm>>
              tpu.enqueue_dma source(%dma_start3A_143 : memref<128xi32, #tpu.memory_space<hbm>>) target(%arg12 : memref<128xi32, #tpu.memory_space<vmem>>) target_semaphore(%run_scoped3A_137 : memref<!tpu.dma_semaphore, #tpu.memory_space<semaphore_mem>>)
              %dma_wait3A_144 = arith.constant 0 : i32
              %dma_wait3A_145 = tpu.memref_slice %arg6[%arg1, %add3A_134, %dma_wait3A_144] : memref<16x160x128xi32, #tpu.memory_space<hbm>> -> memref<1x1x128xi32, #tpu.memory_space<hbm>>
              %dma_wait3A_146 = tpu.memref_squeeze %dma_wait3A_145 : memref<1x1x128xi32, #tpu.memory_space<hbm>> -> memref<128xi32, #tpu.memory_space<hbm>>
              %dma_wait3A_147 = arith.constant 0 : i32
              %dma_wait3A_148 = tpu.memref_slice %arg6[%arg1, %add3A_134, %dma_wait3A_147] : memref<16x160x128xi32, #tpu.memory_space<hbm>> -> memref<1x1x128xi32, #tpu.memory_space<hbm>>
              %dma_wait3A_149 = tpu.memref_squeeze %dma_wait3A_148 : memref<1x1x128xi32, #tpu.memory_space<hbm>> -> memref<128xi32, #tpu.memory_space<hbm>>
              tpu.wait_dma2 semaphore(%run_scoped3A_137 : memref<!tpu.dma_semaphore, #tpu.memory_space<semaphore_mem>>) src(%dma_wait3A_149 : memref<128xi32, #tpu.memory_space<hbm>>) dst(%arg12 : memref<128xi32, #tpu.memory_space<vmem>>)
              tpu.yield
            }) : () -> ()
            %add3A_135 = arith.constant 2 : i32
            %add3A_136 = arith.addi %add3A_98, %add3A_135 : i32
            "tpu.region"() ({
              %run_scoped3A_137 = tpu.sem_alloc : memref<!tpu.dma_semaphore, #tpu.memory_space<semaphore_mem>>
              %dma_start3A_138 = arith.constant 0 : i32
              %dma_start3A_139 = tpu.memref_slice %arg7[%arg1, %add3A_136, %dma_start3A_138] : memref<16x160x128xi32, #tpu.memory_space<hbm>> -> memref<1x1x128xi32, #tpu.memory_space<hbm>>
              %dma_start3A_140 = tpu.memref_squeeze %dma_start3A_139 : memref<1x1x128xi32, #tpu.memory_space<hbm>> -> memref<128xi32, #tpu.memory_space<hbm>>
              %dma_start3A_141 = arith.constant 0 : i32
              %dma_start3A_142 = tpu.memref_slice %arg7[%arg1, %add3A_136, %dma_start3A_141] : memref<16x160x128xi32, #tpu.memory_space<hbm>> -> memref<1x1x128xi32, #tpu.memory_space<hbm>>
              %dma_start3A_143 = tpu.memref_squeeze %dma_start3A_142 : memref<1x1x128xi32, #tpu.memory_space<hbm>> -> memref<128xi32, #tpu.memory_space<hbm>>
              tpu.enqueue_dma source(%dma_start3A_143 : memref<128xi32, #tpu.memory_space<hbm>>) target(%arg14 : memref<128xi32, #tpu.memory_space<vmem>>) target_semaphore(%run_scoped3A_137 : memref<!tpu.dma_semaphore, #tpu.memory_space<semaphore_mem>>)
              %dma_wait3A_144 = arith.constant 0 : i32
              %dma_wait3A_145 = tpu.memref_slice %arg7[%arg1, %add3A_136, %dma_wait3A_144] : memref<16x160x128xi32, #tpu.memory_space<hbm>> -> memref<1x1x128xi32, #tpu.memory_space<hbm>>
              %dma_wait3A_146 = tpu.memref_squeeze %dma_wait3A_145 : memref<1x1x128xi32, #tpu.memory_space<hbm>> -> memref<128xi32, #tpu.memory_space<hbm>>
              %dma_wait3A_147 = arith.constant 0 : i32
              %dma_wait3A_148 = tpu.memref_slice %arg7[%arg1, %add3A_136, %dma_wait3A_147] : memref<16x160x128xi32, #tpu.memory_space<hbm>> -> memref<1x1x128xi32, #tpu.memory_space<hbm>>
              %dma_wait3A_149 = tpu.memref_squeeze %dma_wait3A_148 : memref<1x1x128xi32, #tpu.memory_space<hbm>> -> memref<128xi32, #tpu.memory_space<hbm>>
              tpu.wait_dma2 semaphore(%run_scoped3A_137 : memref<!tpu.dma_semaphore, #tpu.memory_space<semaphore_mem>>) src(%dma_wait3A_149 : memref<128xi32, #tpu.memory_space<hbm>>) dst(%arg14 : memref<128xi32, #tpu.memory_space<vmem>>)
              tpu.yield
            }) : () -> ()
          } else {
          }
          %dma_wait3A_127 = arith.constant 0 : i32
          %dma_wait3A_128 = arith.constant 0 : i32
          %dma_wait3A_129 = tpu.memref_slice %arg19[%dma_wait3A_127, %dma_wait3A_128] : memref<10112x128xf32, #tpu.memory_space<vmem_shared>> -> memref<10112x128xf32, #tpu.memory_space<vmem_shared>>
          tpu.wait_indirect_dma semaphore(%arg22 : memref<!tpu.dma_semaphore, #tpu.memory_space<semaphore_mem>>) src(%arg18 : memref<128x128xf32, #tpu.memory_space<vmem>>) dst(%dma_wait3A_129 : memref<10112x128xf32, #tpu.memory_space<vmem_shared>>)
          %dma_wait3A_130 = arith.constant 0 : i32
          %dma_wait3A_131 = arith.constant 0 : i32
          %dma_wait3A_132 = tpu.memref_slice %arg3[%dma_wait3A_130, %dma_wait3A_131] : memref<10112x128xf32, #tpu.memory_space<hbm>> -> memref<10112x128xf32, #tpu.memory_space<hbm>>
          tpu.wait_indirect_dma semaphore(%arg20 : memref<!tpu.dma_semaphore, #tpu.memory_space<semaphore_mem>>) src(%dma_wait3A_132 : memref<10112x128xf32, #tpu.memory_space<hbm>>) dst(%arg17 : memref<128x128xf32, #tpu.memory_space<vmem>>)
        } else {
        }
        %add3A_106 = arith.constant 1 : i32
        %add3A_107 = arith.addi %add3A_98, %add3A_106 : i32
        %ge3A_108 = arith.constant 160 : i32
        %ge3A_109 = arith.cmpi sge, %add3A_107, %ge3A_108 : i32
        %convert_element_type3A_110 = arith.extui %ge3A_109 : i1 to i32
        %cond3A_111 = arith.constant 0 : i32
        %cond3A_112 = arith.cmpi ne, %convert_element_type3A_110, %cond3A_111 : i32
        scf.if %cond3A_112 {
          "tpu.region"() ({
            %run_scoped3A_114 = tpu.sem_alloc : memref<!tpu.dma_semaphore, #tpu.memory_space<semaphore_mem>>
            %dma_start3A_115 = arith.constant 0 : i32
            %dma_start3A_116 = arith.constant 0 : i32
            %dma_start3A_117 = tpu.memref_slice %arg19[%dma_start3A_115, %dma_start3A_116] : memref<10112x128xf32, #tpu.memory_space<vmem_shared>> -> memref<10112x128xf32, #tpu.memory_space<vmem_shared>>
            tpu.enqueue_indirect_dma source(%arg18 : memref<128x128xf32, #tpu.memory_space<vmem>>) target(%dma_start3A_117 : memref<10112x128xf32, #tpu.memory_space<vmem_shared>>) offsets(%arg16 : memref<128xi32, #tpu.memory_space<vmem>>) semaphore(%run_scoped3A_114 : memref<!tpu.dma_semaphore, #tpu.memory_space<semaphore_mem>>) {add = true}
            %dma_wait3A_118 = arith.constant 0 : i32
            %dma_wait3A_119 = arith.constant 0 : i32
            %dma_wait3A_120 = tpu.memref_slice %arg19[%dma_wait3A_118, %dma_wait3A_119] : memref<10112x128xf32, #tpu.memory_space<vmem_shared>> -> memref<10112x128xf32, #tpu.memory_space<vmem_shared>>
            tpu.wait_indirect_dma semaphore(%run_scoped3A_114 : memref<!tpu.dma_semaphore, #tpu.memory_space<semaphore_mem>>) src(%arg18 : memref<128x128xf32, #tpu.memory_space<vmem>>) dst(%dma_wait3A_120 : memref<10112x128xf32, #tpu.memory_space<vmem_shared>>)
            tpu.yield
          }) : () -> ()
        } else {
        }
        %scan3A_113 = arith.constant 0 : i32
        scf.yield %scan3A_113 : i32
      }
      %scan3A_40 = arith.constant 40 : i32
    } else {
    }
    %barrier3A_17 = arith.constant 0 : index
    tpu.barrier barrier_id(%barrier3A_17)
    %eq3A_18 = arith.constant 0 : i32
    %eq3A_19 = arith.cmpi eq, %arg0, %eq3A_18 : i32
    %convert_element_type3A_20 = arith.extui %eq3A_19 : i1 to i32
    %cond3A_21 = arith.constant 0 : i32
    %cond3A_22 = arith.cmpi ne, %convert_element_type3A_20, %cond3A_21 : i32
    scf.if %cond3A_22 {
      %add3A_28 = arith.constant 0 : i32
      %add3A_29 = arith.addi %mul3A_0, %add3A_28 : i32
      "tpu.region"() ({
        %run_scoped3A = tpu.sem_alloc : memref<!tpu.dma_semaphore, #tpu.memory_space<semaphore_mem>>
        %dma_start3A = arith.constant 0 : i32
        %dma_start3A_46 = tpu.memref_slice %arg19[%add3A_29, %dma_start3A] : memref<10112x128xf32, #tpu.memory_space<vmem_shared>> -> memref<128x128xf32, #tpu.memory_space<vmem_shared>>
        %dma_start3A_47 = arith.constant 0 : i32
        %dma_start3A_48 = tpu.memref_slice %arg19[%add3A_29, %dma_start3A_47] : memref<10112x128xf32, #tpu.memory_space<vmem_shared>> -> memref<128x128xf32, #tpu.memory_space<vmem_shared>>
        tpu.enqueue_dma source(%dma_start3A_48 : memref<128x128xf32, #tpu.memory_space<vmem_shared>>) target(%arg17 : memref<128x128xf32, #tpu.memory_space<vmem>>) target_semaphore(%run_scoped3A : memref<!tpu.dma_semaphore, #tpu.memory_space<semaphore_mem>>)
        %dma_wait3A = arith.constant 0 : i32
        %dma_wait3A_49 = tpu.memref_slice %arg19[%add3A_29, %dma_wait3A] : memref<10112x128xf32, #tpu.memory_space<vmem_shared>> -> memref<128x128xf32, #tpu.memory_space<vmem_shared>>
        %dma_wait3A_50 = arith.constant 0 : i32
        %dma_wait3A_51 = tpu.memref_slice %arg19[%add3A_29, %dma_wait3A_50] : memref<10112x128xf32, #tpu.memory_space<vmem_shared>> -> memref<128x128xf32, #tpu.memory_space<vmem_shared>>
        tpu.wait_dma2 semaphore(%run_scoped3A : memref<!tpu.dma_semaphore, #tpu.memory_space<semaphore_mem>>) src(%dma_wait3A_51 : memref<128x128xf32, #tpu.memory_space<vmem_shared>>) dst(%arg17 : memref<128x128xf32, #tpu.memory_space<vmem>>)
        tpu.yield
      }) : () -> ()
      %add3A_30 = arith.constant 0 : i32
      %add3A_31 = arith.addi %mul3A_0, %add3A_30 : i32
      "tpu.region"() ({
        %run_scoped3A = tpu.sem_alloc : memref<!tpu.dma_semaphore, #tpu.memory_space<semaphore_mem>>
        %dma_start3A = arith.constant 0 : i32
        %dma_start3A_46 = tpu.memref_slice %arg9[%add3A_31, %dma_start3A] : memref<10112x128xf32, #tpu.memory_space<hbm>> -> memref<128x128xf32, #tpu.memory_space<hbm>>
        %dma_start3A_47 = arith.constant 0 : i32
        %dma_start3A_48 = tpu.memref_slice %arg9[%add3A_31, %dma_start3A_47] : memref<10112x128xf32, #tpu.memory_space<hbm>> -> memref<128x128xf32, #tpu.memory_space<hbm>>
        tpu.enqueue_dma source(%arg17 : memref<128x128xf32, #tpu.memory_space<vmem>>) target(%dma_start3A_48 : memref<128x128xf32, #tpu.memory_space<hbm>>) target_semaphore(%run_scoped3A : memref<!tpu.dma_semaphore, #tpu.memory_space<semaphore_mem>>)
        %dma_wait3A = arith.constant 0 : i32
        %dma_wait3A_49 = tpu.memref_slice %arg9[%add3A_31, %dma_wait3A] : memref<10112x128xf32, #tpu.memory_space<hbm>> -> memref<128x128xf32, #tpu.memory_space<hbm>>
        %dma_wait3A_50 = arith.constant 0 : i32
        %dma_wait3A_51 = tpu.memref_slice %arg9[%add3A_31, %dma_wait3A_50] : memref<10112x128xf32, #tpu.memory_space<hbm>> -> memref<128x128xf32, #tpu.memory_space<hbm>>
        tpu.wait_dma2 semaphore(%run_scoped3A : memref<!tpu.dma_semaphore, #tpu.memory_space<semaphore_mem>>) src(%arg17 : memref<128x128xf32, #tpu.memory_space<vmem>>) dst(%dma_wait3A_51 : memref<128x128xf32, #tpu.memory_space<hbm>>)
        tpu.yield
      }) : () -> ()
      %add3A_32 = arith.constant 128 : i32
      %add3A_33 = arith.addi %mul3A_0, %add3A_32 : i32
      "tpu.region"() ({
        %run_scoped3A = tpu.sem_alloc : memref<!tpu.dma_semaphore, #tpu.memory_space<semaphore_mem>>
        %dma_start3A = arith.constant 0 : i32
        %dma_start3A_46 = tpu.memref_slice %arg19[%add3A_33, %dma_start3A] : memref<10112x128xf32, #tpu.memory_space<vmem_shared>> -> memref<128x128xf32, #tpu.memory_space<vmem_shared>>
        %dma_start3A_47 = arith.constant 0 : i32
        %dma_start3A_48 = tpu.memref_slice %arg19[%add3A_33, %dma_start3A_47] : memref<10112x128xf32, #tpu.memory_space<vmem_shared>> -> memref<128x128xf32, #tpu.memory_space<vmem_shared>>
        tpu.enqueue_dma source(%dma_start3A_48 : memref<128x128xf32, #tpu.memory_space<vmem_shared>>) target(%arg17 : memref<128x128xf32, #tpu.memory_space<vmem>>) target_semaphore(%run_scoped3A : memref<!tpu.dma_semaphore, #tpu.memory_space<semaphore_mem>>)
        %dma_wait3A = arith.constant 0 : i32
        %dma_wait3A_49 = tpu.memref_slice %arg19[%add3A_33, %dma_wait3A] : memref<10112x128xf32, #tpu.memory_space<vmem_shared>> -> memref<128x128xf32, #tpu.memory_space<vmem_shared>>
        %dma_wait3A_50 = arith.constant 0 : i32
        %dma_wait3A_51 = tpu.memref_slice %arg19[%add3A_33, %dma_wait3A_50] : memref<10112x128xf32, #tpu.memory_space<vmem_shared>> -> memref<128x128xf32, #tpu.memory_space<vmem_shared>>
        tpu.wait_dma2 semaphore(%run_scoped3A : memref<!tpu.dma_semaphore, #tpu.memory_space<semaphore_mem>>) src(%dma_wait3A_51 : memref<128x128xf32, #tpu.memory_space<vmem_shared>>) dst(%arg17 : memref<128x128xf32, #tpu.memory_space<vmem>>)
        tpu.yield
      }) : () -> ()
      %add3A_34 = arith.constant 128 : i32
      %add3A_35 = arith.addi %mul3A_0, %add3A_34 : i32
      "tpu.region"() ({
        %run_scoped3A = tpu.sem_alloc : memref<!tpu.dma_semaphore, #tpu.memory_space<semaphore_mem>>
        %dma_start3A = arith.constant 0 : i32
        %dma_start3A_46 = tpu.memref_slice %arg9[%add3A_35, %dma_start3A] : memref<10112x128xf32, #tpu.memory_space<hbm>> -> memref<128x128xf32, #tpu.memory_space<hbm>>
        %dma_start3A_47 = arith.constant 0 : i32
        %dma_start3A_48 = tpu.memref_slice %arg9[%add3A_35, %dma_start3A_47] : memref<10112x128xf32, #tpu.memory_space<hbm>> -> memref<128x128xf32, #tpu.memory_space<hbm>>
        tpu.enqueue_dma source(%arg17 : memref<128x128xf32, #tpu.memory_space<vmem>>) target(%dma_start3A_48 : memref<128x128xf32, #tpu.memory_space<hbm>>) target_semaphore(%run_scoped3A : memref<!tpu.dma_semaphore, #tpu.memory_space<semaphore_mem>>)
        %dma_wait3A = arith.constant 0 : i32
        %dma_wait3A_49 = tpu.memref_slice %arg9[%add3A_35, %dma_wait3A] : memref<10112x128xf32, #tpu.memory_space<hbm>> -> memref<128x128xf32, #tpu.memory_space<hbm>>
        %dma_wait3A_50 = arith.constant 0 : i32
        %dma_wait3A_51 = tpu.memref_slice %arg9[%add3A_35, %dma_wait3A_50] : memref<10112x128xf32, #tpu.memory_space<hbm>> -> memref<128x128xf32, #tpu.memory_space<hbm>>
        tpu.wait_dma2 semaphore(%run_scoped3A : memref<!tpu.dma_semaphore, #tpu.memory_space<semaphore_mem>>) src(%arg17 : memref<128x128xf32, #tpu.memory_space<vmem>>) dst(%dma_wait3A_51 : memref<128x128xf32, #tpu.memory_space<hbm>>)
        tpu.yield
      }) : () -> ()
      %add3A_36 = arith.constant 256 : i32
      %add3A_37 = arith.addi %mul3A_0, %add3A_36 : i32
      "tpu.region"() ({
        %run_scoped3A = tpu.sem_alloc : memref<!tpu.dma_semaphore, #tpu.memory_space<semaphore_mem>>
        %dma_start3A = arith.constant 0 : i32
        %dma_start3A_46 = tpu.memref_slice %arg19[%add3A_37, %dma_start3A] : memref<10112x128xf32, #tpu.memory_space<vmem_shared>> -> memref<128x128xf32, #tpu.memory_space<vmem_shared>>
        %dma_start3A_47 = arith.constant 0 : i32
        %dma_start3A_48 = tpu.memref_slice %arg19[%add3A_37, %dma_start3A_47] : memref<10112x128xf32, #tpu.memory_space<vmem_shared>> -> memref<128x128xf32, #tpu.memory_space<vmem_shared>>
        tpu.enqueue_dma source(%dma_start3A_48 : memref<128x128xf32, #tpu.memory_space<vmem_shared>>) target(%arg17 : memref<128x128xf32, #tpu.memory_space<vmem>>) target_semaphore(%run_scoped3A : memref<!tpu.dma_semaphore, #tpu.memory_space<semaphore_mem>>)
        %dma_wait3A = arith.constant 0 : i32
        %dma_wait3A_49 = tpu.memref_slice %arg19[%add3A_37, %dma_wait3A] : memref<10112x128xf32, #tpu.memory_space<vmem_shared>> -> memref<128x128xf32, #tpu.memory_space<vmem_shared>>
        %dma_wait3A_50 = arith.constant 0 : i32
        %dma_wait3A_51 = tpu.memref_slice %arg19[%add3A_37, %dma_wait3A_50] : memref<10112x128xf32, #tpu.memory_space<vmem_shared>> -> memref<128x128xf32, #tpu.memory_space<vmem_shared>>
        tpu.wait_dma2 semaphore(%run_scoped3A : memref<!tpu.dma_semaphore, #tpu.memory_space<semaphore_mem>>) src(%dma_wait3A_51 : memref<128x128xf32, #tpu.memory_space<vmem_shared>>) dst(%arg17 : memref<128x128xf32, #tpu.memory_space<vmem>>)
        tpu.yield
      }) : () -> ()
      %add3A_38 = arith.constant 256 : i32
      %add3A_39 = arith.addi %mul3A_0, %add3A_38 : i32
      "tpu.region"() ({
        %run_scoped3A = tpu.sem_alloc : memref<!tpu.dma_semaphore, #tpu.memory_space<semaphore_mem>>
        %dma_start3A = arith.constant 0 : i32
        %dma_start3A_46 = tpu.memref_slice %arg9[%add3A_39, %dma_start3A] : memref<10112x128xf32, #tpu.memory_space<hbm>> -> memref<128x128xf32, #tpu.memory_space<hbm>>
        %dma_start3A_47 = arith.constant 0 : i32
        %dma_start3A_48 = tpu.memref_slice %arg9[%add3A_39, %dma_start3A_47] : memref<10112x128xf32, #tpu.memory_space<hbm>> -> memref<128x128xf32, #tpu.memory_space<hbm>>
        tpu.enqueue_dma source(%arg17 : memref<128x128xf32, #tpu.memory_space<vmem>>) target(%dma_start3A_48 : memref<128x128xf32, #tpu.memory_space<hbm>>) target_semaphore(%run_scoped3A : memref<!tpu.dma_semaphore, #tpu.memory_space<semaphore_mem>>)
        %dma_wait3A = arith.constant 0 : i32
        %dma_wait3A_49 = tpu.memref_slice %arg9[%add3A_39, %dma_wait3A] : memref<10112x128xf32, #tpu.memory_space<hbm>> -> memref<128x128xf32, #tpu.memory_space<hbm>>
        %dma_wait3A_50 = arith.constant 0 : i32
        %dma_wait3A_51 = tpu.memref_slice %arg9[%add3A_39, %dma_wait3A_50] : memref<10112x128xf32, #tpu.memory_space<hbm>> -> memref<128x128xf32, #tpu.memory_space<hbm>>
        tpu.wait_dma2 semaphore(%run_scoped3A : memref<!tpu.dma_semaphore, #tpu.memory_space<semaphore_mem>>) src(%arg17 : memref<128x128xf32, #tpu.memory_space<vmem>>) dst(%dma_wait3A_51 : memref<128x128xf32, #tpu.memory_space<hbm>>)
        tpu.yield
      }) : () -> ()
      %add3A_40 = arith.constant 384 : i32
      %add3A_41 = arith.addi %mul3A_0, %add3A_40 : i32
      "tpu.region"() ({
        %run_scoped3A = tpu.sem_alloc : memref<!tpu.dma_semaphore, #tpu.memory_space<semaphore_mem>>
        %dma_start3A = arith.constant 0 : i32
        %dma_start3A_46 = tpu.memref_slice %arg19[%add3A_41, %dma_start3A] : memref<10112x128xf32, #tpu.memory_space<vmem_shared>> -> memref<128x128xf32, #tpu.memory_space<vmem_shared>>
        %dma_start3A_47 = arith.constant 0 : i32
        %dma_start3A_48 = tpu.memref_slice %arg19[%add3A_41, %dma_start3A_47] : memref<10112x128xf32, #tpu.memory_space<vmem_shared>> -> memref<128x128xf32, #tpu.memory_space<vmem_shared>>
        tpu.enqueue_dma source(%dma_start3A_48 : memref<128x128xf32, #tpu.memory_space<vmem_shared>>) target(%arg17 : memref<128x128xf32, #tpu.memory_space<vmem>>) target_semaphore(%run_scoped3A : memref<!tpu.dma_semaphore, #tpu.memory_space<semaphore_mem>>)
        %dma_wait3A = arith.constant 0 : i32
        %dma_wait3A_49 = tpu.memref_slice %arg19[%add3A_41, %dma_wait3A] : memref<10112x128xf32, #tpu.memory_space<vmem_shared>> -> memref<128x128xf32, #tpu.memory_space<vmem_shared>>
        %dma_wait3A_50 = arith.constant 0 : i32
        %dma_wait3A_51 = tpu.memref_slice %arg19[%add3A_41, %dma_wait3A_50] : memref<10112x128xf32, #tpu.memory_space<vmem_shared>> -> memref<128x128xf32, #tpu.memory_space<vmem_shared>>
        tpu.wait_dma2 semaphore(%run_scoped3A : memref<!tpu.dma_semaphore, #tpu.memory_space<semaphore_mem>>) src(%dma_wait3A_51 : memref<128x128xf32, #tpu.memory_space<vmem_shared>>) dst(%arg17 : memref<128x128xf32, #tpu.memory_space<vmem>>)
        tpu.yield
      }) : () -> ()
      %add3A_42 = arith.constant 384 : i32
      %add3A_43 = arith.addi %mul3A_0, %add3A_42 : i32
      "tpu.region"() ({
        %run_scoped3A = tpu.sem_alloc : memref<!tpu.dma_semaphore, #tpu.memory_space<semaphore_mem>>
        %dma_start3A = arith.constant 0 : i32
        %dma_start3A_46 = tpu.memref_slice %arg9[%add3A_43, %dma_start3A] : memref<10112x128xf32, #tpu.memory_space<hbm>> -> memref<128x128xf32, #tpu.memory_space<hbm>>
        %dma_start3A_47 = arith.constant 0 : i32
        %dma_start3A_48 = tpu.memref_slice %arg9[%add3A_43, %dma_start3A_47] : memref<10112x128xf32, #tpu.memory_space<hbm>> -> memref<128x128xf32, #tpu.memory_space<hbm>>
        tpu.enqueue_dma source(%arg17 : memref<128x128xf32, #tpu.memory_space<vmem>>) target(%dma_start3A_48 : memref<128x128xf32, #tpu.memory_space<hbm>>) target_semaphore(%run_scoped3A : memref<!tpu.dma_semaphore, #tpu.memory_space<semaphore_mem>>)
        %dma_wait3A = arith.constant 0 : i32
        %dma_wait3A_49 = tpu.memref_slice %arg9[%add3A_43, %dma_wait3A] : memref<10112x128xf32, #tpu.memory_space<hbm>> -> memref<128x128xf32, #tpu.memory_space<hbm>>
        %dma_wait3A_50 = arith.constant 0 : i32
        %dma_wait3A_51 = tpu.memref_slice %arg9[%add3A_43, %dma_wait3A_50] : memref<10112x128xf32, #tpu.memory_space<hbm>> -> memref<128x128xf32, #tpu.memory_space<hbm>>
        tpu.wait_dma2 semaphore(%run_scoped3A : memref<!tpu.dma_semaphore, #tpu.memory_space<semaphore_mem>>) src(%arg17 : memref<128x128xf32, #tpu.memory_space<vmem>>) dst(%dma_wait3A_51 : memref<128x128xf32, #tpu.memory_space<hbm>>)
        tpu.yield
      }) : () -> ()
      %add3A_44 = arith.constant 512 : i32
      %add3A_45 = arith.addi %mul3A_0, %add3A_44 : i32
      "tpu.region"() ({
        %run_scoped3A = tpu.sem_alloc : memref<!tpu.dma_semaphore, #tpu.memory_space<semaphore_mem>>
        %dma_start3A = arith.constant 0 : i32
        %dma_start3A_46 = arith.constant 0 : i32
        %dma_start3A_47 = tpu.memref_slice %arg17[%dma_start3A, %dma_start3A_46] : memref<128x128xf32, #tpu.memory_space<vmem>> -> memref<120x128xf32, #tpu.memory_space<vmem>>
        %dma_start3A_48 = arith.constant 0 : i32
        %dma_start3A_49 = tpu.memref_slice %arg19[%add3A_45, %dma_start3A_48] : memref<10112x128xf32, #tpu.memory_space<vmem_shared>> -> memref<120x128xf32, #tpu.memory_space<vmem_shared>>
        %dma_start3A_50 = arith.constant 0 : i32
        %dma_start3A_51 = arith.constant 0 : i32
        %dma_start3A_52 = tpu.memref_slice %arg17[%dma_start3A_50, %dma_start3A_51] : memref<128x128xf32, #tpu.memory_space<vmem>> -> memref<120x128xf32, #tpu.memory_space<vmem>>
        %dma_start3A_53 = arith.constant 0 : i32
        %dma_start3A_54 = tpu.memref_slice %arg19[%add3A_45, %dma_start3A_53] : memref<10112x128xf32, #tpu.memory_space<vmem_shared>> -> memref<120x128xf32, #tpu.memory_space<vmem_shared>>
        tpu.enqueue_dma source(%dma_start3A_54 : memref<120x128xf32, #tpu.memory_space<vmem_shared>>) target(%dma_start3A_52 : memref<120x128xf32, #tpu.memory_space<vmem>>) target_semaphore(%run_scoped3A : memref<!tpu.dma_semaphore, #tpu.memory_space<semaphore_mem>>)
        %dma_wait3A = arith.constant 0 : i32
        %dma_wait3A_55 = arith.constant 0 : i32
        %dma_wait3A_56 = tpu.memref_slice %arg17[%dma_wait3A, %dma_wait3A_55] : memref<128x128xf32, #tpu.memory_space<vmem>> -> memref<120x128xf32, #tpu.memory_space<vmem>>
        %dma_wait3A_57 = arith.constant 0 : i32
        %dma_wait3A_58 = tpu.memref_slice %arg19[%add3A_45, %dma_wait3A_57] : memref<10112x128xf32, #tpu.memory_space<vmem_shared>> -> memref<120x128xf32, #tpu.memory_space<vmem_shared>>
        %dma_wait3A_59 = arith.constant 0 : i32
        %dma_wait3A_60 = arith.constant 0 : i32
        %dma_wait3A_61 = tpu.memref_slice %arg17[%dma_wait3A_59, %dma_wait3A_60] : memref<128x128xf32, #tpu.memory_space<vmem>> -> memref<120x128xf32, #tpu.memory_space<vmem>>
        %dma_wait3A_62 = arith.constant 0 : i32
        %dma_wait3A_63 = tpu.memref_slice %arg19[%add3A_45, %dma_wait3A_62] : memref<10112x128xf32, #tpu.memory_space<vmem_shared>> -> memref<120x128xf32, #tpu.memory_space<vmem_shared>>
        tpu.wait_dma2 semaphore(%run_scoped3A : memref<!tpu.dma_semaphore, #tpu.memory_space<semaphore_mem>>) src(%dma_wait3A_63 : memref<120x128xf32, #tpu.memory_space<vmem_shared>>) dst(%dma_wait3A_61 : memref<120x128xf32, #tpu.memory_space<vmem>>)
        tpu.yield
      }) : () -> ()
      "tpu.region"() ({
        %run_scoped3A = tpu.sem_alloc : memref<!tpu.dma_semaphore, #tpu.memory_space<semaphore_mem>>
        %dma_start3A = arith.constant 0 : i32
        %dma_start3A_46 = arith.constant 0 : i32
        %dma_start3A_47 = tpu.memref_slice %arg17[%dma_start3A, %dma_start3A_46] : memref<128x128xf32, #tpu.memory_space<vmem>> -> memref<120x128xf32, #tpu.memory_space<vmem>>
        %dma_start3A_48 = arith.constant 0 : i32
        %dma_start3A_49 = tpu.memref_slice %arg9[%add3A_45, %dma_start3A_48] : memref<10112x128xf32, #tpu.memory_space<hbm>> -> memref<120x128xf32, #tpu.memory_space<hbm>>
        %dma_start3A_50 = arith.constant 0 : i32
        %dma_start3A_51 = tpu.memref_slice %arg9[%add3A_45, %dma_start3A_50] : memref<10112x128xf32, #tpu.memory_space<hbm>> -> memref<120x128xf32, #tpu.memory_space<hbm>>
        %dma_start3A_52 = arith.constant 0 : i32
        %dma_start3A_53 = arith.constant 0 : i32
        %dma_start3A_54 = tpu.memref_slice %arg17[%dma_start3A_52, %dma_start3A_53] : memref<128x128xf32, #tpu.memory_space<vmem>> -> memref<120x128xf32, #tpu.memory_space<vmem>>
        tpu.enqueue_dma source(%dma_start3A_54 : memref<120x128xf32, #tpu.memory_space<vmem>>) target(%dma_start3A_51 : memref<120x128xf32, #tpu.memory_space<hbm>>) target_semaphore(%run_scoped3A : memref<!tpu.dma_semaphore, #tpu.memory_space<semaphore_mem>>)
        %dma_wait3A = arith.constant 0 : i32
        %dma_wait3A_55 = arith.constant 0 : i32
        %dma_wait3A_56 = tpu.memref_slice %arg17[%dma_wait3A, %dma_wait3A_55] : memref<128x128xf32, #tpu.memory_space<vmem>> -> memref<120x128xf32, #tpu.memory_space<vmem>>
        %dma_wait3A_57 = arith.constant 0 : i32
        %dma_wait3A_58 = tpu.memref_slice %arg9[%add3A_45, %dma_wait3A_57] : memref<10112x128xf32, #tpu.memory_space<hbm>> -> memref<120x128xf32, #tpu.memory_space<hbm>>
        %dma_wait3A_59 = arith.constant 0 : i32
        %dma_wait3A_60 = tpu.memref_slice %arg9[%add3A_45, %dma_wait3A_59] : memref<10112x128xf32, #tpu.memory_space<hbm>> -> memref<120x128xf32, #tpu.memory_space<hbm>>
        %dma_wait3A_61 = arith.constant 0 : i32
        %dma_wait3A_62 = arith.constant 0 : i32
        %dma_wait3A_63 = tpu.memref_slice %arg17[%dma_wait3A_61, %dma_wait3A_62] : memref<128x128xf32, #tpu.memory_space<vmem>> -> memref<120x128xf32, #tpu.memory_space<vmem>>
        tpu.wait_dma2 semaphore(%run_scoped3A : memref<!tpu.dma_semaphore, #tpu.memory_space<semaphore_mem>>) src(%dma_wait3A_63 : memref<120x128xf32, #tpu.memory_space<vmem>>) dst(%dma_wait3A_60 : memref<120x128xf32, #tpu.memory_space<hbm>>)
        tpu.yield
      }) : () -> ()
    } else {
    }
    %eq3A_23 = arith.constant 1 : i32
    %eq3A_24 = arith.cmpi eq, %arg0, %eq3A_23 : i32
    %convert_element_type3A_25 = arith.extui %eq3A_24 : i1 to i32
    %cond3A_26 = arith.constant 0 : i32
    %cond3A_27 = arith.cmpi ne, %convert_element_type3A_25, %cond3A_26 : i32
    scf.if %cond3A_27 {
      %add3A_28 = arith.constant 0 : i32
      %add3A_29 = arith.addi %mul3A_0, %add3A_28 : i32
      "tpu.region"() ({
        %run_scoped3A = tpu.sem_alloc : memref<!tpu.dma_semaphore, #tpu.memory_space<semaphore_mem>>
        %dma_start3A = arith.constant 0 : i32
        %dma_start3A_46 = tpu.memref_slice %arg19[%add3A_29, %dma_start3A] : memref<10112x128xf32, #tpu.memory_space<vmem_shared>> -> memref<128x128xf32, #tpu.memory_space<vmem_shared>>
        %dma_start3A_47 = arith.constant 0 : i32
        %dma_start3A_48 = tpu.memref_slice %arg19[%add3A_29, %dma_start3A_47] : memref<10112x128xf32, #tpu.memory_space<vmem_shared>> -> memref<128x128xf32, #tpu.memory_space<vmem_shared>>
        tpu.enqueue_dma source(%dma_start3A_48 : memref<128x128xf32, #tpu.memory_space<vmem_shared>>) target(%arg17 : memref<128x128xf32, #tpu.memory_space<vmem>>) target_semaphore(%run_scoped3A : memref<!tpu.dma_semaphore, #tpu.memory_space<semaphore_mem>>)
        %dma_wait3A = arith.constant 0 : i32
        %dma_wait3A_49 = tpu.memref_slice %arg19[%add3A_29, %dma_wait3A] : memref<10112x128xf32, #tpu.memory_space<vmem_shared>> -> memref<128x128xf32, #tpu.memory_space<vmem_shared>>
        %dma_wait3A_50 = arith.constant 0 : i32
        %dma_wait3A_51 = tpu.memref_slice %arg19[%add3A_29, %dma_wait3A_50] : memref<10112x128xf32, #tpu.memory_space<vmem_shared>> -> memref<128x128xf32, #tpu.memory_space<vmem_shared>>
        tpu.wait_dma2 semaphore(%run_scoped3A : memref<!tpu.dma_semaphore, #tpu.memory_space<semaphore_mem>>) src(%dma_wait3A_51 : memref<128x128xf32, #tpu.memory_space<vmem_shared>>) dst(%arg17 : memref<128x128xf32, #tpu.memory_space<vmem>>)
        tpu.yield
      }) : () -> ()
      %add3A_30 = arith.constant 0 : i32
      %add3A_31 = arith.addi %mul3A_0, %add3A_30 : i32
      "tpu.region"() ({
        %run_scoped3A = tpu.sem_alloc : memref<!tpu.dma_semaphore, #tpu.memory_space<semaphore_mem>>
        %dma_start3A = arith.constant 0 : i32
        %dma_start3A_46 = tpu.memref_slice %arg10[%add3A_31, %dma_start3A] : memref<10112x128xf32, #tpu.memory_space<hbm>> -> memref<128x128xf32, #tpu.memory_space<hbm>>
        %dma_start3A_47 = arith.constant 0 : i32
        %dma_start3A_48 = tpu.memref_slice %arg10[%add3A_31, %dma_start3A_47] : memref<10112x128xf32, #tpu.memory_space<hbm>> -> memref<128x128xf32, #tpu.memory_space<hbm>>
        tpu.enqueue_dma source(%arg17 : memref<128x128xf32, #tpu.memory_space<vmem>>) target(%dma_start3A_48 : memref<128x128xf32, #tpu.memory_space<hbm>>) target_semaphore(%run_scoped3A : memref<!tpu.dma_semaphore, #tpu.memory_space<semaphore_mem>>)
        %dma_wait3A = arith.constant 0 : i32
        %dma_wait3A_49 = tpu.memref_slice %arg10[%add3A_31, %dma_wait3A] : memref<10112x128xf32, #tpu.memory_space<hbm>> -> memref<128x128xf32, #tpu.memory_space<hbm>>
        %dma_wait3A_50 = arith.constant 0 : i32
        %dma_wait3A_51 = tpu.memref_slice %arg10[%add3A_31, %dma_wait3A_50] : memref<10112x128xf32, #tpu.memory_space<hbm>> -> memref<128x128xf32, #tpu.memory_space<hbm>>
        tpu.wait_dma2 semaphore(%run_scoped3A : memref<!tpu.dma_semaphore, #tpu.memory_space<semaphore_mem>>) src(%arg17 : memref<128x128xf32, #tpu.memory_space<vmem>>) dst(%dma_wait3A_51 : memref<128x128xf32, #tpu.memory_space<hbm>>)
        tpu.yield
      }) : () -> ()
      %add3A_32 = arith.constant 128 : i32
      %add3A_33 = arith.addi %mul3A_0, %add3A_32 : i32
      "tpu.region"() ({
        %run_scoped3A = tpu.sem_alloc : memref<!tpu.dma_semaphore, #tpu.memory_space<semaphore_mem>>
        %dma_start3A = arith.constant 0 : i32
        %dma_start3A_46 = tpu.memref_slice %arg19[%add3A_33, %dma_start3A] : memref<10112x128xf32, #tpu.memory_space<vmem_shared>> -> memref<128x128xf32, #tpu.memory_space<vmem_shared>>
        %dma_start3A_47 = arith.constant 0 : i32
        %dma_start3A_48 = tpu.memref_slice %arg19[%add3A_33, %dma_start3A_47] : memref<10112x128xf32, #tpu.memory_space<vmem_shared>> -> memref<128x128xf32, #tpu.memory_space<vmem_shared>>
        tpu.enqueue_dma source(%dma_start3A_48 : memref<128x128xf32, #tpu.memory_space<vmem_shared>>) target(%arg17 : memref<128x128xf32, #tpu.memory_space<vmem>>) target_semaphore(%run_scoped3A : memref<!tpu.dma_semaphore, #tpu.memory_space<semaphore_mem>>)
        %dma_wait3A = arith.constant 0 : i32
        %dma_wait3A_49 = tpu.memref_slice %arg19[%add3A_33, %dma_wait3A] : memref<10112x128xf32, #tpu.memory_space<vmem_shared>> -> memref<128x128xf32, #tpu.memory_space<vmem_shared>>
        %dma_wait3A_50 = arith.constant 0 : i32
        %dma_wait3A_51 = tpu.memref_slice %arg19[%add3A_33, %dma_wait3A_50] : memref<10112x128xf32, #tpu.memory_space<vmem_shared>> -> memref<128x128xf32, #tpu.memory_space<vmem_shared>>
        tpu.wait_dma2 semaphore(%run_scoped3A : memref<!tpu.dma_semaphore, #tpu.memory_space<semaphore_mem>>) src(%dma_wait3A_51 : memref<128x128xf32, #tpu.memory_space<vmem_shared>>) dst(%arg17 : memref<128x128xf32, #tpu.memory_space<vmem>>)
        tpu.yield
      }) : () -> ()
      %add3A_34 = arith.constant 128 : i32
      %add3A_35 = arith.addi %mul3A_0, %add3A_34 : i32
      "tpu.region"() ({
        %run_scoped3A = tpu.sem_alloc : memref<!tpu.dma_semaphore, #tpu.memory_space<semaphore_mem>>
        %dma_start3A = arith.constant 0 : i32
        %dma_start3A_46 = tpu.memref_slice %arg10[%add3A_35, %dma_start3A] : memref<10112x128xf32, #tpu.memory_space<hbm>> -> memref<128x128xf32, #tpu.memory_space<hbm>>
        %dma_start3A_47 = arith.constant 0 : i32
        %dma_start3A_48 = tpu.memref_slice %arg10[%add3A_35, %dma_start3A_47] : memref<10112x128xf32, #tpu.memory_space<hbm>> -> memref<128x128xf32, #tpu.memory_space<hbm>>
        tpu.enqueue_dma source(%arg17 : memref<128x128xf32, #tpu.memory_space<vmem>>) target(%dma_start3A_48 : memref<128x128xf32, #tpu.memory_space<hbm>>) target_semaphore(%run_scoped3A : memref<!tpu.dma_semaphore, #tpu.memory_space<semaphore_mem>>)
        %dma_wait3A = arith.constant 0 : i32
        %dma_wait3A_49 = tpu.memref_slice %arg10[%add3A_35, %dma_wait3A] : memref<10112x128xf32, #tpu.memory_space<hbm>> -> memref<128x128xf32, #tpu.memory_space<hbm>>
        %dma_wait3A_50 = arith.constant 0 : i32
        %dma_wait3A_51 = tpu.memref_slice %arg10[%add3A_35, %dma_wait3A_50] : memref<10112x128xf32, #tpu.memory_space<hbm>> -> memref<128x128xf32, #tpu.memory_space<hbm>>
        tpu.wait_dma2 semaphore(%run_scoped3A : memref<!tpu.dma_semaphore, #tpu.memory_space<semaphore_mem>>) src(%arg17 : memref<128x128xf32, #tpu.memory_space<vmem>>) dst(%dma_wait3A_51 : memref<128x128xf32, #tpu.memory_space<hbm>>)
        tpu.yield
      }) : () -> ()
      %add3A_36 = arith.constant 256 : i32
      %add3A_37 = arith.addi %mul3A_0, %add3A_36 : i32
      "tpu.region"() ({
        %run_scoped3A = tpu.sem_alloc : memref<!tpu.dma_semaphore, #tpu.memory_space<semaphore_mem>>
        %dma_start3A = arith.constant 0 : i32
        %dma_start3A_46 = tpu.memref_slice %arg19[%add3A_37, %dma_start3A] : memref<10112x128xf32, #tpu.memory_space<vmem_shared>> -> memref<128x128xf32, #tpu.memory_space<vmem_shared>>
        %dma_start3A_47 = arith.constant 0 : i32
        %dma_start3A_48 = tpu.memref_slice %arg19[%add3A_37, %dma_start3A_47] : memref<10112x128xf32, #tpu.memory_space<vmem_shared>> -> memref<128x128xf32, #tpu.memory_space<vmem_shared>>
        tpu.enqueue_dma source(%dma_start3A_48 : memref<128x128xf32, #tpu.memory_space<vmem_shared>>) target(%arg17 : memref<128x128xf32, #tpu.memory_space<vmem>>) target_semaphore(%run_scoped3A : memref<!tpu.dma_semaphore, #tpu.memory_space<semaphore_mem>>)
        %dma_wait3A = arith.constant 0 : i32
        %dma_wait3A_49 = tpu.memref_slice %arg19[%add3A_37, %dma_wait3A] : memref<10112x128xf32, #tpu.memory_space<vmem_shared>> -> memref<128x128xf32, #tpu.memory_space<vmem_shared>>
        %dma_wait3A_50 = arith.constant 0 : i32
        %dma_wait3A_51 = tpu.memref_slice %arg19[%add3A_37, %dma_wait3A_50] : memref<10112x128xf32, #tpu.memory_space<vmem_shared>> -> memref<128x128xf32, #tpu.memory_space<vmem_shared>>
        tpu.wait_dma2 semaphore(%run_scoped3A : memref<!tpu.dma_semaphore, #tpu.memory_space<semaphore_mem>>) src(%dma_wait3A_51 : memref<128x128xf32, #tpu.memory_space<vmem_shared>>) dst(%arg17 : memref<128x128xf32, #tpu.memory_space<vmem>>)
        tpu.yield
      }) : () -> ()
      %add3A_38 = arith.constant 256 : i32
      %add3A_39 = arith.addi %mul3A_0, %add3A_38 : i32
      "tpu.region"() ({
        %run_scoped3A = tpu.sem_alloc : memref<!tpu.dma_semaphore, #tpu.memory_space<semaphore_mem>>
        %dma_start3A = arith.constant 0 : i32
        %dma_start3A_46 = tpu.memref_slice %arg10[%add3A_39, %dma_start3A] : memref<10112x128xf32, #tpu.memory_space<hbm>> -> memref<128x128xf32, #tpu.memory_space<hbm>>
        %dma_start3A_47 = arith.constant 0 : i32
        %dma_start3A_48 = tpu.memref_slice %arg10[%add3A_39, %dma_start3A_47] : memref<10112x128xf32, #tpu.memory_space<hbm>> -> memref<128x128xf32, #tpu.memory_space<hbm>>
        tpu.enqueue_dma source(%arg17 : memref<128x128xf32, #tpu.memory_space<vmem>>) target(%dma_start3A_48 : memref<128x128xf32, #tpu.memory_space<hbm>>) target_semaphore(%run_scoped3A : memref<!tpu.dma_semaphore, #tpu.memory_space<semaphore_mem>>)
        %dma_wait3A = arith.constant 0 : i32
        %dma_wait3A_49 = tpu.memref_slice %arg10[%add3A_39, %dma_wait3A] : memref<10112x128xf32, #tpu.memory_space<hbm>> -> memref<128x128xf32, #tpu.memory_space<hbm>>
        %dma_wait3A_50 = arith.constant 0 : i32
        %dma_wait3A_51 = tpu.memref_slice %arg10[%add3A_39, %dma_wait3A_50] : memref<10112x128xf32, #tpu.memory_space<hbm>> -> memref<128x128xf32, #tpu.memory_space<hbm>>
        tpu.wait_dma2 semaphore(%run_scoped3A : memref<!tpu.dma_semaphore, #tpu.memory_space<semaphore_mem>>) src(%arg17 : memref<128x128xf32, #tpu.memory_space<vmem>>) dst(%dma_wait3A_51 : memref<128x128xf32, #tpu.memory_space<hbm>>)
        tpu.yield
      }) : () -> ()
      %add3A_40 = arith.constant 384 : i32
      %add3A_41 = arith.addi %mul3A_0, %add3A_40 : i32
      "tpu.region"() ({
        %run_scoped3A = tpu.sem_alloc : memref<!tpu.dma_semaphore, #tpu.memory_space<semaphore_mem>>
        %dma_start3A = arith.constant 0 : i32
        %dma_start3A_46 = tpu.memref_slice %arg19[%add3A_41, %dma_start3A] : memref<10112x128xf32, #tpu.memory_space<vmem_shared>> -> memref<128x128xf32, #tpu.memory_space<vmem_shared>>
        %dma_start3A_47 = arith.constant 0 : i32
        %dma_start3A_48 = tpu.memref_slice %arg19[%add3A_41, %dma_start3A_47] : memref<10112x128xf32, #tpu.memory_space<vmem_shared>> -> memref<128x128xf32, #tpu.memory_space<vmem_shared>>
        tpu.enqueue_dma source(%dma_start3A_48 : memref<128x128xf32, #tpu.memory_space<vmem_shared>>) target(%arg17 : memref<128x128xf32, #tpu.memory_space<vmem>>) target_semaphore(%run_scoped3A : memref<!tpu.dma_semaphore, #tpu.memory_space<semaphore_mem>>)
        %dma_wait3A = arith.constant 0 : i32
        %dma_wait3A_49 = tpu.memref_slice %arg19[%add3A_41, %dma_wait3A] : memref<10112x128xf32, #tpu.memory_space<vmem_shared>> -> memref<128x128xf32, #tpu.memory_space<vmem_shared>>
        %dma_wait3A_50 = arith.constant 0 : i32
        %dma_wait3A_51 = tpu.memref_slice %arg19[%add3A_41, %dma_wait3A_50] : memref<10112x128xf32, #tpu.memory_space<vmem_shared>> -> memref<128x128xf32, #tpu.memory_space<vmem_shared>>
        tpu.wait_dma2 semaphore(%run_scoped3A : memref<!tpu.dma_semaphore, #tpu.memory_space<semaphore_mem>>) src(%dma_wait3A_51 : memref<128x128xf32, #tpu.memory_space<vmem_shared>>) dst(%arg17 : memref<128x128xf32, #tpu.memory_space<vmem>>)
        tpu.yield
      }) : () -> ()
      %add3A_42 = arith.constant 384 : i32
      %add3A_43 = arith.addi %mul3A_0, %add3A_42 : i32
      "tpu.region"() ({
        %run_scoped3A = tpu.sem_alloc : memref<!tpu.dma_semaphore, #tpu.memory_space<semaphore_mem>>
        %dma_start3A = arith.constant 0 : i32
        %dma_start3A_46 = tpu.memref_slice %arg10[%add3A_43, %dma_start3A] : memref<10112x128xf32, #tpu.memory_space<hbm>> -> memref<128x128xf32, #tpu.memory_space<hbm>>
        %dma_start3A_47 = arith.constant 0 : i32
        %dma_start3A_48 = tpu.memref_slice %arg10[%add3A_43, %dma_start3A_47] : memref<10112x128xf32, #tpu.memory_space<hbm>> -> memref<128x128xf32, #tpu.memory_space<hbm>>
        tpu.enqueue_dma source(%arg17 : memref<128x128xf32, #tpu.memory_space<vmem>>) target(%dma_start3A_48 : memref<128x128xf32, #tpu.memory_space<hbm>>) target_semaphore(%run_scoped3A : memref<!tpu.dma_semaphore, #tpu.memory_space<semaphore_mem>>)
        %dma_wait3A = arith.constant 0 : i32
        %dma_wait3A_49 = tpu.memref_slice %arg10[%add3A_43, %dma_wait3A] : memref<10112x128xf32, #tpu.memory_space<hbm>> -> memref<128x128xf32, #tpu.memory_space<hbm>>
        %dma_wait3A_50 = arith.constant 0 : i32
        %dma_wait3A_51 = tpu.memref_slice %arg10[%add3A_43, %dma_wait3A_50] : memref<10112x128xf32, #tpu.memory_space<hbm>> -> memref<128x128xf32, #tpu.memory_space<hbm>>
        tpu.wait_dma2 semaphore(%run_scoped3A : memref<!tpu.dma_semaphore, #tpu.memory_space<semaphore_mem>>) src(%arg17 : memref<128x128xf32, #tpu.memory_space<vmem>>) dst(%dma_wait3A_51 : memref<128x128xf32, #tpu.memory_space<hbm>>)
        tpu.yield
      }) : () -> ()
      %add3A_44 = arith.constant 512 : i32
      %add3A_45 = arith.addi %mul3A_0, %add3A_44 : i32
      "tpu.region"() ({
        %run_scoped3A = tpu.sem_alloc : memref<!tpu.dma_semaphore, #tpu.memory_space<semaphore_mem>>
        %dma_start3A = arith.constant 0 : i32
        %dma_start3A_46 = arith.constant 0 : i32
        %dma_start3A_47 = tpu.memref_slice %arg17[%dma_start3A, %dma_start3A_46] : memref<128x128xf32, #tpu.memory_space<vmem>> -> memref<120x128xf32, #tpu.memory_space<vmem>>
        %dma_start3A_48 = arith.constant 0 : i32
        %dma_start3A_49 = tpu.memref_slice %arg19[%add3A_45, %dma_start3A_48] : memref<10112x128xf32, #tpu.memory_space<vmem_shared>> -> memref<120x128xf32, #tpu.memory_space<vmem_shared>>
        %dma_start3A_50 = arith.constant 0 : i32
        %dma_start3A_51 = arith.constant 0 : i32
        %dma_start3A_52 = tpu.memref_slice %arg17[%dma_start3A_50, %dma_start3A_51] : memref<128x128xf32, #tpu.memory_space<vmem>> -> memref<120x128xf32, #tpu.memory_space<vmem>>
        %dma_start3A_53 = arith.constant 0 : i32
        %dma_start3A_54 = tpu.memref_slice %arg19[%add3A_45, %dma_start3A_53] : memref<10112x128xf32, #tpu.memory_space<vmem_shared>> -> memref<120x128xf32, #tpu.memory_space<vmem_shared>>
        tpu.enqueue_dma source(%dma_start3A_54 : memref<120x128xf32, #tpu.memory_space<vmem_shared>>) target(%dma_start3A_52 : memref<120x128xf32, #tpu.memory_space<vmem>>) target_semaphore(%run_scoped3A : memref<!tpu.dma_semaphore, #tpu.memory_space<semaphore_mem>>)
        %dma_wait3A = arith.constant 0 : i32
        %dma_wait3A_55 = arith.constant 0 : i32
        %dma_wait3A_56 = tpu.memref_slice %arg17[%dma_wait3A, %dma_wait3A_55] : memref<128x128xf32, #tpu.memory_space<vmem>> -> memref<120x128xf32, #tpu.memory_space<vmem>>
        %dma_wait3A_57 = arith.constant 0 : i32
        %dma_wait3A_58 = tpu.memref_slice %arg19[%add3A_45, %dma_wait3A_57] : memref<10112x128xf32, #tpu.memory_space<vmem_shared>> -> memref<120x128xf32, #tpu.memory_space<vmem_shared>>
        %dma_wait3A_59 = arith.constant 0 : i32
        %dma_wait3A_60 = arith.constant 0 : i32
        %dma_wait3A_61 = tpu.memref_slice %arg17[%dma_wait3A_59, %dma_wait3A_60] : memref<128x128xf32, #tpu.memory_space<vmem>> -> memref<120x128xf32, #tpu.memory_space<vmem>>
        %dma_wait3A_62 = arith.constant 0 : i32
        %dma_wait3A_63 = tpu.memref_slice %arg19[%add3A_45, %dma_wait3A_62] : memref<10112x128xf32, #tpu.memory_space<vmem_shared>> -> memref<120x128xf32, #tpu.memory_space<vmem_shared>>
        tpu.wait_dma2 semaphore(%run_scoped3A : memref<!tpu.dma_semaphore, #tpu.memory_space<semaphore_mem>>) src(%dma_wait3A_63 : memref<120x128xf32, #tpu.memory_space<vmem_shared>>) dst(%dma_wait3A_61 : memref<120x128xf32, #tpu.memory_space<vmem>>)
        tpu.yield
      }) : () -> ()
      "tpu.region"() ({
        %run_scoped3A = tpu.sem_alloc : memref<!tpu.dma_semaphore, #tpu.memory_space<semaphore_mem>>
        %dma_start3A = arith.constant 0 : i32
        %dma_start3A_46 = arith.constant 0 : i32
        %dma_start3A_47 = tpu.memref_slice %arg17[%dma_start3A, %dma_start3A_46] : memref<128x128xf32, #tpu.memory_space<vmem>> -> memref<120x128xf32, #tpu.memory_space<vmem>>
        %dma_start3A_48 = arith.constant 0 : i32
        %dma_start3A_49 = tpu.memref_slice %arg10[%add3A_45, %dma_start3A_48] : memref<10112x128xf32, #tpu.memory_space<hbm>> -> memref<120x128xf32, #tpu.memory_space<hbm>>
        %dma_start3A_50 = arith.constant 0 : i32
        %dma_start3A_51 = tpu.memref_slice %arg10[%add3A_45, %dma_start3A_50] : memref<10112x128xf32, #tpu.memory_space<hbm>> -> memref<120x128xf32, #tpu.memory_space<hbm>>
        %dma_start3A_52 = arith.constant 0 : i32
        %dma_start3A_53 = arith.constant 0 : i32
        %dma_start3A_54 = tpu.memref_slice %arg17[%dma_start3A_52, %dma_start3A_53] : memref<128x128xf32, #tpu.memory_space<vmem>> -> memref<120x128xf32, #tpu.memory_space<vmem>>
        tpu.enqueue_dma source(%dma_start3A_54 : memref<120x128xf32, #tpu.memory_space<vmem>>) target(%dma_start3A_51 : memref<120x128xf32, #tpu.memory_space<hbm>>) target_semaphore(%run_scoped3A : memref<!tpu.dma_semaphore, #tpu.memory_space<semaphore_mem>>)
        %dma_wait3A = arith.constant 0 : i32
        %dma_wait3A_55 = arith.constant 0 : i32
        %dma_wait3A_56 = tpu.memref_slice %arg17[%dma_wait3A, %dma_wait3A_55] : memref<128x128xf32, #tpu.memory_space<vmem>> -> memref<120x128xf32, #tpu.memory_space<vmem>>
        %dma_wait3A_57 = arith.constant 0 : i32
        %dma_wait3A_58 = tpu.memref_slice %arg10[%add3A_45, %dma_wait3A_57] : memref<10112x128xf32, #tpu.memory_space<hbm>> -> memref<120x128xf32, #tpu.memory_space<hbm>>
        %dma_wait3A_59 = arith.constant 0 : i32
        %dma_wait3A_60 = tpu.memref_slice %arg10[%add3A_45, %dma_wait3A_59] : memref<10112x128xf32, #tpu.memory_space<hbm>> -> memref<120x128xf32, #tpu.memory_space<hbm>>
        %dma_wait3A_61 = arith.constant 0 : i32
        %dma_wait3A_62 = arith.constant 0 : i32
        %dma_wait3A_63 = tpu.memref_slice %arg17[%dma_wait3A_61, %dma_wait3A_62] : memref<128x128xf32, #tpu.memory_space<vmem>> -> memref<120x128xf32, #tpu.memory_space<vmem>>
        tpu.wait_dma2 semaphore(%run_scoped3A : memref<!tpu.dma_semaphore, #tpu.memory_space<semaphore_mem>>) src(%dma_wait3A_63 : memref<120x128xf32, #tpu.memory_space<vmem>>) dst(%dma_wait3A_60 : memref<120x128xf32, #tpu.memory_space<hbm>>)
        tpu.yield
      }) : () -> ()
    } else {
    }
    return
  }
}

#map = affine_map<(d0, d1) -> (0, 0)>
#map1 = affine_map<(d0, d1) -> (0, 0, 0)>
module attributes {stable_mosaic.version = 14 : i64} {
  func.func @_segsum_body(%arg0: i32, %arg1: i32, %arg2: memref<10112x128xf32, #tpu.memory_space<hbm>>, %arg3: memref<10112x128xf32, #tpu.memory_space<hbm>>, %arg4: memref<16x160x128xi32, #tpu.memory_space<hbm>>, %arg5: memref<16x160x128xi32, #tpu.memory_space<hbm>>, %arg6: memref<16x160x128xi32, #tpu.memory_space<hbm>>, %arg7: memref<16x160x128xi32, #tpu.memory_space<hbm>>, %arg8: memref<128x128xf32, #tpu.memory_space<hbm>>, %arg9: memref<128x128xf32, #tpu.memory_space<hbm>>, %arg10: memref<10112x128xf32, #tpu.memory_space<hbm>>, %arg11: memref<10112x128xf32, #tpu.memory_space<hbm>>, %arg12: memref<10112x128xf32, #tpu.memory_space<hbm>>, %arg13: memref<10112x128xf32, #tpu.memory_space<hbm>>, %arg14: memref<128xi32, #tpu.memory_space<vmem>>, %arg15: memref<128xi32, #tpu.memory_space<vmem>>, %arg16: memref<128xi32, #tpu.memory_space<vmem>>, %arg17: memref<128xi32, #tpu.memory_space<vmem>>, %arg18: memref<128xi32, #tpu.memory_space<vmem>>, %arg19: memref<128xi32, #tpu.memory_space<vmem>>, %arg20: memref<128x128xf32, #tpu.memory_space<vmem>>, %arg21: memref<128x128xf32, #tpu.memory_space<vmem>>, %arg22: memref<10112x128xf32, #tpu.memory_space<vmem_shared>>, %arg23: memref<!tpu.dma_semaphore, #tpu.memory_space<semaphore_mem>>, %arg24: memref<!tpu.dma_semaphore, #tpu.memory_space<semaphore_mem>>, %arg25: memref<!tpu.dma_semaphore, #tpu.memory_space<semaphore_mem>>) attributes {dimension_semantics = [#tpu.dimension_semantics<core_parallel>, #tpu.dimension_semantics<subcore_parallel>], iteration_bounds = array<i64: 2, 16>, scalar_prefetch = 0 : i64, scratch_operands = 12 : i64, tpu.core_type = #tpu.core_type<sc_vector_subcore>, window_params = [{transform_indices = #map}, {transform_indices = #map}, {transform_indices = #map1}, {transform_indices = #map1}, {transform_indices = #map1}, {transform_indices = #map1}, {transform_indices = #map}, {transform_indices = #map}, {transform_indices = #map}, {transform_indices = #map}, {transform_indices = #map}, {transform_indices = #map}]} {
    %mul3A = arith.constant 632 : i32
    %mul3A_0 = arith.muli %arg1, %mul3A : i32
    "tpu.region"() ({
      %run_scoped3A = tpu.sem_alloc : memref<!tpu.dma_semaphore, #tpu.memory_space<semaphore_mem>>
      tpu.enqueue_dma source(%arg8 : memref<128x128xf32, #tpu.memory_space<hbm>>) target(%arg20 : memref<128x128xf32, #tpu.memory_space<vmem>>) target_semaphore(%run_scoped3A : memref<!tpu.dma_semaphore, #tpu.memory_space<semaphore_mem>>)
      tpu.wait_dma2 semaphore(%run_scoped3A : memref<!tpu.dma_semaphore, #tpu.memory_space<semaphore_mem>>) src(%arg8 : memref<128x128xf32, #tpu.memory_space<hbm>>) dst(%arg20 : memref<128x128xf32, #tpu.memory_space<vmem>>)
      tpu.yield
    }) : () -> ()
    %add3A = arith.constant 0 : i32
    %add3A_1 = arith.addi %mul3A_0, %add3A : i32
    "tpu.region"() ({
      %run_scoped3A = tpu.sem_alloc : memref<!tpu.dma_semaphore, #tpu.memory_space<semaphore_mem>>
      %dma_start3A = arith.constant 0 : i32
      %dma_start3A_61 = tpu.memref_slice %arg22[%add3A_1, %dma_start3A] : memref<10112x128xf32, #tpu.memory_space<vmem_shared>> -> memref<128x128xf32, #tpu.memory_space<vmem_shared>>
      %dma_start3A_62 = arith.constant 0 : i32
      %dma_start3A_63 = tpu.memref_slice %arg22[%add3A_1, %dma_start3A_62] : memref<10112x128xf32, #tpu.memory_space<vmem_shared>> -> memref<128x128xf32, #tpu.memory_space<vmem_shared>>
      tpu.enqueue_dma source(%arg20 : memref<128x128xf32, #tpu.memory_space<vmem>>) target(%dma_start3A_63 : memref<128x128xf32, #tpu.memory_space<vmem_shared>>) target_semaphore(%run_scoped3A : memref<!tpu.dma_semaphore, #tpu.memory_space<semaphore_mem>>)
      %dma_wait3A = arith.constant 0 : i32
      %dma_wait3A_64 = tpu.memref_slice %arg22[%add3A_1, %dma_wait3A] : memref<10112x128xf32, #tpu.memory_space<vmem_shared>> -> memref<128x128xf32, #tpu.memory_space<vmem_shared>>
      %dma_wait3A_65 = arith.constant 0 : i32
      %dma_wait3A_66 = tpu.memref_slice %arg22[%add3A_1, %dma_wait3A_65] : memref<10112x128xf32, #tpu.memory_space<vmem_shared>> -> memref<128x128xf32, #tpu.memory_space<vmem_shared>>
      tpu.wait_dma2 semaphore(%run_scoped3A : memref<!tpu.dma_semaphore, #tpu.memory_space<semaphore_mem>>) src(%arg20 : memref<128x128xf32, #tpu.memory_space<vmem>>) dst(%dma_wait3A_66 : memref<128x128xf32, #tpu.memory_space<vmem_shared>>)
      tpu.yield
    }) : () -> ()
    %add3A_2 = arith.constant 128 : i32
    %add3A_3 = arith.addi %mul3A_0, %add3A_2 : i32
    "tpu.region"() ({
      %run_scoped3A = tpu.sem_alloc : memref<!tpu.dma_semaphore, #tpu.memory_space<semaphore_mem>>
      %dma_start3A = arith.constant 0 : i32
      %dma_start3A_61 = tpu.memref_slice %arg22[%add3A_3, %dma_start3A] : memref<10112x128xf32, #tpu.memory_space<vmem_shared>> -> memref<128x128xf32, #tpu.memory_space<vmem_shared>>
      %dma_start3A_62 = arith.constant 0 : i32
      %dma_start3A_63 = tpu.memref_slice %arg22[%add3A_3, %dma_start3A_62] : memref<10112x128xf32, #tpu.memory_space<vmem_shared>> -> memref<128x128xf32, #tpu.memory_space<vmem_shared>>
      tpu.enqueue_dma source(%arg20 : memref<128x128xf32, #tpu.memory_space<vmem>>) target(%dma_start3A_63 : memref<128x128xf32, #tpu.memory_space<vmem_shared>>) target_semaphore(%run_scoped3A : memref<!tpu.dma_semaphore, #tpu.memory_space<semaphore_mem>>)
      %dma_wait3A = arith.constant 0 : i32
      %dma_wait3A_64 = tpu.memref_slice %arg22[%add3A_3, %dma_wait3A] : memref<10112x128xf32, #tpu.memory_space<vmem_shared>> -> memref<128x128xf32, #tpu.memory_space<vmem_shared>>
      %dma_wait3A_65 = arith.constant 0 : i32
      %dma_wait3A_66 = tpu.memref_slice %arg22[%add3A_3, %dma_wait3A_65] : memref<10112x128xf32, #tpu.memory_space<vmem_shared>> -> memref<128x128xf32, #tpu.memory_space<vmem_shared>>
      tpu.wait_dma2 semaphore(%run_scoped3A : memref<!tpu.dma_semaphore, #tpu.memory_space<semaphore_mem>>) src(%arg20 : memref<128x128xf32, #tpu.memory_space<vmem>>) dst(%dma_wait3A_66 : memref<128x128xf32, #tpu.memory_space<vmem_shared>>)
      tpu.yield
    }) : () -> ()
    %add3A_4 = arith.constant 256 : i32
    %add3A_5 = arith.addi %mul3A_0, %add3A_4 : i32
    "tpu.region"() ({
      %run_scoped3A = tpu.sem_alloc : memref<!tpu.dma_semaphore, #tpu.memory_space<semaphore_mem>>
      %dma_start3A = arith.constant 0 : i32
      %dma_start3A_61 = tpu.memref_slice %arg22[%add3A_5, %dma_start3A] : memref<10112x128xf32, #tpu.memory_space<vmem_shared>> -> memref<128x128xf32, #tpu.memory_space<vmem_shared>>
      %dma_start3A_62 = arith.constant 0 : i32
      %dma_start3A_63 = tpu.memref_slice %arg22[%add3A_5, %dma_start3A_62] : memref<10112x128xf32, #tpu.memory_space<vmem_shared>> -> memref<128x128xf32, #tpu.memory_space<vmem_shared>>
      tpu.enqueue_dma source(%arg20 : memref<128x128xf32, #tpu.memory_space<vmem>>) target(%dma_start3A_63 : memref<128x128xf32, #tpu.memory_space<vmem_shared>>) target_semaphore(%run_scoped3A : memref<!tpu.dma_semaphore, #tpu.memory_space<semaphore_mem>>)
      %dma_wait3A = arith.constant 0 : i32
      %dma_wait3A_64 = tpu.memref_slice %arg22[%add3A_5, %dma_wait3A] : memref<10112x128xf32, #tpu.memory_space<vmem_shared>> -> memref<128x128xf32, #tpu.memory_space<vmem_shared>>
      %dma_wait3A_65 = arith.constant 0 : i32
      %dma_wait3A_66 = tpu.memref_slice %arg22[%add3A_5, %dma_wait3A_65] : memref<10112x128xf32, #tpu.memory_space<vmem_shared>> -> memref<128x128xf32, #tpu.memory_space<vmem_shared>>
      tpu.wait_dma2 semaphore(%run_scoped3A : memref<!tpu.dma_semaphore, #tpu.memory_space<semaphore_mem>>) src(%arg20 : memref<128x128xf32, #tpu.memory_space<vmem>>) dst(%dma_wait3A_66 : memref<128x128xf32, #tpu.memory_space<vmem_shared>>)
      tpu.yield
    }) : () -> ()
    %add3A_6 = arith.constant 384 : i32
    %add3A_7 = arith.addi %mul3A_0, %add3A_6 : i32
    "tpu.region"() ({
      %run_scoped3A = tpu.sem_alloc : memref<!tpu.dma_semaphore, #tpu.memory_space<semaphore_mem>>
      %dma_start3A = arith.constant 0 : i32
      %dma_start3A_61 = tpu.memref_slice %arg22[%add3A_7, %dma_start3A] : memref<10112x128xf32, #tpu.memory_space<vmem_shared>> -> memref<128x128xf32, #tpu.memory_space<vmem_shared>>
      %dma_start3A_62 = arith.constant 0 : i32
      %dma_start3A_63 = tpu.memref_slice %arg22[%add3A_7, %dma_start3A_62] : memref<10112x128xf32, #tpu.memory_space<vmem_shared>> -> memref<128x128xf32, #tpu.memory_space<vmem_shared>>
      tpu.enqueue_dma source(%arg20 : memref<128x128xf32, #tpu.memory_space<vmem>>) target(%dma_start3A_63 : memref<128x128xf32, #tpu.memory_space<vmem_shared>>) target_semaphore(%run_scoped3A : memref<!tpu.dma_semaphore, #tpu.memory_space<semaphore_mem>>)
      %dma_wait3A = arith.constant 0 : i32
      %dma_wait3A_64 = tpu.memref_slice %arg22[%add3A_7, %dma_wait3A] : memref<10112x128xf32, #tpu.memory_space<vmem_shared>> -> memref<128x128xf32, #tpu.memory_space<vmem_shared>>
      %dma_wait3A_65 = arith.constant 0 : i32
      %dma_wait3A_66 = tpu.memref_slice %arg22[%add3A_7, %dma_wait3A_65] : memref<10112x128xf32, #tpu.memory_space<vmem_shared>> -> memref<128x128xf32, #tpu.memory_space<vmem_shared>>
      tpu.wait_dma2 semaphore(%run_scoped3A : memref<!tpu.dma_semaphore, #tpu.memory_space<semaphore_mem>>) src(%arg20 : memref<128x128xf32, #tpu.memory_space<vmem>>) dst(%dma_wait3A_66 : memref<128x128xf32, #tpu.memory_space<vmem_shared>>)
      tpu.yield
    }) : () -> ()
    %add3A_8 = arith.constant 512 : i32
    %add3A_9 = arith.addi %mul3A_0, %add3A_8 : i32
    "tpu.region"() ({
      %run_scoped3A = tpu.sem_alloc : memref<!tpu.dma_semaphore, #tpu.memory_space<semaphore_mem>>
      %dma_start3A = arith.constant 0 : i32
      %dma_start3A_61 = arith.constant 0 : i32
      %dma_start3A_62 = tpu.memref_slice %arg20[%dma_start3A, %dma_start3A_61] : memref<128x128xf32, #tpu.memory_space<vmem>> -> memref<120x128xf32, #tpu.memory_space<vmem>>
      %dma_start3A_63 = arith.constant 0 : i32
      %dma_start3A_64 = tpu.memref_slice %arg22[%add3A_9, %dma_start3A_63] : memref<10112x128xf32, #tpu.memory_space<vmem_shared>> -> memref<120x128xf32, #tpu.memory_space<vmem_shared>>
      %dma_start3A_65 = arith.constant 0 : i32
      %dma_start3A_66 = tpu.memref_slice %arg22[%add3A_9, %dma_start3A_65] : memref<10112x128xf32, #tpu.memory_space<vmem_shared>> -> memref<120x128xf32, #tpu.memory_space<vmem_shared>>
      %dma_start3A_67 = arith.constant 0 : i32
      %dma_start3A_68 = arith.constant 0 : i32
      %dma_start3A_69 = tpu.memref_slice %arg20[%dma_start3A_67, %dma_start3A_68] : memref<128x128xf32, #tpu.memory_space<vmem>> -> memref<120x128xf32, #tpu.memory_space<vmem>>
      tpu.enqueue_dma source(%dma_start3A_69 : memref<120x128xf32, #tpu.memory_space<vmem>>) target(%dma_start3A_66 : memref<120x128xf32, #tpu.memory_space<vmem_shared>>) target_semaphore(%run_scoped3A : memref<!tpu.dma_semaphore, #tpu.memory_space<semaphore_mem>>)
      %dma_wait3A = arith.constant 0 : i32
      %dma_wait3A_70 = arith.constant 0 : i32
      %dma_wait3A_71 = tpu.memref_slice %arg20[%dma_wait3A, %dma_wait3A_70] : memref<128x128xf32, #tpu.memory_space<vmem>> -> memref<120x128xf32, #tpu.memory_space<vmem>>
      %dma_wait3A_72 = arith.constant 0 : i32
      %dma_wait3A_73 = tpu.memref_slice %arg22[%add3A_9, %dma_wait3A_72] : memref<10112x128xf32, #tpu.memory_space<vmem_shared>> -> memref<120x128xf32, #tpu.memory_space<vmem_shared>>
      %dma_wait3A_74 = arith.constant 0 : i32
      %dma_wait3A_75 = tpu.memref_slice %arg22[%add3A_9, %dma_wait3A_74] : memref<10112x128xf32, #tpu.memory_space<vmem_shared>> -> memref<120x128xf32, #tpu.memory_space<vmem_shared>>
      %dma_wait3A_76 = arith.constant 0 : i32
      %dma_wait3A_77 = arith.constant 0 : i32
      %dma_wait3A_78 = tpu.memref_slice %arg20[%dma_wait3A_76, %dma_wait3A_77] : memref<128x128xf32, #tpu.memory_space<vmem>> -> memref<120x128xf32, #tpu.memory_space<vmem>>
      tpu.wait_dma2 semaphore(%run_scoped3A : memref<!tpu.dma_semaphore, #tpu.memory_space<semaphore_mem>>) src(%dma_wait3A_78 : memref<120x128xf32, #tpu.memory_space<vmem>>) dst(%dma_wait3A_75 : memref<120x128xf32, #tpu.memory_space<vmem_shared>>)
      tpu.yield
    }) : () -> ()
    %barrier3A = arith.constant 0 : index
    tpu.barrier barrier_id(%barrier3A)
    %eq3A = arith.constant 0 : i32
    %eq3A_10 = arith.cmpi eq, %arg0, %eq3A : i32
    %convert_element_type3A = arith.extui %eq3A_10 : i1 to i32
    %cond3A = arith.constant 0 : i32
    %cond3A_11 = arith.cmpi ne, %convert_element_type3A, %cond3A : i32
    scf.if %cond3A_11 {
      %run_scoped3A = arith.constant 0 : i32
      "tpu.region"() ({
        %run_scoped3A_74 = tpu.sem_alloc : memref<!tpu.dma_semaphore, #tpu.memory_space<semaphore_mem>>
        %dma_start3A_75 = arith.constant 0 : i32
        %dma_start3A_76 = tpu.memref_slice %arg4[%arg1, %run_scoped3A, %dma_start3A_75] : memref<16x160x128xi32, #tpu.memory_space<hbm>> -> memref<1x1x128xi32, #tpu.memory_space<hbm>>
        %dma_start3A_77 = tpu.memref_squeeze %dma_start3A_76 : memref<1x1x128xi32, #tpu.memory_space<hbm>> -> memref<128xi32, #tpu.memory_space<hbm>>
        %dma_start3A_78 = arith.constant 0 : i32
        %dma_start3A_79 = tpu.memref_slice %arg4[%arg1, %run_scoped3A, %dma_start3A_78] : memref<16x160x128xi32, #tpu.memory_space<hbm>> -> memref<1x1x128xi32, #tpu.memory_space<hbm>>
        %dma_start3A_80 = tpu.memref_squeeze %dma_start3A_79 : memref<1x1x128xi32, #tpu.memory_space<hbm>> -> memref<128xi32, #tpu.memory_space<hbm>>
        tpu.enqueue_dma source(%dma_start3A_80 : memref<128xi32, #tpu.memory_space<hbm>>) target(%arg14 : memref<128xi32, #tpu.memory_space<vmem>>) target_semaphore(%run_scoped3A_74 : memref<!tpu.dma_semaphore, #tpu.memory_space<semaphore_mem>>)
        %dma_wait3A_81 = arith.constant 0 : i32
        %dma_wait3A_82 = tpu.memref_slice %arg4[%arg1, %run_scoped3A, %dma_wait3A_81] : memref<16x160x128xi32, #tpu.memory_space<hbm>> -> memref<1x1x128xi32, #tpu.memory_space<hbm>>
        %dma_wait3A_83 = tpu.memref_squeeze %dma_wait3A_82 : memref<1x1x128xi32, #tpu.memory_space<hbm>> -> memref<128xi32, #tpu.memory_space<hbm>>
        %dma_wait3A_84 = arith.constant 0 : i32
        %dma_wait3A_85 = tpu.memref_slice %arg4[%arg1, %run_scoped3A, %dma_wait3A_84] : memref<16x160x128xi32, #tpu.memory_space<hbm>> -> memref<1x1x128xi32, #tpu.memory_space<hbm>>
        %dma_wait3A_86 = tpu.memref_squeeze %dma_wait3A_85 : memref<1x1x128xi32, #tpu.memory_space<hbm>> -> memref<128xi32, #tpu.memory_space<hbm>>
        tpu.wait_dma2 semaphore(%run_scoped3A_74 : memref<!tpu.dma_semaphore, #tpu.memory_space<semaphore_mem>>) src(%dma_wait3A_86 : memref<128xi32, #tpu.memory_space<hbm>>) dst(%arg14 : memref<128xi32, #tpu.memory_space<vmem>>)
        tpu.yield
      }) : () -> ()
      %run_scoped3A_61 = arith.constant 0 : i32
      "tpu.region"() ({
        %run_scoped3A_74 = tpu.sem_alloc : memref<!tpu.dma_semaphore, #tpu.memory_space<semaphore_mem>>
        %dma_start3A_75 = arith.constant 0 : i32
        %dma_start3A_76 = tpu.memref_slice %arg5[%arg1, %run_scoped3A_61, %dma_start3A_75] : memref<16x160x128xi32, #tpu.memory_space<hbm>> -> memref<1x1x128xi32, #tpu.memory_space<hbm>>
        %dma_start3A_77 = tpu.memref_squeeze %dma_start3A_76 : memref<1x1x128xi32, #tpu.memory_space<hbm>> -> memref<128xi32, #tpu.memory_space<hbm>>
        %dma_start3A_78 = arith.constant 0 : i32
        %dma_start3A_79 = tpu.memref_slice %arg5[%arg1, %run_scoped3A_61, %dma_start3A_78] : memref<16x160x128xi32, #tpu.memory_space<hbm>> -> memref<1x1x128xi32, #tpu.memory_space<hbm>>
        %dma_start3A_80 = tpu.memref_squeeze %dma_start3A_79 : memref<1x1x128xi32, #tpu.memory_space<hbm>> -> memref<128xi32, #tpu.memory_space<hbm>>
        tpu.enqueue_dma source(%dma_start3A_80 : memref<128xi32, #tpu.memory_space<hbm>>) target(%arg16 : memref<128xi32, #tpu.memory_space<vmem>>) target_semaphore(%run_scoped3A_74 : memref<!tpu.dma_semaphore, #tpu.memory_space<semaphore_mem>>)
        %dma_wait3A_81 = arith.constant 0 : i32
        %dma_wait3A_82 = tpu.memref_slice %arg5[%arg1, %run_scoped3A_61, %dma_wait3A_81] : memref<16x160x128xi32, #tpu.memory_space<hbm>> -> memref<1x1x128xi32, #tpu.memory_space<hbm>>
        %dma_wait3A_83 = tpu.memref_squeeze %dma_wait3A_82 : memref<1x1x128xi32, #tpu.memory_space<hbm>> -> memref<128xi32, #tpu.memory_space<hbm>>
        %dma_wait3A_84 = arith.constant 0 : i32
        %dma_wait3A_85 = tpu.memref_slice %arg5[%arg1, %run_scoped3A_61, %dma_wait3A_84] : memref<16x160x128xi32, #tpu.memory_space<hbm>> -> memref<1x1x128xi32, #tpu.memory_space<hbm>>
        %dma_wait3A_86 = tpu.memref_squeeze %dma_wait3A_85 : memref<1x1x128xi32, #tpu.memory_space<hbm>> -> memref<128xi32, #tpu.memory_space<hbm>>
        tpu.wait_dma2 semaphore(%run_scoped3A_74 : memref<!tpu.dma_semaphore, #tpu.memory_space<semaphore_mem>>) src(%dma_wait3A_86 : memref<128xi32, #tpu.memory_space<hbm>>) dst(%arg16 : memref<128xi32, #tpu.memory_space<vmem>>)
        tpu.yield
      }) : () -> ()
      %dma_start3A = arith.constant 0 : i32
      %dma_start3A_62 = arith.constant 0 : i32
      %dma_start3A_63 = tpu.memref_slice %arg2[%dma_start3A, %dma_start3A_62] : memref<10112x128xf32, #tpu.memory_space<hbm>> -> memref<10112x128xf32, #tpu.memory_space<hbm>>
      tpu.enqueue_indirect_dma source(%dma_start3A_63 : memref<10112x128xf32, #tpu.memory_space<hbm>>) target(%arg20 : memref<128x128xf32, #tpu.memory_space<vmem>>) offsets(%arg14 : memref<128xi32, #tpu.memory_space<vmem>>) semaphore(%arg23 : memref<!tpu.dma_semaphore, #tpu.memory_space<semaphore_mem>>)
      %dma_wait3A = arith.constant 0 : i32
      %dma_wait3A_64 = arith.constant 0 : i32
      %dma_wait3A_65 = tpu.memref_slice %arg2[%dma_wait3A, %dma_wait3A_64] : memref<10112x128xf32, #tpu.memory_space<hbm>> -> memref<10112x128xf32, #tpu.memory_space<hbm>>
      tpu.wait_indirect_dma semaphore(%arg23 : memref<!tpu.dma_semaphore, #tpu.memory_space<semaphore_mem>>) src(%dma_wait3A_65 : memref<10112x128xf32, #tpu.memory_space<hbm>>) dst(%arg20 : memref<128x128xf32, #tpu.memory_space<vmem>>)
      %run_scoped3A_66 = arith.constant 1 : i32
      "tpu.region"() ({
        %run_scoped3A_74 = tpu.sem_alloc : memref<!tpu.dma_semaphore, #tpu.memory_space<semaphore_mem>>
        %dma_start3A_75 = arith.constant 0 : i32
        %dma_start3A_76 = tpu.memref_slice %arg4[%arg1, %run_scoped3A_66, %dma_start3A_75] : memref<16x160x128xi32, #tpu.memory_space<hbm>> -> memref<1x1x128xi32, #tpu.memory_space<hbm>>
        %dma_start3A_77 = tpu.memref_squeeze %dma_start3A_76 : memref<1x1x128xi32, #tpu.memory_space<hbm>> -> memref<128xi32, #tpu.memory_space<hbm>>
        %dma_start3A_78 = arith.constant 0 : i32
        %dma_start3A_79 = tpu.memref_slice %arg4[%arg1, %run_scoped3A_66, %dma_start3A_78] : memref<16x160x128xi32, #tpu.memory_space<hbm>> -> memref<1x1x128xi32, #tpu.memory_space<hbm>>
        %dma_start3A_80 = tpu.memref_squeeze %dma_start3A_79 : memref<1x1x128xi32, #tpu.memory_space<hbm>> -> memref<128xi32, #tpu.memory_space<hbm>>
        tpu.enqueue_dma source(%dma_start3A_80 : memref<128xi32, #tpu.memory_space<hbm>>) target(%arg15 : memref<128xi32, #tpu.memory_space<vmem>>) target_semaphore(%run_scoped3A_74 : memref<!tpu.dma_semaphore, #tpu.memory_space<semaphore_mem>>)
        %dma_wait3A_81 = arith.constant 0 : i32
        %dma_wait3A_82 = tpu.memref_slice %arg4[%arg1, %run_scoped3A_66, %dma_wait3A_81] : memref<16x160x128xi32, #tpu.memory_space<hbm>> -> memref<1x1x128xi32, #tpu.memory_space<hbm>>
        %dma_wait3A_83 = tpu.memref_squeeze %dma_wait3A_82 : memref<1x1x128xi32, #tpu.memory_space<hbm>> -> memref<128xi32, #tpu.memory_space<hbm>>
        %dma_wait3A_84 = arith.constant 0 : i32
        %dma_wait3A_85 = tpu.memref_slice %arg4[%arg1, %run_scoped3A_66, %dma_wait3A_84] : memref<16x160x128xi32, #tpu.memory_space<hbm>> -> memref<1x1x128xi32, #tpu.memory_space<hbm>>
        %dma_wait3A_86 = tpu.memref_squeeze %dma_wait3A_85 : memref<1x1x128xi32, #tpu.memory_space<hbm>> -> memref<128xi32, #tpu.memory_space<hbm>>
        tpu.wait_dma2 semaphore(%run_scoped3A_74 : memref<!tpu.dma_semaphore, #tpu.memory_space<semaphore_mem>>) src(%dma_wait3A_86 : memref<128xi32, #tpu.memory_space<hbm>>) dst(%arg15 : memref<128xi32, #tpu.memory_space<vmem>>)
        tpu.yield
      }) : () -> ()
      %run_scoped3A_67 = arith.constant 1 : i32
      "tpu.region"() ({
        %run_scoped3A_74 = tpu.sem_alloc : memref<!tpu.dma_semaphore, #tpu.memory_space<semaphore_mem>>
        %dma_start3A_75 = arith.constant 0 : i32
        %dma_start3A_76 = tpu.memref_slice %arg5[%arg1, %run_scoped3A_67, %dma_start3A_75] : memref<16x160x128xi32, #tpu.memory_space<hbm>> -> memref<1x1x128xi32, #tpu.memory_space<hbm>>
        %dma_start3A_77 = tpu.memref_squeeze %dma_start3A_76 : memref<1x1x128xi32, #tpu.memory_space<hbm>> -> memref<128xi32, #tpu.memory_space<hbm>>
        %dma_start3A_78 = arith.constant 0 : i32
        %dma_start3A_79 = tpu.memref_slice %arg5[%arg1, %run_scoped3A_67, %dma_start3A_78] : memref<16x160x128xi32, #tpu.memory_space<hbm>> -> memref<1x1x128xi32, #tpu.memory_space<hbm>>
        %dma_start3A_80 = tpu.memref_squeeze %dma_start3A_79 : memref<1x1x128xi32, #tpu.memory_space<hbm>> -> memref<128xi32, #tpu.memory_space<hbm>>
        tpu.enqueue_dma source(%dma_start3A_80 : memref<128xi32, #tpu.memory_space<hbm>>) target(%arg17 : memref<128xi32, #tpu.memory_space<vmem>>) target_semaphore(%run_scoped3A_74 : memref<!tpu.dma_semaphore, #tpu.memory_space<semaphore_mem>>)
        %dma_wait3A_81 = arith.constant 0 : i32
        %dma_wait3A_82 = tpu.memref_slice %arg5[%arg1, %run_scoped3A_67, %dma_wait3A_81] : memref<16x160x128xi32, #tpu.memory_space<hbm>> -> memref<1x1x128xi32, #tpu.memory_space<hbm>>
        %dma_wait3A_83 = tpu.memref_squeeze %dma_wait3A_82 : memref<1x1x128xi32, #tpu.memory_space<hbm>> -> memref<128xi32, #tpu.memory_space<hbm>>
        %dma_wait3A_84 = arith.constant 0 : i32
        %dma_wait3A_85 = tpu.memref_slice %arg5[%arg1, %run_scoped3A_67, %dma_wait3A_84] : memref<16x160x128xi32, #tpu.memory_space<hbm>> -> memref<1x1x128xi32, #tpu.memory_space<hbm>>
        %dma_wait3A_86 = tpu.memref_squeeze %dma_wait3A_85 : memref<1x1x128xi32, #tpu.memory_space<hbm>> -> memref<128xi32, #tpu.memory_space<hbm>>
        tpu.wait_dma2 semaphore(%run_scoped3A_74 : memref<!tpu.dma_semaphore, #tpu.memory_space<semaphore_mem>>) src(%dma_wait3A_86 : memref<128xi32, #tpu.memory_space<hbm>>) dst(%arg17 : memref<128xi32, #tpu.memory_space<vmem>>)
        tpu.yield
      }) : () -> ()
      %scan3A = arith.constant 0 : i32
      %scan3A_68 = arith.constant 0 : i32
      %scan3A_69 = arith.constant 40 : i32
      %scan3A_70 = arith.addi %scan3A_68, %scan3A_69 : i32
      %scan3A_71 = arith.constant 1 : i32
      %scan3A_72 = scf.for %scan3A_74 = %scan3A_68 to %scan3A_70 step %scan3A_71 iter_args(%scan3A_75 = %scan3A) -> (i32)  : i32 {
        %mul3A_76 = arith.constant 4 : i32
        %mul3A_77 = arith.muli %mul3A_76, %scan3A_74 : i32
        %add3A_78 = arith.constant 0 : i32
        %add3A_79 = arith.addi %mul3A_77, %add3A_78 : i32
        %add3A_80 = arith.constant 1 : i32
        %add3A_81 = arith.addi %add3A_79, %add3A_80 : i32
        %lt3A = arith.constant 160 : i32
        %lt3A_82 = arith.cmpi slt, %add3A_81, %lt3A : i32
        %convert_element_type3A_83 = arith.extui %lt3A_82 : i1 to i32
        %cond3A_84 = arith.constant 0 : i32
        %cond3A_85 = arith.cmpi ne, %convert_element_type3A_83, %cond3A_84 : i32
        scf.if %cond3A_85 {
          %dma_start3A_147 = arith.constant 0 : i32
          %dma_start3A_148 = arith.constant 0 : i32
          %dma_start3A_149 = tpu.memref_slice %arg2[%dma_start3A_147, %dma_start3A_148] : memref<10112x128xf32, #tpu.memory_space<hbm>> -> memref<10112x128xf32, #tpu.memory_space<hbm>>
          tpu.enqueue_indirect_dma source(%dma_start3A_149 : memref<10112x128xf32, #tpu.memory_space<hbm>>) target(%arg21 : memref<128x128xf32, #tpu.memory_space<vmem>>) offsets(%arg15 : memref<128xi32, #tpu.memory_space<vmem>>) semaphore(%arg24 : memref<!tpu.dma_semaphore, #tpu.memory_space<semaphore_mem>>)
          %dma_start3A_150 = arith.constant 0 : i32
          %dma_start3A_151 = arith.constant 0 : i32
          %dma_start3A_152 = tpu.memref_slice %arg22[%dma_start3A_150, %dma_start3A_151] : memref<10112x128xf32, #tpu.memory_space<vmem_shared>> -> memref<10112x128xf32, #tpu.memory_space<vmem_shared>>
          tpu.enqueue_indirect_dma source(%arg20 : memref<128x128xf32, #tpu.memory_space<vmem>>) target(%dma_start3A_152 : memref<10112x128xf32, #tpu.memory_space<vmem_shared>>) offsets(%arg16 : memref<128xi32, #tpu.memory_space<vmem>>) semaphore(%arg25 : memref<!tpu.dma_semaphore, #tpu.memory_space<semaphore_mem>>) {add = true}
          %add3A_153 = arith.constant 2 : i32
          %add3A_154 = arith.addi %add3A_79, %add3A_153 : i32
          %lt3A_155 = arith.constant 160 : i32
          %lt3A_156 = arith.cmpi slt, %add3A_154, %lt3A_155 : i32
          %convert_element_type3A_157 = arith.extui %lt3A_156 : i1 to i32
          %cond3A_158 = arith.constant 0 : i32
          %cond3A_159 = arith.cmpi ne, %convert_element_type3A_157, %cond3A_158 : i32
          scf.if %cond3A_159 {
            %add3A_166 = arith.constant 2 : i32
            %add3A_167 = arith.addi %add3A_79, %add3A_166 : i32
            "tpu.region"() ({
              %run_scoped3A_170 = tpu.sem_alloc : memref<!tpu.dma_semaphore, #tpu.memory_space<semaphore_mem>>
              %dma_start3A_171 = arith.constant 0 : i32
              %dma_start3A_172 = tpu.memref_slice %arg4[%arg1, %add3A_167, %dma_start3A_171] : memref<16x160x128xi32, #tpu.memory_space<hbm>> -> memref<1x1x128xi32, #tpu.memory_space<hbm>>
              %dma_start3A_173 = tpu.memref_squeeze %dma_start3A_172 : memref<1x1x128xi32, #tpu.memory_space<hbm>> -> memref<128xi32, #tpu.memory_space<hbm>>
              %dma_start3A_174 = arith.constant 0 : i32
              %dma_start3A_175 = tpu.memref_slice %arg4[%arg1, %add3A_167, %dma_start3A_174] : memref<16x160x128xi32, #tpu.memory_space<hbm>> -> memref<1x1x128xi32, #tpu.memory_space<hbm>>
              %dma_start3A_176 = tpu.memref_squeeze %dma_start3A_175 : memref<1x1x128xi32, #tpu.memory_space<hbm>> -> memref<128xi32, #tpu.memory_space<hbm>>
              tpu.enqueue_dma source(%dma_start3A_176 : memref<128xi32, #tpu.memory_space<hbm>>) target(%arg14 : memref<128xi32, #tpu.memory_space<vmem>>) target_semaphore(%run_scoped3A_170 : memref<!tpu.dma_semaphore, #tpu.memory_space<semaphore_mem>>)
              %dma_wait3A_177 = arith.constant 0 : i32
              %dma_wait3A_178 = tpu.memref_slice %arg4[%arg1, %add3A_167, %dma_wait3A_177] : memref<16x160x128xi32, #tpu.memory_space<hbm>> -> memref<1x1x128xi32, #tpu.memory_space<hbm>>
              %dma_wait3A_179 = tpu.memref_squeeze %dma_wait3A_178 : memref<1x1x128xi32, #tpu.memory_space<hbm>> -> memref<128xi32, #tpu.memory_space<hbm>>
              %dma_wait3A_180 = arith.constant 0 : i32
              %dma_wait3A_181 = tpu.memref_slice %arg4[%arg1, %add3A_167, %dma_wait3A_180] : memref<16x160x128xi32, #tpu.memory_space<hbm>> -> memref<1x1x128xi32, #tpu.memory_space<hbm>>
              %dma_wait3A_182 = tpu.memref_squeeze %dma_wait3A_181 : memref<1x1x128xi32, #tpu.memory_space<hbm>> -> memref<128xi32, #tpu.memory_space<hbm>>
              tpu.wait_dma2 semaphore(%run_scoped3A_170 : memref<!tpu.dma_semaphore, #tpu.memory_space<semaphore_mem>>) src(%dma_wait3A_182 : memref<128xi32, #tpu.memory_space<hbm>>) dst(%arg14 : memref<128xi32, #tpu.memory_space<vmem>>)
              tpu.yield
            }) : () -> ()
            %add3A_168 = arith.constant 2 : i32
            %add3A_169 = arith.addi %add3A_79, %add3A_168 : i32
            "tpu.region"() ({
              %run_scoped3A_170 = tpu.sem_alloc : memref<!tpu.dma_semaphore, #tpu.memory_space<semaphore_mem>>
              %dma_start3A_171 = arith.constant 0 : i32
              %dma_start3A_172 = tpu.memref_slice %arg5[%arg1, %add3A_169, %dma_start3A_171] : memref<16x160x128xi32, #tpu.memory_space<hbm>> -> memref<1x1x128xi32, #tpu.memory_space<hbm>>
              %dma_start3A_173 = tpu.memref_squeeze %dma_start3A_172 : memref<1x1x128xi32, #tpu.memory_space<hbm>> -> memref<128xi32, #tpu.memory_space<hbm>>
              %dma_start3A_174 = arith.constant 0 : i32
              %dma_start3A_175 = tpu.memref_slice %arg5[%arg1, %add3A_169, %dma_start3A_174] : memref<16x160x128xi32, #tpu.memory_space<hbm>> -> memref<1x1x128xi32, #tpu.memory_space<hbm>>
              %dma_start3A_176 = tpu.memref_squeeze %dma_start3A_175 : memref<1x1x128xi32, #tpu.memory_space<hbm>> -> memref<128xi32, #tpu.memory_space<hbm>>
              tpu.enqueue_dma source(%dma_start3A_176 : memref<128xi32, #tpu.memory_space<hbm>>) target(%arg18 : memref<128xi32, #tpu.memory_space<vmem>>) target_semaphore(%run_scoped3A_170 : memref<!tpu.dma_semaphore, #tpu.memory_space<semaphore_mem>>)
              %dma_wait3A_177 = arith.constant 0 : i32
              %dma_wait3A_178 = tpu.memref_slice %arg5[%arg1, %add3A_169, %dma_wait3A_177] : memref<16x160x128xi32, #tpu.memory_space<hbm>> -> memref<1x1x128xi32, #tpu.memory_space<hbm>>
              %dma_wait3A_179 = tpu.memref_squeeze %dma_wait3A_178 : memref<1x1x128xi32, #tpu.memory_space<hbm>> -> memref<128xi32, #tpu.memory_space<hbm>>
              %dma_wait3A_180 = arith.constant 0 : i32
              %dma_wait3A_181 = tpu.memref_slice %arg5[%arg1, %add3A_169, %dma_wait3A_180] : memref<16x160x128xi32, #tpu.memory_space<hbm>> -> memref<1x1x128xi32, #tpu.memory_space<hbm>>
              %dma_wait3A_182 = tpu.memref_squeeze %dma_wait3A_181 : memref<1x1x128xi32, #tpu.memory_space<hbm>> -> memref<128xi32, #tpu.memory_space<hbm>>
              tpu.wait_dma2 semaphore(%run_scoped3A_170 : memref<!tpu.dma_semaphore, #tpu.memory_space<semaphore_mem>>) src(%dma_wait3A_182 : memref<128xi32, #tpu.memory_space<hbm>>) dst(%arg18 : memref<128xi32, #tpu.memory_space<vmem>>)
              tpu.yield
            }) : () -> ()
          } else {
          }
          %dma_wait3A_160 = arith.constant 0 : i32
          %dma_wait3A_161 = arith.constant 0 : i32
          %dma_wait3A_162 = tpu.memref_slice %arg22[%dma_wait3A_160, %dma_wait3A_161] : memref<10112x128xf32, #tpu.memory_space<vmem_shared>> -> memref<10112x128xf32, #tpu.memory_space<vmem_shared>>
          tpu.wait_indirect_dma semaphore(%arg25 : memref<!tpu.dma_semaphore, #tpu.memory_space<semaphore_mem>>) src(%arg20 : memref<128x128xf32, #tpu.memory_space<vmem>>) dst(%dma_wait3A_162 : memref<10112x128xf32, #tpu.memory_space<vmem_shared>>)
          %dma_wait3A_163 = arith.constant 0 : i32
          %dma_wait3A_164 = arith.constant 0 : i32
          %dma_wait3A_165 = tpu.memref_slice %arg2[%dma_wait3A_163, %dma_wait3A_164] : memref<10112x128xf32, #tpu.memory_space<hbm>> -> memref<10112x128xf32, #tpu.memory_space<hbm>>
          tpu.wait_indirect_dma semaphore(%arg24 : memref<!tpu.dma_semaphore, #tpu.memory_space<semaphore_mem>>) src(%dma_wait3A_165 : memref<10112x128xf32, #tpu.memory_space<hbm>>) dst(%arg21 : memref<128x128xf32, #tpu.memory_space<vmem>>)
        } else {
        }
        %add3A_86 = arith.constant 1 : i32
        %add3A_87 = arith.addi %add3A_79, %add3A_86 : i32
        %ge3A = arith.constant 160 : i32
        %ge3A_88 = arith.cmpi sge, %add3A_87, %ge3A : i32
        %convert_element_type3A_89 = arith.extui %ge3A_88 : i1 to i32
        %cond3A_90 = arith.constant 0 : i32
        %cond3A_91 = arith.cmpi ne, %convert_element_type3A_89, %cond3A_90 : i32
        scf.if %cond3A_91 {
          "tpu.region"() ({
            %run_scoped3A_147 = tpu.sem_alloc : memref<!tpu.dma_semaphore, #tpu.memory_space<semaphore_mem>>
            %dma_start3A_148 = arith.constant 0 : i32
            %dma_start3A_149 = arith.constant 0 : i32
            %dma_start3A_150 = tpu.memref_slice %arg22[%dma_start3A_148, %dma_start3A_149] : memref<10112x128xf32, #tpu.memory_space<vmem_shared>> -> memref<10112x128xf32, #tpu.memory_space<vmem_shared>>
            tpu.enqueue_indirect_dma source(%arg20 : memref<128x128xf32, #tpu.memory_space<vmem>>) target(%dma_start3A_150 : memref<10112x128xf32, #tpu.memory_space<vmem_shared>>) offsets(%arg16 : memref<128xi32, #tpu.memory_space<vmem>>) semaphore(%run_scoped3A_147 : memref<!tpu.dma_semaphore, #tpu.memory_space<semaphore_mem>>) {add = true}
            %dma_wait3A_151 = arith.constant 0 : i32
            %dma_wait3A_152 = arith.constant 0 : i32
            %dma_wait3A_153 = tpu.memref_slice %arg22[%dma_wait3A_151, %dma_wait3A_152] : memref<10112x128xf32, #tpu.memory_space<vmem_shared>> -> memref<10112x128xf32, #tpu.memory_space<vmem_shared>>
            tpu.wait_indirect_dma semaphore(%run_scoped3A_147 : memref<!tpu.dma_semaphore, #tpu.memory_space<semaphore_mem>>) src(%arg20 : memref<128x128xf32, #tpu.memory_space<vmem>>) dst(%dma_wait3A_153 : memref<10112x128xf32, #tpu.memory_space<vmem_shared>>)
            tpu.yield
          }) : () -> ()
        } else {
        }
        %mul3A_92 = arith.constant 4 : i32
        %mul3A_93 = arith.muli %mul3A_92, %scan3A_74 : i32
        %add3A_94 = arith.constant 1 : i32
        %add3A_95 = arith.addi %mul3A_93, %add3A_94 : i32
        %add3A_96 = arith.constant 1 : i32
        %add3A_97 = arith.addi %add3A_95, %add3A_96 : i32
        %lt3A_98 = arith.constant 160 : i32
        %lt3A_99 = arith.cmpi slt, %add3A_97, %lt3A_98 : i32
        %convert_element_type3A_100 = arith.extui %lt3A_99 : i1 to i32
        %cond3A_101 = arith.constant 0 : i32
        %cond3A_102 = arith.cmpi ne, %convert_element_type3A_100, %cond3A_101 : i32
        scf.if %cond3A_102 {
          %dma_start3A_147 = arith.constant 0 : i32
          %dma_start3A_148 = arith.constant 0 : i32
          %dma_start3A_149 = tpu.memref_slice %arg2[%dma_start3A_147, %dma_start3A_148] : memref<10112x128xf32, #tpu.memory_space<hbm>> -> memref<10112x128xf32, #tpu.memory_space<hbm>>
          tpu.enqueue_indirect_dma source(%dma_start3A_149 : memref<10112x128xf32, #tpu.memory_space<hbm>>) target(%arg20 : memref<128x128xf32, #tpu.memory_space<vmem>>) offsets(%arg14 : memref<128xi32, #tpu.memory_space<vmem>>) semaphore(%arg23 : memref<!tpu.dma_semaphore, #tpu.memory_space<semaphore_mem>>)
          %dma_start3A_150 = arith.constant 0 : i32
          %dma_start3A_151 = arith.constant 0 : i32
          %dma_start3A_152 = tpu.memref_slice %arg22[%dma_start3A_150, %dma_start3A_151] : memref<10112x128xf32, #tpu.memory_space<vmem_shared>> -> memref<10112x128xf32, #tpu.memory_space<vmem_shared>>
          tpu.enqueue_indirect_dma source(%arg21 : memref<128x128xf32, #tpu.memory_space<vmem>>) target(%dma_start3A_152 : memref<10112x128xf32, #tpu.memory_space<vmem_shared>>) offsets(%arg17 : memref<128xi32, #tpu.memory_space<vmem>>) semaphore(%arg25 : memref<!tpu.dma_semaphore, #tpu.memory_space<semaphore_mem>>) {add = true}
          %add3A_153 = arith.constant 2 : i32
          %add3A_154 = arith.addi %add3A_95, %add3A_153 : i32
          %lt3A_155 = arith.constant 160 : i32
          %lt3A_156 = arith.cmpi slt, %add3A_154, %lt3A_155 : i32
          %convert_element_type3A_157 = arith.extui %lt3A_156 : i1 to i32
          %cond3A_158 = arith.constant 0 : i32
          %cond3A_159 = arith.cmpi ne, %convert_element_type3A_157, %cond3A_158 : i32
          scf.if %cond3A_159 {
            %add3A_166 = arith.constant 2 : i32
            %add3A_167 = arith.addi %add3A_95, %add3A_166 : i32
            "tpu.region"() ({
              %run_scoped3A_170 = tpu.sem_alloc : memref<!tpu.dma_semaphore, #tpu.memory_space<semaphore_mem>>
              %dma_start3A_171 = arith.constant 0 : i32
              %dma_start3A_172 = tpu.memref_slice %arg4[%arg1, %add3A_167, %dma_start3A_171] : memref<16x160x128xi32, #tpu.memory_space<hbm>> -> memref<1x1x128xi32, #tpu.memory_space<hbm>>
              %dma_start3A_173 = tpu.memref_squeeze %dma_start3A_172 : memref<1x1x128xi32, #tpu.memory_space<hbm>> -> memref<128xi32, #tpu.memory_space<hbm>>
              %dma_start3A_174 = arith.constant 0 : i32
              %dma_start3A_175 = tpu.memref_slice %arg4[%arg1, %add3A_167, %dma_start3A_174] : memref<16x160x128xi32, #tpu.memory_space<hbm>> -> memref<1x1x128xi32, #tpu.memory_space<hbm>>
              %dma_start3A_176 = tpu.memref_squeeze %dma_start3A_175 : memref<1x1x128xi32, #tpu.memory_space<hbm>> -> memref<128xi32, #tpu.memory_space<hbm>>
              tpu.enqueue_dma source(%dma_start3A_176 : memref<128xi32, #tpu.memory_space<hbm>>) target(%arg15 : memref<128xi32, #tpu.memory_space<vmem>>) target_semaphore(%run_scoped3A_170 : memref<!tpu.dma_semaphore, #tpu.memory_space<semaphore_mem>>)
              %dma_wait3A_177 = arith.constant 0 : i32
              %dma_wait3A_178 = tpu.memref_slice %arg4[%arg1, %add3A_167, %dma_wait3A_177] : memref<16x160x128xi32, #tpu.memory_space<hbm>> -> memref<1x1x128xi32, #tpu.memory_space<hbm>>
              %dma_wait3A_179 = tpu.memref_squeeze %dma_wait3A_178 : memref<1x1x128xi32, #tpu.memory_space<hbm>> -> memref<128xi32, #tpu.memory_space<hbm>>
              %dma_wait3A_180 = arith.constant 0 : i32
              %dma_wait3A_181 = tpu.memref_slice %arg4[%arg1, %add3A_167, %dma_wait3A_180] : memref<16x160x128xi32, #tpu.memory_space<hbm>> -> memref<1x1x128xi32, #tpu.memory_space<hbm>>
              %dma_wait3A_182 = tpu.memref_squeeze %dma_wait3A_181 : memref<1x1x128xi32, #tpu.memory_space<hbm>> -> memref<128xi32, #tpu.memory_space<hbm>>
              tpu.wait_dma2 semaphore(%run_scoped3A_170 : memref<!tpu.dma_semaphore, #tpu.memory_space<semaphore_mem>>) src(%dma_wait3A_182 : memref<128xi32, #tpu.memory_space<hbm>>) dst(%arg15 : memref<128xi32, #tpu.memory_space<vmem>>)
              tpu.yield
            }) : () -> ()
            %add3A_168 = arith.constant 2 : i32
            %add3A_169 = arith.addi %add3A_95, %add3A_168 : i32
            "tpu.region"() ({
              %run_scoped3A_170 = tpu.sem_alloc : memref<!tpu.dma_semaphore, #tpu.memory_space<semaphore_mem>>
              %dma_start3A_171 = arith.constant 0 : i32
              %dma_start3A_172 = tpu.memref_slice %arg5[%arg1, %add3A_169, %dma_start3A_171] : memref<16x160x128xi32, #tpu.memory_space<hbm>> -> memref<1x1x128xi32, #tpu.memory_space<hbm>>
              %dma_start3A_173 = tpu.memref_squeeze %dma_start3A_172 : memref<1x1x128xi32, #tpu.memory_space<hbm>> -> memref<128xi32, #tpu.memory_space<hbm>>
              %dma_start3A_174 = arith.constant 0 : i32
              %dma_start3A_175 = tpu.memref_slice %arg5[%arg1, %add3A_169, %dma_start3A_174] : memref<16x160x128xi32, #tpu.memory_space<hbm>> -> memref<1x1x128xi32, #tpu.memory_space<hbm>>
              %dma_start3A_176 = tpu.memref_squeeze %dma_start3A_175 : memref<1x1x128xi32, #tpu.memory_space<hbm>> -> memref<128xi32, #tpu.memory_space<hbm>>
              tpu.enqueue_dma source(%dma_start3A_176 : memref<128xi32, #tpu.memory_space<hbm>>) target(%arg19 : memref<128xi32, #tpu.memory_space<vmem>>) target_semaphore(%run_scoped3A_170 : memref<!tpu.dma_semaphore, #tpu.memory_space<semaphore_mem>>)
              %dma_wait3A_177 = arith.constant 0 : i32
              %dma_wait3A_178 = tpu.memref_slice %arg5[%arg1, %add3A_169, %dma_wait3A_177] : memref<16x160x128xi32, #tpu.memory_space<hbm>> -> memref<1x1x128xi32, #tpu.memory_space<hbm>>
              %dma_wait3A_179 = tpu.memref_squeeze %dma_wait3A_178 : memref<1x1x128xi32, #tpu.memory_space<hbm>> -> memref<128xi32, #tpu.memory_space<hbm>>
              %dma_wait3A_180 = arith.constant 0 : i32
              %dma_wait3A_181 = tpu.memref_slice %arg5[%arg1, %add3A_169, %dma_wait3A_180] : memref<16x160x128xi32, #tpu.memory_space<hbm>> -> memref<1x1x128xi32, #tpu.memory_space<hbm>>
              %dma_wait3A_182 = tpu.memref_squeeze %dma_wait3A_181 : memref<1x1x128xi32, #tpu.memory_space<hbm>> -> memref<128xi32, #tpu.memory_space<hbm>>
              tpu.wait_dma2 semaphore(%run_scoped3A_170 : memref<!tpu.dma_semaphore, #tpu.memory_space<semaphore_mem>>) src(%dma_wait3A_182 : memref<128xi32, #tpu.memory_space<hbm>>) dst(%arg19 : memref<128xi32, #tpu.memory_space<vmem>>)
              tpu.yield
            }) : () -> ()
          } else {
          }
          %dma_wait3A_160 = arith.constant 0 : i32
          %dma_wait3A_161 = arith.constant 0 : i32
          %dma_wait3A_162 = tpu.memref_slice %arg22[%dma_wait3A_160, %dma_wait3A_161] : memref<10112x128xf32, #tpu.memory_space<vmem_shared>> -> memref<10112x128xf32, #tpu.memory_space<vmem_shared>>
          tpu.wait_indirect_dma semaphore(%arg25 : memref<!tpu.dma_semaphore, #tpu.memory_space<semaphore_mem>>) src(%arg21 : memref<128x128xf32, #tpu.memory_space<vmem>>) dst(%dma_wait3A_162 : memref<10112x128xf32, #tpu.memory_space<vmem_shared>>)
          %dma_wait3A_163 = arith.constant 0 : i32
          %dma_wait3A_164 = arith.constant 0 : i32
          %dma_wait3A_165 = tpu.memref_slice %arg2[%dma_wait3A_163, %dma_wait3A_164] : memref<10112x128xf32, #tpu.memory_space<hbm>> -> memref<10112x128xf32, #tpu.memory_space<hbm>>
          tpu.wait_indirect_dma semaphore(%arg23 : memref<!tpu.dma_semaphore, #tpu.memory_space<semaphore_mem>>) src(%dma_wait3A_165 : memref<10112x128xf32, #tpu.memory_space<hbm>>) dst(%arg20 : memref<128x128xf32, #tpu.memory_space<vmem>>)
        } else {
        }
        %add3A_103 = arith.constant 1 : i32
        %add3A_104 = arith.addi %add3A_95, %add3A_103 : i32
        %ge3A_105 = arith.constant 160 : i32
        %ge3A_106 = arith.cmpi sge, %add3A_104, %ge3A_105 : i32
        %convert_element_type3A_107 = arith.extui %ge3A_106 : i1 to i32
        %cond3A_108 = arith.constant 0 : i32
        %cond3A_109 = arith.cmpi ne, %convert_element_type3A_107, %cond3A_108 : i32
        scf.if %cond3A_109 {
          "tpu.region"() ({
            %run_scoped3A_147 = tpu.sem_alloc : memref<!tpu.dma_semaphore, #tpu.memory_space<semaphore_mem>>
            %dma_start3A_148 = arith.constant 0 : i32
            %dma_start3A_149 = arith.constant 0 : i32
            %dma_start3A_150 = tpu.memref_slice %arg22[%dma_start3A_148, %dma_start3A_149] : memref<10112x128xf32, #tpu.memory_space<vmem_shared>> -> memref<10112x128xf32, #tpu.memory_space<vmem_shared>>
            tpu.enqueue_indirect_dma source(%arg21 : memref<128x128xf32, #tpu.memory_space<vmem>>) target(%dma_start3A_150 : memref<10112x128xf32, #tpu.memory_space<vmem_shared>>) offsets(%arg17 : memref<128xi32, #tpu.memory_space<vmem>>) semaphore(%run_scoped3A_147 : memref<!tpu.dma_semaphore, #tpu.memory_space<semaphore_mem>>) {add = true}
            %dma_wait3A_151 = arith.constant 0 : i32
            %dma_wait3A_152 = arith.constant 0 : i32
            %dma_wait3A_153 = tpu.memref_slice %arg22[%dma_wait3A_151, %dma_wait3A_152] : memref<10112x128xf32, #tpu.memory_space<vmem_shared>> -> memref<10112x128xf32, #tpu.memory_space<vmem_shared>>
            tpu.wait_indirect_dma semaphore(%run_scoped3A_147 : memref<!tpu.dma_semaphore, #tpu.memory_space<semaphore_mem>>) src(%arg21 : memref<128x128xf32, #tpu.memory_space<vmem>>) dst(%dma_wait3A_153 : memref<10112x128xf32, #tpu.memory_space<vmem_shared>>)
            tpu.yield
          }) : () -> ()
        } else {
        }
        %mul3A_110 = arith.constant 4 : i32
        %mul3A_111 = arith.muli %mul3A_110, %scan3A_74 : i32
        %add3A_112 = arith.constant 2 : i32
        %add3A_113 = arith.addi %mul3A_111, %add3A_112 : i32
        %add3A_114 = arith.constant 1 : i32
        %add3A_115 = arith.addi %add3A_113, %add3A_114 : i32
        %lt3A_116 = arith.constant 160 : i32
        %lt3A_117 = arith.cmpi slt, %add3A_115, %lt3A_116 : i32
        %convert_element_type3A_118 = arith.extui %lt3A_117 : i1 to i32
        %cond3A_119 = arith.constant 0 : i32
        %cond3A_120 = arith.cmpi ne, %convert_element_type3A_118, %cond3A_119 : i32
        scf.if %cond3A_120 {
          %dma_start3A_147 = arith.constant 0 : i32
          %dma_start3A_148 = arith.constant 0 : i32
          %dma_start3A_149 = tpu.memref_slice %arg2[%dma_start3A_147, %dma_start3A_148] : memref<10112x128xf32, #tpu.memory_space<hbm>> -> memref<10112x128xf32, #tpu.memory_space<hbm>>
          tpu.enqueue_indirect_dma source(%dma_start3A_149 : memref<10112x128xf32, #tpu.memory_space<hbm>>) target(%arg21 : memref<128x128xf32, #tpu.memory_space<vmem>>) offsets(%arg15 : memref<128xi32, #tpu.memory_space<vmem>>) semaphore(%arg24 : memref<!tpu.dma_semaphore, #tpu.memory_space<semaphore_mem>>)
          %dma_start3A_150 = arith.constant 0 : i32
          %dma_start3A_151 = arith.constant 0 : i32
          %dma_start3A_152 = tpu.memref_slice %arg22[%dma_start3A_150, %dma_start3A_151] : memref<10112x128xf32, #tpu.memory_space<vmem_shared>> -> memref<10112x128xf32, #tpu.memory_space<vmem_shared>>
          tpu.enqueue_indirect_dma source(%arg20 : memref<128x128xf32, #tpu.memory_space<vmem>>) target(%dma_start3A_152 : memref<10112x128xf32, #tpu.memory_space<vmem_shared>>) offsets(%arg18 : memref<128xi32, #tpu.memory_space<vmem>>) semaphore(%arg25 : memref<!tpu.dma_semaphore, #tpu.memory_space<semaphore_mem>>) {add = true}
          %add3A_153 = arith.constant 2 : i32
          %add3A_154 = arith.addi %add3A_113, %add3A_153 : i32
          %lt3A_155 = arith.constant 160 : i32
          %lt3A_156 = arith.cmpi slt, %add3A_154, %lt3A_155 : i32
          %convert_element_type3A_157 = arith.extui %lt3A_156 : i1 to i32
          %cond3A_158 = arith.constant 0 : i32
          %cond3A_159 = arith.cmpi ne, %convert_element_type3A_157, %cond3A_158 : i32
          scf.if %cond3A_159 {
            %add3A_166 = arith.constant 2 : i32
            %add3A_167 = arith.addi %add3A_113, %add3A_166 : i32
            "tpu.region"() ({
              %run_scoped3A_170 = tpu.sem_alloc : memref<!tpu.dma_semaphore, #tpu.memory_space<semaphore_mem>>
              %dma_start3A_171 = arith.constant 0 : i32
              %dma_start3A_172 = tpu.memref_slice %arg4[%arg1, %add3A_167, %dma_start3A_171] : memref<16x160x128xi32, #tpu.memory_space<hbm>> -> memref<1x1x128xi32, #tpu.memory_space<hbm>>
              %dma_start3A_173 = tpu.memref_squeeze %dma_start3A_172 : memref<1x1x128xi32, #tpu.memory_space<hbm>> -> memref<128xi32, #tpu.memory_space<hbm>>
              %dma_start3A_174 = arith.constant 0 : i32
              %dma_start3A_175 = tpu.memref_slice %arg4[%arg1, %add3A_167, %dma_start3A_174] : memref<16x160x128xi32, #tpu.memory_space<hbm>> -> memref<1x1x128xi32, #tpu.memory_space<hbm>>
              %dma_start3A_176 = tpu.memref_squeeze %dma_start3A_175 : memref<1x1x128xi32, #tpu.memory_space<hbm>> -> memref<128xi32, #tpu.memory_space<hbm>>
              tpu.enqueue_dma source(%dma_start3A_176 : memref<128xi32, #tpu.memory_space<hbm>>) target(%arg14 : memref<128xi32, #tpu.memory_space<vmem>>) target_semaphore(%run_scoped3A_170 : memref<!tpu.dma_semaphore, #tpu.memory_space<semaphore_mem>>)
              %dma_wait3A_177 = arith.constant 0 : i32
              %dma_wait3A_178 = tpu.memref_slice %arg4[%arg1, %add3A_167, %dma_wait3A_177] : memref<16x160x128xi32, #tpu.memory_space<hbm>> -> memref<1x1x128xi32, #tpu.memory_space<hbm>>
              %dma_wait3A_179 = tpu.memref_squeeze %dma_wait3A_178 : memref<1x1x128xi32, #tpu.memory_space<hbm>> -> memref<128xi32, #tpu.memory_space<hbm>>
              %dma_wait3A_180 = arith.constant 0 : i32
              %dma_wait3A_181 = tpu.memref_slice %arg4[%arg1, %add3A_167, %dma_wait3A_180] : memref<16x160x128xi32, #tpu.memory_space<hbm>> -> memref<1x1x128xi32, #tpu.memory_space<hbm>>
              %dma_wait3A_182 = tpu.memref_squeeze %dma_wait3A_181 : memref<1x1x128xi32, #tpu.memory_space<hbm>> -> memref<128xi32, #tpu.memory_space<hbm>>
              tpu.wait_dma2 semaphore(%run_scoped3A_170 : memref<!tpu.dma_semaphore, #tpu.memory_space<semaphore_mem>>) src(%dma_wait3A_182 : memref<128xi32, #tpu.memory_space<hbm>>) dst(%arg14 : memref<128xi32, #tpu.memory_space<vmem>>)
              tpu.yield
            }) : () -> ()
            %add3A_168 = arith.constant 2 : i32
            %add3A_169 = arith.addi %add3A_113, %add3A_168 : i32
            "tpu.region"() ({
              %run_scoped3A_170 = tpu.sem_alloc : memref<!tpu.dma_semaphore, #tpu.memory_space<semaphore_mem>>
              %dma_start3A_171 = arith.constant 0 : i32
              %dma_start3A_172 = tpu.memref_slice %arg5[%arg1, %add3A_169, %dma_start3A_171] : memref<16x160x128xi32, #tpu.memory_space<hbm>> -> memref<1x1x128xi32, #tpu.memory_space<hbm>>
              %dma_start3A_173 = tpu.memref_squeeze %dma_start3A_172 : memref<1x1x128xi32, #tpu.memory_space<hbm>> -> memref<128xi32, #tpu.memory_space<hbm>>
              %dma_start3A_174 = arith.constant 0 : i32
              %dma_start3A_175 = tpu.memref_slice %arg5[%arg1, %add3A_169, %dma_start3A_174] : memref<16x160x128xi32, #tpu.memory_space<hbm>> -> memref<1x1x128xi32, #tpu.memory_space<hbm>>
              %dma_start3A_176 = tpu.memref_squeeze %dma_start3A_175 : memref<1x1x128xi32, #tpu.memory_space<hbm>> -> memref<128xi32, #tpu.memory_space<hbm>>
              tpu.enqueue_dma source(%dma_start3A_176 : memref<128xi32, #tpu.memory_space<hbm>>) target(%arg16 : memref<128xi32, #tpu.memory_space<vmem>>) target_semaphore(%run_scoped3A_170 : memref<!tpu.dma_semaphore, #tpu.memory_space<semaphore_mem>>)
              %dma_wait3A_177 = arith.constant 0 : i32
              %dma_wait3A_178 = tpu.memref_slice %arg5[%arg1, %add3A_169, %dma_wait3A_177] : memref<16x160x128xi32, #tpu.memory_space<hbm>> -> memref<1x1x128xi32, #tpu.memory_space<hbm>>
              %dma_wait3A_179 = tpu.memref_squeeze %dma_wait3A_178 : memref<1x1x128xi32, #tpu.memory_space<hbm>> -> memref<128xi32, #tpu.memory_space<hbm>>
              %dma_wait3A_180 = arith.constant 0 : i32
              %dma_wait3A_181 = tpu.memref_slice %arg5[%arg1, %add3A_169, %dma_wait3A_180] : memref<16x160x128xi32, #tpu.memory_space<hbm>> -> memref<1x1x128xi32, #tpu.memory_space<hbm>>
              %dma_wait3A_182 = tpu.memref_squeeze %dma_wait3A_181 : memref<1x1x128xi32, #tpu.memory_space<hbm>> -> memref<128xi32, #tpu.memory_space<hbm>>
              tpu.wait_dma2 semaphore(%run_scoped3A_170 : memref<!tpu.dma_semaphore, #tpu.memory_space<semaphore_mem>>) src(%dma_wait3A_182 : memref<128xi32, #tpu.memory_space<hbm>>) dst(%arg16 : memref<128xi32, #tpu.memory_space<vmem>>)
              tpu.yield
            }) : () -> ()
          } else {
          }
          %dma_wait3A_160 = arith.constant 0 : i32
          %dma_wait3A_161 = arith.constant 0 : i32
          %dma_wait3A_162 = tpu.memref_slice %arg22[%dma_wait3A_160, %dma_wait3A_161] : memref<10112x128xf32, #tpu.memory_space<vmem_shared>> -> memref<10112x128xf32, #tpu.memory_space<vmem_shared>>
          tpu.wait_indirect_dma semaphore(%arg25 : memref<!tpu.dma_semaphore, #tpu.memory_space<semaphore_mem>>) src(%arg20 : memref<128x128xf32, #tpu.memory_space<vmem>>) dst(%dma_wait3A_162 : memref<10112x128xf32, #tpu.memory_space<vmem_shared>>)
          %dma_wait3A_163 = arith.constant 0 : i32
          %dma_wait3A_164 = arith.constant 0 : i32
          %dma_wait3A_165 = tpu.memref_slice %arg2[%dma_wait3A_163, %dma_wait3A_164] : memref<10112x128xf32, #tpu.memory_space<hbm>> -> memref<10112x128xf32, #tpu.memory_space<hbm>>
          tpu.wait_indirect_dma semaphore(%arg24 : memref<!tpu.dma_semaphore, #tpu.memory_space<semaphore_mem>>) src(%dma_wait3A_165 : memref<10112x128xf32, #tpu.memory_space<hbm>>) dst(%arg21 : memref<128x128xf32, #tpu.memory_space<vmem>>)
        } else {
        }
        %add3A_121 = arith.constant 1 : i32
        %add3A_122 = arith.addi %add3A_113, %add3A_121 : i32
        %ge3A_123 = arith.constant 160 : i32
        %ge3A_124 = arith.cmpi sge, %add3A_122, %ge3A_123 : i32
        %convert_element_type3A_125 = arith.extui %ge3A_124 : i1 to i32
        %cond3A_126 = arith.constant 0 : i32
        %cond3A_127 = arith.cmpi ne, %convert_element_type3A_125, %cond3A_126 : i32
        scf.if %cond3A_127 {
          "tpu.region"() ({
            %run_scoped3A_147 = tpu.sem_alloc : memref<!tpu.dma_semaphore, #tpu.memory_space<semaphore_mem>>
            %dma_start3A_148 = arith.constant 0 : i32
            %dma_start3A_149 = arith.constant 0 : i32
            %dma_start3A_150 = tpu.memref_slice %arg22[%dma_start3A_148, %dma_start3A_149] : memref<10112x128xf32, #tpu.memory_space<vmem_shared>> -> memref<10112x128xf32, #tpu.memory_space<vmem_shared>>
            tpu.enqueue_indirect_dma source(%arg20 : memref<128x128xf32, #tpu.memory_space<vmem>>) target(%dma_start3A_150 : memref<10112x128xf32, #tpu.memory_space<vmem_shared>>) offsets(%arg18 : memref<128xi32, #tpu.memory_space<vmem>>) semaphore(%run_scoped3A_147 : memref<!tpu.dma_semaphore, #tpu.memory_space<semaphore_mem>>) {add = true}
            %dma_wait3A_151 = arith.constant 0 : i32
            %dma_wait3A_152 = arith.constant 0 : i32
            %dma_wait3A_153 = tpu.memref_slice %arg22[%dma_wait3A_151, %dma_wait3A_152] : memref<10112x128xf32, #tpu.memory_space<vmem_shared>> -> memref<10112x128xf32, #tpu.memory_space<vmem_shared>>
            tpu.wait_indirect_dma semaphore(%run_scoped3A_147 : memref<!tpu.dma_semaphore, #tpu.memory_space<semaphore_mem>>) src(%arg20 : memref<128x128xf32, #tpu.memory_space<vmem>>) dst(%dma_wait3A_153 : memref<10112x128xf32, #tpu.memory_space<vmem_shared>>)
            tpu.yield
          }) : () -> ()
        } else {
        }
        %mul3A_128 = arith.constant 4 : i32
        %mul3A_129 = arith.muli %mul3A_128, %scan3A_74 : i32
        %add3A_130 = arith.constant 3 : i32
        %add3A_131 = arith.addi %mul3A_129, %add3A_130 : i32
        %add3A_132 = arith.constant 1 : i32
        %add3A_133 = arith.addi %add3A_131, %add3A_132 : i32
        %lt3A_134 = arith.constant 160 : i32
        %lt3A_135 = arith.cmpi slt, %add3A_133, %lt3A_134 : i32
        %convert_element_type3A_136 = arith.extui %lt3A_135 : i1 to i32
        %cond3A_137 = arith.constant 0 : i32
        %cond3A_138 = arith.cmpi ne, %convert_element_type3A_136, %cond3A_137 : i32
        scf.if %cond3A_138 {
          %dma_start3A_147 = arith.constant 0 : i32
          %dma_start3A_148 = arith.constant 0 : i32
          %dma_start3A_149 = tpu.memref_slice %arg2[%dma_start3A_147, %dma_start3A_148] : memref<10112x128xf32, #tpu.memory_space<hbm>> -> memref<10112x128xf32, #tpu.memory_space<hbm>>
          tpu.enqueue_indirect_dma source(%dma_start3A_149 : memref<10112x128xf32, #tpu.memory_space<hbm>>) target(%arg20 : memref<128x128xf32, #tpu.memory_space<vmem>>) offsets(%arg14 : memref<128xi32, #tpu.memory_space<vmem>>) semaphore(%arg23 : memref<!tpu.dma_semaphore, #tpu.memory_space<semaphore_mem>>)
          %dma_start3A_150 = arith.constant 0 : i32
          %dma_start3A_151 = arith.constant 0 : i32
          %dma_start3A_152 = tpu.memref_slice %arg22[%dma_start3A_150, %dma_start3A_151] : memref<10112x128xf32, #tpu.memory_space<vmem_shared>> -> memref<10112x128xf32, #tpu.memory_space<vmem_shared>>
          tpu.enqueue_indirect_dma source(%arg21 : memref<128x128xf32, #tpu.memory_space<vmem>>) target(%dma_start3A_152 : memref<10112x128xf32, #tpu.memory_space<vmem_shared>>) offsets(%arg19 : memref<128xi32, #tpu.memory_space<vmem>>) semaphore(%arg25 : memref<!tpu.dma_semaphore, #tpu.memory_space<semaphore_mem>>) {add = true}
          %add3A_153 = arith.constant 2 : i32
          %add3A_154 = arith.addi %add3A_131, %add3A_153 : i32
          %lt3A_155 = arith.constant 160 : i32
          %lt3A_156 = arith.cmpi slt, %add3A_154, %lt3A_155 : i32
          %convert_element_type3A_157 = arith.extui %lt3A_156 : i1 to i32
          %cond3A_158 = arith.constant 0 : i32
          %cond3A_159 = arith.cmpi ne, %convert_element_type3A_157, %cond3A_158 : i32
          scf.if %cond3A_159 {
            %add3A_166 = arith.constant 2 : i32
            %add3A_167 = arith.addi %add3A_131, %add3A_166 : i32
            "tpu.region"() ({
              %run_scoped3A_170 = tpu.sem_alloc : memref<!tpu.dma_semaphore, #tpu.memory_space<semaphore_mem>>
              %dma_start3A_171 = arith.constant 0 : i32
              %dma_start3A_172 = tpu.memref_slice %arg4[%arg1, %add3A_167, %dma_start3A_171] : memref<16x160x128xi32, #tpu.memory_space<hbm>> -> memref<1x1x128xi32, #tpu.memory_space<hbm>>
              %dma_start3A_173 = tpu.memref_squeeze %dma_start3A_172 : memref<1x1x128xi32, #tpu.memory_space<hbm>> -> memref<128xi32, #tpu.memory_space<hbm>>
              %dma_start3A_174 = arith.constant 0 : i32
              %dma_start3A_175 = tpu.memref_slice %arg4[%arg1, %add3A_167, %dma_start3A_174] : memref<16x160x128xi32, #tpu.memory_space<hbm>> -> memref<1x1x128xi32, #tpu.memory_space<hbm>>
              %dma_start3A_176 = tpu.memref_squeeze %dma_start3A_175 : memref<1x1x128xi32, #tpu.memory_space<hbm>> -> memref<128xi32, #tpu.memory_space<hbm>>
              tpu.enqueue_dma source(%dma_start3A_176 : memref<128xi32, #tpu.memory_space<hbm>>) target(%arg15 : memref<128xi32, #tpu.memory_space<vmem>>) target_semaphore(%run_scoped3A_170 : memref<!tpu.dma_semaphore, #tpu.memory_space<semaphore_mem>>)
              %dma_wait3A_177 = arith.constant 0 : i32
              %dma_wait3A_178 = tpu.memref_slice %arg4[%arg1, %add3A_167, %dma_wait3A_177] : memref<16x160x128xi32, #tpu.memory_space<hbm>> -> memref<1x1x128xi32, #tpu.memory_space<hbm>>
              %dma_wait3A_179 = tpu.memref_squeeze %dma_wait3A_178 : memref<1x1x128xi32, #tpu.memory_space<hbm>> -> memref<128xi32, #tpu.memory_space<hbm>>
              %dma_wait3A_180 = arith.constant 0 : i32
              %dma_wait3A_181 = tpu.memref_slice %arg4[%arg1, %add3A_167, %dma_wait3A_180] : memref<16x160x128xi32, #tpu.memory_space<hbm>> -> memref<1x1x128xi32, #tpu.memory_space<hbm>>
              %dma_wait3A_182 = tpu.memref_squeeze %dma_wait3A_181 : memref<1x1x128xi32, #tpu.memory_space<hbm>> -> memref<128xi32, #tpu.memory_space<hbm>>
              tpu.wait_dma2 semaphore(%run_scoped3A_170 : memref<!tpu.dma_semaphore, #tpu.memory_space<semaphore_mem>>) src(%dma_wait3A_182 : memref<128xi32, #tpu.memory_space<hbm>>) dst(%arg15 : memref<128xi32, #tpu.memory_space<vmem>>)
              tpu.yield
            }) : () -> ()
            %add3A_168 = arith.constant 2 : i32
            %add3A_169 = arith.addi %add3A_131, %add3A_168 : i32
            "tpu.region"() ({
              %run_scoped3A_170 = tpu.sem_alloc : memref<!tpu.dma_semaphore, #tpu.memory_space<semaphore_mem>>
              %dma_start3A_171 = arith.constant 0 : i32
              %dma_start3A_172 = tpu.memref_slice %arg5[%arg1, %add3A_169, %dma_start3A_171] : memref<16x160x128xi32, #tpu.memory_space<hbm>> -> memref<1x1x128xi32, #tpu.memory_space<hbm>>
              %dma_start3A_173 = tpu.memref_squeeze %dma_start3A_172 : memref<1x1x128xi32, #tpu.memory_space<hbm>> -> memref<128xi32, #tpu.memory_space<hbm>>
              %dma_start3A_174 = arith.constant 0 : i32
              %dma_start3A_175 = tpu.memref_slice %arg5[%arg1, %add3A_169, %dma_start3A_174] : memref<16x160x128xi32, #tpu.memory_space<hbm>> -> memref<1x1x128xi32, #tpu.memory_space<hbm>>
              %dma_start3A_176 = tpu.memref_squeeze %dma_start3A_175 : memref<1x1x128xi32, #tpu.memory_space<hbm>> -> memref<128xi32, #tpu.memory_space<hbm>>
              tpu.enqueue_dma source(%dma_start3A_176 : memref<128xi32, #tpu.memory_space<hbm>>) target(%arg17 : memref<128xi32, #tpu.memory_space<vmem>>) target_semaphore(%run_scoped3A_170 : memref<!tpu.dma_semaphore, #tpu.memory_space<semaphore_mem>>)
              %dma_wait3A_177 = arith.constant 0 : i32
              %dma_wait3A_178 = tpu.memref_slice %arg5[%arg1, %add3A_169, %dma_wait3A_177] : memref<16x160x128xi32, #tpu.memory_space<hbm>> -> memref<1x1x128xi32, #tpu.memory_space<hbm>>
              %dma_wait3A_179 = tpu.memref_squeeze %dma_wait3A_178 : memref<1x1x128xi32, #tpu.memory_space<hbm>> -> memref<128xi32, #tpu.memory_space<hbm>>
              %dma_wait3A_180 = arith.constant 0 : i32
              %dma_wait3A_181 = tpu.memref_slice %arg5[%arg1, %add3A_169, %dma_wait3A_180] : memref<16x160x128xi32, #tpu.memory_space<hbm>> -> memref<1x1x128xi32, #tpu.memory_space<hbm>>
              %dma_wait3A_182 = tpu.memref_squeeze %dma_wait3A_181 : memref<1x1x128xi32, #tpu.memory_space<hbm>> -> memref<128xi32, #tpu.memory_space<hbm>>
              tpu.wait_dma2 semaphore(%run_scoped3A_170 : memref<!tpu.dma_semaphore, #tpu.memory_space<semaphore_mem>>) src(%dma_wait3A_182 : memref<128xi32, #tpu.memory_space<hbm>>) dst(%arg17 : memref<128xi32, #tpu.memory_space<vmem>>)
              tpu.yield
            }) : () -> ()
          } else {
          }
          %dma_wait3A_160 = arith.constant 0 : i32
          %dma_wait3A_161 = arith.constant 0 : i32
          %dma_wait3A_162 = tpu.memref_slice %arg22[%dma_wait3A_160, %dma_wait3A_161] : memref<10112x128xf32, #tpu.memory_space<vmem_shared>> -> memref<10112x128xf32, #tpu.memory_space<vmem_shared>>
          tpu.wait_indirect_dma semaphore(%arg25 : memref<!tpu.dma_semaphore, #tpu.memory_space<semaphore_mem>>) src(%arg21 : memref<128x128xf32, #tpu.memory_space<vmem>>) dst(%dma_wait3A_162 : memref<10112x128xf32, #tpu.memory_space<vmem_shared>>)
          %dma_wait3A_163 = arith.constant 0 : i32
          %dma_wait3A_164 = arith.constant 0 : i32
          %dma_wait3A_165 = tpu.memref_slice %arg2[%dma_wait3A_163, %dma_wait3A_164] : memref<10112x128xf32, #tpu.memory_space<hbm>> -> memref<10112x128xf32, #tpu.memory_space<hbm>>
          tpu.wait_indirect_dma semaphore(%arg23 : memref<!tpu.dma_semaphore, #tpu.memory_space<semaphore_mem>>) src(%dma_wait3A_165 : memref<10112x128xf32, #tpu.memory_space<hbm>>) dst(%arg20 : memref<128x128xf32, #tpu.memory_space<vmem>>)
        } else {
        }
        %add3A_139 = arith.constant 1 : i32
        %add3A_140 = arith.addi %add3A_131, %add3A_139 : i32
        %ge3A_141 = arith.constant 160 : i32
        %ge3A_142 = arith.cmpi sge, %add3A_140, %ge3A_141 : i32
        %convert_element_type3A_143 = arith.extui %ge3A_142 : i1 to i32
        %cond3A_144 = arith.constant 0 : i32
        %cond3A_145 = arith.cmpi ne, %convert_element_type3A_143, %cond3A_144 : i32
        scf.if %cond3A_145 {
          "tpu.region"() ({
            %run_scoped3A_147 = tpu.sem_alloc : memref<!tpu.dma_semaphore, #tpu.memory_space<semaphore_mem>>
            %dma_start3A_148 = arith.constant 0 : i32
            %dma_start3A_149 = arith.constant 0 : i32
            %dma_start3A_150 = tpu.memref_slice %arg22[%dma_start3A_148, %dma_start3A_149] : memref<10112x128xf32, #tpu.memory_space<vmem_shared>> -> memref<10112x128xf32, #tpu.memory_space<vmem_shared>>
            tpu.enqueue_indirect_dma source(%arg21 : memref<128x128xf32, #tpu.memory_space<vmem>>) target(%dma_start3A_150 : memref<10112x128xf32, #tpu.memory_space<vmem_shared>>) offsets(%arg19 : memref<128xi32, #tpu.memory_space<vmem>>) semaphore(%run_scoped3A_147 : memref<!tpu.dma_semaphore, #tpu.memory_space<semaphore_mem>>) {add = true}
            %dma_wait3A_151 = arith.constant 0 : i32
            %dma_wait3A_152 = arith.constant 0 : i32
            %dma_wait3A_153 = tpu.memref_slice %arg22[%dma_wait3A_151, %dma_wait3A_152] : memref<10112x128xf32, #tpu.memory_space<vmem_shared>> -> memref<10112x128xf32, #tpu.memory_space<vmem_shared>>
            tpu.wait_indirect_dma semaphore(%run_scoped3A_147 : memref<!tpu.dma_semaphore, #tpu.memory_space<semaphore_mem>>) src(%arg21 : memref<128x128xf32, #tpu.memory_space<vmem>>) dst(%dma_wait3A_153 : memref<10112x128xf32, #tpu.memory_space<vmem_shared>>)
            tpu.yield
          }) : () -> ()
        } else {
        }
        %scan3A_146 = arith.constant 0 : i32
        scf.yield %scan3A_146 : i32
      }
      %scan3A_73 = arith.constant 40 : i32
    } else {
    }
    %eq3A_12 = arith.constant 1 : i32
    %eq3A_13 = arith.cmpi eq, %arg0, %eq3A_12 : i32
    %convert_element_type3A_14 = arith.extui %eq3A_13 : i1 to i32
    %cond3A_15 = arith.constant 0 : i32
    %cond3A_16 = arith.cmpi ne, %convert_element_type3A_14, %cond3A_15 : i32
    scf.if %cond3A_16 {
      %run_scoped3A = arith.constant 0 : i32
      "tpu.region"() ({
        %run_scoped3A_74 = tpu.sem_alloc : memref<!tpu.dma_semaphore, #tpu.memory_space<semaphore_mem>>
        %dma_start3A_75 = arith.constant 0 : i32
        %dma_start3A_76 = tpu.memref_slice %arg6[%arg1, %run_scoped3A, %dma_start3A_75] : memref<16x160x128xi32, #tpu.memory_space<hbm>> -> memref<1x1x128xi32, #tpu.memory_space<hbm>>
        %dma_start3A_77 = tpu.memref_squeeze %dma_start3A_76 : memref<1x1x128xi32, #tpu.memory_space<hbm>> -> memref<128xi32, #tpu.memory_space<hbm>>
        %dma_start3A_78 = arith.constant 0 : i32
        %dma_start3A_79 = tpu.memref_slice %arg6[%arg1, %run_scoped3A, %dma_start3A_78] : memref<16x160x128xi32, #tpu.memory_space<hbm>> -> memref<1x1x128xi32, #tpu.memory_space<hbm>>
        %dma_start3A_80 = tpu.memref_squeeze %dma_start3A_79 : memref<1x1x128xi32, #tpu.memory_space<hbm>> -> memref<128xi32, #tpu.memory_space<hbm>>
        tpu.enqueue_dma source(%dma_start3A_80 : memref<128xi32, #tpu.memory_space<hbm>>) target(%arg14 : memref<128xi32, #tpu.memory_space<vmem>>) target_semaphore(%run_scoped3A_74 : memref<!tpu.dma_semaphore, #tpu.memory_space<semaphore_mem>>)
        %dma_wait3A_81 = arith.constant 0 : i32
        %dma_wait3A_82 = tpu.memref_slice %arg6[%arg1, %run_scoped3A, %dma_wait3A_81] : memref<16x160x128xi32, #tpu.memory_space<hbm>> -> memref<1x1x128xi32, #tpu.memory_space<hbm>>
        %dma_wait3A_83 = tpu.memref_squeeze %dma_wait3A_82 : memref<1x1x128xi32, #tpu.memory_space<hbm>> -> memref<128xi32, #tpu.memory_space<hbm>>
        %dma_wait3A_84 = arith.constant 0 : i32
        %dma_wait3A_85 = tpu.memref_slice %arg6[%arg1, %run_scoped3A, %dma_wait3A_84] : memref<16x160x128xi32, #tpu.memory_space<hbm>> -> memref<1x1x128xi32, #tpu.memory_space<hbm>>
        %dma_wait3A_86 = tpu.memref_squeeze %dma_wait3A_85 : memref<1x1x128xi32, #tpu.memory_space<hbm>> -> memref<128xi32, #tpu.memory_space<hbm>>
        tpu.wait_dma2 semaphore(%run_scoped3A_74 : memref<!tpu.dma_semaphore, #tpu.memory_space<semaphore_mem>>) src(%dma_wait3A_86 : memref<128xi32, #tpu.memory_space<hbm>>) dst(%arg14 : memref<128xi32, #tpu.memory_space<vmem>>)
        tpu.yield
      }) : () -> ()
      %run_scoped3A_61 = arith.constant 0 : i32
      "tpu.region"() ({
        %run_scoped3A_74 = tpu.sem_alloc : memref<!tpu.dma_semaphore, #tpu.memory_space<semaphore_mem>>
        %dma_start3A_75 = arith.constant 0 : i32
        %dma_start3A_76 = tpu.memref_slice %arg7[%arg1, %run_scoped3A_61, %dma_start3A_75] : memref<16x160x128xi32, #tpu.memory_space<hbm>> -> memref<1x1x128xi32, #tpu.memory_space<hbm>>
        %dma_start3A_77 = tpu.memref_squeeze %dma_start3A_76 : memref<1x1x128xi32, #tpu.memory_space<hbm>> -> memref<128xi32, #tpu.memory_space<hbm>>
        %dma_start3A_78 = arith.constant 0 : i32
        %dma_start3A_79 = tpu.memref_slice %arg7[%arg1, %run_scoped3A_61, %dma_start3A_78] : memref<16x160x128xi32, #tpu.memory_space<hbm>> -> memref<1x1x128xi32, #tpu.memory_space<hbm>>
        %dma_start3A_80 = tpu.memref_squeeze %dma_start3A_79 : memref<1x1x128xi32, #tpu.memory_space<hbm>> -> memref<128xi32, #tpu.memory_space<hbm>>
        tpu.enqueue_dma source(%dma_start3A_80 : memref<128xi32, #tpu.memory_space<hbm>>) target(%arg16 : memref<128xi32, #tpu.memory_space<vmem>>) target_semaphore(%run_scoped3A_74 : memref<!tpu.dma_semaphore, #tpu.memory_space<semaphore_mem>>)
        %dma_wait3A_81 = arith.constant 0 : i32
        %dma_wait3A_82 = tpu.memref_slice %arg7[%arg1, %run_scoped3A_61, %dma_wait3A_81] : memref<16x160x128xi32, #tpu.memory_space<hbm>> -> memref<1x1x128xi32, #tpu.memory_space<hbm>>
        %dma_wait3A_83 = tpu.memref_squeeze %dma_wait3A_82 : memref<1x1x128xi32, #tpu.memory_space<hbm>> -> memref<128xi32, #tpu.memory_space<hbm>>
        %dma_wait3A_84 = arith.constant 0 : i32
        %dma_wait3A_85 = tpu.memref_slice %arg7[%arg1, %run_scoped3A_61, %dma_wait3A_84] : memref<16x160x128xi32, #tpu.memory_space<hbm>> -> memref<1x1x128xi32, #tpu.memory_space<hbm>>
        %dma_wait3A_86 = tpu.memref_squeeze %dma_wait3A_85 : memref<1x1x128xi32, #tpu.memory_space<hbm>> -> memref<128xi32, #tpu.memory_space<hbm>>
        tpu.wait_dma2 semaphore(%run_scoped3A_74 : memref<!tpu.dma_semaphore, #tpu.memory_space<semaphore_mem>>) src(%dma_wait3A_86 : memref<128xi32, #tpu.memory_space<hbm>>) dst(%arg16 : memref<128xi32, #tpu.memory_space<vmem>>)
        tpu.yield
      }) : () -> ()
      %dma_start3A = arith.constant 0 : i32
      %dma_start3A_62 = arith.constant 0 : i32
      %dma_start3A_63 = tpu.memref_slice %arg3[%dma_start3A, %dma_start3A_62] : memref<10112x128xf32, #tpu.memory_space<hbm>> -> memref<10112x128xf32, #tpu.memory_space<hbm>>
      tpu.enqueue_indirect_dma source(%dma_start3A_63 : memref<10112x128xf32, #tpu.memory_space<hbm>>) target(%arg20 : memref<128x128xf32, #tpu.memory_space<vmem>>) offsets(%arg14 : memref<128xi32, #tpu.memory_space<vmem>>) semaphore(%arg23 : memref<!tpu.dma_semaphore, #tpu.memory_space<semaphore_mem>>)
      %dma_wait3A = arith.constant 0 : i32
      %dma_wait3A_64 = arith.constant 0 : i32
      %dma_wait3A_65 = tpu.memref_slice %arg3[%dma_wait3A, %dma_wait3A_64] : memref<10112x128xf32, #tpu.memory_space<hbm>> -> memref<10112x128xf32, #tpu.memory_space<hbm>>
      tpu.wait_indirect_dma semaphore(%arg23 : memref<!tpu.dma_semaphore, #tpu.memory_space<semaphore_mem>>) src(%dma_wait3A_65 : memref<10112x128xf32, #tpu.memory_space<hbm>>) dst(%arg20 : memref<128x128xf32, #tpu.memory_space<vmem>>)
      %run_scoped3A_66 = arith.constant 1 : i32
      "tpu.region"() ({
        %run_scoped3A_74 = tpu.sem_alloc : memref<!tpu.dma_semaphore, #tpu.memory_space<semaphore_mem>>
        %dma_start3A_75 = arith.constant 0 : i32
        %dma_start3A_76 = tpu.memref_slice %arg6[%arg1, %run_scoped3A_66, %dma_start3A_75] : memref<16x160x128xi32, #tpu.memory_space<hbm>> -> memref<1x1x128xi32, #tpu.memory_space<hbm>>
        %dma_start3A_77 = tpu.memref_squeeze %dma_start3A_76 : memref<1x1x128xi32, #tpu.memory_space<hbm>> -> memref<128xi32, #tpu.memory_space<hbm>>
        %dma_start3A_78 = arith.constant 0 : i32
        %dma_start3A_79 = tpu.memref_slice %arg6[%arg1, %run_scoped3A_66, %dma_start3A_78] : memref<16x160x128xi32, #tpu.memory_space<hbm>> -> memref<1x1x128xi32, #tpu.memory_space<hbm>>
        %dma_start3A_80 = tpu.memref_squeeze %dma_start3A_79 : memref<1x1x128xi32, #tpu.memory_space<hbm>> -> memref<128xi32, #tpu.memory_space<hbm>>
        tpu.enqueue_dma source(%dma_start3A_80 : memref<128xi32, #tpu.memory_space<hbm>>) target(%arg15 : memref<128xi32, #tpu.memory_space<vmem>>) target_semaphore(%run_scoped3A_74 : memref<!tpu.dma_semaphore, #tpu.memory_space<semaphore_mem>>)
        %dma_wait3A_81 = arith.constant 0 : i32
        %dma_wait3A_82 = tpu.memref_slice %arg6[%arg1, %run_scoped3A_66, %dma_wait3A_81] : memref<16x160x128xi32, #tpu.memory_space<hbm>> -> memref<1x1x128xi32, #tpu.memory_space<hbm>>
        %dma_wait3A_83 = tpu.memref_squeeze %dma_wait3A_82 : memref<1x1x128xi32, #tpu.memory_space<hbm>> -> memref<128xi32, #tpu.memory_space<hbm>>
        %dma_wait3A_84 = arith.constant 0 : i32
        %dma_wait3A_85 = tpu.memref_slice %arg6[%arg1, %run_scoped3A_66, %dma_wait3A_84] : memref<16x160x128xi32, #tpu.memory_space<hbm>> -> memref<1x1x128xi32, #tpu.memory_space<hbm>>
        %dma_wait3A_86 = tpu.memref_squeeze %dma_wait3A_85 : memref<1x1x128xi32, #tpu.memory_space<hbm>> -> memref<128xi32, #tpu.memory_space<hbm>>
        tpu.wait_dma2 semaphore(%run_scoped3A_74 : memref<!tpu.dma_semaphore, #tpu.memory_space<semaphore_mem>>) src(%dma_wait3A_86 : memref<128xi32, #tpu.memory_space<hbm>>) dst(%arg15 : memref<128xi32, #tpu.memory_space<vmem>>)
        tpu.yield
      }) : () -> ()
      %run_scoped3A_67 = arith.constant 1 : i32
      "tpu.region"() ({
        %run_scoped3A_74 = tpu.sem_alloc : memref<!tpu.dma_semaphore, #tpu.memory_space<semaphore_mem>>
        %dma_start3A_75 = arith.constant 0 : i32
        %dma_start3A_76 = tpu.memref_slice %arg7[%arg1, %run_scoped3A_67, %dma_start3A_75] : memref<16x160x128xi32, #tpu.memory_space<hbm>> -> memref<1x1x128xi32, #tpu.memory_space<hbm>>
        %dma_start3A_77 = tpu.memref_squeeze %dma_start3A_76 : memref<1x1x128xi32, #tpu.memory_space<hbm>> -> memref<128xi32, #tpu.memory_space<hbm>>
        %dma_start3A_78 = arith.constant 0 : i32
        %dma_start3A_79 = tpu.memref_slice %arg7[%arg1, %run_scoped3A_67, %dma_start3A_78] : memref<16x160x128xi32, #tpu.memory_space<hbm>> -> memref<1x1x128xi32, #tpu.memory_space<hbm>>
        %dma_start3A_80 = tpu.memref_squeeze %dma_start3A_79 : memref<1x1x128xi32, #tpu.memory_space<hbm>> -> memref<128xi32, #tpu.memory_space<hbm>>
        tpu.enqueue_dma source(%dma_start3A_80 : memref<128xi32, #tpu.memory_space<hbm>>) target(%arg17 : memref<128xi32, #tpu.memory_space<vmem>>) target_semaphore(%run_scoped3A_74 : memref<!tpu.dma_semaphore, #tpu.memory_space<semaphore_mem>>)
        %dma_wait3A_81 = arith.constant 0 : i32
        %dma_wait3A_82 = tpu.memref_slice %arg7[%arg1, %run_scoped3A_67, %dma_wait3A_81] : memref<16x160x128xi32, #tpu.memory_space<hbm>> -> memref<1x1x128xi32, #tpu.memory_space<hbm>>
        %dma_wait3A_83 = tpu.memref_squeeze %dma_wait3A_82 : memref<1x1x128xi32, #tpu.memory_space<hbm>> -> memref<128xi32, #tpu.memory_space<hbm>>
        %dma_wait3A_84 = arith.constant 0 : i32
        %dma_wait3A_85 = tpu.memref_slice %arg7[%arg1, %run_scoped3A_67, %dma_wait3A_84] : memref<16x160x128xi32, #tpu.memory_space<hbm>> -> memref<1x1x128xi32, #tpu.memory_space<hbm>>
        %dma_wait3A_86 = tpu.memref_squeeze %dma_wait3A_85 : memref<1x1x128xi32, #tpu.memory_space<hbm>> -> memref<128xi32, #tpu.memory_space<hbm>>
        tpu.wait_dma2 semaphore(%run_scoped3A_74 : memref<!tpu.dma_semaphore, #tpu.memory_space<semaphore_mem>>) src(%dma_wait3A_86 : memref<128xi32, #tpu.memory_space<hbm>>) dst(%arg17 : memref<128xi32, #tpu.memory_space<vmem>>)
        tpu.yield
      }) : () -> ()
      %scan3A = arith.constant 0 : i32
      %scan3A_68 = arith.constant 0 : i32
      %scan3A_69 = arith.constant 40 : i32
      %scan3A_70 = arith.addi %scan3A_68, %scan3A_69 : i32
      %scan3A_71 = arith.constant 1 : i32
      %scan3A_72 = scf.for %scan3A_74 = %scan3A_68 to %scan3A_70 step %scan3A_71 iter_args(%scan3A_75 = %scan3A) -> (i32)  : i32 {
        %mul3A_76 = arith.constant 4 : i32
        %mul3A_77 = arith.muli %mul3A_76, %scan3A_74 : i32
        %add3A_78 = arith.constant 0 : i32
        %add3A_79 = arith.addi %mul3A_77, %add3A_78 : i32
        %add3A_80 = arith.constant 1 : i32
        %add3A_81 = arith.addi %add3A_79, %add3A_80 : i32
        %lt3A = arith.constant 160 : i32
        %lt3A_82 = arith.cmpi slt, %add3A_81, %lt3A : i32
        %convert_element_type3A_83 = arith.extui %lt3A_82 : i1 to i32
        %cond3A_84 = arith.constant 0 : i32
        %cond3A_85 = arith.cmpi ne, %convert_element_type3A_83, %cond3A_84 : i32
        scf.if %cond3A_85 {
          %dma_start3A_147 = arith.constant 0 : i32
          %dma_start3A_148 = arith.constant 0 : i32
          %dma_start3A_149 = tpu.memref_slice %arg3[%dma_start3A_147, %dma_start3A_148] : memref<10112x128xf32, #tpu.memory_space<hbm>> -> memref<10112x128xf32, #tpu.memory_space<hbm>>
          tpu.enqueue_indirect_dma source(%dma_start3A_149 : memref<10112x128xf32, #tpu.memory_space<hbm>>) target(%arg21 : memref<128x128xf32, #tpu.memory_space<vmem>>) offsets(%arg15 : memref<128xi32, #tpu.memory_space<vmem>>) semaphore(%arg24 : memref<!tpu.dma_semaphore, #tpu.memory_space<semaphore_mem>>)
          %dma_start3A_150 = arith.constant 0 : i32
          %dma_start3A_151 = arith.constant 0 : i32
          %dma_start3A_152 = tpu.memref_slice %arg22[%dma_start3A_150, %dma_start3A_151] : memref<10112x128xf32, #tpu.memory_space<vmem_shared>> -> memref<10112x128xf32, #tpu.memory_space<vmem_shared>>
          tpu.enqueue_indirect_dma source(%arg20 : memref<128x128xf32, #tpu.memory_space<vmem>>) target(%dma_start3A_152 : memref<10112x128xf32, #tpu.memory_space<vmem_shared>>) offsets(%arg16 : memref<128xi32, #tpu.memory_space<vmem>>) semaphore(%arg25 : memref<!tpu.dma_semaphore, #tpu.memory_space<semaphore_mem>>) {add = true}
          %add3A_153 = arith.constant 2 : i32
          %add3A_154 = arith.addi %add3A_79, %add3A_153 : i32
          %lt3A_155 = arith.constant 160 : i32
          %lt3A_156 = arith.cmpi slt, %add3A_154, %lt3A_155 : i32
          %convert_element_type3A_157 = arith.extui %lt3A_156 : i1 to i32
          %cond3A_158 = arith.constant 0 : i32
          %cond3A_159 = arith.cmpi ne, %convert_element_type3A_157, %cond3A_158 : i32
          scf.if %cond3A_159 {
            %add3A_166 = arith.constant 2 : i32
            %add3A_167 = arith.addi %add3A_79, %add3A_166 : i32
            "tpu.region"() ({
              %run_scoped3A_170 = tpu.sem_alloc : memref<!tpu.dma_semaphore, #tpu.memory_space<semaphore_mem>>
              %dma_start3A_171 = arith.constant 0 : i32
              %dma_start3A_172 = tpu.memref_slice %arg6[%arg1, %add3A_167, %dma_start3A_171] : memref<16x160x128xi32, #tpu.memory_space<hbm>> -> memref<1x1x128xi32, #tpu.memory_space<hbm>>
              %dma_start3A_173 = tpu.memref_squeeze %dma_start3A_172 : memref<1x1x128xi32, #tpu.memory_space<hbm>> -> memref<128xi32, #tpu.memory_space<hbm>>
              %dma_start3A_174 = arith.constant 0 : i32
              %dma_start3A_175 = tpu.memref_slice %arg6[%arg1, %add3A_167, %dma_start3A_174] : memref<16x160x128xi32, #tpu.memory_space<hbm>> -> memref<1x1x128xi32, #tpu.memory_space<hbm>>
              %dma_start3A_176 = tpu.memref_squeeze %dma_start3A_175 : memref<1x1x128xi32, #tpu.memory_space<hbm>> -> memref<128xi32, #tpu.memory_space<hbm>>
              tpu.enqueue_dma source(%dma_start3A_176 : memref<128xi32, #tpu.memory_space<hbm>>) target(%arg14 : memref<128xi32, #tpu.memory_space<vmem>>) target_semaphore(%run_scoped3A_170 : memref<!tpu.dma_semaphore, #tpu.memory_space<semaphore_mem>>)
              %dma_wait3A_177 = arith.constant 0 : i32
              %dma_wait3A_178 = tpu.memref_slice %arg6[%arg1, %add3A_167, %dma_wait3A_177] : memref<16x160x128xi32, #tpu.memory_space<hbm>> -> memref<1x1x128xi32, #tpu.memory_space<hbm>>
              %dma_wait3A_179 = tpu.memref_squeeze %dma_wait3A_178 : memref<1x1x128xi32, #tpu.memory_space<hbm>> -> memref<128xi32, #tpu.memory_space<hbm>>
              %dma_wait3A_180 = arith.constant 0 : i32
              %dma_wait3A_181 = tpu.memref_slice %arg6[%arg1, %add3A_167, %dma_wait3A_180] : memref<16x160x128xi32, #tpu.memory_space<hbm>> -> memref<1x1x128xi32, #tpu.memory_space<hbm>>
              %dma_wait3A_182 = tpu.memref_squeeze %dma_wait3A_181 : memref<1x1x128xi32, #tpu.memory_space<hbm>> -> memref<128xi32, #tpu.memory_space<hbm>>
              tpu.wait_dma2 semaphore(%run_scoped3A_170 : memref<!tpu.dma_semaphore, #tpu.memory_space<semaphore_mem>>) src(%dma_wait3A_182 : memref<128xi32, #tpu.memory_space<hbm>>) dst(%arg14 : memref<128xi32, #tpu.memory_space<vmem>>)
              tpu.yield
            }) : () -> ()
            %add3A_168 = arith.constant 2 : i32
            %add3A_169 = arith.addi %add3A_79, %add3A_168 : i32
            "tpu.region"() ({
              %run_scoped3A_170 = tpu.sem_alloc : memref<!tpu.dma_semaphore, #tpu.memory_space<semaphore_mem>>
              %dma_start3A_171 = arith.constant 0 : i32
              %dma_start3A_172 = tpu.memref_slice %arg7[%arg1, %add3A_169, %dma_start3A_171] : memref<16x160x128xi32, #tpu.memory_space<hbm>> -> memref<1x1x128xi32, #tpu.memory_space<hbm>>
              %dma_start3A_173 = tpu.memref_squeeze %dma_start3A_172 : memref<1x1x128xi32, #tpu.memory_space<hbm>> -> memref<128xi32, #tpu.memory_space<hbm>>
              %dma_start3A_174 = arith.constant 0 : i32
              %dma_start3A_175 = tpu.memref_slice %arg7[%arg1, %add3A_169, %dma_start3A_174] : memref<16x160x128xi32, #tpu.memory_space<hbm>> -> memref<1x1x128xi32, #tpu.memory_space<hbm>>
              %dma_start3A_176 = tpu.memref_squeeze %dma_start3A_175 : memref<1x1x128xi32, #tpu.memory_space<hbm>> -> memref<128xi32, #tpu.memory_space<hbm>>
              tpu.enqueue_dma source(%dma_start3A_176 : memref<128xi32, #tpu.memory_space<hbm>>) target(%arg18 : memref<128xi32, #tpu.memory_space<vmem>>) target_semaphore(%run_scoped3A_170 : memref<!tpu.dma_semaphore, #tpu.memory_space<semaphore_mem>>)
              %dma_wait3A_177 = arith.constant 0 : i32
              %dma_wait3A_178 = tpu.memref_slice %arg7[%arg1, %add3A_169, %dma_wait3A_177] : memref<16x160x128xi32, #tpu.memory_space<hbm>> -> memref<1x1x128xi32, #tpu.memory_space<hbm>>
              %dma_wait3A_179 = tpu.memref_squeeze %dma_wait3A_178 : memref<1x1x128xi32, #tpu.memory_space<hbm>> -> memref<128xi32, #tpu.memory_space<hbm>>
              %dma_wait3A_180 = arith.constant 0 : i32
              %dma_wait3A_181 = tpu.memref_slice %arg7[%arg1, %add3A_169, %dma_wait3A_180] : memref<16x160x128xi32, #tpu.memory_space<hbm>> -> memref<1x1x128xi32, #tpu.memory_space<hbm>>
              %dma_wait3A_182 = tpu.memref_squeeze %dma_wait3A_181 : memref<1x1x128xi32, #tpu.memory_space<hbm>> -> memref<128xi32, #tpu.memory_space<hbm>>
              tpu.wait_dma2 semaphore(%run_scoped3A_170 : memref<!tpu.dma_semaphore, #tpu.memory_space<semaphore_mem>>) src(%dma_wait3A_182 : memref<128xi32, #tpu.memory_space<hbm>>) dst(%arg18 : memref<128xi32, #tpu.memory_space<vmem>>)
              tpu.yield
            }) : () -> ()
          } else {
          }
          %dma_wait3A_160 = arith.constant 0 : i32
          %dma_wait3A_161 = arith.constant 0 : i32
          %dma_wait3A_162 = tpu.memref_slice %arg22[%dma_wait3A_160, %dma_wait3A_161] : memref<10112x128xf32, #tpu.memory_space<vmem_shared>> -> memref<10112x128xf32, #tpu.memory_space<vmem_shared>>
          tpu.wait_indirect_dma semaphore(%arg25 : memref<!tpu.dma_semaphore, #tpu.memory_space<semaphore_mem>>) src(%arg20 : memref<128x128xf32, #tpu.memory_space<vmem>>) dst(%dma_wait3A_162 : memref<10112x128xf32, #tpu.memory_space<vmem_shared>>)
          %dma_wait3A_163 = arith.constant 0 : i32
          %dma_wait3A_164 = arith.constant 0 : i32
          %dma_wait3A_165 = tpu.memref_slice %arg3[%dma_wait3A_163, %dma_wait3A_164] : memref<10112x128xf32, #tpu.memory_space<hbm>> -> memref<10112x128xf32, #tpu.memory_space<hbm>>
          tpu.wait_indirect_dma semaphore(%arg24 : memref<!tpu.dma_semaphore, #tpu.memory_space<semaphore_mem>>) src(%dma_wait3A_165 : memref<10112x128xf32, #tpu.memory_space<hbm>>) dst(%arg21 : memref<128x128xf32, #tpu.memory_space<vmem>>)
        } else {
        }
        %add3A_86 = arith.constant 1 : i32
        %add3A_87 = arith.addi %add3A_79, %add3A_86 : i32
        %ge3A = arith.constant 160 : i32
        %ge3A_88 = arith.cmpi sge, %add3A_87, %ge3A : i32
        %convert_element_type3A_89 = arith.extui %ge3A_88 : i1 to i32
        %cond3A_90 = arith.constant 0 : i32
        %cond3A_91 = arith.cmpi ne, %convert_element_type3A_89, %cond3A_90 : i32
        scf.if %cond3A_91 {
          "tpu.region"() ({
            %run_scoped3A_147 = tpu.sem_alloc : memref<!tpu.dma_semaphore, #tpu.memory_space<semaphore_mem>>
            %dma_start3A_148 = arith.constant 0 : i32
            %dma_start3A_149 = arith.constant 0 : i32
            %dma_start3A_150 = tpu.memref_slice %arg22[%dma_start3A_148, %dma_start3A_149] : memref<10112x128xf32, #tpu.memory_space<vmem_shared>> -> memref<10112x128xf32, #tpu.memory_space<vmem_shared>>
            tpu.enqueue_indirect_dma source(%arg20 : memref<128x128xf32, #tpu.memory_space<vmem>>) target(%dma_start3A_150 : memref<10112x128xf32, #tpu.memory_space<vmem_shared>>) offsets(%arg16 : memref<128xi32, #tpu.memory_space<vmem>>) semaphore(%run_scoped3A_147 : memref<!tpu.dma_semaphore, #tpu.memory_space<semaphore_mem>>) {add = true}
            %dma_wait3A_151 = arith.constant 0 : i32
            %dma_wait3A_152 = arith.constant 0 : i32
            %dma_wait3A_153 = tpu.memref_slice %arg22[%dma_wait3A_151, %dma_wait3A_152] : memref<10112x128xf32, #tpu.memory_space<vmem_shared>> -> memref<10112x128xf32, #tpu.memory_space<vmem_shared>>
            tpu.wait_indirect_dma semaphore(%run_scoped3A_147 : memref<!tpu.dma_semaphore, #tpu.memory_space<semaphore_mem>>) src(%arg20 : memref<128x128xf32, #tpu.memory_space<vmem>>) dst(%dma_wait3A_153 : memref<10112x128xf32, #tpu.memory_space<vmem_shared>>)
            tpu.yield
          }) : () -> ()
        } else {
        }
        %mul3A_92 = arith.constant 4 : i32
        %mul3A_93 = arith.muli %mul3A_92, %scan3A_74 : i32
        %add3A_94 = arith.constant 1 : i32
        %add3A_95 = arith.addi %mul3A_93, %add3A_94 : i32
        %add3A_96 = arith.constant 1 : i32
        %add3A_97 = arith.addi %add3A_95, %add3A_96 : i32
        %lt3A_98 = arith.constant 160 : i32
        %lt3A_99 = arith.cmpi slt, %add3A_97, %lt3A_98 : i32
        %convert_element_type3A_100 = arith.extui %lt3A_99 : i1 to i32
        %cond3A_101 = arith.constant 0 : i32
        %cond3A_102 = arith.cmpi ne, %convert_element_type3A_100, %cond3A_101 : i32
        scf.if %cond3A_102 {
          %dma_start3A_147 = arith.constant 0 : i32
          %dma_start3A_148 = arith.constant 0 : i32
          %dma_start3A_149 = tpu.memref_slice %arg3[%dma_start3A_147, %dma_start3A_148] : memref<10112x128xf32, #tpu.memory_space<hbm>> -> memref<10112x128xf32, #tpu.memory_space<hbm>>
          tpu.enqueue_indirect_dma source(%dma_start3A_149 : memref<10112x128xf32, #tpu.memory_space<hbm>>) target(%arg20 : memref<128x128xf32, #tpu.memory_space<vmem>>) offsets(%arg14 : memref<128xi32, #tpu.memory_space<vmem>>) semaphore(%arg23 : memref<!tpu.dma_semaphore, #tpu.memory_space<semaphore_mem>>)
          %dma_start3A_150 = arith.constant 0 : i32
          %dma_start3A_151 = arith.constant 0 : i32
          %dma_start3A_152 = tpu.memref_slice %arg22[%dma_start3A_150, %dma_start3A_151] : memref<10112x128xf32, #tpu.memory_space<vmem_shared>> -> memref<10112x128xf32, #tpu.memory_space<vmem_shared>>
          tpu.enqueue_indirect_dma source(%arg21 : memref<128x128xf32, #tpu.memory_space<vmem>>) target(%dma_start3A_152 : memref<10112x128xf32, #tpu.memory_space<vmem_shared>>) offsets(%arg17 : memref<128xi32, #tpu.memory_space<vmem>>) semaphore(%arg25 : memref<!tpu.dma_semaphore, #tpu.memory_space<semaphore_mem>>) {add = true}
          %add3A_153 = arith.constant 2 : i32
          %add3A_154 = arith.addi %add3A_95, %add3A_153 : i32
          %lt3A_155 = arith.constant 160 : i32
          %lt3A_156 = arith.cmpi slt, %add3A_154, %lt3A_155 : i32
          %convert_element_type3A_157 = arith.extui %lt3A_156 : i1 to i32
          %cond3A_158 = arith.constant 0 : i32
          %cond3A_159 = arith.cmpi ne, %convert_element_type3A_157, %cond3A_158 : i32
          scf.if %cond3A_159 {
            %add3A_166 = arith.constant 2 : i32
            %add3A_167 = arith.addi %add3A_95, %add3A_166 : i32
            "tpu.region"() ({
              %run_scoped3A_170 = tpu.sem_alloc : memref<!tpu.dma_semaphore, #tpu.memory_space<semaphore_mem>>
              %dma_start3A_171 = arith.constant 0 : i32
              %dma_start3A_172 = tpu.memref_slice %arg6[%arg1, %add3A_167, %dma_start3A_171] : memref<16x160x128xi32, #tpu.memory_space<hbm>> -> memref<1x1x128xi32, #tpu.memory_space<hbm>>
              %dma_start3A_173 = tpu.memref_squeeze %dma_start3A_172 : memref<1x1x128xi32, #tpu.memory_space<hbm>> -> memref<128xi32, #tpu.memory_space<hbm>>
              %dma_start3A_174 = arith.constant 0 : i32
              %dma_start3A_175 = tpu.memref_slice %arg6[%arg1, %add3A_167, %dma_start3A_174] : memref<16x160x128xi32, #tpu.memory_space<hbm>> -> memref<1x1x128xi32, #tpu.memory_space<hbm>>
              %dma_start3A_176 = tpu.memref_squeeze %dma_start3A_175 : memref<1x1x128xi32, #tpu.memory_space<hbm>> -> memref<128xi32, #tpu.memory_space<hbm>>
              tpu.enqueue_dma source(%dma_start3A_176 : memref<128xi32, #tpu.memory_space<hbm>>) target(%arg15 : memref<128xi32, #tpu.memory_space<vmem>>) target_semaphore(%run_scoped3A_170 : memref<!tpu.dma_semaphore, #tpu.memory_space<semaphore_mem>>)
              %dma_wait3A_177 = arith.constant 0 : i32
              %dma_wait3A_178 = tpu.memref_slice %arg6[%arg1, %add3A_167, %dma_wait3A_177] : memref<16x160x128xi32, #tpu.memory_space<hbm>> -> memref<1x1x128xi32, #tpu.memory_space<hbm>>
              %dma_wait3A_179 = tpu.memref_squeeze %dma_wait3A_178 : memref<1x1x128xi32, #tpu.memory_space<hbm>> -> memref<128xi32, #tpu.memory_space<hbm>>
              %dma_wait3A_180 = arith.constant 0 : i32
              %dma_wait3A_181 = tpu.memref_slice %arg6[%arg1, %add3A_167, %dma_wait3A_180] : memref<16x160x128xi32, #tpu.memory_space<hbm>> -> memref<1x1x128xi32, #tpu.memory_space<hbm>>
              %dma_wait3A_182 = tpu.memref_squeeze %dma_wait3A_181 : memref<1x1x128xi32, #tpu.memory_space<hbm>> -> memref<128xi32, #tpu.memory_space<hbm>>
              tpu.wait_dma2 semaphore(%run_scoped3A_170 : memref<!tpu.dma_semaphore, #tpu.memory_space<semaphore_mem>>) src(%dma_wait3A_182 : memref<128xi32, #tpu.memory_space<hbm>>) dst(%arg15 : memref<128xi32, #tpu.memory_space<vmem>>)
              tpu.yield
            }) : () -> ()
            %add3A_168 = arith.constant 2 : i32
            %add3A_169 = arith.addi %add3A_95, %add3A_168 : i32
            "tpu.region"() ({
              %run_scoped3A_170 = tpu.sem_alloc : memref<!tpu.dma_semaphore, #tpu.memory_space<semaphore_mem>>
              %dma_start3A_171 = arith.constant 0 : i32
              %dma_start3A_172 = tpu.memref_slice %arg7[%arg1, %add3A_169, %dma_start3A_171] : memref<16x160x128xi32, #tpu.memory_space<hbm>> -> memref<1x1x128xi32, #tpu.memory_space<hbm>>
              %dma_start3A_173 = tpu.memref_squeeze %dma_start3A_172 : memref<1x1x128xi32, #tpu.memory_space<hbm>> -> memref<128xi32, #tpu.memory_space<hbm>>
              %dma_start3A_174 = arith.constant 0 : i32
              %dma_start3A_175 = tpu.memref_slice %arg7[%arg1, %add3A_169, %dma_start3A_174] : memref<16x160x128xi32, #tpu.memory_space<hbm>> -> memref<1x1x128xi32, #tpu.memory_space<hbm>>
              %dma_start3A_176 = tpu.memref_squeeze %dma_start3A_175 : memref<1x1x128xi32, #tpu.memory_space<hbm>> -> memref<128xi32, #tpu.memory_space<hbm>>
              tpu.enqueue_dma source(%dma_start3A_176 : memref<128xi32, #tpu.memory_space<hbm>>) target(%arg19 : memref<128xi32, #tpu.memory_space<vmem>>) target_semaphore(%run_scoped3A_170 : memref<!tpu.dma_semaphore, #tpu.memory_space<semaphore_mem>>)
              %dma_wait3A_177 = arith.constant 0 : i32
              %dma_wait3A_178 = tpu.memref_slice %arg7[%arg1, %add3A_169, %dma_wait3A_177] : memref<16x160x128xi32, #tpu.memory_space<hbm>> -> memref<1x1x128xi32, #tpu.memory_space<hbm>>
              %dma_wait3A_179 = tpu.memref_squeeze %dma_wait3A_178 : memref<1x1x128xi32, #tpu.memory_space<hbm>> -> memref<128xi32, #tpu.memory_space<hbm>>
              %dma_wait3A_180 = arith.constant 0 : i32
              %dma_wait3A_181 = tpu.memref_slice %arg7[%arg1, %add3A_169, %dma_wait3A_180] : memref<16x160x128xi32, #tpu.memory_space<hbm>> -> memref<1x1x128xi32, #tpu.memory_space<hbm>>
              %dma_wait3A_182 = tpu.memref_squeeze %dma_wait3A_181 : memref<1x1x128xi32, #tpu.memory_space<hbm>> -> memref<128xi32, #tpu.memory_space<hbm>>
              tpu.wait_dma2 semaphore(%run_scoped3A_170 : memref<!tpu.dma_semaphore, #tpu.memory_space<semaphore_mem>>) src(%dma_wait3A_182 : memref<128xi32, #tpu.memory_space<hbm>>) dst(%arg19 : memref<128xi32, #tpu.memory_space<vmem>>)
              tpu.yield
            }) : () -> ()
          } else {
          }
          %dma_wait3A_160 = arith.constant 0 : i32
          %dma_wait3A_161 = arith.constant 0 : i32
          %dma_wait3A_162 = tpu.memref_slice %arg22[%dma_wait3A_160, %dma_wait3A_161] : memref<10112x128xf32, #tpu.memory_space<vmem_shared>> -> memref<10112x128xf32, #tpu.memory_space<vmem_shared>>
          tpu.wait_indirect_dma semaphore(%arg25 : memref<!tpu.dma_semaphore, #tpu.memory_space<semaphore_mem>>) src(%arg21 : memref<128x128xf32, #tpu.memory_space<vmem>>) dst(%dma_wait3A_162 : memref<10112x128xf32, #tpu.memory_space<vmem_shared>>)
          %dma_wait3A_163 = arith.constant 0 : i32
          %dma_wait3A_164 = arith.constant 0 : i32
          %dma_wait3A_165 = tpu.memref_slice %arg3[%dma_wait3A_163, %dma_wait3A_164] : memref<10112x128xf32, #tpu.memory_space<hbm>> -> memref<10112x128xf32, #tpu.memory_space<hbm>>
          tpu.wait_indirect_dma semaphore(%arg23 : memref<!tpu.dma_semaphore, #tpu.memory_space<semaphore_mem>>) src(%dma_wait3A_165 : memref<10112x128xf32, #tpu.memory_space<hbm>>) dst(%arg20 : memref<128x128xf32, #tpu.memory_space<vmem>>)
        } else {
        }
        %add3A_103 = arith.constant 1 : i32
        %add3A_104 = arith.addi %add3A_95, %add3A_103 : i32
        %ge3A_105 = arith.constant 160 : i32
        %ge3A_106 = arith.cmpi sge, %add3A_104, %ge3A_105 : i32
        %convert_element_type3A_107 = arith.extui %ge3A_106 : i1 to i32
        %cond3A_108 = arith.constant 0 : i32
        %cond3A_109 = arith.cmpi ne, %convert_element_type3A_107, %cond3A_108 : i32
        scf.if %cond3A_109 {
          "tpu.region"() ({
            %run_scoped3A_147 = tpu.sem_alloc : memref<!tpu.dma_semaphore, #tpu.memory_space<semaphore_mem>>
            %dma_start3A_148 = arith.constant 0 : i32
            %dma_start3A_149 = arith.constant 0 : i32
            %dma_start3A_150 = tpu.memref_slice %arg22[%dma_start3A_148, %dma_start3A_149] : memref<10112x128xf32, #tpu.memory_space<vmem_shared>> -> memref<10112x128xf32, #tpu.memory_space<vmem_shared>>
            tpu.enqueue_indirect_dma source(%arg21 : memref<128x128xf32, #tpu.memory_space<vmem>>) target(%dma_start3A_150 : memref<10112x128xf32, #tpu.memory_space<vmem_shared>>) offsets(%arg17 : memref<128xi32, #tpu.memory_space<vmem>>) semaphore(%run_scoped3A_147 : memref<!tpu.dma_semaphore, #tpu.memory_space<semaphore_mem>>) {add = true}
            %dma_wait3A_151 = arith.constant 0 : i32
            %dma_wait3A_152 = arith.constant 0 : i32
            %dma_wait3A_153 = tpu.memref_slice %arg22[%dma_wait3A_151, %dma_wait3A_152] : memref<10112x128xf32, #tpu.memory_space<vmem_shared>> -> memref<10112x128xf32, #tpu.memory_space<vmem_shared>>
            tpu.wait_indirect_dma semaphore(%run_scoped3A_147 : memref<!tpu.dma_semaphore, #tpu.memory_space<semaphore_mem>>) src(%arg21 : memref<128x128xf32, #tpu.memory_space<vmem>>) dst(%dma_wait3A_153 : memref<10112x128xf32, #tpu.memory_space<vmem_shared>>)
            tpu.yield
          }) : () -> ()
        } else {
        }
        %mul3A_110 = arith.constant 4 : i32
        %mul3A_111 = arith.muli %mul3A_110, %scan3A_74 : i32
        %add3A_112 = arith.constant 2 : i32
        %add3A_113 = arith.addi %mul3A_111, %add3A_112 : i32
        %add3A_114 = arith.constant 1 : i32
        %add3A_115 = arith.addi %add3A_113, %add3A_114 : i32
        %lt3A_116 = arith.constant 160 : i32
        %lt3A_117 = arith.cmpi slt, %add3A_115, %lt3A_116 : i32
        %convert_element_type3A_118 = arith.extui %lt3A_117 : i1 to i32
        %cond3A_119 = arith.constant 0 : i32
        %cond3A_120 = arith.cmpi ne, %convert_element_type3A_118, %cond3A_119 : i32
        scf.if %cond3A_120 {
          %dma_start3A_147 = arith.constant 0 : i32
          %dma_start3A_148 = arith.constant 0 : i32
          %dma_start3A_149 = tpu.memref_slice %arg3[%dma_start3A_147, %dma_start3A_148] : memref<10112x128xf32, #tpu.memory_space<hbm>> -> memref<10112x128xf32, #tpu.memory_space<hbm>>
          tpu.enqueue_indirect_dma source(%dma_start3A_149 : memref<10112x128xf32, #tpu.memory_space<hbm>>) target(%arg21 : memref<128x128xf32, #tpu.memory_space<vmem>>) offsets(%arg15 : memref<128xi32, #tpu.memory_space<vmem>>) semaphore(%arg24 : memref<!tpu.dma_semaphore, #tpu.memory_space<semaphore_mem>>)
          %dma_start3A_150 = arith.constant 0 : i32
          %dma_start3A_151 = arith.constant 0 : i32
          %dma_start3A_152 = tpu.memref_slice %arg22[%dma_start3A_150, %dma_start3A_151] : memref<10112x128xf32, #tpu.memory_space<vmem_shared>> -> memref<10112x128xf32, #tpu.memory_space<vmem_shared>>
          tpu.enqueue_indirect_dma source(%arg20 : memref<128x128xf32, #tpu.memory_space<vmem>>) target(%dma_start3A_152 : memref<10112x128xf32, #tpu.memory_space<vmem_shared>>) offsets(%arg18 : memref<128xi32, #tpu.memory_space<vmem>>) semaphore(%arg25 : memref<!tpu.dma_semaphore, #tpu.memory_space<semaphore_mem>>) {add = true}
          %add3A_153 = arith.constant 2 : i32
          %add3A_154 = arith.addi %add3A_113, %add3A_153 : i32
          %lt3A_155 = arith.constant 160 : i32
          %lt3A_156 = arith.cmpi slt, %add3A_154, %lt3A_155 : i32
          %convert_element_type3A_157 = arith.extui %lt3A_156 : i1 to i32
          %cond3A_158 = arith.constant 0 : i32
          %cond3A_159 = arith.cmpi ne, %convert_element_type3A_157, %cond3A_158 : i32
          scf.if %cond3A_159 {
            %add3A_166 = arith.constant 2 : i32
            %add3A_167 = arith.addi %add3A_113, %add3A_166 : i32
            "tpu.region"() ({
              %run_scoped3A_170 = tpu.sem_alloc : memref<!tpu.dma_semaphore, #tpu.memory_space<semaphore_mem>>
              %dma_start3A_171 = arith.constant 0 : i32
              %dma_start3A_172 = tpu.memref_slice %arg6[%arg1, %add3A_167, %dma_start3A_171] : memref<16x160x128xi32, #tpu.memory_space<hbm>> -> memref<1x1x128xi32, #tpu.memory_space<hbm>>
              %dma_start3A_173 = tpu.memref_squeeze %dma_start3A_172 : memref<1x1x128xi32, #tpu.memory_space<hbm>> -> memref<128xi32, #tpu.memory_space<hbm>>
              %dma_start3A_174 = arith.constant 0 : i32
              %dma_start3A_175 = tpu.memref_slice %arg6[%arg1, %add3A_167, %dma_start3A_174] : memref<16x160x128xi32, #tpu.memory_space<hbm>> -> memref<1x1x128xi32, #tpu.memory_space<hbm>>
              %dma_start3A_176 = tpu.memref_squeeze %dma_start3A_175 : memref<1x1x128xi32, #tpu.memory_space<hbm>> -> memref<128xi32, #tpu.memory_space<hbm>>
              tpu.enqueue_dma source(%dma_start3A_176 : memref<128xi32, #tpu.memory_space<hbm>>) target(%arg14 : memref<128xi32, #tpu.memory_space<vmem>>) target_semaphore(%run_scoped3A_170 : memref<!tpu.dma_semaphore, #tpu.memory_space<semaphore_mem>>)
              %dma_wait3A_177 = arith.constant 0 : i32
              %dma_wait3A_178 = tpu.memref_slice %arg6[%arg1, %add3A_167, %dma_wait3A_177] : memref<16x160x128xi32, #tpu.memory_space<hbm>> -> memref<1x1x128xi32, #tpu.memory_space<hbm>>
              %dma_wait3A_179 = tpu.memref_squeeze %dma_wait3A_178 : memref<1x1x128xi32, #tpu.memory_space<hbm>> -> memref<128xi32, #tpu.memory_space<hbm>>
              %dma_wait3A_180 = arith.constant 0 : i32
              %dma_wait3A_181 = tpu.memref_slice %arg6[%arg1, %add3A_167, %dma_wait3A_180] : memref<16x160x128xi32, #tpu.memory_space<hbm>> -> memref<1x1x128xi32, #tpu.memory_space<hbm>>
              %dma_wait3A_182 = tpu.memref_squeeze %dma_wait3A_181 : memref<1x1x128xi32, #tpu.memory_space<hbm>> -> memref<128xi32, #tpu.memory_space<hbm>>
              tpu.wait_dma2 semaphore(%run_scoped3A_170 : memref<!tpu.dma_semaphore, #tpu.memory_space<semaphore_mem>>) src(%dma_wait3A_182 : memref<128xi32, #tpu.memory_space<hbm>>) dst(%arg14 : memref<128xi32, #tpu.memory_space<vmem>>)
              tpu.yield
            }) : () -> ()
            %add3A_168 = arith.constant 2 : i32
            %add3A_169 = arith.addi %add3A_113, %add3A_168 : i32
            "tpu.region"() ({
              %run_scoped3A_170 = tpu.sem_alloc : memref<!tpu.dma_semaphore, #tpu.memory_space<semaphore_mem>>
              %dma_start3A_171 = arith.constant 0 : i32
              %dma_start3A_172 = tpu.memref_slice %arg7[%arg1, %add3A_169, %dma_start3A_171] : memref<16x160x128xi32, #tpu.memory_space<hbm>> -> memref<1x1x128xi32, #tpu.memory_space<hbm>>
              %dma_start3A_173 = tpu.memref_squeeze %dma_start3A_172 : memref<1x1x128xi32, #tpu.memory_space<hbm>> -> memref<128xi32, #tpu.memory_space<hbm>>
              %dma_start3A_174 = arith.constant 0 : i32
              %dma_start3A_175 = tpu.memref_slice %arg7[%arg1, %add3A_169, %dma_start3A_174] : memref<16x160x128xi32, #tpu.memory_space<hbm>> -> memref<1x1x128xi32, #tpu.memory_space<hbm>>
              %dma_start3A_176 = tpu.memref_squeeze %dma_start3A_175 : memref<1x1x128xi32, #tpu.memory_space<hbm>> -> memref<128xi32, #tpu.memory_space<hbm>>
              tpu.enqueue_dma source(%dma_start3A_176 : memref<128xi32, #tpu.memory_space<hbm>>) target(%arg16 : memref<128xi32, #tpu.memory_space<vmem>>) target_semaphore(%run_scoped3A_170 : memref<!tpu.dma_semaphore, #tpu.memory_space<semaphore_mem>>)
              %dma_wait3A_177 = arith.constant 0 : i32
              %dma_wait3A_178 = tpu.memref_slice %arg7[%arg1, %add3A_169, %dma_wait3A_177] : memref<16x160x128xi32, #tpu.memory_space<hbm>> -> memref<1x1x128xi32, #tpu.memory_space<hbm>>
              %dma_wait3A_179 = tpu.memref_squeeze %dma_wait3A_178 : memref<1x1x128xi32, #tpu.memory_space<hbm>> -> memref<128xi32, #tpu.memory_space<hbm>>
              %dma_wait3A_180 = arith.constant 0 : i32
              %dma_wait3A_181 = tpu.memref_slice %arg7[%arg1, %add3A_169, %dma_wait3A_180] : memref<16x160x128xi32, #tpu.memory_space<hbm>> -> memref<1x1x128xi32, #tpu.memory_space<hbm>>
              %dma_wait3A_182 = tpu.memref_squeeze %dma_wait3A_181 : memref<1x1x128xi32, #tpu.memory_space<hbm>> -> memref<128xi32, #tpu.memory_space<hbm>>
              tpu.wait_dma2 semaphore(%run_scoped3A_170 : memref<!tpu.dma_semaphore, #tpu.memory_space<semaphore_mem>>) src(%dma_wait3A_182 : memref<128xi32, #tpu.memory_space<hbm>>) dst(%arg16 : memref<128xi32, #tpu.memory_space<vmem>>)
              tpu.yield
            }) : () -> ()
          } else {
          }
          %dma_wait3A_160 = arith.constant 0 : i32
          %dma_wait3A_161 = arith.constant 0 : i32
          %dma_wait3A_162 = tpu.memref_slice %arg22[%dma_wait3A_160, %dma_wait3A_161] : memref<10112x128xf32, #tpu.memory_space<vmem_shared>> -> memref<10112x128xf32, #tpu.memory_space<vmem_shared>>
          tpu.wait_indirect_dma semaphore(%arg25 : memref<!tpu.dma_semaphore, #tpu.memory_space<semaphore_mem>>) src(%arg20 : memref<128x128xf32, #tpu.memory_space<vmem>>) dst(%dma_wait3A_162 : memref<10112x128xf32, #tpu.memory_space<vmem_shared>>)
          %dma_wait3A_163 = arith.constant 0 : i32
          %dma_wait3A_164 = arith.constant 0 : i32
          %dma_wait3A_165 = tpu.memref_slice %arg3[%dma_wait3A_163, %dma_wait3A_164] : memref<10112x128xf32, #tpu.memory_space<hbm>> -> memref<10112x128xf32, #tpu.memory_space<hbm>>
          tpu.wait_indirect_dma semaphore(%arg24 : memref<!tpu.dma_semaphore, #tpu.memory_space<semaphore_mem>>) src(%dma_wait3A_165 : memref<10112x128xf32, #tpu.memory_space<hbm>>) dst(%arg21 : memref<128x128xf32, #tpu.memory_space<vmem>>)
        } else {
        }
        %add3A_121 = arith.constant 1 : i32
        %add3A_122 = arith.addi %add3A_113, %add3A_121 : i32
        %ge3A_123 = arith.constant 160 : i32
        %ge3A_124 = arith.cmpi sge, %add3A_122, %ge3A_123 : i32
        %convert_element_type3A_125 = arith.extui %ge3A_124 : i1 to i32
        %cond3A_126 = arith.constant 0 : i32
        %cond3A_127 = arith.cmpi ne, %convert_element_type3A_125, %cond3A_126 : i32
        scf.if %cond3A_127 {
          "tpu.region"() ({
            %run_scoped3A_147 = tpu.sem_alloc : memref<!tpu.dma_semaphore, #tpu.memory_space<semaphore_mem>>
            %dma_start3A_148 = arith.constant 0 : i32
            %dma_start3A_149 = arith.constant 0 : i32
            %dma_start3A_150 = tpu.memref_slice %arg22[%dma_start3A_148, %dma_start3A_149] : memref<10112x128xf32, #tpu.memory_space<vmem_shared>> -> memref<10112x128xf32, #tpu.memory_space<vmem_shared>>
            tpu.enqueue_indirect_dma source(%arg20 : memref<128x128xf32, #tpu.memory_space<vmem>>) target(%dma_start3A_150 : memref<10112x128xf32, #tpu.memory_space<vmem_shared>>) offsets(%arg18 : memref<128xi32, #tpu.memory_space<vmem>>) semaphore(%run_scoped3A_147 : memref<!tpu.dma_semaphore, #tpu.memory_space<semaphore_mem>>) {add = true}
            %dma_wait3A_151 = arith.constant 0 : i32
            %dma_wait3A_152 = arith.constant 0 : i32
            %dma_wait3A_153 = tpu.memref_slice %arg22[%dma_wait3A_151, %dma_wait3A_152] : memref<10112x128xf32, #tpu.memory_space<vmem_shared>> -> memref<10112x128xf32, #tpu.memory_space<vmem_shared>>
            tpu.wait_indirect_dma semaphore(%run_scoped3A_147 : memref<!tpu.dma_semaphore, #tpu.memory_space<semaphore_mem>>) src(%arg20 : memref<128x128xf32, #tpu.memory_space<vmem>>) dst(%dma_wait3A_153 : memref<10112x128xf32, #tpu.memory_space<vmem_shared>>)
            tpu.yield
          }) : () -> ()
        } else {
        }
        %mul3A_128 = arith.constant 4 : i32
        %mul3A_129 = arith.muli %mul3A_128, %scan3A_74 : i32
        %add3A_130 = arith.constant 3 : i32
        %add3A_131 = arith.addi %mul3A_129, %add3A_130 : i32
        %add3A_132 = arith.constant 1 : i32
        %add3A_133 = arith.addi %add3A_131, %add3A_132 : i32
        %lt3A_134 = arith.constant 160 : i32
        %lt3A_135 = arith.cmpi slt, %add3A_133, %lt3A_134 : i32
        %convert_element_type3A_136 = arith.extui %lt3A_135 : i1 to i32
        %cond3A_137 = arith.constant 0 : i32
        %cond3A_138 = arith.cmpi ne, %convert_element_type3A_136, %cond3A_137 : i32
        scf.if %cond3A_138 {
          %dma_start3A_147 = arith.constant 0 : i32
          %dma_start3A_148 = arith.constant 0 : i32
          %dma_start3A_149 = tpu.memref_slice %arg3[%dma_start3A_147, %dma_start3A_148] : memref<10112x128xf32, #tpu.memory_space<hbm>> -> memref<10112x128xf32, #tpu.memory_space<hbm>>
          tpu.enqueue_indirect_dma source(%dma_start3A_149 : memref<10112x128xf32, #tpu.memory_space<hbm>>) target(%arg20 : memref<128x128xf32, #tpu.memory_space<vmem>>) offsets(%arg14 : memref<128xi32, #tpu.memory_space<vmem>>) semaphore(%arg23 : memref<!tpu.dma_semaphore, #tpu.memory_space<semaphore_mem>>)
          %dma_start3A_150 = arith.constant 0 : i32
          %dma_start3A_151 = arith.constant 0 : i32
          %dma_start3A_152 = tpu.memref_slice %arg22[%dma_start3A_150, %dma_start3A_151] : memref<10112x128xf32, #tpu.memory_space<vmem_shared>> -> memref<10112x128xf32, #tpu.memory_space<vmem_shared>>
          tpu.enqueue_indirect_dma source(%arg21 : memref<128x128xf32, #tpu.memory_space<vmem>>) target(%dma_start3A_152 : memref<10112x128xf32, #tpu.memory_space<vmem_shared>>) offsets(%arg19 : memref<128xi32, #tpu.memory_space<vmem>>) semaphore(%arg25 : memref<!tpu.dma_semaphore, #tpu.memory_space<semaphore_mem>>) {add = true}
          %add3A_153 = arith.constant 2 : i32
          %add3A_154 = arith.addi %add3A_131, %add3A_153 : i32
          %lt3A_155 = arith.constant 160 : i32
          %lt3A_156 = arith.cmpi slt, %add3A_154, %lt3A_155 : i32
          %convert_element_type3A_157 = arith.extui %lt3A_156 : i1 to i32
          %cond3A_158 = arith.constant 0 : i32
          %cond3A_159 = arith.cmpi ne, %convert_element_type3A_157, %cond3A_158 : i32
          scf.if %cond3A_159 {
            %add3A_166 = arith.constant 2 : i32
            %add3A_167 = arith.addi %add3A_131, %add3A_166 : i32
            "tpu.region"() ({
              %run_scoped3A_170 = tpu.sem_alloc : memref<!tpu.dma_semaphore, #tpu.memory_space<semaphore_mem>>
              %dma_start3A_171 = arith.constant 0 : i32
              %dma_start3A_172 = tpu.memref_slice %arg6[%arg1, %add3A_167, %dma_start3A_171] : memref<16x160x128xi32, #tpu.memory_space<hbm>> -> memref<1x1x128xi32, #tpu.memory_space<hbm>>
              %dma_start3A_173 = tpu.memref_squeeze %dma_start3A_172 : memref<1x1x128xi32, #tpu.memory_space<hbm>> -> memref<128xi32, #tpu.memory_space<hbm>>
              %dma_start3A_174 = arith.constant 0 : i32
              %dma_start3A_175 = tpu.memref_slice %arg6[%arg1, %add3A_167, %dma_start3A_174] : memref<16x160x128xi32, #tpu.memory_space<hbm>> -> memref<1x1x128xi32, #tpu.memory_space<hbm>>
              %dma_start3A_176 = tpu.memref_squeeze %dma_start3A_175 : memref<1x1x128xi32, #tpu.memory_space<hbm>> -> memref<128xi32, #tpu.memory_space<hbm>>
              tpu.enqueue_dma source(%dma_start3A_176 : memref<128xi32, #tpu.memory_space<hbm>>) target(%arg15 : memref<128xi32, #tpu.memory_space<vmem>>) target_semaphore(%run_scoped3A_170 : memref<!tpu.dma_semaphore, #tpu.memory_space<semaphore_mem>>)
              %dma_wait3A_177 = arith.constant 0 : i32
              %dma_wait3A_178 = tpu.memref_slice %arg6[%arg1, %add3A_167, %dma_wait3A_177] : memref<16x160x128xi32, #tpu.memory_space<hbm>> -> memref<1x1x128xi32, #tpu.memory_space<hbm>>
              %dma_wait3A_179 = tpu.memref_squeeze %dma_wait3A_178 : memref<1x1x128xi32, #tpu.memory_space<hbm>> -> memref<128xi32, #tpu.memory_space<hbm>>
              %dma_wait3A_180 = arith.constant 0 : i32
              %dma_wait3A_181 = tpu.memref_slice %arg6[%arg1, %add3A_167, %dma_wait3A_180] : memref<16x160x128xi32, #tpu.memory_space<hbm>> -> memref<1x1x128xi32, #tpu.memory_space<hbm>>
              %dma_wait3A_182 = tpu.memref_squeeze %dma_wait3A_181 : memref<1x1x128xi32, #tpu.memory_space<hbm>> -> memref<128xi32, #tpu.memory_space<hbm>>
              tpu.wait_dma2 semaphore(%run_scoped3A_170 : memref<!tpu.dma_semaphore, #tpu.memory_space<semaphore_mem>>) src(%dma_wait3A_182 : memref<128xi32, #tpu.memory_space<hbm>>) dst(%arg15 : memref<128xi32, #tpu.memory_space<vmem>>)
              tpu.yield
            }) : () -> ()
            %add3A_168 = arith.constant 2 : i32
            %add3A_169 = arith.addi %add3A_131, %add3A_168 : i32
            "tpu.region"() ({
              %run_scoped3A_170 = tpu.sem_alloc : memref<!tpu.dma_semaphore, #tpu.memory_space<semaphore_mem>>
              %dma_start3A_171 = arith.constant 0 : i32
              %dma_start3A_172 = tpu.memref_slice %arg7[%arg1, %add3A_169, %dma_start3A_171] : memref<16x160x128xi32, #tpu.memory_space<hbm>> -> memref<1x1x128xi32, #tpu.memory_space<hbm>>
              %dma_start3A_173 = tpu.memref_squeeze %dma_start3A_172 : memref<1x1x128xi32, #tpu.memory_space<hbm>> -> memref<128xi32, #tpu.memory_space<hbm>>
              %dma_start3A_174 = arith.constant 0 : i32
              %dma_start3A_175 = tpu.memref_slice %arg7[%arg1, %add3A_169, %dma_start3A_174] : memref<16x160x128xi32, #tpu.memory_space<hbm>> -> memref<1x1x128xi32, #tpu.memory_space<hbm>>
              %dma_start3A_176 = tpu.memref_squeeze %dma_start3A_175 : memref<1x1x128xi32, #tpu.memory_space<hbm>> -> memref<128xi32, #tpu.memory_space<hbm>>
              tpu.enqueue_dma source(%dma_start3A_176 : memref<128xi32, #tpu.memory_space<hbm>>) target(%arg17 : memref<128xi32, #tpu.memory_space<vmem>>) target_semaphore(%run_scoped3A_170 : memref<!tpu.dma_semaphore, #tpu.memory_space<semaphore_mem>>)
              %dma_wait3A_177 = arith.constant 0 : i32
              %dma_wait3A_178 = tpu.memref_slice %arg7[%arg1, %add3A_169, %dma_wait3A_177] : memref<16x160x128xi32, #tpu.memory_space<hbm>> -> memref<1x1x128xi32, #tpu.memory_space<hbm>>
              %dma_wait3A_179 = tpu.memref_squeeze %dma_wait3A_178 : memref<1x1x128xi32, #tpu.memory_space<hbm>> -> memref<128xi32, #tpu.memory_space<hbm>>
              %dma_wait3A_180 = arith.constant 0 : i32
              %dma_wait3A_181 = tpu.memref_slice %arg7[%arg1, %add3A_169, %dma_wait3A_180] : memref<16x160x128xi32, #tpu.memory_space<hbm>> -> memref<1x1x128xi32, #tpu.memory_space<hbm>>
              %dma_wait3A_182 = tpu.memref_squeeze %dma_wait3A_181 : memref<1x1x128xi32, #tpu.memory_space<hbm>> -> memref<128xi32, #tpu.memory_space<hbm>>
              tpu.wait_dma2 semaphore(%run_scoped3A_170 : memref<!tpu.dma_semaphore, #tpu.memory_space<semaphore_mem>>) src(%dma_wait3A_182 : memref<128xi32, #tpu.memory_space<hbm>>) dst(%arg17 : memref<128xi32, #tpu.memory_space<vmem>>)
              tpu.yield
            }) : () -> ()
          } else {
          }
          %dma_wait3A_160 = arith.constant 0 : i32
          %dma_wait3A_161 = arith.constant 0 : i32
          %dma_wait3A_162 = tpu.memref_slice %arg22[%dma_wait3A_160, %dma_wait3A_161] : memref<10112x128xf32, #tpu.memory_space<vmem_shared>> -> memref<10112x128xf32, #tpu.memory_space<vmem_shared>>
          tpu.wait_indirect_dma semaphore(%arg25 : memref<!tpu.dma_semaphore, #tpu.memory_space<semaphore_mem>>) src(%arg21 : memref<128x128xf32, #tpu.memory_space<vmem>>) dst(%dma_wait3A_162 : memref<10112x128xf32, #tpu.memory_space<vmem_shared>>)
          %dma_wait3A_163 = arith.constant 0 : i32
          %dma_wait3A_164 = arith.constant 0 : i32
          %dma_wait3A_165 = tpu.memref_slice %arg3[%dma_wait3A_163, %dma_wait3A_164] : memref<10112x128xf32, #tpu.memory_space<hbm>> -> memref<10112x128xf32, #tpu.memory_space<hbm>>
          tpu.wait_indirect_dma semaphore(%arg23 : memref<!tpu.dma_semaphore, #tpu.memory_space<semaphore_mem>>) src(%dma_wait3A_165 : memref<10112x128xf32, #tpu.memory_space<hbm>>) dst(%arg20 : memref<128x128xf32, #tpu.memory_space<vmem>>)
        } else {
        }
        %add3A_139 = arith.constant 1 : i32
        %add3A_140 = arith.addi %add3A_131, %add3A_139 : i32
        %ge3A_141 = arith.constant 160 : i32
        %ge3A_142 = arith.cmpi sge, %add3A_140, %ge3A_141 : i32
        %convert_element_type3A_143 = arith.extui %ge3A_142 : i1 to i32
        %cond3A_144 = arith.constant 0 : i32
        %cond3A_145 = arith.cmpi ne, %convert_element_type3A_143, %cond3A_144 : i32
        scf.if %cond3A_145 {
          "tpu.region"() ({
            %run_scoped3A_147 = tpu.sem_alloc : memref<!tpu.dma_semaphore, #tpu.memory_space<semaphore_mem>>
            %dma_start3A_148 = arith.constant 0 : i32
            %dma_start3A_149 = arith.constant 0 : i32
            %dma_start3A_150 = tpu.memref_slice %arg22[%dma_start3A_148, %dma_start3A_149] : memref<10112x128xf32, #tpu.memory_space<vmem_shared>> -> memref<10112x128xf32, #tpu.memory_space<vmem_shared>>
            tpu.enqueue_indirect_dma source(%arg21 : memref<128x128xf32, #tpu.memory_space<vmem>>) target(%dma_start3A_150 : memref<10112x128xf32, #tpu.memory_space<vmem_shared>>) offsets(%arg19 : memref<128xi32, #tpu.memory_space<vmem>>) semaphore(%run_scoped3A_147 : memref<!tpu.dma_semaphore, #tpu.memory_space<semaphore_mem>>) {add = true}
            %dma_wait3A_151 = arith.constant 0 : i32
            %dma_wait3A_152 = arith.constant 0 : i32
            %dma_wait3A_153 = tpu.memref_slice %arg22[%dma_wait3A_151, %dma_wait3A_152] : memref<10112x128xf32, #tpu.memory_space<vmem_shared>> -> memref<10112x128xf32, #tpu.memory_space<vmem_shared>>
            tpu.wait_indirect_dma semaphore(%run_scoped3A_147 : memref<!tpu.dma_semaphore, #tpu.memory_space<semaphore_mem>>) src(%arg21 : memref<128x128xf32, #tpu.memory_space<vmem>>) dst(%dma_wait3A_153 : memref<10112x128xf32, #tpu.memory_space<vmem_shared>>)
            tpu.yield
          }) : () -> ()
        } else {
        }
        %scan3A_146 = arith.constant 0 : i32
        scf.yield %scan3A_146 : i32
      }
      %scan3A_73 = arith.constant 40 : i32
    } else {
    }
    %barrier3A_17 = arith.constant 0 : index
    tpu.barrier barrier_id(%barrier3A_17)
    %eq3A_18 = arith.constant 0 : i32
    %eq3A_19 = arith.cmpi eq, %arg0, %eq3A_18 : i32
    %convert_element_type3A_20 = arith.extui %eq3A_19 : i1 to i32
    %cond3A_21 = arith.constant 0 : i32
    %cond3A_22 = arith.cmpi ne, %convert_element_type3A_20, %cond3A_21 : i32
    scf.if %cond3A_22 {
      %add3A_61 = arith.constant 0 : i32
      %add3A_62 = arith.addi %mul3A_0, %add3A_61 : i32
      "tpu.region"() ({
        %run_scoped3A = tpu.sem_alloc : memref<!tpu.dma_semaphore, #tpu.memory_space<semaphore_mem>>
        %dma_start3A = arith.constant 0 : i32
        %dma_start3A_79 = tpu.memref_slice %arg22[%add3A_62, %dma_start3A] : memref<10112x128xf32, #tpu.memory_space<vmem_shared>> -> memref<128x128xf32, #tpu.memory_space<vmem_shared>>
        %dma_start3A_80 = arith.constant 0 : i32
        %dma_start3A_81 = tpu.memref_slice %arg22[%add3A_62, %dma_start3A_80] : memref<10112x128xf32, #tpu.memory_space<vmem_shared>> -> memref<128x128xf32, #tpu.memory_space<vmem_shared>>
        tpu.enqueue_dma source(%dma_start3A_81 : memref<128x128xf32, #tpu.memory_space<vmem_shared>>) target(%arg20 : memref<128x128xf32, #tpu.memory_space<vmem>>) target_semaphore(%run_scoped3A : memref<!tpu.dma_semaphore, #tpu.memory_space<semaphore_mem>>)
        %dma_wait3A = arith.constant 0 : i32
        %dma_wait3A_82 = tpu.memref_slice %arg22[%add3A_62, %dma_wait3A] : memref<10112x128xf32, #tpu.memory_space<vmem_shared>> -> memref<128x128xf32, #tpu.memory_space<vmem_shared>>
        %dma_wait3A_83 = arith.constant 0 : i32
        %dma_wait3A_84 = tpu.memref_slice %arg22[%add3A_62, %dma_wait3A_83] : memref<10112x128xf32, #tpu.memory_space<vmem_shared>> -> memref<128x128xf32, #tpu.memory_space<vmem_shared>>
        tpu.wait_dma2 semaphore(%run_scoped3A : memref<!tpu.dma_semaphore, #tpu.memory_space<semaphore_mem>>) src(%dma_wait3A_84 : memref<128x128xf32, #tpu.memory_space<vmem_shared>>) dst(%arg20 : memref<128x128xf32, #tpu.memory_space<vmem>>)
        tpu.yield
      }) : () -> ()
      %add3A_63 = arith.constant 0 : i32
      %add3A_64 = arith.addi %mul3A_0, %add3A_63 : i32
      "tpu.region"() ({
        %run_scoped3A = tpu.sem_alloc : memref<!tpu.dma_semaphore, #tpu.memory_space<semaphore_mem>>
        %dma_start3A = arith.constant 0 : i32
        %dma_start3A_79 = tpu.memref_slice %arg10[%add3A_64, %dma_start3A] : memref<10112x128xf32, #tpu.memory_space<hbm>> -> memref<128x128xf32, #tpu.memory_space<hbm>>
        %dma_start3A_80 = arith.constant 0 : i32
        %dma_start3A_81 = tpu.memref_slice %arg10[%add3A_64, %dma_start3A_80] : memref<10112x128xf32, #tpu.memory_space<hbm>> -> memref<128x128xf32, #tpu.memory_space<hbm>>
        tpu.enqueue_dma source(%arg20 : memref<128x128xf32, #tpu.memory_space<vmem>>) target(%dma_start3A_81 : memref<128x128xf32, #tpu.memory_space<hbm>>) target_semaphore(%run_scoped3A : memref<!tpu.dma_semaphore, #tpu.memory_space<semaphore_mem>>)
        %dma_wait3A = arith.constant 0 : i32
        %dma_wait3A_82 = tpu.memref_slice %arg10[%add3A_64, %dma_wait3A] : memref<10112x128xf32, #tpu.memory_space<hbm>> -> memref<128x128xf32, #tpu.memory_space<hbm>>
        %dma_wait3A_83 = arith.constant 0 : i32
        %dma_wait3A_84 = tpu.memref_slice %arg10[%add3A_64, %dma_wait3A_83] : memref<10112x128xf32, #tpu.memory_space<hbm>> -> memref<128x128xf32, #tpu.memory_space<hbm>>
        tpu.wait_dma2 semaphore(%run_scoped3A : memref<!tpu.dma_semaphore, #tpu.memory_space<semaphore_mem>>) src(%arg20 : memref<128x128xf32, #tpu.memory_space<vmem>>) dst(%dma_wait3A_84 : memref<128x128xf32, #tpu.memory_space<hbm>>)
        tpu.yield
      }) : () -> ()
      %add3A_65 = arith.constant 128 : i32
      %add3A_66 = arith.addi %mul3A_0, %add3A_65 : i32
      "tpu.region"() ({
        %run_scoped3A = tpu.sem_alloc : memref<!tpu.dma_semaphore, #tpu.memory_space<semaphore_mem>>
        %dma_start3A = arith.constant 0 : i32
        %dma_start3A_79 = tpu.memref_slice %arg22[%add3A_66, %dma_start3A] : memref<10112x128xf32, #tpu.memory_space<vmem_shared>> -> memref<128x128xf32, #tpu.memory_space<vmem_shared>>
        %dma_start3A_80 = arith.constant 0 : i32
        %dma_start3A_81 = tpu.memref_slice %arg22[%add3A_66, %dma_start3A_80] : memref<10112x128xf32, #tpu.memory_space<vmem_shared>> -> memref<128x128xf32, #tpu.memory_space<vmem_shared>>
        tpu.enqueue_dma source(%dma_start3A_81 : memref<128x128xf32, #tpu.memory_space<vmem_shared>>) target(%arg20 : memref<128x128xf32, #tpu.memory_space<vmem>>) target_semaphore(%run_scoped3A : memref<!tpu.dma_semaphore, #tpu.memory_space<semaphore_mem>>)
        %dma_wait3A = arith.constant 0 : i32
        %dma_wait3A_82 = tpu.memref_slice %arg22[%add3A_66, %dma_wait3A] : memref<10112x128xf32, #tpu.memory_space<vmem_shared>> -> memref<128x128xf32, #tpu.memory_space<vmem_shared>>
        %dma_wait3A_83 = arith.constant 0 : i32
        %dma_wait3A_84 = tpu.memref_slice %arg22[%add3A_66, %dma_wait3A_83] : memref<10112x128xf32, #tpu.memory_space<vmem_shared>> -> memref<128x128xf32, #tpu.memory_space<vmem_shared>>
        tpu.wait_dma2 semaphore(%run_scoped3A : memref<!tpu.dma_semaphore, #tpu.memory_space<semaphore_mem>>) src(%dma_wait3A_84 : memref<128x128xf32, #tpu.memory_space<vmem_shared>>) dst(%arg20 : memref<128x128xf32, #tpu.memory_space<vmem>>)
        tpu.yield
      }) : () -> ()
      %add3A_67 = arith.constant 128 : i32
      %add3A_68 = arith.addi %mul3A_0, %add3A_67 : i32
      "tpu.region"() ({
        %run_scoped3A = tpu.sem_alloc : memref<!tpu.dma_semaphore, #tpu.memory_space<semaphore_mem>>
        %dma_start3A = arith.constant 0 : i32
        %dma_start3A_79 = tpu.memref_slice %arg10[%add3A_68, %dma_start3A] : memref<10112x128xf32, #tpu.memory_space<hbm>> -> memref<128x128xf32, #tpu.memory_space<hbm>>
        %dma_start3A_80 = arith.constant 0 : i32
        %dma_start3A_81 = tpu.memref_slice %arg10[%add3A_68, %dma_start3A_80] : memref<10112x128xf32, #tpu.memory_space<hbm>> -> memref<128x128xf32, #tpu.memory_space<hbm>>
        tpu.enqueue_dma source(%arg20 : memref<128x128xf32, #tpu.memory_space<vmem>>) target(%dma_start3A_81 : memref<128x128xf32, #tpu.memory_space<hbm>>) target_semaphore(%run_scoped3A : memref<!tpu.dma_semaphore, #tpu.memory_space<semaphore_mem>>)
        %dma_wait3A = arith.constant 0 : i32
        %dma_wait3A_82 = tpu.memref_slice %arg10[%add3A_68, %dma_wait3A] : memref<10112x128xf32, #tpu.memory_space<hbm>> -> memref<128x128xf32, #tpu.memory_space<hbm>>
        %dma_wait3A_83 = arith.constant 0 : i32
        %dma_wait3A_84 = tpu.memref_slice %arg10[%add3A_68, %dma_wait3A_83] : memref<10112x128xf32, #tpu.memory_space<hbm>> -> memref<128x128xf32, #tpu.memory_space<hbm>>
        tpu.wait_dma2 semaphore(%run_scoped3A : memref<!tpu.dma_semaphore, #tpu.memory_space<semaphore_mem>>) src(%arg20 : memref<128x128xf32, #tpu.memory_space<vmem>>) dst(%dma_wait3A_84 : memref<128x128xf32, #tpu.memory_space<hbm>>)
        tpu.yield
      }) : () -> ()
      %add3A_69 = arith.constant 256 : i32
      %add3A_70 = arith.addi %mul3A_0, %add3A_69 : i32
      "tpu.region"() ({
        %run_scoped3A = tpu.sem_alloc : memref<!tpu.dma_semaphore, #tpu.memory_space<semaphore_mem>>
        %dma_start3A = arith.constant 0 : i32
        %dma_start3A_79 = tpu.memref_slice %arg22[%add3A_70, %dma_start3A] : memref<10112x128xf32, #tpu.memory_space<vmem_shared>> -> memref<128x128xf32, #tpu.memory_space<vmem_shared>>
        %dma_start3A_80 = arith.constant 0 : i32
        %dma_start3A_81 = tpu.memref_slice %arg22[%add3A_70, %dma_start3A_80] : memref<10112x128xf32, #tpu.memory_space<vmem_shared>> -> memref<128x128xf32, #tpu.memory_space<vmem_shared>>
        tpu.enqueue_dma source(%dma_start3A_81 : memref<128x128xf32, #tpu.memory_space<vmem_shared>>) target(%arg20 : memref<128x128xf32, #tpu.memory_space<vmem>>) target_semaphore(%run_scoped3A : memref<!tpu.dma_semaphore, #tpu.memory_space<semaphore_mem>>)
        %dma_wait3A = arith.constant 0 : i32
        %dma_wait3A_82 = tpu.memref_slice %arg22[%add3A_70, %dma_wait3A] : memref<10112x128xf32, #tpu.memory_space<vmem_shared>> -> memref<128x128xf32, #tpu.memory_space<vmem_shared>>
        %dma_wait3A_83 = arith.constant 0 : i32
        %dma_wait3A_84 = tpu.memref_slice %arg22[%add3A_70, %dma_wait3A_83] : memref<10112x128xf32, #tpu.memory_space<vmem_shared>> -> memref<128x128xf32, #tpu.memory_space<vmem_shared>>
        tpu.wait_dma2 semaphore(%run_scoped3A : memref<!tpu.dma_semaphore, #tpu.memory_space<semaphore_mem>>) src(%dma_wait3A_84 : memref<128x128xf32, #tpu.memory_space<vmem_shared>>) dst(%arg20 : memref<128x128xf32, #tpu.memory_space<vmem>>)
        tpu.yield
      }) : () -> ()
      %add3A_71 = arith.constant 256 : i32
      %add3A_72 = arith.addi %mul3A_0, %add3A_71 : i32
      "tpu.region"() ({
        %run_scoped3A = tpu.sem_alloc : memref<!tpu.dma_semaphore, #tpu.memory_space<semaphore_mem>>
        %dma_start3A = arith.constant 0 : i32
        %dma_start3A_79 = tpu.memref_slice %arg10[%add3A_72, %dma_start3A] : memref<10112x128xf32, #tpu.memory_space<hbm>> -> memref<128x128xf32, #tpu.memory_space<hbm>>
        %dma_start3A_80 = arith.constant 0 : i32
        %dma_start3A_81 = tpu.memref_slice %arg10[%add3A_72, %dma_start3A_80] : memref<10112x128xf32, #tpu.memory_space<hbm>> -> memref<128x128xf32, #tpu.memory_space<hbm>>
        tpu.enqueue_dma source(%arg20 : memref<128x128xf32, #tpu.memory_space<vmem>>) target(%dma_start3A_81 : memref<128x128xf32, #tpu.memory_space<hbm>>) target_semaphore(%run_scoped3A : memref<!tpu.dma_semaphore, #tpu.memory_space<semaphore_mem>>)
        %dma_wait3A = arith.constant 0 : i32
        %dma_wait3A_82 = tpu.memref_slice %arg10[%add3A_72, %dma_wait3A] : memref<10112x128xf32, #tpu.memory_space<hbm>> -> memref<128x128xf32, #tpu.memory_space<hbm>>
        %dma_wait3A_83 = arith.constant 0 : i32
        %dma_wait3A_84 = tpu.memref_slice %arg10[%add3A_72, %dma_wait3A_83] : memref<10112x128xf32, #tpu.memory_space<hbm>> -> memref<128x128xf32, #tpu.memory_space<hbm>>
        tpu.wait_dma2 semaphore(%run_scoped3A : memref<!tpu.dma_semaphore, #tpu.memory_space<semaphore_mem>>) src(%arg20 : memref<128x128xf32, #tpu.memory_space<vmem>>) dst(%dma_wait3A_84 : memref<128x128xf32, #tpu.memory_space<hbm>>)
        tpu.yield
      }) : () -> ()
      %add3A_73 = arith.constant 384 : i32
      %add3A_74 = arith.addi %mul3A_0, %add3A_73 : i32
      "tpu.region"() ({
        %run_scoped3A = tpu.sem_alloc : memref<!tpu.dma_semaphore, #tpu.memory_space<semaphore_mem>>
        %dma_start3A = arith.constant 0 : i32
        %dma_start3A_79 = tpu.memref_slice %arg22[%add3A_74, %dma_start3A] : memref<10112x128xf32, #tpu.memory_space<vmem_shared>> -> memref<128x128xf32, #tpu.memory_space<vmem_shared>>
        %dma_start3A_80 = arith.constant 0 : i32
        %dma_start3A_81 = tpu.memref_slice %arg22[%add3A_74, %dma_start3A_80] : memref<10112x128xf32, #tpu.memory_space<vmem_shared>> -> memref<128x128xf32, #tpu.memory_space<vmem_shared>>
        tpu.enqueue_dma source(%dma_start3A_81 : memref<128x128xf32, #tpu.memory_space<vmem_shared>>) target(%arg20 : memref<128x128xf32, #tpu.memory_space<vmem>>) target_semaphore(%run_scoped3A : memref<!tpu.dma_semaphore, #tpu.memory_space<semaphore_mem>>)
        %dma_wait3A = arith.constant 0 : i32
        %dma_wait3A_82 = tpu.memref_slice %arg22[%add3A_74, %dma_wait3A] : memref<10112x128xf32, #tpu.memory_space<vmem_shared>> -> memref<128x128xf32, #tpu.memory_space<vmem_shared>>
        %dma_wait3A_83 = arith.constant 0 : i32
        %dma_wait3A_84 = tpu.memref_slice %arg22[%add3A_74, %dma_wait3A_83] : memref<10112x128xf32, #tpu.memory_space<vmem_shared>> -> memref<128x128xf32, #tpu.memory_space<vmem_shared>>
        tpu.wait_dma2 semaphore(%run_scoped3A : memref<!tpu.dma_semaphore, #tpu.memory_space<semaphore_mem>>) src(%dma_wait3A_84 : memref<128x128xf32, #tpu.memory_space<vmem_shared>>) dst(%arg20 : memref<128x128xf32, #tpu.memory_space<vmem>>)
        tpu.yield
      }) : () -> ()
      %add3A_75 = arith.constant 384 : i32
      %add3A_76 = arith.addi %mul3A_0, %add3A_75 : i32
      "tpu.region"() ({
        %run_scoped3A = tpu.sem_alloc : memref<!tpu.dma_semaphore, #tpu.memory_space<semaphore_mem>>
        %dma_start3A = arith.constant 0 : i32
        %dma_start3A_79 = tpu.memref_slice %arg10[%add3A_76, %dma_start3A] : memref<10112x128xf32, #tpu.memory_space<hbm>> -> memref<128x128xf32, #tpu.memory_space<hbm>>
        %dma_start3A_80 = arith.constant 0 : i32
        %dma_start3A_81 = tpu.memref_slice %arg10[%add3A_76, %dma_start3A_80] : memref<10112x128xf32, #tpu.memory_space<hbm>> -> memref<128x128xf32, #tpu.memory_space<hbm>>
        tpu.enqueue_dma source(%arg20 : memref<128x128xf32, #tpu.memory_space<vmem>>) target(%dma_start3A_81 : memref<128x128xf32, #tpu.memory_space<hbm>>) target_semaphore(%run_scoped3A : memref<!tpu.dma_semaphore, #tpu.memory_space<semaphore_mem>>)
        %dma_wait3A = arith.constant 0 : i32
        %dma_wait3A_82 = tpu.memref_slice %arg10[%add3A_76, %dma_wait3A] : memref<10112x128xf32, #tpu.memory_space<hbm>> -> memref<128x128xf32, #tpu.memory_space<hbm>>
        %dma_wait3A_83 = arith.constant 0 : i32
        %dma_wait3A_84 = tpu.memref_slice %arg10[%add3A_76, %dma_wait3A_83] : memref<10112x128xf32, #tpu.memory_space<hbm>> -> memref<128x128xf32, #tpu.memory_space<hbm>>
        tpu.wait_dma2 semaphore(%run_scoped3A : memref<!tpu.dma_semaphore, #tpu.memory_space<semaphore_mem>>) src(%arg20 : memref<128x128xf32, #tpu.memory_space<vmem>>) dst(%dma_wait3A_84 : memref<128x128xf32, #tpu.memory_space<hbm>>)
        tpu.yield
      }) : () -> ()
      %add3A_77 = arith.constant 512 : i32
      %add3A_78 = arith.addi %mul3A_0, %add3A_77 : i32
      "tpu.region"() ({
        %run_scoped3A = tpu.sem_alloc : memref<!tpu.dma_semaphore, #tpu.memory_space<semaphore_mem>>
        %dma_start3A = arith.constant 0 : i32
        %dma_start3A_79 = arith.constant 0 : i32
        %dma_start3A_80 = tpu.memref_slice %arg20[%dma_start3A, %dma_start3A_79] : memref<128x128xf32, #tpu.memory_space<vmem>> -> memref<120x128xf32, #tpu.memory_space<vmem>>
        %dma_start3A_81 = arith.constant 0 : i32
        %dma_start3A_82 = tpu.memref_slice %arg22[%add3A_78, %dma_start3A_81] : memref<10112x128xf32, #tpu.memory_space<vmem_shared>> -> memref<120x128xf32, #tpu.memory_space<vmem_shared>>
        %dma_start3A_83 = arith.constant 0 : i32
        %dma_start3A_84 = arith.constant 0 : i32
        %dma_start3A_85 = tpu.memref_slice %arg20[%dma_start3A_83, %dma_start3A_84] : memref<128x128xf32, #tpu.memory_space<vmem>> -> memref<120x128xf32, #tpu.memory_space<vmem>>
        %dma_start3A_86 = arith.constant 0 : i32
        %dma_start3A_87 = tpu.memref_slice %arg22[%add3A_78, %dma_start3A_86] : memref<10112x128xf32, #tpu.memory_space<vmem_shared>> -> memref<120x128xf32, #tpu.memory_space<vmem_shared>>
        tpu.enqueue_dma source(%dma_start3A_87 : memref<120x128xf32, #tpu.memory_space<vmem_shared>>) target(%dma_start3A_85 : memref<120x128xf32, #tpu.memory_space<vmem>>) target_semaphore(%run_scoped3A : memref<!tpu.dma_semaphore, #tpu.memory_space<semaphore_mem>>)
        %dma_wait3A = arith.constant 0 : i32
        %dma_wait3A_88 = arith.constant 0 : i32
        %dma_wait3A_89 = tpu.memref_slice %arg20[%dma_wait3A, %dma_wait3A_88] : memref<128x128xf32, #tpu.memory_space<vmem>> -> memref<120x128xf32, #tpu.memory_space<vmem>>
        %dma_wait3A_90 = arith.constant 0 : i32
        %dma_wait3A_91 = tpu.memref_slice %arg22[%add3A_78, %dma_wait3A_90] : memref<10112x128xf32, #tpu.memory_space<vmem_shared>> -> memref<120x128xf32, #tpu.memory_space<vmem_shared>>
        %dma_wait3A_92 = arith.constant 0 : i32
        %dma_wait3A_93 = arith.constant 0 : i32
        %dma_wait3A_94 = tpu.memref_slice %arg20[%dma_wait3A_92, %dma_wait3A_93] : memref<128x128xf32, #tpu.memory_space<vmem>> -> memref<120x128xf32, #tpu.memory_space<vmem>>
        %dma_wait3A_95 = arith.constant 0 : i32
        %dma_wait3A_96 = tpu.memref_slice %arg22[%add3A_78, %dma_wait3A_95] : memref<10112x128xf32, #tpu.memory_space<vmem_shared>> -> memref<120x128xf32, #tpu.memory_space<vmem_shared>>
        tpu.wait_dma2 semaphore(%run_scoped3A : memref<!tpu.dma_semaphore, #tpu.memory_space<semaphore_mem>>) src(%dma_wait3A_96 : memref<120x128xf32, #tpu.memory_space<vmem_shared>>) dst(%dma_wait3A_94 : memref<120x128xf32, #tpu.memory_space<vmem>>)
        tpu.yield
      }) : () -> ()
      "tpu.region"() ({
        %run_scoped3A = tpu.sem_alloc : memref<!tpu.dma_semaphore, #tpu.memory_space<semaphore_mem>>
        %dma_start3A = arith.constant 0 : i32
        %dma_start3A_79 = arith.constant 0 : i32
        %dma_start3A_80 = tpu.memref_slice %arg20[%dma_start3A, %dma_start3A_79] : memref<128x128xf32, #tpu.memory_space<vmem>> -> memref<120x128xf32, #tpu.memory_space<vmem>>
        %dma_start3A_81 = arith.constant 0 : i32
        %dma_start3A_82 = tpu.memref_slice %arg10[%add3A_78, %dma_start3A_81] : memref<10112x128xf32, #tpu.memory_space<hbm>> -> memref<120x128xf32, #tpu.memory_space<hbm>>
        %dma_start3A_83 = arith.constant 0 : i32
        %dma_start3A_84 = tpu.memref_slice %arg10[%add3A_78, %dma_start3A_83] : memref<10112x128xf32, #tpu.memory_space<hbm>> -> memref<120x128xf32, #tpu.memory_space<hbm>>
        %dma_start3A_85 = arith.constant 0 : i32
        %dma_start3A_86 = arith.constant 0 : i32
        %dma_start3A_87 = tpu.memref_slice %arg20[%dma_start3A_85, %dma_start3A_86] : memref<128x128xf32, #tpu.memory_space<vmem>> -> memref<120x128xf32, #tpu.memory_space<vmem>>
        tpu.enqueue_dma source(%dma_start3A_87 : memref<120x128xf32, #tpu.memory_space<vmem>>) target(%dma_start3A_84 : memref<120x128xf32, #tpu.memory_space<hbm>>) target_semaphore(%run_scoped3A : memref<!tpu.dma_semaphore, #tpu.memory_space<semaphore_mem>>)
        %dma_wait3A = arith.constant 0 : i32
        %dma_wait3A_88 = arith.constant 0 : i32
        %dma_wait3A_89 = tpu.memref_slice %arg20[%dma_wait3A, %dma_wait3A_88] : memref<128x128xf32, #tpu.memory_space<vmem>> -> memref<120x128xf32, #tpu.memory_space<vmem>>
        %dma_wait3A_90 = arith.constant 0 : i32
        %dma_wait3A_91 = tpu.memref_slice %arg10[%add3A_78, %dma_wait3A_90] : memref<10112x128xf32, #tpu.memory_space<hbm>> -> memref<120x128xf32, #tpu.memory_space<hbm>>
        %dma_wait3A_92 = arith.constant 0 : i32
        %dma_wait3A_93 = tpu.memref_slice %arg10[%add3A_78, %dma_wait3A_92] : memref<10112x128xf32, #tpu.memory_space<hbm>> -> memref<120x128xf32, #tpu.memory_space<hbm>>
        %dma_wait3A_94 = arith.constant 0 : i32
        %dma_wait3A_95 = arith.constant 0 : i32
        %dma_wait3A_96 = tpu.memref_slice %arg20[%dma_wait3A_94, %dma_wait3A_95] : memref<128x128xf32, #tpu.memory_space<vmem>> -> memref<120x128xf32, #tpu.memory_space<vmem>>
        tpu.wait_dma2 semaphore(%run_scoped3A : memref<!tpu.dma_semaphore, #tpu.memory_space<semaphore_mem>>) src(%dma_wait3A_96 : memref<120x128xf32, #tpu.memory_space<vmem>>) dst(%dma_wait3A_93 : memref<120x128xf32, #tpu.memory_space<hbm>>)
        tpu.yield
      }) : () -> ()
    } else {
    }
    %eq3A_23 = arith.constant 1 : i32
    %eq3A_24 = arith.cmpi eq, %arg0, %eq3A_23 : i32
    %convert_element_type3A_25 = arith.extui %eq3A_24 : i1 to i32
    %cond3A_26 = arith.constant 0 : i32
    %cond3A_27 = arith.cmpi ne, %convert_element_type3A_25, %cond3A_26 : i32
    scf.if %cond3A_27 {
      %add3A_61 = arith.constant 0 : i32
      %add3A_62 = arith.addi %mul3A_0, %add3A_61 : i32
      "tpu.region"() ({
        %run_scoped3A = tpu.sem_alloc : memref<!tpu.dma_semaphore, #tpu.memory_space<semaphore_mem>>
        %dma_start3A = arith.constant 0 : i32
        %dma_start3A_79 = tpu.memref_slice %arg22[%add3A_62, %dma_start3A] : memref<10112x128xf32, #tpu.memory_space<vmem_shared>> -> memref<128x128xf32, #tpu.memory_space<vmem_shared>>
        %dma_start3A_80 = arith.constant 0 : i32
        %dma_start3A_81 = tpu.memref_slice %arg22[%add3A_62, %dma_start3A_80] : memref<10112x128xf32, #tpu.memory_space<vmem_shared>> -> memref<128x128xf32, #tpu.memory_space<vmem_shared>>
        tpu.enqueue_dma source(%dma_start3A_81 : memref<128x128xf32, #tpu.memory_space<vmem_shared>>) target(%arg20 : memref<128x128xf32, #tpu.memory_space<vmem>>) target_semaphore(%run_scoped3A : memref<!tpu.dma_semaphore, #tpu.memory_space<semaphore_mem>>)
        %dma_wait3A = arith.constant 0 : i32
        %dma_wait3A_82 = tpu.memref_slice %arg22[%add3A_62, %dma_wait3A] : memref<10112x128xf32, #tpu.memory_space<vmem_shared>> -> memref<128x128xf32, #tpu.memory_space<vmem_shared>>
        %dma_wait3A_83 = arith.constant 0 : i32
        %dma_wait3A_84 = tpu.memref_slice %arg22[%add3A_62, %dma_wait3A_83] : memref<10112x128xf32, #tpu.memory_space<vmem_shared>> -> memref<128x128xf32, #tpu.memory_space<vmem_shared>>
        tpu.wait_dma2 semaphore(%run_scoped3A : memref<!tpu.dma_semaphore, #tpu.memory_space<semaphore_mem>>) src(%dma_wait3A_84 : memref<128x128xf32, #tpu.memory_space<vmem_shared>>) dst(%arg20 : memref<128x128xf32, #tpu.memory_space<vmem>>)
        tpu.yield
      }) : () -> ()
      %add3A_63 = arith.constant 0 : i32
      %add3A_64 = arith.addi %mul3A_0, %add3A_63 : i32
      "tpu.region"() ({
        %run_scoped3A = tpu.sem_alloc : memref<!tpu.dma_semaphore, #tpu.memory_space<semaphore_mem>>
        %dma_start3A = arith.constant 0 : i32
        %dma_start3A_79 = tpu.memref_slice %arg11[%add3A_64, %dma_start3A] : memref<10112x128xf32, #tpu.memory_space<hbm>> -> memref<128x128xf32, #tpu.memory_space<hbm>>
        %dma_start3A_80 = arith.constant 0 : i32
        %dma_start3A_81 = tpu.memref_slice %arg11[%add3A_64, %dma_start3A_80] : memref<10112x128xf32, #tpu.memory_space<hbm>> -> memref<128x128xf32, #tpu.memory_space<hbm>>
        tpu.enqueue_dma source(%arg20 : memref<128x128xf32, #tpu.memory_space<vmem>>) target(%dma_start3A_81 : memref<128x128xf32, #tpu.memory_space<hbm>>) target_semaphore(%run_scoped3A : memref<!tpu.dma_semaphore, #tpu.memory_space<semaphore_mem>>)
        %dma_wait3A = arith.constant 0 : i32
        %dma_wait3A_82 = tpu.memref_slice %arg11[%add3A_64, %dma_wait3A] : memref<10112x128xf32, #tpu.memory_space<hbm>> -> memref<128x128xf32, #tpu.memory_space<hbm>>
        %dma_wait3A_83 = arith.constant 0 : i32
        %dma_wait3A_84 = tpu.memref_slice %arg11[%add3A_64, %dma_wait3A_83] : memref<10112x128xf32, #tpu.memory_space<hbm>> -> memref<128x128xf32, #tpu.memory_space<hbm>>
        tpu.wait_dma2 semaphore(%run_scoped3A : memref<!tpu.dma_semaphore, #tpu.memory_space<semaphore_mem>>) src(%arg20 : memref<128x128xf32, #tpu.memory_space<vmem>>) dst(%dma_wait3A_84 : memref<128x128xf32, #tpu.memory_space<hbm>>)
        tpu.yield
      }) : () -> ()
      %add3A_65 = arith.constant 128 : i32
      %add3A_66 = arith.addi %mul3A_0, %add3A_65 : i32
      "tpu.region"() ({
        %run_scoped3A = tpu.sem_alloc : memref<!tpu.dma_semaphore, #tpu.memory_space<semaphore_mem>>
        %dma_start3A = arith.constant 0 : i32
        %dma_start3A_79 = tpu.memref_slice %arg22[%add3A_66, %dma_start3A] : memref<10112x128xf32, #tpu.memory_space<vmem_shared>> -> memref<128x128xf32, #tpu.memory_space<vmem_shared>>
        %dma_start3A_80 = arith.constant 0 : i32
        %dma_start3A_81 = tpu.memref_slice %arg22[%add3A_66, %dma_start3A_80] : memref<10112x128xf32, #tpu.memory_space<vmem_shared>> -> memref<128x128xf32, #tpu.memory_space<vmem_shared>>
        tpu.enqueue_dma source(%dma_start3A_81 : memref<128x128xf32, #tpu.memory_space<vmem_shared>>) target(%arg20 : memref<128x128xf32, #tpu.memory_space<vmem>>) target_semaphore(%run_scoped3A : memref<!tpu.dma_semaphore, #tpu.memory_space<semaphore_mem>>)
        %dma_wait3A = arith.constant 0 : i32
        %dma_wait3A_82 = tpu.memref_slice %arg22[%add3A_66, %dma_wait3A] : memref<10112x128xf32, #tpu.memory_space<vmem_shared>> -> memref<128x128xf32, #tpu.memory_space<vmem_shared>>
        %dma_wait3A_83 = arith.constant 0 : i32
        %dma_wait3A_84 = tpu.memref_slice %arg22[%add3A_66, %dma_wait3A_83] : memref<10112x128xf32, #tpu.memory_space<vmem_shared>> -> memref<128x128xf32, #tpu.memory_space<vmem_shared>>
        tpu.wait_dma2 semaphore(%run_scoped3A : memref<!tpu.dma_semaphore, #tpu.memory_space<semaphore_mem>>) src(%dma_wait3A_84 : memref<128x128xf32, #tpu.memory_space<vmem_shared>>) dst(%arg20 : memref<128x128xf32, #tpu.memory_space<vmem>>)
        tpu.yield
      }) : () -> ()
      %add3A_67 = arith.constant 128 : i32
      %add3A_68 = arith.addi %mul3A_0, %add3A_67 : i32
      "tpu.region"() ({
        %run_scoped3A = tpu.sem_alloc : memref<!tpu.dma_semaphore, #tpu.memory_space<semaphore_mem>>
        %dma_start3A = arith.constant 0 : i32
        %dma_start3A_79 = tpu.memref_slice %arg11[%add3A_68, %dma_start3A] : memref<10112x128xf32, #tpu.memory_space<hbm>> -> memref<128x128xf32, #tpu.memory_space<hbm>>
        %dma_start3A_80 = arith.constant 0 : i32
        %dma_start3A_81 = tpu.memref_slice %arg11[%add3A_68, %dma_start3A_80] : memref<10112x128xf32, #tpu.memory_space<hbm>> -> memref<128x128xf32, #tpu.memory_space<hbm>>
        tpu.enqueue_dma source(%arg20 : memref<128x128xf32, #tpu.memory_space<vmem>>) target(%dma_start3A_81 : memref<128x128xf32, #tpu.memory_space<hbm>>) target_semaphore(%run_scoped3A : memref<!tpu.dma_semaphore, #tpu.memory_space<semaphore_mem>>)
        %dma_wait3A = arith.constant 0 : i32
        %dma_wait3A_82 = tpu.memref_slice %arg11[%add3A_68, %dma_wait3A] : memref<10112x128xf32, #tpu.memory_space<hbm>> -> memref<128x128xf32, #tpu.memory_space<hbm>>
        %dma_wait3A_83 = arith.constant 0 : i32
        %dma_wait3A_84 = tpu.memref_slice %arg11[%add3A_68, %dma_wait3A_83] : memref<10112x128xf32, #tpu.memory_space<hbm>> -> memref<128x128xf32, #tpu.memory_space<hbm>>
        tpu.wait_dma2 semaphore(%run_scoped3A : memref<!tpu.dma_semaphore, #tpu.memory_space<semaphore_mem>>) src(%arg20 : memref<128x128xf32, #tpu.memory_space<vmem>>) dst(%dma_wait3A_84 : memref<128x128xf32, #tpu.memory_space<hbm>>)
        tpu.yield
      }) : () -> ()
      %add3A_69 = arith.constant 256 : i32
      %add3A_70 = arith.addi %mul3A_0, %add3A_69 : i32
      "tpu.region"() ({
        %run_scoped3A = tpu.sem_alloc : memref<!tpu.dma_semaphore, #tpu.memory_space<semaphore_mem>>
        %dma_start3A = arith.constant 0 : i32
        %dma_start3A_79 = tpu.memref_slice %arg22[%add3A_70, %dma_start3A] : memref<10112x128xf32, #tpu.memory_space<vmem_shared>> -> memref<128x128xf32, #tpu.memory_space<vmem_shared>>
        %dma_start3A_80 = arith.constant 0 : i32
        %dma_start3A_81 = tpu.memref_slice %arg22[%add3A_70, %dma_start3A_80] : memref<10112x128xf32, #tpu.memory_space<vmem_shared>> -> memref<128x128xf32, #tpu.memory_space<vmem_shared>>
        tpu.enqueue_dma source(%dma_start3A_81 : memref<128x128xf32, #tpu.memory_space<vmem_shared>>) target(%arg20 : memref<128x128xf32, #tpu.memory_space<vmem>>) target_semaphore(%run_scoped3A : memref<!tpu.dma_semaphore, #tpu.memory_space<semaphore_mem>>)
        %dma_wait3A = arith.constant 0 : i32
        %dma_wait3A_82 = tpu.memref_slice %arg22[%add3A_70, %dma_wait3A] : memref<10112x128xf32, #tpu.memory_space<vmem_shared>> -> memref<128x128xf32, #tpu.memory_space<vmem_shared>>
        %dma_wait3A_83 = arith.constant 0 : i32
        %dma_wait3A_84 = tpu.memref_slice %arg22[%add3A_70, %dma_wait3A_83] : memref<10112x128xf32, #tpu.memory_space<vmem_shared>> -> memref<128x128xf32, #tpu.memory_space<vmem_shared>>
        tpu.wait_dma2 semaphore(%run_scoped3A : memref<!tpu.dma_semaphore, #tpu.memory_space<semaphore_mem>>) src(%dma_wait3A_84 : memref<128x128xf32, #tpu.memory_space<vmem_shared>>) dst(%arg20 : memref<128x128xf32, #tpu.memory_space<vmem>>)
        tpu.yield
      }) : () -> ()
      %add3A_71 = arith.constant 256 : i32
      %add3A_72 = arith.addi %mul3A_0, %add3A_71 : i32
      "tpu.region"() ({
        %run_scoped3A = tpu.sem_alloc : memref<!tpu.dma_semaphore, #tpu.memory_space<semaphore_mem>>
        %dma_start3A = arith.constant 0 : i32
        %dma_start3A_79 = tpu.memref_slice %arg11[%add3A_72, %dma_start3A] : memref<10112x128xf32, #tpu.memory_space<hbm>> -> memref<128x128xf32, #tpu.memory_space<hbm>>
        %dma_start3A_80 = arith.constant 0 : i32
        %dma_start3A_81 = tpu.memref_slice %arg11[%add3A_72, %dma_start3A_80] : memref<10112x128xf32, #tpu.memory_space<hbm>> -> memref<128x128xf32, #tpu.memory_space<hbm>>
        tpu.enqueue_dma source(%arg20 : memref<128x128xf32, #tpu.memory_space<vmem>>) target(%dma_start3A_81 : memref<128x128xf32, #tpu.memory_space<hbm>>) target_semaphore(%run_scoped3A : memref<!tpu.dma_semaphore, #tpu.memory_space<semaphore_mem>>)
        %dma_wait3A = arith.constant 0 : i32
        %dma_wait3A_82 = tpu.memref_slice %arg11[%add3A_72, %dma_wait3A] : memref<10112x128xf32, #tpu.memory_space<hbm>> -> memref<128x128xf32, #tpu.memory_space<hbm>>
        %dma_wait3A_83 = arith.constant 0 : i32
        %dma_wait3A_84 = tpu.memref_slice %arg11[%add3A_72, %dma_wait3A_83] : memref<10112x128xf32, #tpu.memory_space<hbm>> -> memref<128x128xf32, #tpu.memory_space<hbm>>
        tpu.wait_dma2 semaphore(%run_scoped3A : memref<!tpu.dma_semaphore, #tpu.memory_space<semaphore_mem>>) src(%arg20 : memref<128x128xf32, #tpu.memory_space<vmem>>) dst(%dma_wait3A_84 : memref<128x128xf32, #tpu.memory_space<hbm>>)
        tpu.yield
      }) : () -> ()
      %add3A_73 = arith.constant 384 : i32
      %add3A_74 = arith.addi %mul3A_0, %add3A_73 : i32
      "tpu.region"() ({
        %run_scoped3A = tpu.sem_alloc : memref<!tpu.dma_semaphore, #tpu.memory_space<semaphore_mem>>
        %dma_start3A = arith.constant 0 : i32
        %dma_start3A_79 = tpu.memref_slice %arg22[%add3A_74, %dma_start3A] : memref<10112x128xf32, #tpu.memory_space<vmem_shared>> -> memref<128x128xf32, #tpu.memory_space<vmem_shared>>
        %dma_start3A_80 = arith.constant 0 : i32
        %dma_start3A_81 = tpu.memref_slice %arg22[%add3A_74, %dma_start3A_80] : memref<10112x128xf32, #tpu.memory_space<vmem_shared>> -> memref<128x128xf32, #tpu.memory_space<vmem_shared>>
        tpu.enqueue_dma source(%dma_start3A_81 : memref<128x128xf32, #tpu.memory_space<vmem_shared>>) target(%arg20 : memref<128x128xf32, #tpu.memory_space<vmem>>) target_semaphore(%run_scoped3A : memref<!tpu.dma_semaphore, #tpu.memory_space<semaphore_mem>>)
        %dma_wait3A = arith.constant 0 : i32
        %dma_wait3A_82 = tpu.memref_slice %arg22[%add3A_74, %dma_wait3A] : memref<10112x128xf32, #tpu.memory_space<vmem_shared>> -> memref<128x128xf32, #tpu.memory_space<vmem_shared>>
        %dma_wait3A_83 = arith.constant 0 : i32
        %dma_wait3A_84 = tpu.memref_slice %arg22[%add3A_74, %dma_wait3A_83] : memref<10112x128xf32, #tpu.memory_space<vmem_shared>> -> memref<128x128xf32, #tpu.memory_space<vmem_shared>>
        tpu.wait_dma2 semaphore(%run_scoped3A : memref<!tpu.dma_semaphore, #tpu.memory_space<semaphore_mem>>) src(%dma_wait3A_84 : memref<128x128xf32, #tpu.memory_space<vmem_shared>>) dst(%arg20 : memref<128x128xf32, #tpu.memory_space<vmem>>)
        tpu.yield
      }) : () -> ()
      %add3A_75 = arith.constant 384 : i32
      %add3A_76 = arith.addi %mul3A_0, %add3A_75 : i32
      "tpu.region"() ({
        %run_scoped3A = tpu.sem_alloc : memref<!tpu.dma_semaphore, #tpu.memory_space<semaphore_mem>>
        %dma_start3A = arith.constant 0 : i32
        %dma_start3A_79 = tpu.memref_slice %arg11[%add3A_76, %dma_start3A] : memref<10112x128xf32, #tpu.memory_space<hbm>> -> memref<128x128xf32, #tpu.memory_space<hbm>>
        %dma_start3A_80 = arith.constant 0 : i32
        %dma_start3A_81 = tpu.memref_slice %arg11[%add3A_76, %dma_start3A_80] : memref<10112x128xf32, #tpu.memory_space<hbm>> -> memref<128x128xf32, #tpu.memory_space<hbm>>
        tpu.enqueue_dma source(%arg20 : memref<128x128xf32, #tpu.memory_space<vmem>>) target(%dma_start3A_81 : memref<128x128xf32, #tpu.memory_space<hbm>>) target_semaphore(%run_scoped3A : memref<!tpu.dma_semaphore, #tpu.memory_space<semaphore_mem>>)
        %dma_wait3A = arith.constant 0 : i32
        %dma_wait3A_82 = tpu.memref_slice %arg11[%add3A_76, %dma_wait3A] : memref<10112x128xf32, #tpu.memory_space<hbm>> -> memref<128x128xf32, #tpu.memory_space<hbm>>
        %dma_wait3A_83 = arith.constant 0 : i32
        %dma_wait3A_84 = tpu.memref_slice %arg11[%add3A_76, %dma_wait3A_83] : memref<10112x128xf32, #tpu.memory_space<hbm>> -> memref<128x128xf32, #tpu.memory_space<hbm>>
        tpu.wait_dma2 semaphore(%run_scoped3A : memref<!tpu.dma_semaphore, #tpu.memory_space<semaphore_mem>>) src(%arg20 : memref<128x128xf32, #tpu.memory_space<vmem>>) dst(%dma_wait3A_84 : memref<128x128xf32, #tpu.memory_space<hbm>>)
        tpu.yield
      }) : () -> ()
      %add3A_77 = arith.constant 512 : i32
      %add3A_78 = arith.addi %mul3A_0, %add3A_77 : i32
      "tpu.region"() ({
        %run_scoped3A = tpu.sem_alloc : memref<!tpu.dma_semaphore, #tpu.memory_space<semaphore_mem>>
        %dma_start3A = arith.constant 0 : i32
        %dma_start3A_79 = arith.constant 0 : i32
        %dma_start3A_80 = tpu.memref_slice %arg20[%dma_start3A, %dma_start3A_79] : memref<128x128xf32, #tpu.memory_space<vmem>> -> memref<120x128xf32, #tpu.memory_space<vmem>>
        %dma_start3A_81 = arith.constant 0 : i32
        %dma_start3A_82 = tpu.memref_slice %arg22[%add3A_78, %dma_start3A_81] : memref<10112x128xf32, #tpu.memory_space<vmem_shared>> -> memref<120x128xf32, #tpu.memory_space<vmem_shared>>
        %dma_start3A_83 = arith.constant 0 : i32
        %dma_start3A_84 = arith.constant 0 : i32
        %dma_start3A_85 = tpu.memref_slice %arg20[%dma_start3A_83, %dma_start3A_84] : memref<128x128xf32, #tpu.memory_space<vmem>> -> memref<120x128xf32, #tpu.memory_space<vmem>>
        %dma_start3A_86 = arith.constant 0 : i32
        %dma_start3A_87 = tpu.memref_slice %arg22[%add3A_78, %dma_start3A_86] : memref<10112x128xf32, #tpu.memory_space<vmem_shared>> -> memref<120x128xf32, #tpu.memory_space<vmem_shared>>
        tpu.enqueue_dma source(%dma_start3A_87 : memref<120x128xf32, #tpu.memory_space<vmem_shared>>) target(%dma_start3A_85 : memref<120x128xf32, #tpu.memory_space<vmem>>) target_semaphore(%run_scoped3A : memref<!tpu.dma_semaphore, #tpu.memory_space<semaphore_mem>>)
        %dma_wait3A = arith.constant 0 : i32
        %dma_wait3A_88 = arith.constant 0 : i32
        %dma_wait3A_89 = tpu.memref_slice %arg20[%dma_wait3A, %dma_wait3A_88] : memref<128x128xf32, #tpu.memory_space<vmem>> -> memref<120x128xf32, #tpu.memory_space<vmem>>
        %dma_wait3A_90 = arith.constant 0 : i32
        %dma_wait3A_91 = tpu.memref_slice %arg22[%add3A_78, %dma_wait3A_90] : memref<10112x128xf32, #tpu.memory_space<vmem_shared>> -> memref<120x128xf32, #tpu.memory_space<vmem_shared>>
        %dma_wait3A_92 = arith.constant 0 : i32
        %dma_wait3A_93 = arith.constant 0 : i32
        %dma_wait3A_94 = tpu.memref_slice %arg20[%dma_wait3A_92, %dma_wait3A_93] : memref<128x128xf32, #tpu.memory_space<vmem>> -> memref<120x128xf32, #tpu.memory_space<vmem>>
        %dma_wait3A_95 = arith.constant 0 : i32
        %dma_wait3A_96 = tpu.memref_slice %arg22[%add3A_78, %dma_wait3A_95] : memref<10112x128xf32, #tpu.memory_space<vmem_shared>> -> memref<120x128xf32, #tpu.memory_space<vmem_shared>>
        tpu.wait_dma2 semaphore(%run_scoped3A : memref<!tpu.dma_semaphore, #tpu.memory_space<semaphore_mem>>) src(%dma_wait3A_96 : memref<120x128xf32, #tpu.memory_space<vmem_shared>>) dst(%dma_wait3A_94 : memref<120x128xf32, #tpu.memory_space<vmem>>)
        tpu.yield
      }) : () -> ()
      "tpu.region"() ({
        %run_scoped3A = tpu.sem_alloc : memref<!tpu.dma_semaphore, #tpu.memory_space<semaphore_mem>>
        %dma_start3A = arith.constant 0 : i32
        %dma_start3A_79 = arith.constant 0 : i32
        %dma_start3A_80 = tpu.memref_slice %arg20[%dma_start3A, %dma_start3A_79] : memref<128x128xf32, #tpu.memory_space<vmem>> -> memref<120x128xf32, #tpu.memory_space<vmem>>
        %dma_start3A_81 = arith.constant 0 : i32
        %dma_start3A_82 = tpu.memref_slice %arg11[%add3A_78, %dma_start3A_81] : memref<10112x128xf32, #tpu.memory_space<hbm>> -> memref<120x128xf32, #tpu.memory_space<hbm>>
        %dma_start3A_83 = arith.constant 0 : i32
        %dma_start3A_84 = tpu.memref_slice %arg11[%add3A_78, %dma_start3A_83] : memref<10112x128xf32, #tpu.memory_space<hbm>> -> memref<120x128xf32, #tpu.memory_space<hbm>>
        %dma_start3A_85 = arith.constant 0 : i32
        %dma_start3A_86 = arith.constant 0 : i32
        %dma_start3A_87 = tpu.memref_slice %arg20[%dma_start3A_85, %dma_start3A_86] : memref<128x128xf32, #tpu.memory_space<vmem>> -> memref<120x128xf32, #tpu.memory_space<vmem>>
        tpu.enqueue_dma source(%dma_start3A_87 : memref<120x128xf32, #tpu.memory_space<vmem>>) target(%dma_start3A_84 : memref<120x128xf32, #tpu.memory_space<hbm>>) target_semaphore(%run_scoped3A : memref<!tpu.dma_semaphore, #tpu.memory_space<semaphore_mem>>)
        %dma_wait3A = arith.constant 0 : i32
        %dma_wait3A_88 = arith.constant 0 : i32
        %dma_wait3A_89 = tpu.memref_slice %arg20[%dma_wait3A, %dma_wait3A_88] : memref<128x128xf32, #tpu.memory_space<vmem>> -> memref<120x128xf32, #tpu.memory_space<vmem>>
        %dma_wait3A_90 = arith.constant 0 : i32
        %dma_wait3A_91 = tpu.memref_slice %arg11[%add3A_78, %dma_wait3A_90] : memref<10112x128xf32, #tpu.memory_space<hbm>> -> memref<120x128xf32, #tpu.memory_space<hbm>>
        %dma_wait3A_92 = arith.constant 0 : i32
        %dma_wait3A_93 = tpu.memref_slice %arg11[%add3A_78, %dma_wait3A_92] : memref<10112x128xf32, #tpu.memory_space<hbm>> -> memref<120x128xf32, #tpu.memory_space<hbm>>
        %dma_wait3A_94 = arith.constant 0 : i32
        %dma_wait3A_95 = arith.constant 0 : i32
        %dma_wait3A_96 = tpu.memref_slice %arg20[%dma_wait3A_94, %dma_wait3A_95] : memref<128x128xf32, #tpu.memory_space<vmem>> -> memref<120x128xf32, #tpu.memory_space<vmem>>
        tpu.wait_dma2 semaphore(%run_scoped3A : memref<!tpu.dma_semaphore, #tpu.memory_space<semaphore_mem>>) src(%dma_wait3A_96 : memref<120x128xf32, #tpu.memory_space<vmem>>) dst(%dma_wait3A_93 : memref<120x128xf32, #tpu.memory_space<hbm>>)
        tpu.yield
      }) : () -> ()
    } else {
    }
    %barrier3A_28 = arith.constant 0 : index
    tpu.barrier barrier_id(%barrier3A_28)
    "tpu.region"() ({
      %run_scoped3A = tpu.sem_alloc : memref<!tpu.dma_semaphore, #tpu.memory_space<semaphore_mem>>
      tpu.enqueue_dma source(%arg8 : memref<128x128xf32, #tpu.memory_space<hbm>>) target(%arg20 : memref<128x128xf32, #tpu.memory_space<vmem>>) target_semaphore(%run_scoped3A : memref<!tpu.dma_semaphore, #tpu.memory_space<semaphore_mem>>)
      tpu.wait_dma2 semaphore(%run_scoped3A : memref<!tpu.dma_semaphore, #tpu.memory_space<semaphore_mem>>) src(%arg8 : memref<128x128xf32, #tpu.memory_space<hbm>>) dst(%arg20 : memref<128x128xf32, #tpu.memory_space<vmem>>)
      tpu.yield
    }) : () -> ()
    %add3A_29 = arith.constant 0 : i32
    %add3A_30 = arith.addi %mul3A_0, %add3A_29 : i32
    "tpu.region"() ({
      %run_scoped3A = tpu.sem_alloc : memref<!tpu.dma_semaphore, #tpu.memory_space<semaphore_mem>>
      %dma_start3A = arith.constant 0 : i32
      %dma_start3A_61 = tpu.memref_slice %arg22[%add3A_30, %dma_start3A] : memref<10112x128xf32, #tpu.memory_space<vmem_shared>> -> memref<128x128xf32, #tpu.memory_space<vmem_shared>>
      %dma_start3A_62 = arith.constant 0 : i32
      %dma_start3A_63 = tpu.memref_slice %arg22[%add3A_30, %dma_start3A_62] : memref<10112x128xf32, #tpu.memory_space<vmem_shared>> -> memref<128x128xf32, #tpu.memory_space<vmem_shared>>
      tpu.enqueue_dma source(%arg20 : memref<128x128xf32, #tpu.memory_space<vmem>>) target(%dma_start3A_63 : memref<128x128xf32, #tpu.memory_space<vmem_shared>>) target_semaphore(%run_scoped3A : memref<!tpu.dma_semaphore, #tpu.memory_space<semaphore_mem>>)
      %dma_wait3A = arith.constant 0 : i32
      %dma_wait3A_64 = tpu.memref_slice %arg22[%add3A_30, %dma_wait3A] : memref<10112x128xf32, #tpu.memory_space<vmem_shared>> -> memref<128x128xf32, #tpu.memory_space<vmem_shared>>
      %dma_wait3A_65 = arith.constant 0 : i32
      %dma_wait3A_66 = tpu.memref_slice %arg22[%add3A_30, %dma_wait3A_65] : memref<10112x128xf32, #tpu.memory_space<vmem_shared>> -> memref<128x128xf32, #tpu.memory_space<vmem_shared>>
      tpu.wait_dma2 semaphore(%run_scoped3A : memref<!tpu.dma_semaphore, #tpu.memory_space<semaphore_mem>>) src(%arg20 : memref<128x128xf32, #tpu.memory_space<vmem>>) dst(%dma_wait3A_66 : memref<128x128xf32, #tpu.memory_space<vmem_shared>>)
      tpu.yield
    }) : () -> ()
    %add3A_31 = arith.constant 128 : i32
    %add3A_32 = arith.addi %mul3A_0, %add3A_31 : i32
    "tpu.region"() ({
      %run_scoped3A = tpu.sem_alloc : memref<!tpu.dma_semaphore, #tpu.memory_space<semaphore_mem>>
      %dma_start3A = arith.constant 0 : i32
      %dma_start3A_61 = tpu.memref_slice %arg22[%add3A_32, %dma_start3A] : memref<10112x128xf32, #tpu.memory_space<vmem_shared>> -> memref<128x128xf32, #tpu.memory_space<vmem_shared>>
      %dma_start3A_62 = arith.constant 0 : i32
      %dma_start3A_63 = tpu.memref_slice %arg22[%add3A_32, %dma_start3A_62] : memref<10112x128xf32, #tpu.memory_space<vmem_shared>> -> memref<128x128xf32, #tpu.memory_space<vmem_shared>>
      tpu.enqueue_dma source(%arg20 : memref<128x128xf32, #tpu.memory_space<vmem>>) target(%dma_start3A_63 : memref<128x128xf32, #tpu.memory_space<vmem_shared>>) target_semaphore(%run_scoped3A : memref<!tpu.dma_semaphore, #tpu.memory_space<semaphore_mem>>)
      %dma_wait3A = arith.constant 0 : i32
      %dma_wait3A_64 = tpu.memref_slice %arg22[%add3A_32, %dma_wait3A] : memref<10112x128xf32, #tpu.memory_space<vmem_shared>> -> memref<128x128xf32, #tpu.memory_space<vmem_shared>>
      %dma_wait3A_65 = arith.constant 0 : i32
      %dma_wait3A_66 = tpu.memref_slice %arg22[%add3A_32, %dma_wait3A_65] : memref<10112x128xf32, #tpu.memory_space<vmem_shared>> -> memref<128x128xf32, #tpu.memory_space<vmem_shared>>
      tpu.wait_dma2 semaphore(%run_scoped3A : memref<!tpu.dma_semaphore, #tpu.memory_space<semaphore_mem>>) src(%arg20 : memref<128x128xf32, #tpu.memory_space<vmem>>) dst(%dma_wait3A_66 : memref<128x128xf32, #tpu.memory_space<vmem_shared>>)
      tpu.yield
    }) : () -> ()
    %add3A_33 = arith.constant 256 : i32
    %add3A_34 = arith.addi %mul3A_0, %add3A_33 : i32
    "tpu.region"() ({
      %run_scoped3A = tpu.sem_alloc : memref<!tpu.dma_semaphore, #tpu.memory_space<semaphore_mem>>
      %dma_start3A = arith.constant 0 : i32
      %dma_start3A_61 = tpu.memref_slice %arg22[%add3A_34, %dma_start3A] : memref<10112x128xf32, #tpu.memory_space<vmem_shared>> -> memref<128x128xf32, #tpu.memory_space<vmem_shared>>
      %dma_start3A_62 = arith.constant 0 : i32
      %dma_start3A_63 = tpu.memref_slice %arg22[%add3A_34, %dma_start3A_62] : memref<10112x128xf32, #tpu.memory_space<vmem_shared>> -> memref<128x128xf32, #tpu.memory_space<vmem_shared>>
      tpu.enqueue_dma source(%arg20 : memref<128x128xf32, #tpu.memory_space<vmem>>) target(%dma_start3A_63 : memref<128x128xf32, #tpu.memory_space<vmem_shared>>) target_semaphore(%run_scoped3A : memref<!tpu.dma_semaphore, #tpu.memory_space<semaphore_mem>>)
      %dma_wait3A = arith.constant 0 : i32
      %dma_wait3A_64 = tpu.memref_slice %arg22[%add3A_34, %dma_wait3A] : memref<10112x128xf32, #tpu.memory_space<vmem_shared>> -> memref<128x128xf32, #tpu.memory_space<vmem_shared>>
      %dma_wait3A_65 = arith.constant 0 : i32
      %dma_wait3A_66 = tpu.memref_slice %arg22[%add3A_34, %dma_wait3A_65] : memref<10112x128xf32, #tpu.memory_space<vmem_shared>> -> memref<128x128xf32, #tpu.memory_space<vmem_shared>>
      tpu.wait_dma2 semaphore(%run_scoped3A : memref<!tpu.dma_semaphore, #tpu.memory_space<semaphore_mem>>) src(%arg20 : memref<128x128xf32, #tpu.memory_space<vmem>>) dst(%dma_wait3A_66 : memref<128x128xf32, #tpu.memory_space<vmem_shared>>)
      tpu.yield
    }) : () -> ()
    %add3A_35 = arith.constant 384 : i32
    %add3A_36 = arith.addi %mul3A_0, %add3A_35 : i32
    "tpu.region"() ({
      %run_scoped3A = tpu.sem_alloc : memref<!tpu.dma_semaphore, #tpu.memory_space<semaphore_mem>>
      %dma_start3A = arith.constant 0 : i32
      %dma_start3A_61 = tpu.memref_slice %arg22[%add3A_36, %dma_start3A] : memref<10112x128xf32, #tpu.memory_space<vmem_shared>> -> memref<128x128xf32, #tpu.memory_space<vmem_shared>>
      %dma_start3A_62 = arith.constant 0 : i32
      %dma_start3A_63 = tpu.memref_slice %arg22[%add3A_36, %dma_start3A_62] : memref<10112x128xf32, #tpu.memory_space<vmem_shared>> -> memref<128x128xf32, #tpu.memory_space<vmem_shared>>
      tpu.enqueue_dma source(%arg20 : memref<128x128xf32, #tpu.memory_space<vmem>>) target(%dma_start3A_63 : memref<128x128xf32, #tpu.memory_space<vmem_shared>>) target_semaphore(%run_scoped3A : memref<!tpu.dma_semaphore, #tpu.memory_space<semaphore_mem>>)
      %dma_wait3A = arith.constant 0 : i32
      %dma_wait3A_64 = tpu.memref_slice %arg22[%add3A_36, %dma_wait3A] : memref<10112x128xf32, #tpu.memory_space<vmem_shared>> -> memref<128x128xf32, #tpu.memory_space<vmem_shared>>
      %dma_wait3A_65 = arith.constant 0 : i32
      %dma_wait3A_66 = tpu.memref_slice %arg22[%add3A_36, %dma_wait3A_65] : memref<10112x128xf32, #tpu.memory_space<vmem_shared>> -> memref<128x128xf32, #tpu.memory_space<vmem_shared>>
      tpu.wait_dma2 semaphore(%run_scoped3A : memref<!tpu.dma_semaphore, #tpu.memory_space<semaphore_mem>>) src(%arg20 : memref<128x128xf32, #tpu.memory_space<vmem>>) dst(%dma_wait3A_66 : memref<128x128xf32, #tpu.memory_space<vmem_shared>>)
      tpu.yield
    }) : () -> ()
    %add3A_37 = arith.constant 512 : i32
    %add3A_38 = arith.addi %mul3A_0, %add3A_37 : i32
    "tpu.region"() ({
      %run_scoped3A = tpu.sem_alloc : memref<!tpu.dma_semaphore, #tpu.memory_space<semaphore_mem>>
      %dma_start3A = arith.constant 0 : i32
      %dma_start3A_61 = arith.constant 0 : i32
      %dma_start3A_62 = tpu.memref_slice %arg20[%dma_start3A, %dma_start3A_61] : memref<128x128xf32, #tpu.memory_space<vmem>> -> memref<120x128xf32, #tpu.memory_space<vmem>>
      %dma_start3A_63 = arith.constant 0 : i32
      %dma_start3A_64 = tpu.memref_slice %arg22[%add3A_38, %dma_start3A_63] : memref<10112x128xf32, #tpu.memory_space<vmem_shared>> -> memref<120x128xf32, #tpu.memory_space<vmem_shared>>
      %dma_start3A_65 = arith.constant 0 : i32
      %dma_start3A_66 = tpu.memref_slice %arg22[%add3A_38, %dma_start3A_65] : memref<10112x128xf32, #tpu.memory_space<vmem_shared>> -> memref<120x128xf32, #tpu.memory_space<vmem_shared>>
      %dma_start3A_67 = arith.constant 0 : i32
      %dma_start3A_68 = arith.constant 0 : i32
      %dma_start3A_69 = tpu.memref_slice %arg20[%dma_start3A_67, %dma_start3A_68] : memref<128x128xf32, #tpu.memory_space<vmem>> -> memref<120x128xf32, #tpu.memory_space<vmem>>
      tpu.enqueue_dma source(%dma_start3A_69 : memref<120x128xf32, #tpu.memory_space<vmem>>) target(%dma_start3A_66 : memref<120x128xf32, #tpu.memory_space<vmem_shared>>) target_semaphore(%run_scoped3A : memref<!tpu.dma_semaphore, #tpu.memory_space<semaphore_mem>>)
      %dma_wait3A = arith.constant 0 : i32
      %dma_wait3A_70 = arith.constant 0 : i32
      %dma_wait3A_71 = tpu.memref_slice %arg20[%dma_wait3A, %dma_wait3A_70] : memref<128x128xf32, #tpu.memory_space<vmem>> -> memref<120x128xf32, #tpu.memory_space<vmem>>
      %dma_wait3A_72 = arith.constant 0 : i32
      %dma_wait3A_73 = tpu.memref_slice %arg22[%add3A_38, %dma_wait3A_72] : memref<10112x128xf32, #tpu.memory_space<vmem_shared>> -> memref<120x128xf32, #tpu.memory_space<vmem_shared>>
      %dma_wait3A_74 = arith.constant 0 : i32
      %dma_wait3A_75 = tpu.memref_slice %arg22[%add3A_38, %dma_wait3A_74] : memref<10112x128xf32, #tpu.memory_space<vmem_shared>> -> memref<120x128xf32, #tpu.memory_space<vmem_shared>>
      %dma_wait3A_76 = arith.constant 0 : i32
      %dma_wait3A_77 = arith.constant 0 : i32
      %dma_wait3A_78 = tpu.memref_slice %arg20[%dma_wait3A_76, %dma_wait3A_77] : memref<128x128xf32, #tpu.memory_space<vmem>> -> memref<120x128xf32, #tpu.memory_space<vmem>>
      tpu.wait_dma2 semaphore(%run_scoped3A : memref<!tpu.dma_semaphore, #tpu.memory_space<semaphore_mem>>) src(%dma_wait3A_78 : memref<120x128xf32, #tpu.memory_space<vmem>>) dst(%dma_wait3A_75 : memref<120x128xf32, #tpu.memory_space<vmem_shared>>)
      tpu.yield
    }) : () -> ()
    %barrier3A_39 = arith.constant 0 : index
    tpu.barrier barrier_id(%barrier3A_39)
    "tpu.region"() ({
      %run_scoped3A = tpu.sem_alloc : memref<!tpu.dma_semaphore, #tpu.memory_space<semaphore_mem>>
      tpu.enqueue_dma source(%arg9 : memref<128x128xf32, #tpu.memory_space<hbm>>) target(%arg20 : memref<128x128xf32, #tpu.memory_space<vmem>>) target_semaphore(%run_scoped3A : memref<!tpu.dma_semaphore, #tpu.memory_space<semaphore_mem>>)
      tpu.wait_dma2 semaphore(%run_scoped3A : memref<!tpu.dma_semaphore, #tpu.memory_space<semaphore_mem>>) src(%arg9 : memref<128x128xf32, #tpu.memory_space<hbm>>) dst(%arg20 : memref<128x128xf32, #tpu.memory_space<vmem>>)
      tpu.yield
    }) : () -> ()
    %eq3A_40 = arith.constant 0 : i32
    %eq3A_41 = arith.cmpi eq, %arg0, %eq3A_40 : i32
    %convert_element_type3A_42 = arith.extui %eq3A_41 : i1 to i32
    %cond3A_43 = arith.constant 0 : i32
    %cond3A_44 = arith.cmpi ne, %convert_element_type3A_42, %cond3A_43 : i32
    scf.if %cond3A_44 {
      %run_scoped3A = arith.constant 0 : i32
      "tpu.region"() ({
        %run_scoped3A_67 = tpu.sem_alloc : memref<!tpu.dma_semaphore, #tpu.memory_space<semaphore_mem>>
        %dma_start3A = arith.constant 0 : i32
        %dma_start3A_68 = tpu.memref_slice %arg5[%arg1, %run_scoped3A, %dma_start3A] : memref<16x160x128xi32, #tpu.memory_space<hbm>> -> memref<1x1x128xi32, #tpu.memory_space<hbm>>
        %dma_start3A_69 = tpu.memref_squeeze %dma_start3A_68 : memref<1x1x128xi32, #tpu.memory_space<hbm>> -> memref<128xi32, #tpu.memory_space<hbm>>
        %dma_start3A_70 = arith.constant 0 : i32
        %dma_start3A_71 = tpu.memref_slice %arg5[%arg1, %run_scoped3A, %dma_start3A_70] : memref<16x160x128xi32, #tpu.memory_space<hbm>> -> memref<1x1x128xi32, #tpu.memory_space<hbm>>
        %dma_start3A_72 = tpu.memref_squeeze %dma_start3A_71 : memref<1x1x128xi32, #tpu.memory_space<hbm>> -> memref<128xi32, #tpu.memory_space<hbm>>
        tpu.enqueue_dma source(%dma_start3A_72 : memref<128xi32, #tpu.memory_space<hbm>>) target(%arg16 : memref<128xi32, #tpu.memory_space<vmem>>) target_semaphore(%run_scoped3A_67 : memref<!tpu.dma_semaphore, #tpu.memory_space<semaphore_mem>>)
        %dma_wait3A = arith.constant 0 : i32
        %dma_wait3A_73 = tpu.memref_slice %arg5[%arg1, %run_scoped3A, %dma_wait3A] : memref<16x160x128xi32, #tpu.memory_space<hbm>> -> memref<1x1x128xi32, #tpu.memory_space<hbm>>
        %dma_wait3A_74 = tpu.memref_squeeze %dma_wait3A_73 : memref<1x1x128xi32, #tpu.memory_space<hbm>> -> memref<128xi32, #tpu.memory_space<hbm>>
        %dma_wait3A_75 = arith.constant 0 : i32
        %dma_wait3A_76 = tpu.memref_slice %arg5[%arg1, %run_scoped3A, %dma_wait3A_75] : memref<16x160x128xi32, #tpu.memory_space<hbm>> -> memref<1x1x128xi32, #tpu.memory_space<hbm>>
        %dma_wait3A_77 = tpu.memref_squeeze %dma_wait3A_76 : memref<1x1x128xi32, #tpu.memory_space<hbm>> -> memref<128xi32, #tpu.memory_space<hbm>>
        tpu.wait_dma2 semaphore(%run_scoped3A_67 : memref<!tpu.dma_semaphore, #tpu.memory_space<semaphore_mem>>) src(%dma_wait3A_77 : memref<128xi32, #tpu.memory_space<hbm>>) dst(%arg16 : memref<128xi32, #tpu.memory_space<vmem>>)
        tpu.yield
      }) : () -> ()
      %scan3A = arith.constant 0 : i32
      %scan3A_61 = arith.constant 0 : i32
      %scan3A_62 = arith.constant 80 : i32
      %scan3A_63 = arith.addi %scan3A_61, %scan3A_62 : i32
      %scan3A_64 = arith.constant 1 : i32
      %scan3A_65 = scf.for %scan3A_67 = %scan3A_61 to %scan3A_63 step %scan3A_64 iter_args(%scan3A_68 = %scan3A) -> (i32)  : i32 {
        %mul3A_69 = arith.constant 2 : i32
        %mul3A_70 = arith.muli %mul3A_69, %scan3A_67 : i32
        %add3A_71 = arith.constant 0 : i32
        %add3A_72 = arith.addi %mul3A_70, %add3A_71 : i32
        %add3A_73 = arith.constant 1 : i32
        %add3A_74 = arith.addi %add3A_72, %add3A_73 : i32
        %lt3A = arith.constant 160 : i32
        %lt3A_75 = arith.cmpi slt, %add3A_74, %lt3A : i32
        %convert_element_type3A_76 = arith.extui %lt3A_75 : i1 to i32
        %cond3A_77 = arith.constant 0 : i32
        %cond3A_78 = arith.cmpi ne, %convert_element_type3A_76, %cond3A_77 : i32
        scf.if %cond3A_78 {
          %dma_start3A = arith.constant 0 : i32
          %dma_start3A_104 = arith.constant 0 : i32
          %dma_start3A_105 = tpu.memref_slice %arg22[%dma_start3A, %dma_start3A_104] : memref<10112x128xf32, #tpu.memory_space<vmem_shared>> -> memref<10112x128xf32, #tpu.memory_space<vmem_shared>>
          tpu.enqueue_indirect_dma source(%arg20 : memref<128x128xf32, #tpu.memory_space<vmem>>) target(%dma_start3A_105 : memref<10112x128xf32, #tpu.memory_space<vmem_shared>>) offsets(%arg16 : memref<128xi32, #tpu.memory_space<vmem>>) semaphore(%arg25 : memref<!tpu.dma_semaphore, #tpu.memory_space<semaphore_mem>>) {add = true}
          %add3A_106 = arith.constant 1 : i32
          %add3A_107 = arith.addi %add3A_72, %add3A_106 : i32
          "tpu.region"() ({
            %run_scoped3A_110 = tpu.sem_alloc : memref<!tpu.dma_semaphore, #tpu.memory_space<semaphore_mem>>
            %dma_start3A_111 = arith.constant 0 : i32
            %dma_start3A_112 = tpu.memref_slice %arg5[%arg1, %add3A_107, %dma_start3A_111] : memref<16x160x128xi32, #tpu.memory_space<hbm>> -> memref<1x1x128xi32, #tpu.memory_space<hbm>>
            %dma_start3A_113 = tpu.memref_squeeze %dma_start3A_112 : memref<1x1x128xi32, #tpu.memory_space<hbm>> -> memref<128xi32, #tpu.memory_space<hbm>>
            %dma_start3A_114 = arith.constant 0 : i32
            %dma_start3A_115 = tpu.memref_slice %arg5[%arg1, %add3A_107, %dma_start3A_114] : memref<16x160x128xi32, #tpu.memory_space<hbm>> -> memref<1x1x128xi32, #tpu.memory_space<hbm>>
            %dma_start3A_116 = tpu.memref_squeeze %dma_start3A_115 : memref<1x1x128xi32, #tpu.memory_space<hbm>> -> memref<128xi32, #tpu.memory_space<hbm>>
            tpu.enqueue_dma source(%dma_start3A_116 : memref<128xi32, #tpu.memory_space<hbm>>) target(%arg17 : memref<128xi32, #tpu.memory_space<vmem>>) target_semaphore(%run_scoped3A_110 : memref<!tpu.dma_semaphore, #tpu.memory_space<semaphore_mem>>)
            %dma_wait3A_117 = arith.constant 0 : i32
            %dma_wait3A_118 = tpu.memref_slice %arg5[%arg1, %add3A_107, %dma_wait3A_117] : memref<16x160x128xi32, #tpu.memory_space<hbm>> -> memref<1x1x128xi32, #tpu.memory_space<hbm>>
            %dma_wait3A_119 = tpu.memref_squeeze %dma_wait3A_118 : memref<1x1x128xi32, #tpu.memory_space<hbm>> -> memref<128xi32, #tpu.memory_space<hbm>>
            %dma_wait3A_120 = arith.constant 0 : i32
            %dma_wait3A_121 = tpu.memref_slice %arg5[%arg1, %add3A_107, %dma_wait3A_120] : memref<16x160x128xi32, #tpu.memory_space<hbm>> -> memref<1x1x128xi32, #tpu.memory_space<hbm>>
            %dma_wait3A_122 = tpu.memref_squeeze %dma_wait3A_121 : memref<1x1x128xi32, #tpu.memory_space<hbm>> -> memref<128xi32, #tpu.memory_space<hbm>>
            tpu.wait_dma2 semaphore(%run_scoped3A_110 : memref<!tpu.dma_semaphore, #tpu.memory_space<semaphore_mem>>) src(%dma_wait3A_122 : memref<128xi32, #tpu.memory_space<hbm>>) dst(%arg17 : memref<128xi32, #tpu.memory_space<vmem>>)
            tpu.yield
          }) : () -> ()
          %dma_wait3A = arith.constant 0 : i32
          %dma_wait3A_108 = arith.constant 0 : i32
          %dma_wait3A_109 = tpu.memref_slice %arg22[%dma_wait3A, %dma_wait3A_108] : memref<10112x128xf32, #tpu.memory_space<vmem_shared>> -> memref<10112x128xf32, #tpu.memory_space<vmem_shared>>
          tpu.wait_indirect_dma semaphore(%arg25 : memref<!tpu.dma_semaphore, #tpu.memory_space<semaphore_mem>>) src(%arg20 : memref<128x128xf32, #tpu.memory_space<vmem>>) dst(%dma_wait3A_109 : memref<10112x128xf32, #tpu.memory_space<vmem_shared>>)
        } else {
        }
        %add3A_79 = arith.constant 1 : i32
        %add3A_80 = arith.addi %add3A_72, %add3A_79 : i32
        %ge3A = arith.constant 160 : i32
        %ge3A_81 = arith.cmpi sge, %add3A_80, %ge3A : i32
        %convert_element_type3A_82 = arith.extui %ge3A_81 : i1 to i32
        %cond3A_83 = arith.constant 0 : i32
        %cond3A_84 = arith.cmpi ne, %convert_element_type3A_82, %cond3A_83 : i32
        scf.if %cond3A_84 {
          "tpu.region"() ({
            %run_scoped3A_104 = tpu.sem_alloc : memref<!tpu.dma_semaphore, #tpu.memory_space<semaphore_mem>>
            %dma_start3A = arith.constant 0 : i32
            %dma_start3A_105 = arith.constant 0 : i32
            %dma_start3A_106 = tpu.memref_slice %arg22[%dma_start3A, %dma_start3A_105] : memref<10112x128xf32, #tpu.memory_space<vmem_shared>> -> memref<10112x128xf32, #tpu.memory_space<vmem_shared>>
            tpu.enqueue_indirect_dma source(%arg20 : memref<128x128xf32, #tpu.memory_space<vmem>>) target(%dma_start3A_106 : memref<10112x128xf32, #tpu.memory_space<vmem_shared>>) offsets(%arg16 : memref<128xi32, #tpu.memory_space<vmem>>) semaphore(%run_scoped3A_104 : memref<!tpu.dma_semaphore, #tpu.memory_space<semaphore_mem>>) {add = true}
            %dma_wait3A = arith.constant 0 : i32
            %dma_wait3A_107 = arith.constant 0 : i32
            %dma_wait3A_108 = tpu.memref_slice %arg22[%dma_wait3A, %dma_wait3A_107] : memref<10112x128xf32, #tpu.memory_space<vmem_shared>> -> memref<10112x128xf32, #tpu.memory_space<vmem_shared>>
            tpu.wait_indirect_dma semaphore(%run_scoped3A_104 : memref<!tpu.dma_semaphore, #tpu.memory_space<semaphore_mem>>) src(%arg20 : memref<128x128xf32, #tpu.memory_space<vmem>>) dst(%dma_wait3A_108 : memref<10112x128xf32, #tpu.memory_space<vmem_shared>>)
            tpu.yield
          }) : () -> ()
        } else {
        }
        %mul3A_85 = arith.constant 2 : i32
        %mul3A_86 = arith.muli %mul3A_85, %scan3A_67 : i32
        %add3A_87 = arith.constant 1 : i32
        %add3A_88 = arith.addi %mul3A_86, %add3A_87 : i32
        %add3A_89 = arith.constant 1 : i32
        %add3A_90 = arith.addi %add3A_88, %add3A_89 : i32
        %lt3A_91 = arith.constant 160 : i32
        %lt3A_92 = arith.cmpi slt, %add3A_90, %lt3A_91 : i32
        %convert_element_type3A_93 = arith.extui %lt3A_92 : i1 to i32
        %cond3A_94 = arith.constant 0 : i32
        %cond3A_95 = arith.cmpi ne, %convert_element_type3A_93, %cond3A_94 : i32
        scf.if %cond3A_95 {
          %dma_start3A = arith.constant 0 : i32
          %dma_start3A_104 = arith.constant 0 : i32
          %dma_start3A_105 = tpu.memref_slice %arg22[%dma_start3A, %dma_start3A_104] : memref<10112x128xf32, #tpu.memory_space<vmem_shared>> -> memref<10112x128xf32, #tpu.memory_space<vmem_shared>>
          tpu.enqueue_indirect_dma source(%arg20 : memref<128x128xf32, #tpu.memory_space<vmem>>) target(%dma_start3A_105 : memref<10112x128xf32, #tpu.memory_space<vmem_shared>>) offsets(%arg17 : memref<128xi32, #tpu.memory_space<vmem>>) semaphore(%arg25 : memref<!tpu.dma_semaphore, #tpu.memory_space<semaphore_mem>>) {add = true}
          %add3A_106 = arith.constant 1 : i32
          %add3A_107 = arith.addi %add3A_88, %add3A_106 : i32
          "tpu.region"() ({
            %run_scoped3A_110 = tpu.sem_alloc : memref<!tpu.dma_semaphore, #tpu.memory_space<semaphore_mem>>
            %dma_start3A_111 = arith.constant 0 : i32
            %dma_start3A_112 = tpu.memref_slice %arg5[%arg1, %add3A_107, %dma_start3A_111] : memref<16x160x128xi32, #tpu.memory_space<hbm>> -> memref<1x1x128xi32, #tpu.memory_space<hbm>>
            %dma_start3A_113 = tpu.memref_squeeze %dma_start3A_112 : memref<1x1x128xi32, #tpu.memory_space<hbm>> -> memref<128xi32, #tpu.memory_space<hbm>>
            %dma_start3A_114 = arith.constant 0 : i32
            %dma_start3A_115 = tpu.memref_slice %arg5[%arg1, %add3A_107, %dma_start3A_114] : memref<16x160x128xi32, #tpu.memory_space<hbm>> -> memref<1x1x128xi32, #tpu.memory_space<hbm>>
            %dma_start3A_116 = tpu.memref_squeeze %dma_start3A_115 : memref<1x1x128xi32, #tpu.memory_space<hbm>> -> memref<128xi32, #tpu.memory_space<hbm>>
            tpu.enqueue_dma source(%dma_start3A_116 : memref<128xi32, #tpu.memory_space<hbm>>) target(%arg16 : memref<128xi32, #tpu.memory_space<vmem>>) target_semaphore(%run_scoped3A_110 : memref<!tpu.dma_semaphore, #tpu.memory_space<semaphore_mem>>)
            %dma_wait3A_117 = arith.constant 0 : i32
            %dma_wait3A_118 = tpu.memref_slice %arg5[%arg1, %add3A_107, %dma_wait3A_117] : memref<16x160x128xi32, #tpu.memory_space<hbm>> -> memref<1x1x128xi32, #tpu.memory_space<hbm>>
            %dma_wait3A_119 = tpu.memref_squeeze %dma_wait3A_118 : memref<1x1x128xi32, #tpu.memory_space<hbm>> -> memref<128xi32, #tpu.memory_space<hbm>>
            %dma_wait3A_120 = arith.constant 0 : i32
            %dma_wait3A_121 = tpu.memref_slice %arg5[%arg1, %add3A_107, %dma_wait3A_120] : memref<16x160x128xi32, #tpu.memory_space<hbm>> -> memref<1x1x128xi32, #tpu.memory_space<hbm>>
            %dma_wait3A_122 = tpu.memref_squeeze %dma_wait3A_121 : memref<1x1x128xi32, #tpu.memory_space<hbm>> -> memref<128xi32, #tpu.memory_space<hbm>>
            tpu.wait_dma2 semaphore(%run_scoped3A_110 : memref<!tpu.dma_semaphore, #tpu.memory_space<semaphore_mem>>) src(%dma_wait3A_122 : memref<128xi32, #tpu.memory_space<hbm>>) dst(%arg16 : memref<128xi32, #tpu.memory_space<vmem>>)
            tpu.yield
          }) : () -> ()
          %dma_wait3A = arith.constant 0 : i32
          %dma_wait3A_108 = arith.constant 0 : i32
          %dma_wait3A_109 = tpu.memref_slice %arg22[%dma_wait3A, %dma_wait3A_108] : memref<10112x128xf32, #tpu.memory_space<vmem_shared>> -> memref<10112x128xf32, #tpu.memory_space<vmem_shared>>
          tpu.wait_indirect_dma semaphore(%arg25 : memref<!tpu.dma_semaphore, #tpu.memory_space<semaphore_mem>>) src(%arg20 : memref<128x128xf32, #tpu.memory_space<vmem>>) dst(%dma_wait3A_109 : memref<10112x128xf32, #tpu.memory_space<vmem_shared>>)
        } else {
        }
        %add3A_96 = arith.constant 1 : i32
        %add3A_97 = arith.addi %add3A_88, %add3A_96 : i32
        %ge3A_98 = arith.constant 160 : i32
        %ge3A_99 = arith.cmpi sge, %add3A_97, %ge3A_98 : i32
        %convert_element_type3A_100 = arith.extui %ge3A_99 : i1 to i32
        %cond3A_101 = arith.constant 0 : i32
        %cond3A_102 = arith.cmpi ne, %convert_element_type3A_100, %cond3A_101 : i32
        scf.if %cond3A_102 {
          "tpu.region"() ({
            %run_scoped3A_104 = tpu.sem_alloc : memref<!tpu.dma_semaphore, #tpu.memory_space<semaphore_mem>>
            %dma_start3A = arith.constant 0 : i32
            %dma_start3A_105 = arith.constant 0 : i32
            %dma_start3A_106 = tpu.memref_slice %arg22[%dma_start3A, %dma_start3A_105] : memref<10112x128xf32, #tpu.memory_space<vmem_shared>> -> memref<10112x128xf32, #tpu.memory_space<vmem_shared>>
            tpu.enqueue_indirect_dma source(%arg20 : memref<128x128xf32, #tpu.memory_space<vmem>>) target(%dma_start3A_106 : memref<10112x128xf32, #tpu.memory_space<vmem_shared>>) offsets(%arg17 : memref<128xi32, #tpu.memory_space<vmem>>) semaphore(%run_scoped3A_104 : memref<!tpu.dma_semaphore, #tpu.memory_space<semaphore_mem>>) {add = true}
            %dma_wait3A = arith.constant 0 : i32
            %dma_wait3A_107 = arith.constant 0 : i32
            %dma_wait3A_108 = tpu.memref_slice %arg22[%dma_wait3A, %dma_wait3A_107] : memref<10112x128xf32, #tpu.memory_space<vmem_shared>> -> memref<10112x128xf32, #tpu.memory_space<vmem_shared>>
            tpu.wait_indirect_dma semaphore(%run_scoped3A_104 : memref<!tpu.dma_semaphore, #tpu.memory_space<semaphore_mem>>) src(%arg20 : memref<128x128xf32, #tpu.memory_space<vmem>>) dst(%dma_wait3A_108 : memref<10112x128xf32, #tpu.memory_space<vmem_shared>>)
            tpu.yield
          }) : () -> ()
        } else {
        }
        %scan3A_103 = arith.constant 0 : i32
        scf.yield %scan3A_103 : i32
      }
      %scan3A_66 = arith.constant 80 : i32
    } else {
    }
    %eq3A_45 = arith.constant 1 : i32
    %eq3A_46 = arith.cmpi eq, %arg0, %eq3A_45 : i32
    %convert_element_type3A_47 = arith.extui %eq3A_46 : i1 to i32
    %cond3A_48 = arith.constant 0 : i32
    %cond3A_49 = arith.cmpi ne, %convert_element_type3A_47, %cond3A_48 : i32
    scf.if %cond3A_49 {
      %run_scoped3A = arith.constant 0 : i32
      "tpu.region"() ({
        %run_scoped3A_67 = tpu.sem_alloc : memref<!tpu.dma_semaphore, #tpu.memory_space<semaphore_mem>>
        %dma_start3A = arith.constant 0 : i32
        %dma_start3A_68 = tpu.memref_slice %arg7[%arg1, %run_scoped3A, %dma_start3A] : memref<16x160x128xi32, #tpu.memory_space<hbm>> -> memref<1x1x128xi32, #tpu.memory_space<hbm>>
        %dma_start3A_69 = tpu.memref_squeeze %dma_start3A_68 : memref<1x1x128xi32, #tpu.memory_space<hbm>> -> memref<128xi32, #tpu.memory_space<hbm>>
        %dma_start3A_70 = arith.constant 0 : i32
        %dma_start3A_71 = tpu.memref_slice %arg7[%arg1, %run_scoped3A, %dma_start3A_70] : memref<16x160x128xi32, #tpu.memory_space<hbm>> -> memref<1x1x128xi32, #tpu.memory_space<hbm>>
        %dma_start3A_72 = tpu.memref_squeeze %dma_start3A_71 : memref<1x1x128xi32, #tpu.memory_space<hbm>> -> memref<128xi32, #tpu.memory_space<hbm>>
        tpu.enqueue_dma source(%dma_start3A_72 : memref<128xi32, #tpu.memory_space<hbm>>) target(%arg16 : memref<128xi32, #tpu.memory_space<vmem>>) target_semaphore(%run_scoped3A_67 : memref<!tpu.dma_semaphore, #tpu.memory_space<semaphore_mem>>)
        %dma_wait3A = arith.constant 0 : i32
        %dma_wait3A_73 = tpu.memref_slice %arg7[%arg1, %run_scoped3A, %dma_wait3A] : memref<16x160x128xi32, #tpu.memory_space<hbm>> -> memref<1x1x128xi32, #tpu.memory_space<hbm>>
        %dma_wait3A_74 = tpu.memref_squeeze %dma_wait3A_73 : memref<1x1x128xi32, #tpu.memory_space<hbm>> -> memref<128xi32, #tpu.memory_space<hbm>>
        %dma_wait3A_75 = arith.constant 0 : i32
        %dma_wait3A_76 = tpu.memref_slice %arg7[%arg1, %run_scoped3A, %dma_wait3A_75] : memref<16x160x128xi32, #tpu.memory_space<hbm>> -> memref<1x1x128xi32, #tpu.memory_space<hbm>>
        %dma_wait3A_77 = tpu.memref_squeeze %dma_wait3A_76 : memref<1x1x128xi32, #tpu.memory_space<hbm>> -> memref<128xi32, #tpu.memory_space<hbm>>
        tpu.wait_dma2 semaphore(%run_scoped3A_67 : memref<!tpu.dma_semaphore, #tpu.memory_space<semaphore_mem>>) src(%dma_wait3A_77 : memref<128xi32, #tpu.memory_space<hbm>>) dst(%arg16 : memref<128xi32, #tpu.memory_space<vmem>>)
        tpu.yield
      }) : () -> ()
      %scan3A = arith.constant 0 : i32
      %scan3A_61 = arith.constant 0 : i32
      %scan3A_62 = arith.constant 80 : i32
      %scan3A_63 = arith.addi %scan3A_61, %scan3A_62 : i32
      %scan3A_64 = arith.constant 1 : i32
      %scan3A_65 = scf.for %scan3A_67 = %scan3A_61 to %scan3A_63 step %scan3A_64 iter_args(%scan3A_68 = %scan3A) -> (i32)  : i32 {
        %mul3A_69 = arith.constant 2 : i32
        %mul3A_70 = arith.muli %mul3A_69, %scan3A_67 : i32
        %add3A_71 = arith.constant 0 : i32
        %add3A_72 = arith.addi %mul3A_70, %add3A_71 : i32
        %add3A_73 = arith.constant 1 : i32
        %add3A_74 = arith.addi %add3A_72, %add3A_73 : i32
        %lt3A = arith.constant 160 : i32
        %lt3A_75 = arith.cmpi slt, %add3A_74, %lt3A : i32
        %convert_element_type3A_76 = arith.extui %lt3A_75 : i1 to i32
        %cond3A_77 = arith.constant 0 : i32
        %cond3A_78 = arith.cmpi ne, %convert_element_type3A_76, %cond3A_77 : i32
        scf.if %cond3A_78 {
          %dma_start3A = arith.constant 0 : i32
          %dma_start3A_104 = arith.constant 0 : i32
          %dma_start3A_105 = tpu.memref_slice %arg22[%dma_start3A, %dma_start3A_104] : memref<10112x128xf32, #tpu.memory_space<vmem_shared>> -> memref<10112x128xf32, #tpu.memory_space<vmem_shared>>
          tpu.enqueue_indirect_dma source(%arg20 : memref<128x128xf32, #tpu.memory_space<vmem>>) target(%dma_start3A_105 : memref<10112x128xf32, #tpu.memory_space<vmem_shared>>) offsets(%arg16 : memref<128xi32, #tpu.memory_space<vmem>>) semaphore(%arg25 : memref<!tpu.dma_semaphore, #tpu.memory_space<semaphore_mem>>) {add = true}
          %add3A_106 = arith.constant 1 : i32
          %add3A_107 = arith.addi %add3A_72, %add3A_106 : i32
          "tpu.region"() ({
            %run_scoped3A_110 = tpu.sem_alloc : memref<!tpu.dma_semaphore, #tpu.memory_space<semaphore_mem>>
            %dma_start3A_111 = arith.constant 0 : i32
            %dma_start3A_112 = tpu.memref_slice %arg7[%arg1, %add3A_107, %dma_start3A_111] : memref<16x160x128xi32, #tpu.memory_space<hbm>> -> memref<1x1x128xi32, #tpu.memory_space<hbm>>
            %dma_start3A_113 = tpu.memref_squeeze %dma_start3A_112 : memref<1x1x128xi32, #tpu.memory_space<hbm>> -> memref<128xi32, #tpu.memory_space<hbm>>
            %dma_start3A_114 = arith.constant 0 : i32
            %dma_start3A_115 = tpu.memref_slice %arg7[%arg1, %add3A_107, %dma_start3A_114] : memref<16x160x128xi32, #tpu.memory_space<hbm>> -> memref<1x1x128xi32, #tpu.memory_space<hbm>>
            %dma_start3A_116 = tpu.memref_squeeze %dma_start3A_115 : memref<1x1x128xi32, #tpu.memory_space<hbm>> -> memref<128xi32, #tpu.memory_space<hbm>>
            tpu.enqueue_dma source(%dma_start3A_116 : memref<128xi32, #tpu.memory_space<hbm>>) target(%arg17 : memref<128xi32, #tpu.memory_space<vmem>>) target_semaphore(%run_scoped3A_110 : memref<!tpu.dma_semaphore, #tpu.memory_space<semaphore_mem>>)
            %dma_wait3A_117 = arith.constant 0 : i32
            %dma_wait3A_118 = tpu.memref_slice %arg7[%arg1, %add3A_107, %dma_wait3A_117] : memref<16x160x128xi32, #tpu.memory_space<hbm>> -> memref<1x1x128xi32, #tpu.memory_space<hbm>>
            %dma_wait3A_119 = tpu.memref_squeeze %dma_wait3A_118 : memref<1x1x128xi32, #tpu.memory_space<hbm>> -> memref<128xi32, #tpu.memory_space<hbm>>
            %dma_wait3A_120 = arith.constant 0 : i32
            %dma_wait3A_121 = tpu.memref_slice %arg7[%arg1, %add3A_107, %dma_wait3A_120] : memref<16x160x128xi32, #tpu.memory_space<hbm>> -> memref<1x1x128xi32, #tpu.memory_space<hbm>>
            %dma_wait3A_122 = tpu.memref_squeeze %dma_wait3A_121 : memref<1x1x128xi32, #tpu.memory_space<hbm>> -> memref<128xi32, #tpu.memory_space<hbm>>
            tpu.wait_dma2 semaphore(%run_scoped3A_110 : memref<!tpu.dma_semaphore, #tpu.memory_space<semaphore_mem>>) src(%dma_wait3A_122 : memref<128xi32, #tpu.memory_space<hbm>>) dst(%arg17 : memref<128xi32, #tpu.memory_space<vmem>>)
            tpu.yield
          }) : () -> ()
          %dma_wait3A = arith.constant 0 : i32
          %dma_wait3A_108 = arith.constant 0 : i32
          %dma_wait3A_109 = tpu.memref_slice %arg22[%dma_wait3A, %dma_wait3A_108] : memref<10112x128xf32, #tpu.memory_space<vmem_shared>> -> memref<10112x128xf32, #tpu.memory_space<vmem_shared>>
          tpu.wait_indirect_dma semaphore(%arg25 : memref<!tpu.dma_semaphore, #tpu.memory_space<semaphore_mem>>) src(%arg20 : memref<128x128xf32, #tpu.memory_space<vmem>>) dst(%dma_wait3A_109 : memref<10112x128xf32, #tpu.memory_space<vmem_shared>>)
        } else {
        }
        %add3A_79 = arith.constant 1 : i32
        %add3A_80 = arith.addi %add3A_72, %add3A_79 : i32
        %ge3A = arith.constant 160 : i32
        %ge3A_81 = arith.cmpi sge, %add3A_80, %ge3A : i32
        %convert_element_type3A_82 = arith.extui %ge3A_81 : i1 to i32
        %cond3A_83 = arith.constant 0 : i32
        %cond3A_84 = arith.cmpi ne, %convert_element_type3A_82, %cond3A_83 : i32
        scf.if %cond3A_84 {
          "tpu.region"() ({
            %run_scoped3A_104 = tpu.sem_alloc : memref<!tpu.dma_semaphore, #tpu.memory_space<semaphore_mem>>
            %dma_start3A = arith.constant 0 : i32
            %dma_start3A_105 = arith.constant 0 : i32
            %dma_start3A_106 = tpu.memref_slice %arg22[%dma_start3A, %dma_start3A_105] : memref<10112x128xf32, #tpu.memory_space<vmem_shared>> -> memref<10112x128xf32, #tpu.memory_space<vmem_shared>>
            tpu.enqueue_indirect_dma source(%arg20 : memref<128x128xf32, #tpu.memory_space<vmem>>) target(%dma_start3A_106 : memref<10112x128xf32, #tpu.memory_space<vmem_shared>>) offsets(%arg16 : memref<128xi32, #tpu.memory_space<vmem>>) semaphore(%run_scoped3A_104 : memref<!tpu.dma_semaphore, #tpu.memory_space<semaphore_mem>>) {add = true}
            %dma_wait3A = arith.constant 0 : i32
            %dma_wait3A_107 = arith.constant 0 : i32
            %dma_wait3A_108 = tpu.memref_slice %arg22[%dma_wait3A, %dma_wait3A_107] : memref<10112x128xf32, #tpu.memory_space<vmem_shared>> -> memref<10112x128xf32, #tpu.memory_space<vmem_shared>>
            tpu.wait_indirect_dma semaphore(%run_scoped3A_104 : memref<!tpu.dma_semaphore, #tpu.memory_space<semaphore_mem>>) src(%arg20 : memref<128x128xf32, #tpu.memory_space<vmem>>) dst(%dma_wait3A_108 : memref<10112x128xf32, #tpu.memory_space<vmem_shared>>)
            tpu.yield
          }) : () -> ()
        } else {
        }
        %mul3A_85 = arith.constant 2 : i32
        %mul3A_86 = arith.muli %mul3A_85, %scan3A_67 : i32
        %add3A_87 = arith.constant 1 : i32
        %add3A_88 = arith.addi %mul3A_86, %add3A_87 : i32
        %add3A_89 = arith.constant 1 : i32
        %add3A_90 = arith.addi %add3A_88, %add3A_89 : i32
        %lt3A_91 = arith.constant 160 : i32
        %lt3A_92 = arith.cmpi slt, %add3A_90, %lt3A_91 : i32
        %convert_element_type3A_93 = arith.extui %lt3A_92 : i1 to i32
        %cond3A_94 = arith.constant 0 : i32
        %cond3A_95 = arith.cmpi ne, %convert_element_type3A_93, %cond3A_94 : i32
        scf.if %cond3A_95 {
          %dma_start3A = arith.constant 0 : i32
          %dma_start3A_104 = arith.constant 0 : i32
          %dma_start3A_105 = tpu.memref_slice %arg22[%dma_start3A, %dma_start3A_104] : memref<10112x128xf32, #tpu.memory_space<vmem_shared>> -> memref<10112x128xf32, #tpu.memory_space<vmem_shared>>
          tpu.enqueue_indirect_dma source(%arg20 : memref<128x128xf32, #tpu.memory_space<vmem>>) target(%dma_start3A_105 : memref<10112x128xf32, #tpu.memory_space<vmem_shared>>) offsets(%arg17 : memref<128xi32, #tpu.memory_space<vmem>>) semaphore(%arg25 : memref<!tpu.dma_semaphore, #tpu.memory_space<semaphore_mem>>) {add = true}
          %add3A_106 = arith.constant 1 : i32
          %add3A_107 = arith.addi %add3A_88, %add3A_106 : i32
          "tpu.region"() ({
            %run_scoped3A_110 = tpu.sem_alloc : memref<!tpu.dma_semaphore, #tpu.memory_space<semaphore_mem>>
            %dma_start3A_111 = arith.constant 0 : i32
            %dma_start3A_112 = tpu.memref_slice %arg7[%arg1, %add3A_107, %dma_start3A_111] : memref<16x160x128xi32, #tpu.memory_space<hbm>> -> memref<1x1x128xi32, #tpu.memory_space<hbm>>
            %dma_start3A_113 = tpu.memref_squeeze %dma_start3A_112 : memref<1x1x128xi32, #tpu.memory_space<hbm>> -> memref<128xi32, #tpu.memory_space<hbm>>
            %dma_start3A_114 = arith.constant 0 : i32
            %dma_start3A_115 = tpu.memref_slice %arg7[%arg1, %add3A_107, %dma_start3A_114] : memref<16x160x128xi32, #tpu.memory_space<hbm>> -> memref<1x1x128xi32, #tpu.memory_space<hbm>>
            %dma_start3A_116 = tpu.memref_squeeze %dma_start3A_115 : memref<1x1x128xi32, #tpu.memory_space<hbm>> -> memref<128xi32, #tpu.memory_space<hbm>>
            tpu.enqueue_dma source(%dma_start3A_116 : memref<128xi32, #tpu.memory_space<hbm>>) target(%arg16 : memref<128xi32, #tpu.memory_space<vmem>>) target_semaphore(%run_scoped3A_110 : memref<!tpu.dma_semaphore, #tpu.memory_space<semaphore_mem>>)
            %dma_wait3A_117 = arith.constant 0 : i32
            %dma_wait3A_118 = tpu.memref_slice %arg7[%arg1, %add3A_107, %dma_wait3A_117] : memref<16x160x128xi32, #tpu.memory_space<hbm>> -> memref<1x1x128xi32, #tpu.memory_space<hbm>>
            %dma_wait3A_119 = tpu.memref_squeeze %dma_wait3A_118 : memref<1x1x128xi32, #tpu.memory_space<hbm>> -> memref<128xi32, #tpu.memory_space<hbm>>
            %dma_wait3A_120 = arith.constant 0 : i32
            %dma_wait3A_121 = tpu.memref_slice %arg7[%arg1, %add3A_107, %dma_wait3A_120] : memref<16x160x128xi32, #tpu.memory_space<hbm>> -> memref<1x1x128xi32, #tpu.memory_space<hbm>>
            %dma_wait3A_122 = tpu.memref_squeeze %dma_wait3A_121 : memref<1x1x128xi32, #tpu.memory_space<hbm>> -> memref<128xi32, #tpu.memory_space<hbm>>
            tpu.wait_dma2 semaphore(%run_scoped3A_110 : memref<!tpu.dma_semaphore, #tpu.memory_space<semaphore_mem>>) src(%dma_wait3A_122 : memref<128xi32, #tpu.memory_space<hbm>>) dst(%arg16 : memref<128xi32, #tpu.memory_space<vmem>>)
            tpu.yield
          }) : () -> ()
          %dma_wait3A = arith.constant 0 : i32
          %dma_wait3A_108 = arith.constant 0 : i32
          %dma_wait3A_109 = tpu.memref_slice %arg22[%dma_wait3A, %dma_wait3A_108] : memref<10112x128xf32, #tpu.memory_space<vmem_shared>> -> memref<10112x128xf32, #tpu.memory_space<vmem_shared>>
          tpu.wait_indirect_dma semaphore(%arg25 : memref<!tpu.dma_semaphore, #tpu.memory_space<semaphore_mem>>) src(%arg20 : memref<128x128xf32, #tpu.memory_space<vmem>>) dst(%dma_wait3A_109 : memref<10112x128xf32, #tpu.memory_space<vmem_shared>>)
        } else {
        }
        %add3A_96 = arith.constant 1 : i32
        %add3A_97 = arith.addi %add3A_88, %add3A_96 : i32
        %ge3A_98 = arith.constant 160 : i32
        %ge3A_99 = arith.cmpi sge, %add3A_97, %ge3A_98 : i32
        %convert_element_type3A_100 = arith.extui %ge3A_99 : i1 to i32
        %cond3A_101 = arith.constant 0 : i32
        %cond3A_102 = arith.cmpi ne, %convert_element_type3A_100, %cond3A_101 : i32
        scf.if %cond3A_102 {
          "tpu.region"() ({
            %run_scoped3A_104 = tpu.sem_alloc : memref<!tpu.dma_semaphore, #tpu.memory_space<semaphore_mem>>
            %dma_start3A = arith.constant 0 : i32
            %dma_start3A_105 = arith.constant 0 : i32
            %dma_start3A_106 = tpu.memref_slice %arg22[%dma_start3A, %dma_start3A_105] : memref<10112x128xf32, #tpu.memory_space<vmem_shared>> -> memref<10112x128xf32, #tpu.memory_space<vmem_shared>>
            tpu.enqueue_indirect_dma source(%arg20 : memref<128x128xf32, #tpu.memory_space<vmem>>) target(%dma_start3A_106 : memref<10112x128xf32, #tpu.memory_space<vmem_shared>>) offsets(%arg17 : memref<128xi32, #tpu.memory_space<vmem>>) semaphore(%run_scoped3A_104 : memref<!tpu.dma_semaphore, #tpu.memory_space<semaphore_mem>>) {add = true}
            %dma_wait3A = arith.constant 0 : i32
            %dma_wait3A_107 = arith.constant 0 : i32
            %dma_wait3A_108 = tpu.memref_slice %arg22[%dma_wait3A, %dma_wait3A_107] : memref<10112x128xf32, #tpu.memory_space<vmem_shared>> -> memref<10112x128xf32, #tpu.memory_space<vmem_shared>>
            tpu.wait_indirect_dma semaphore(%run_scoped3A_104 : memref<!tpu.dma_semaphore, #tpu.memory_space<semaphore_mem>>) src(%arg20 : memref<128x128xf32, #tpu.memory_space<vmem>>) dst(%dma_wait3A_108 : memref<10112x128xf32, #tpu.memory_space<vmem_shared>>)
            tpu.yield
          }) : () -> ()
        } else {
        }
        %scan3A_103 = arith.constant 0 : i32
        scf.yield %scan3A_103 : i32
      }
      %scan3A_66 = arith.constant 80 : i32
    } else {
    }
    %barrier3A_50 = arith.constant 0 : index
    tpu.barrier barrier_id(%barrier3A_50)
    %eq3A_51 = arith.constant 0 : i32
    %eq3A_52 = arith.cmpi eq, %arg0, %eq3A_51 : i32
    %convert_element_type3A_53 = arith.extui %eq3A_52 : i1 to i32
    %cond3A_54 = arith.constant 0 : i32
    %cond3A_55 = arith.cmpi ne, %convert_element_type3A_53, %cond3A_54 : i32
    scf.if %cond3A_55 {
      %add3A_61 = arith.constant 0 : i32
      %add3A_62 = arith.addi %mul3A_0, %add3A_61 : i32
      "tpu.region"() ({
        %run_scoped3A = tpu.sem_alloc : memref<!tpu.dma_semaphore, #tpu.memory_space<semaphore_mem>>
        %dma_start3A = arith.constant 0 : i32
        %dma_start3A_79 = tpu.memref_slice %arg22[%add3A_62, %dma_start3A] : memref<10112x128xf32, #tpu.memory_space<vmem_shared>> -> memref<128x128xf32, #tpu.memory_space<vmem_shared>>
        %dma_start3A_80 = arith.constant 0 : i32
        %dma_start3A_81 = tpu.memref_slice %arg22[%add3A_62, %dma_start3A_80] : memref<10112x128xf32, #tpu.memory_space<vmem_shared>> -> memref<128x128xf32, #tpu.memory_space<vmem_shared>>
        tpu.enqueue_dma source(%dma_start3A_81 : memref<128x128xf32, #tpu.memory_space<vmem_shared>>) target(%arg20 : memref<128x128xf32, #tpu.memory_space<vmem>>) target_semaphore(%run_scoped3A : memref<!tpu.dma_semaphore, #tpu.memory_space<semaphore_mem>>)
        %dma_wait3A = arith.constant 0 : i32
        %dma_wait3A_82 = tpu.memref_slice %arg22[%add3A_62, %dma_wait3A] : memref<10112x128xf32, #tpu.memory_space<vmem_shared>> -> memref<128x128xf32, #tpu.memory_space<vmem_shared>>
        %dma_wait3A_83 = arith.constant 0 : i32
        %dma_wait3A_84 = tpu.memref_slice %arg22[%add3A_62, %dma_wait3A_83] : memref<10112x128xf32, #tpu.memory_space<vmem_shared>> -> memref<128x128xf32, #tpu.memory_space<vmem_shared>>
        tpu.wait_dma2 semaphore(%run_scoped3A : memref<!tpu.dma_semaphore, #tpu.memory_space<semaphore_mem>>) src(%dma_wait3A_84 : memref<128x128xf32, #tpu.memory_space<vmem_shared>>) dst(%arg20 : memref<128x128xf32, #tpu.memory_space<vmem>>)
        tpu.yield
      }) : () -> ()
      %add3A_63 = arith.constant 0 : i32
      %add3A_64 = arith.addi %mul3A_0, %add3A_63 : i32
      "tpu.region"() ({
        %run_scoped3A = tpu.sem_alloc : memref<!tpu.dma_semaphore, #tpu.memory_space<semaphore_mem>>
        %dma_start3A = arith.constant 0 : i32
        %dma_start3A_79 = tpu.memref_slice %arg12[%add3A_64, %dma_start3A] : memref<10112x128xf32, #tpu.memory_space<hbm>> -> memref<128x128xf32, #tpu.memory_space<hbm>>
        %dma_start3A_80 = arith.constant 0 : i32
        %dma_start3A_81 = tpu.memref_slice %arg12[%add3A_64, %dma_start3A_80] : memref<10112x128xf32, #tpu.memory_space<hbm>> -> memref<128x128xf32, #tpu.memory_space<hbm>>
        tpu.enqueue_dma source(%arg20 : memref<128x128xf32, #tpu.memory_space<vmem>>) target(%dma_start3A_81 : memref<128x128xf32, #tpu.memory_space<hbm>>) target_semaphore(%run_scoped3A : memref<!tpu.dma_semaphore, #tpu.memory_space<semaphore_mem>>)
        %dma_wait3A = arith.constant 0 : i32
        %dma_wait3A_82 = tpu.memref_slice %arg12[%add3A_64, %dma_wait3A] : memref<10112x128xf32, #tpu.memory_space<hbm>> -> memref<128x128xf32, #tpu.memory_space<hbm>>
        %dma_wait3A_83 = arith.constant 0 : i32
        %dma_wait3A_84 = tpu.memref_slice %arg12[%add3A_64, %dma_wait3A_83] : memref<10112x128xf32, #tpu.memory_space<hbm>> -> memref<128x128xf32, #tpu.memory_space<hbm>>
        tpu.wait_dma2 semaphore(%run_scoped3A : memref<!tpu.dma_semaphore, #tpu.memory_space<semaphore_mem>>) src(%arg20 : memref<128x128xf32, #tpu.memory_space<vmem>>) dst(%dma_wait3A_84 : memref<128x128xf32, #tpu.memory_space<hbm>>)
        tpu.yield
      }) : () -> ()
      %add3A_65 = arith.constant 128 : i32
      %add3A_66 = arith.addi %mul3A_0, %add3A_65 : i32
      "tpu.region"() ({
        %run_scoped3A = tpu.sem_alloc : memref<!tpu.dma_semaphore, #tpu.memory_space<semaphore_mem>>
        %dma_start3A = arith.constant 0 : i32
        %dma_start3A_79 = tpu.memref_slice %arg22[%add3A_66, %dma_start3A] : memref<10112x128xf32, #tpu.memory_space<vmem_shared>> -> memref<128x128xf32, #tpu.memory_space<vmem_shared>>
        %dma_start3A_80 = arith.constant 0 : i32
        %dma_start3A_81 = tpu.memref_slice %arg22[%add3A_66, %dma_start3A_80] : memref<10112x128xf32, #tpu.memory_space<vmem_shared>> -> memref<128x128xf32, #tpu.memory_space<vmem_shared>>
        tpu.enqueue_dma source(%dma_start3A_81 : memref<128x128xf32, #tpu.memory_space<vmem_shared>>) target(%arg20 : memref<128x128xf32, #tpu.memory_space<vmem>>) target_semaphore(%run_scoped3A : memref<!tpu.dma_semaphore, #tpu.memory_space<semaphore_mem>>)
        %dma_wait3A = arith.constant 0 : i32
        %dma_wait3A_82 = tpu.memref_slice %arg22[%add3A_66, %dma_wait3A] : memref<10112x128xf32, #tpu.memory_space<vmem_shared>> -> memref<128x128xf32, #tpu.memory_space<vmem_shared>>
        %dma_wait3A_83 = arith.constant 0 : i32
        %dma_wait3A_84 = tpu.memref_slice %arg22[%add3A_66, %dma_wait3A_83] : memref<10112x128xf32, #tpu.memory_space<vmem_shared>> -> memref<128x128xf32, #tpu.memory_space<vmem_shared>>
        tpu.wait_dma2 semaphore(%run_scoped3A : memref<!tpu.dma_semaphore, #tpu.memory_space<semaphore_mem>>) src(%dma_wait3A_84 : memref<128x128xf32, #tpu.memory_space<vmem_shared>>) dst(%arg20 : memref<128x128xf32, #tpu.memory_space<vmem>>)
        tpu.yield
      }) : () -> ()
      %add3A_67 = arith.constant 128 : i32
      %add3A_68 = arith.addi %mul3A_0, %add3A_67 : i32
      "tpu.region"() ({
        %run_scoped3A = tpu.sem_alloc : memref<!tpu.dma_semaphore, #tpu.memory_space<semaphore_mem>>
        %dma_start3A = arith.constant 0 : i32
        %dma_start3A_79 = tpu.memref_slice %arg12[%add3A_68, %dma_start3A] : memref<10112x128xf32, #tpu.memory_space<hbm>> -> memref<128x128xf32, #tpu.memory_space<hbm>>
        %dma_start3A_80 = arith.constant 0 : i32
        %dma_start3A_81 = tpu.memref_slice %arg12[%add3A_68, %dma_start3A_80] : memref<10112x128xf32, #tpu.memory_space<hbm>> -> memref<128x128xf32, #tpu.memory_space<hbm>>
        tpu.enqueue_dma source(%arg20 : memref<128x128xf32, #tpu.memory_space<vmem>>) target(%dma_start3A_81 : memref<128x128xf32, #tpu.memory_space<hbm>>) target_semaphore(%run_scoped3A : memref<!tpu.dma_semaphore, #tpu.memory_space<semaphore_mem>>)
        %dma_wait3A = arith.constant 0 : i32
        %dma_wait3A_82 = tpu.memref_slice %arg12[%add3A_68, %dma_wait3A] : memref<10112x128xf32, #tpu.memory_space<hbm>> -> memref<128x128xf32, #tpu.memory_space<hbm>>
        %dma_wait3A_83 = arith.constant 0 : i32
        %dma_wait3A_84 = tpu.memref_slice %arg12[%add3A_68, %dma_wait3A_83] : memref<10112x128xf32, #tpu.memory_space<hbm>> -> memref<128x128xf32, #tpu.memory_space<hbm>>
        tpu.wait_dma2 semaphore(%run_scoped3A : memref<!tpu.dma_semaphore, #tpu.memory_space<semaphore_mem>>) src(%arg20 : memref<128x128xf32, #tpu.memory_space<vmem>>) dst(%dma_wait3A_84 : memref<128x128xf32, #tpu.memory_space<hbm>>)
        tpu.yield
      }) : () -> ()
      %add3A_69 = arith.constant 256 : i32
      %add3A_70 = arith.addi %mul3A_0, %add3A_69 : i32
      "tpu.region"() ({
        %run_scoped3A = tpu.sem_alloc : memref<!tpu.dma_semaphore, #tpu.memory_space<semaphore_mem>>
        %dma_start3A = arith.constant 0 : i32
        %dma_start3A_79 = tpu.memref_slice %arg22[%add3A_70, %dma_start3A] : memref<10112x128xf32, #tpu.memory_space<vmem_shared>> -> memref<128x128xf32, #tpu.memory_space<vmem_shared>>
        %dma_start3A_80 = arith.constant 0 : i32
        %dma_start3A_81 = tpu.memref_slice %arg22[%add3A_70, %dma_start3A_80] : memref<10112x128xf32, #tpu.memory_space<vmem_shared>> -> memref<128x128xf32, #tpu.memory_space<vmem_shared>>
        tpu.enqueue_dma source(%dma_start3A_81 : memref<128x128xf32, #tpu.memory_space<vmem_shared>>) target(%arg20 : memref<128x128xf32, #tpu.memory_space<vmem>>) target_semaphore(%run_scoped3A : memref<!tpu.dma_semaphore, #tpu.memory_space<semaphore_mem>>)
        %dma_wait3A = arith.constant 0 : i32
        %dma_wait3A_82 = tpu.memref_slice %arg22[%add3A_70, %dma_wait3A] : memref<10112x128xf32, #tpu.memory_space<vmem_shared>> -> memref<128x128xf32, #tpu.memory_space<vmem_shared>>
        %dma_wait3A_83 = arith.constant 0 : i32
        %dma_wait3A_84 = tpu.memref_slice %arg22[%add3A_70, %dma_wait3A_83] : memref<10112x128xf32, #tpu.memory_space<vmem_shared>> -> memref<128x128xf32, #tpu.memory_space<vmem_shared>>
        tpu.wait_dma2 semaphore(%run_scoped3A : memref<!tpu.dma_semaphore, #tpu.memory_space<semaphore_mem>>) src(%dma_wait3A_84 : memref<128x128xf32, #tpu.memory_space<vmem_shared>>) dst(%arg20 : memref<128x128xf32, #tpu.memory_space<vmem>>)
        tpu.yield
      }) : () -> ()
      %add3A_71 = arith.constant 256 : i32
      %add3A_72 = arith.addi %mul3A_0, %add3A_71 : i32
      "tpu.region"() ({
        %run_scoped3A = tpu.sem_alloc : memref<!tpu.dma_semaphore, #tpu.memory_space<semaphore_mem>>
        %dma_start3A = arith.constant 0 : i32
        %dma_start3A_79 = tpu.memref_slice %arg12[%add3A_72, %dma_start3A] : memref<10112x128xf32, #tpu.memory_space<hbm>> -> memref<128x128xf32, #tpu.memory_space<hbm>>
        %dma_start3A_80 = arith.constant 0 : i32
        %dma_start3A_81 = tpu.memref_slice %arg12[%add3A_72, %dma_start3A_80] : memref<10112x128xf32, #tpu.memory_space<hbm>> -> memref<128x128xf32, #tpu.memory_space<hbm>>
        tpu.enqueue_dma source(%arg20 : memref<128x128xf32, #tpu.memory_space<vmem>>) target(%dma_start3A_81 : memref<128x128xf32, #tpu.memory_space<hbm>>) target_semaphore(%run_scoped3A : memref<!tpu.dma_semaphore, #tpu.memory_space<semaphore_mem>>)
        %dma_wait3A = arith.constant 0 : i32
        %dma_wait3A_82 = tpu.memref_slice %arg12[%add3A_72, %dma_wait3A] : memref<10112x128xf32, #tpu.memory_space<hbm>> -> memref<128x128xf32, #tpu.memory_space<hbm>>
        %dma_wait3A_83 = arith.constant 0 : i32
        %dma_wait3A_84 = tpu.memref_slice %arg12[%add3A_72, %dma_wait3A_83] : memref<10112x128xf32, #tpu.memory_space<hbm>> -> memref<128x128xf32, #tpu.memory_space<hbm>>
        tpu.wait_dma2 semaphore(%run_scoped3A : memref<!tpu.dma_semaphore, #tpu.memory_space<semaphore_mem>>) src(%arg20 : memref<128x128xf32, #tpu.memory_space<vmem>>) dst(%dma_wait3A_84 : memref<128x128xf32, #tpu.memory_space<hbm>>)
        tpu.yield
      }) : () -> ()
      %add3A_73 = arith.constant 384 : i32
      %add3A_74 = arith.addi %mul3A_0, %add3A_73 : i32
      "tpu.region"() ({
        %run_scoped3A = tpu.sem_alloc : memref<!tpu.dma_semaphore, #tpu.memory_space<semaphore_mem>>
        %dma_start3A = arith.constant 0 : i32
        %dma_start3A_79 = tpu.memref_slice %arg22[%add3A_74, %dma_start3A] : memref<10112x128xf32, #tpu.memory_space<vmem_shared>> -> memref<128x128xf32, #tpu.memory_space<vmem_shared>>
        %dma_start3A_80 = arith.constant 0 : i32
        %dma_start3A_81 = tpu.memref_slice %arg22[%add3A_74, %dma_start3A_80] : memref<10112x128xf32, #tpu.memory_space<vmem_shared>> -> memref<128x128xf32, #tpu.memory_space<vmem_shared>>
        tpu.enqueue_dma source(%dma_start3A_81 : memref<128x128xf32, #tpu.memory_space<vmem_shared>>) target(%arg20 : memref<128x128xf32, #tpu.memory_space<vmem>>) target_semaphore(%run_scoped3A : memref<!tpu.dma_semaphore, #tpu.memory_space<semaphore_mem>>)
        %dma_wait3A = arith.constant 0 : i32
        %dma_wait3A_82 = tpu.memref_slice %arg22[%add3A_74, %dma_wait3A] : memref<10112x128xf32, #tpu.memory_space<vmem_shared>> -> memref<128x128xf32, #tpu.memory_space<vmem_shared>>
        %dma_wait3A_83 = arith.constant 0 : i32
        %dma_wait3A_84 = tpu.memref_slice %arg22[%add3A_74, %dma_wait3A_83] : memref<10112x128xf32, #tpu.memory_space<vmem_shared>> -> memref<128x128xf32, #tpu.memory_space<vmem_shared>>
        tpu.wait_dma2 semaphore(%run_scoped3A : memref<!tpu.dma_semaphore, #tpu.memory_space<semaphore_mem>>) src(%dma_wait3A_84 : memref<128x128xf32, #tpu.memory_space<vmem_shared>>) dst(%arg20 : memref<128x128xf32, #tpu.memory_space<vmem>>)
        tpu.yield
      }) : () -> ()
      %add3A_75 = arith.constant 384 : i32
      %add3A_76 = arith.addi %mul3A_0, %add3A_75 : i32
      "tpu.region"() ({
        %run_scoped3A = tpu.sem_alloc : memref<!tpu.dma_semaphore, #tpu.memory_space<semaphore_mem>>
        %dma_start3A = arith.constant 0 : i32
        %dma_start3A_79 = tpu.memref_slice %arg12[%add3A_76, %dma_start3A] : memref<10112x128xf32, #tpu.memory_space<hbm>> -> memref<128x128xf32, #tpu.memory_space<hbm>>
        %dma_start3A_80 = arith.constant 0 : i32
        %dma_start3A_81 = tpu.memref_slice %arg12[%add3A_76, %dma_start3A_80] : memref<10112x128xf32, #tpu.memory_space<hbm>> -> memref<128x128xf32, #tpu.memory_space<hbm>>
        tpu.enqueue_dma source(%arg20 : memref<128x128xf32, #tpu.memory_space<vmem>>) target(%dma_start3A_81 : memref<128x128xf32, #tpu.memory_space<hbm>>) target_semaphore(%run_scoped3A : memref<!tpu.dma_semaphore, #tpu.memory_space<semaphore_mem>>)
        %dma_wait3A = arith.constant 0 : i32
        %dma_wait3A_82 = tpu.memref_slice %arg12[%add3A_76, %dma_wait3A] : memref<10112x128xf32, #tpu.memory_space<hbm>> -> memref<128x128xf32, #tpu.memory_space<hbm>>
        %dma_wait3A_83 = arith.constant 0 : i32
        %dma_wait3A_84 = tpu.memref_slice %arg12[%add3A_76, %dma_wait3A_83] : memref<10112x128xf32, #tpu.memory_space<hbm>> -> memref<128x128xf32, #tpu.memory_space<hbm>>
        tpu.wait_dma2 semaphore(%run_scoped3A : memref<!tpu.dma_semaphore, #tpu.memory_space<semaphore_mem>>) src(%arg20 : memref<128x128xf32, #tpu.memory_space<vmem>>) dst(%dma_wait3A_84 : memref<128x128xf32, #tpu.memory_space<hbm>>)
        tpu.yield
      }) : () -> ()
      %add3A_77 = arith.constant 512 : i32
      %add3A_78 = arith.addi %mul3A_0, %add3A_77 : i32
      "tpu.region"() ({
        %run_scoped3A = tpu.sem_alloc : memref<!tpu.dma_semaphore, #tpu.memory_space<semaphore_mem>>
        %dma_start3A = arith.constant 0 : i32
        %dma_start3A_79 = arith.constant 0 : i32
        %dma_start3A_80 = tpu.memref_slice %arg20[%dma_start3A, %dma_start3A_79] : memref<128x128xf32, #tpu.memory_space<vmem>> -> memref<120x128xf32, #tpu.memory_space<vmem>>
        %dma_start3A_81 = arith.constant 0 : i32
        %dma_start3A_82 = tpu.memref_slice %arg22[%add3A_78, %dma_start3A_81] : memref<10112x128xf32, #tpu.memory_space<vmem_shared>> -> memref<120x128xf32, #tpu.memory_space<vmem_shared>>
        %dma_start3A_83 = arith.constant 0 : i32
        %dma_start3A_84 = arith.constant 0 : i32
        %dma_start3A_85 = tpu.memref_slice %arg20[%dma_start3A_83, %dma_start3A_84] : memref<128x128xf32, #tpu.memory_space<vmem>> -> memref<120x128xf32, #tpu.memory_space<vmem>>
        %dma_start3A_86 = arith.constant 0 : i32
        %dma_start3A_87 = tpu.memref_slice %arg22[%add3A_78, %dma_start3A_86] : memref<10112x128xf32, #tpu.memory_space<vmem_shared>> -> memref<120x128xf32, #tpu.memory_space<vmem_shared>>
        tpu.enqueue_dma source(%dma_start3A_87 : memref<120x128xf32, #tpu.memory_space<vmem_shared>>) target(%dma_start3A_85 : memref<120x128xf32, #tpu.memory_space<vmem>>) target_semaphore(%run_scoped3A : memref<!tpu.dma_semaphore, #tpu.memory_space<semaphore_mem>>)
        %dma_wait3A = arith.constant 0 : i32
        %dma_wait3A_88 = arith.constant 0 : i32
        %dma_wait3A_89 = tpu.memref_slice %arg20[%dma_wait3A, %dma_wait3A_88] : memref<128x128xf32, #tpu.memory_space<vmem>> -> memref<120x128xf32, #tpu.memory_space<vmem>>
        %dma_wait3A_90 = arith.constant 0 : i32
        %dma_wait3A_91 = tpu.memref_slice %arg22[%add3A_78, %dma_wait3A_90] : memref<10112x128xf32, #tpu.memory_space<vmem_shared>> -> memref<120x128xf32, #tpu.memory_space<vmem_shared>>
        %dma_wait3A_92 = arith.constant 0 : i32
        %dma_wait3A_93 = arith.constant 0 : i32
        %dma_wait3A_94 = tpu.memref_slice %arg20[%dma_wait3A_92, %dma_wait3A_93] : memref<128x128xf32, #tpu.memory_space<vmem>> -> memref<120x128xf32, #tpu.memory_space<vmem>>
        %dma_wait3A_95 = arith.constant 0 : i32
        %dma_wait3A_96 = tpu.memref_slice %arg22[%add3A_78, %dma_wait3A_95] : memref<10112x128xf32, #tpu.memory_space<vmem_shared>> -> memref<120x128xf32, #tpu.memory_space<vmem_shared>>
        tpu.wait_dma2 semaphore(%run_scoped3A : memref<!tpu.dma_semaphore, #tpu.memory_space<semaphore_mem>>) src(%dma_wait3A_96 : memref<120x128xf32, #tpu.memory_space<vmem_shared>>) dst(%dma_wait3A_94 : memref<120x128xf32, #tpu.memory_space<vmem>>)
        tpu.yield
      }) : () -> ()
      "tpu.region"() ({
        %run_scoped3A = tpu.sem_alloc : memref<!tpu.dma_semaphore, #tpu.memory_space<semaphore_mem>>
        %dma_start3A = arith.constant 0 : i32
        %dma_start3A_79 = arith.constant 0 : i32
        %dma_start3A_80 = tpu.memref_slice %arg20[%dma_start3A, %dma_start3A_79] : memref<128x128xf32, #tpu.memory_space<vmem>> -> memref<120x128xf32, #tpu.memory_space<vmem>>
        %dma_start3A_81 = arith.constant 0 : i32
        %dma_start3A_82 = tpu.memref_slice %arg12[%add3A_78, %dma_start3A_81] : memref<10112x128xf32, #tpu.memory_space<hbm>> -> memref<120x128xf32, #tpu.memory_space<hbm>>
        %dma_start3A_83 = arith.constant 0 : i32
        %dma_start3A_84 = tpu.memref_slice %arg12[%add3A_78, %dma_start3A_83] : memref<10112x128xf32, #tpu.memory_space<hbm>> -> memref<120x128xf32, #tpu.memory_space<hbm>>
        %dma_start3A_85 = arith.constant 0 : i32
        %dma_start3A_86 = arith.constant 0 : i32
        %dma_start3A_87 = tpu.memref_slice %arg20[%dma_start3A_85, %dma_start3A_86] : memref<128x128xf32, #tpu.memory_space<vmem>> -> memref<120x128xf32, #tpu.memory_space<vmem>>
        tpu.enqueue_dma source(%dma_start3A_87 : memref<120x128xf32, #tpu.memory_space<vmem>>) target(%dma_start3A_84 : memref<120x128xf32, #tpu.memory_space<hbm>>) target_semaphore(%run_scoped3A : memref<!tpu.dma_semaphore, #tpu.memory_space<semaphore_mem>>)
        %dma_wait3A = arith.constant 0 : i32
        %dma_wait3A_88 = arith.constant 0 : i32
        %dma_wait3A_89 = tpu.memref_slice %arg20[%dma_wait3A, %dma_wait3A_88] : memref<128x128xf32, #tpu.memory_space<vmem>> -> memref<120x128xf32, #tpu.memory_space<vmem>>
        %dma_wait3A_90 = arith.constant 0 : i32
        %dma_wait3A_91 = tpu.memref_slice %arg12[%add3A_78, %dma_wait3A_90] : memref<10112x128xf32, #tpu.memory_space<hbm>> -> memref<120x128xf32, #tpu.memory_space<hbm>>
        %dma_wait3A_92 = arith.constant 0 : i32
        %dma_wait3A_93 = tpu.memref_slice %arg12[%add3A_78, %dma_wait3A_92] : memref<10112x128xf32, #tpu.memory_space<hbm>> -> memref<120x128xf32, #tpu.memory_space<hbm>>
        %dma_wait3A_94 = arith.constant 0 : i32
        %dma_wait3A_95 = arith.constant 0 : i32
        %dma_wait3A_96 = tpu.memref_slice %arg20[%dma_wait3A_94, %dma_wait3A_95] : memref<128x128xf32, #tpu.memory_space<vmem>> -> memref<120x128xf32, #tpu.memory_space<vmem>>
        tpu.wait_dma2 semaphore(%run_scoped3A : memref<!tpu.dma_semaphore, #tpu.memory_space<semaphore_mem>>) src(%dma_wait3A_96 : memref<120x128xf32, #tpu.memory_space<vmem>>) dst(%dma_wait3A_93 : memref<120x128xf32, #tpu.memory_space<hbm>>)
        tpu.yield
      }) : () -> ()
    } else {
    }
    %eq3A_56 = arith.constant 1 : i32
    %eq3A_57 = arith.cmpi eq, %arg0, %eq3A_56 : i32
    %convert_element_type3A_58 = arith.extui %eq3A_57 : i1 to i32
    %cond3A_59 = arith.constant 0 : i32
    %cond3A_60 = arith.cmpi ne, %convert_element_type3A_58, %cond3A_59 : i32
    scf.if %cond3A_60 {
      %add3A_61 = arith.constant 0 : i32
      %add3A_62 = arith.addi %mul3A_0, %add3A_61 : i32
      "tpu.region"() ({
        %run_scoped3A = tpu.sem_alloc : memref<!tpu.dma_semaphore, #tpu.memory_space<semaphore_mem>>
        %dma_start3A = arith.constant 0 : i32
        %dma_start3A_79 = tpu.memref_slice %arg22[%add3A_62, %dma_start3A] : memref<10112x128xf32, #tpu.memory_space<vmem_shared>> -> memref<128x128xf32, #tpu.memory_space<vmem_shared>>
        %dma_start3A_80 = arith.constant 0 : i32
        %dma_start3A_81 = tpu.memref_slice %arg22[%add3A_62, %dma_start3A_80] : memref<10112x128xf32, #tpu.memory_space<vmem_shared>> -> memref<128x128xf32, #tpu.memory_space<vmem_shared>>
        tpu.enqueue_dma source(%dma_start3A_81 : memref<128x128xf32, #tpu.memory_space<vmem_shared>>) target(%arg20 : memref<128x128xf32, #tpu.memory_space<vmem>>) target_semaphore(%run_scoped3A : memref<!tpu.dma_semaphore, #tpu.memory_space<semaphore_mem>>)
        %dma_wait3A = arith.constant 0 : i32
        %dma_wait3A_82 = tpu.memref_slice %arg22[%add3A_62, %dma_wait3A] : memref<10112x128xf32, #tpu.memory_space<vmem_shared>> -> memref<128x128xf32, #tpu.memory_space<vmem_shared>>
        %dma_wait3A_83 = arith.constant 0 : i32
        %dma_wait3A_84 = tpu.memref_slice %arg22[%add3A_62, %dma_wait3A_83] : memref<10112x128xf32, #tpu.memory_space<vmem_shared>> -> memref<128x128xf32, #tpu.memory_space<vmem_shared>>
        tpu.wait_dma2 semaphore(%run_scoped3A : memref<!tpu.dma_semaphore, #tpu.memory_space<semaphore_mem>>) src(%dma_wait3A_84 : memref<128x128xf32, #tpu.memory_space<vmem_shared>>) dst(%arg20 : memref<128x128xf32, #tpu.memory_space<vmem>>)
        tpu.yield
      }) : () -> ()
      %add3A_63 = arith.constant 0 : i32
      %add3A_64 = arith.addi %mul3A_0, %add3A_63 : i32
      "tpu.region"() ({
        %run_scoped3A = tpu.sem_alloc : memref<!tpu.dma_semaphore, #tpu.memory_space<semaphore_mem>>
        %dma_start3A = arith.constant 0 : i32
        %dma_start3A_79 = tpu.memref_slice %arg13[%add3A_64, %dma_start3A] : memref<10112x128xf32, #tpu.memory_space<hbm>> -> memref<128x128xf32, #tpu.memory_space<hbm>>
        %dma_start3A_80 = arith.constant 0 : i32
        %dma_start3A_81 = tpu.memref_slice %arg13[%add3A_64, %dma_start3A_80] : memref<10112x128xf32, #tpu.memory_space<hbm>> -> memref<128x128xf32, #tpu.memory_space<hbm>>
        tpu.enqueue_dma source(%arg20 : memref<128x128xf32, #tpu.memory_space<vmem>>) target(%dma_start3A_81 : memref<128x128xf32, #tpu.memory_space<hbm>>) target_semaphore(%run_scoped3A : memref<!tpu.dma_semaphore, #tpu.memory_space<semaphore_mem>>)
        %dma_wait3A = arith.constant 0 : i32
        %dma_wait3A_82 = tpu.memref_slice %arg13[%add3A_64, %dma_wait3A] : memref<10112x128xf32, #tpu.memory_space<hbm>> -> memref<128x128xf32, #tpu.memory_space<hbm>>
        %dma_wait3A_83 = arith.constant 0 : i32
        %dma_wait3A_84 = tpu.memref_slice %arg13[%add3A_64, %dma_wait3A_83] : memref<10112x128xf32, #tpu.memory_space<hbm>> -> memref<128x128xf32, #tpu.memory_space<hbm>>
        tpu.wait_dma2 semaphore(%run_scoped3A : memref<!tpu.dma_semaphore, #tpu.memory_space<semaphore_mem>>) src(%arg20 : memref<128x128xf32, #tpu.memory_space<vmem>>) dst(%dma_wait3A_84 : memref<128x128xf32, #tpu.memory_space<hbm>>)
        tpu.yield
      }) : () -> ()
      %add3A_65 = arith.constant 128 : i32
      %add3A_66 = arith.addi %mul3A_0, %add3A_65 : i32
      "tpu.region"() ({
        %run_scoped3A = tpu.sem_alloc : memref<!tpu.dma_semaphore, #tpu.memory_space<semaphore_mem>>
        %dma_start3A = arith.constant 0 : i32
        %dma_start3A_79 = tpu.memref_slice %arg22[%add3A_66, %dma_start3A] : memref<10112x128xf32, #tpu.memory_space<vmem_shared>> -> memref<128x128xf32, #tpu.memory_space<vmem_shared>>
        %dma_start3A_80 = arith.constant 0 : i32
        %dma_start3A_81 = tpu.memref_slice %arg22[%add3A_66, %dma_start3A_80] : memref<10112x128xf32, #tpu.memory_space<vmem_shared>> -> memref<128x128xf32, #tpu.memory_space<vmem_shared>>
        tpu.enqueue_dma source(%dma_start3A_81 : memref<128x128xf32, #tpu.memory_space<vmem_shared>>) target(%arg20 : memref<128x128xf32, #tpu.memory_space<vmem>>) target_semaphore(%run_scoped3A : memref<!tpu.dma_semaphore, #tpu.memory_space<semaphore_mem>>)
        %dma_wait3A = arith.constant 0 : i32
        %dma_wait3A_82 = tpu.memref_slice %arg22[%add3A_66, %dma_wait3A] : memref<10112x128xf32, #tpu.memory_space<vmem_shared>> -> memref<128x128xf32, #tpu.memory_space<vmem_shared>>
        %dma_wait3A_83 = arith.constant 0 : i32
        %dma_wait3A_84 = tpu.memref_slice %arg22[%add3A_66, %dma_wait3A_83] : memref<10112x128xf32, #tpu.memory_space<vmem_shared>> -> memref<128x128xf32, #tpu.memory_space<vmem_shared>>
        tpu.wait_dma2 semaphore(%run_scoped3A : memref<!tpu.dma_semaphore, #tpu.memory_space<semaphore_mem>>) src(%dma_wait3A_84 : memref<128x128xf32, #tpu.memory_space<vmem_shared>>) dst(%arg20 : memref<128x128xf32, #tpu.memory_space<vmem>>)
        tpu.yield
      }) : () -> ()
      %add3A_67 = arith.constant 128 : i32
      %add3A_68 = arith.addi %mul3A_0, %add3A_67 : i32
      "tpu.region"() ({
        %run_scoped3A = tpu.sem_alloc : memref<!tpu.dma_semaphore, #tpu.memory_space<semaphore_mem>>
        %dma_start3A = arith.constant 0 : i32
        %dma_start3A_79 = tpu.memref_slice %arg13[%add3A_68, %dma_start3A] : memref<10112x128xf32, #tpu.memory_space<hbm>> -> memref<128x128xf32, #tpu.memory_space<hbm>>
        %dma_start3A_80 = arith.constant 0 : i32
        %dma_start3A_81 = tpu.memref_slice %arg13[%add3A_68, %dma_start3A_80] : memref<10112x128xf32, #tpu.memory_space<hbm>> -> memref<128x128xf32, #tpu.memory_space<hbm>>
        tpu.enqueue_dma source(%arg20 : memref<128x128xf32, #tpu.memory_space<vmem>>) target(%dma_start3A_81 : memref<128x128xf32, #tpu.memory_space<hbm>>) target_semaphore(%run_scoped3A : memref<!tpu.dma_semaphore, #tpu.memory_space<semaphore_mem>>)
        %dma_wait3A = arith.constant 0 : i32
        %dma_wait3A_82 = tpu.memref_slice %arg13[%add3A_68, %dma_wait3A] : memref<10112x128xf32, #tpu.memory_space<hbm>> -> memref<128x128xf32, #tpu.memory_space<hbm>>
        %dma_wait3A_83 = arith.constant 0 : i32
        %dma_wait3A_84 = tpu.memref_slice %arg13[%add3A_68, %dma_wait3A_83] : memref<10112x128xf32, #tpu.memory_space<hbm>> -> memref<128x128xf32, #tpu.memory_space<hbm>>
        tpu.wait_dma2 semaphore(%run_scoped3A : memref<!tpu.dma_semaphore, #tpu.memory_space<semaphore_mem>>) src(%arg20 : memref<128x128xf32, #tpu.memory_space<vmem>>) dst(%dma_wait3A_84 : memref<128x128xf32, #tpu.memory_space<hbm>>)
        tpu.yield
      }) : () -> ()
      %add3A_69 = arith.constant 256 : i32
      %add3A_70 = arith.addi %mul3A_0, %add3A_69 : i32
      "tpu.region"() ({
        %run_scoped3A = tpu.sem_alloc : memref<!tpu.dma_semaphore, #tpu.memory_space<semaphore_mem>>
        %dma_start3A = arith.constant 0 : i32
        %dma_start3A_79 = tpu.memref_slice %arg22[%add3A_70, %dma_start3A] : memref<10112x128xf32, #tpu.memory_space<vmem_shared>> -> memref<128x128xf32, #tpu.memory_space<vmem_shared>>
        %dma_start3A_80 = arith.constant 0 : i32
        %dma_start3A_81 = tpu.memref_slice %arg22[%add3A_70, %dma_start3A_80] : memref<10112x128xf32, #tpu.memory_space<vmem_shared>> -> memref<128x128xf32, #tpu.memory_space<vmem_shared>>
        tpu.enqueue_dma source(%dma_start3A_81 : memref<128x128xf32, #tpu.memory_space<vmem_shared>>) target(%arg20 : memref<128x128xf32, #tpu.memory_space<vmem>>) target_semaphore(%run_scoped3A : memref<!tpu.dma_semaphore, #tpu.memory_space<semaphore_mem>>)
        %dma_wait3A = arith.constant 0 : i32
        %dma_wait3A_82 = tpu.memref_slice %arg22[%add3A_70, %dma_wait3A] : memref<10112x128xf32, #tpu.memory_space<vmem_shared>> -> memref<128x128xf32, #tpu.memory_space<vmem_shared>>
        %dma_wait3A_83 = arith.constant 0 : i32
        %dma_wait3A_84 = tpu.memref_slice %arg22[%add3A_70, %dma_wait3A_83] : memref<10112x128xf32, #tpu.memory_space<vmem_shared>> -> memref<128x128xf32, #tpu.memory_space<vmem_shared>>
        tpu.wait_dma2 semaphore(%run_scoped3A : memref<!tpu.dma_semaphore, #tpu.memory_space<semaphore_mem>>) src(%dma_wait3A_84 : memref<128x128xf32, #tpu.memory_space<vmem_shared>>) dst(%arg20 : memref<128x128xf32, #tpu.memory_space<vmem>>)
        tpu.yield
      }) : () -> ()
      %add3A_71 = arith.constant 256 : i32
      %add3A_72 = arith.addi %mul3A_0, %add3A_71 : i32
      "tpu.region"() ({
        %run_scoped3A = tpu.sem_alloc : memref<!tpu.dma_semaphore, #tpu.memory_space<semaphore_mem>>
        %dma_start3A = arith.constant 0 : i32
        %dma_start3A_79 = tpu.memref_slice %arg13[%add3A_72, %dma_start3A] : memref<10112x128xf32, #tpu.memory_space<hbm>> -> memref<128x128xf32, #tpu.memory_space<hbm>>
        %dma_start3A_80 = arith.constant 0 : i32
        %dma_start3A_81 = tpu.memref_slice %arg13[%add3A_72, %dma_start3A_80] : memref<10112x128xf32, #tpu.memory_space<hbm>> -> memref<128x128xf32, #tpu.memory_space<hbm>>
        tpu.enqueue_dma source(%arg20 : memref<128x128xf32, #tpu.memory_space<vmem>>) target(%dma_start3A_81 : memref<128x128xf32, #tpu.memory_space<hbm>>) target_semaphore(%run_scoped3A : memref<!tpu.dma_semaphore, #tpu.memory_space<semaphore_mem>>)
        %dma_wait3A = arith.constant 0 : i32
        %dma_wait3A_82 = tpu.memref_slice %arg13[%add3A_72, %dma_wait3A] : memref<10112x128xf32, #tpu.memory_space<hbm>> -> memref<128x128xf32, #tpu.memory_space<hbm>>
        %dma_wait3A_83 = arith.constant 0 : i32
        %dma_wait3A_84 = tpu.memref_slice %arg13[%add3A_72, %dma_wait3A_83] : memref<10112x128xf32, #tpu.memory_space<hbm>> -> memref<128x128xf32, #tpu.memory_space<hbm>>
        tpu.wait_dma2 semaphore(%run_scoped3A : memref<!tpu.dma_semaphore, #tpu.memory_space<semaphore_mem>>) src(%arg20 : memref<128x128xf32, #tpu.memory_space<vmem>>) dst(%dma_wait3A_84 : memref<128x128xf32, #tpu.memory_space<hbm>>)
        tpu.yield
      }) : () -> ()
      %add3A_73 = arith.constant 384 : i32
      %add3A_74 = arith.addi %mul3A_0, %add3A_73 : i32
      "tpu.region"() ({
        %run_scoped3A = tpu.sem_alloc : memref<!tpu.dma_semaphore, #tpu.memory_space<semaphore_mem>>
        %dma_start3A = arith.constant 0 : i32
        %dma_start3A_79 = tpu.memref_slice %arg22[%add3A_74, %dma_start3A] : memref<10112x128xf32, #tpu.memory_space<vmem_shared>> -> memref<128x128xf32, #tpu.memory_space<vmem_shared>>
        %dma_start3A_80 = arith.constant 0 : i32
        %dma_start3A_81 = tpu.memref_slice %arg22[%add3A_74, %dma_start3A_80] : memref<10112x128xf32, #tpu.memory_space<vmem_shared>> -> memref<128x128xf32, #tpu.memory_space<vmem_shared>>
        tpu.enqueue_dma source(%dma_start3A_81 : memref<128x128xf32, #tpu.memory_space<vmem_shared>>) target(%arg20 : memref<128x128xf32, #tpu.memory_space<vmem>>) target_semaphore(%run_scoped3A : memref<!tpu.dma_semaphore, #tpu.memory_space<semaphore_mem>>)
        %dma_wait3A = arith.constant 0 : i32
        %dma_wait3A_82 = tpu.memref_slice %arg22[%add3A_74, %dma_wait3A] : memref<10112x128xf32, #tpu.memory_space<vmem_shared>> -> memref<128x128xf32, #tpu.memory_space<vmem_shared>>
        %dma_wait3A_83 = arith.constant 0 : i32
        %dma_wait3A_84 = tpu.memref_slice %arg22[%add3A_74, %dma_wait3A_83] : memref<10112x128xf32, #tpu.memory_space<vmem_shared>> -> memref<128x128xf32, #tpu.memory_space<vmem_shared>>
        tpu.wait_dma2 semaphore(%run_scoped3A : memref<!tpu.dma_semaphore, #tpu.memory_space<semaphore_mem>>) src(%dma_wait3A_84 : memref<128x128xf32, #tpu.memory_space<vmem_shared>>) dst(%arg20 : memref<128x128xf32, #tpu.memory_space<vmem>>)
        tpu.yield
      }) : () -> ()
      %add3A_75 = arith.constant 384 : i32
      %add3A_76 = arith.addi %mul3A_0, %add3A_75 : i32
      "tpu.region"() ({
        %run_scoped3A = tpu.sem_alloc : memref<!tpu.dma_semaphore, #tpu.memory_space<semaphore_mem>>
        %dma_start3A = arith.constant 0 : i32
        %dma_start3A_79 = tpu.memref_slice %arg13[%add3A_76, %dma_start3A] : memref<10112x128xf32, #tpu.memory_space<hbm>> -> memref<128x128xf32, #tpu.memory_space<hbm>>
        %dma_start3A_80 = arith.constant 0 : i32
        %dma_start3A_81 = tpu.memref_slice %arg13[%add3A_76, %dma_start3A_80] : memref<10112x128xf32, #tpu.memory_space<hbm>> -> memref<128x128xf32, #tpu.memory_space<hbm>>
        tpu.enqueue_dma source(%arg20 : memref<128x128xf32, #tpu.memory_space<vmem>>) target(%dma_start3A_81 : memref<128x128xf32, #tpu.memory_space<hbm>>) target_semaphore(%run_scoped3A : memref<!tpu.dma_semaphore, #tpu.memory_space<semaphore_mem>>)
        %dma_wait3A = arith.constant 0 : i32
        %dma_wait3A_82 = tpu.memref_slice %arg13[%add3A_76, %dma_wait3A] : memref<10112x128xf32, #tpu.memory_space<hbm>> -> memref<128x128xf32, #tpu.memory_space<hbm>>
        %dma_wait3A_83 = arith.constant 0 : i32
        %dma_wait3A_84 = tpu.memref_slice %arg13[%add3A_76, %dma_wait3A_83] : memref<10112x128xf32, #tpu.memory_space<hbm>> -> memref<128x128xf32, #tpu.memory_space<hbm>>
        tpu.wait_dma2 semaphore(%run_scoped3A : memref<!tpu.dma_semaphore, #tpu.memory_space<semaphore_mem>>) src(%arg20 : memref<128x128xf32, #tpu.memory_space<vmem>>) dst(%dma_wait3A_84 : memref<128x128xf32, #tpu.memory_space<hbm>>)
        tpu.yield
      }) : () -> ()
      %add3A_77 = arith.constant 512 : i32
      %add3A_78 = arith.addi %mul3A_0, %add3A_77 : i32
      "tpu.region"() ({
        %run_scoped3A = tpu.sem_alloc : memref<!tpu.dma_semaphore, #tpu.memory_space<semaphore_mem>>
        %dma_start3A = arith.constant 0 : i32
        %dma_start3A_79 = arith.constant 0 : i32
        %dma_start3A_80 = tpu.memref_slice %arg20[%dma_start3A, %dma_start3A_79] : memref<128x128xf32, #tpu.memory_space<vmem>> -> memref<120x128xf32, #tpu.memory_space<vmem>>
        %dma_start3A_81 = arith.constant 0 : i32
        %dma_start3A_82 = tpu.memref_slice %arg22[%add3A_78, %dma_start3A_81] : memref<10112x128xf32, #tpu.memory_space<vmem_shared>> -> memref<120x128xf32, #tpu.memory_space<vmem_shared>>
        %dma_start3A_83 = arith.constant 0 : i32
        %dma_start3A_84 = arith.constant 0 : i32
        %dma_start3A_85 = tpu.memref_slice %arg20[%dma_start3A_83, %dma_start3A_84] : memref<128x128xf32, #tpu.memory_space<vmem>> -> memref<120x128xf32, #tpu.memory_space<vmem>>
        %dma_start3A_86 = arith.constant 0 : i32
        %dma_start3A_87 = tpu.memref_slice %arg22[%add3A_78, %dma_start3A_86] : memref<10112x128xf32, #tpu.memory_space<vmem_shared>> -> memref<120x128xf32, #tpu.memory_space<vmem_shared>>
        tpu.enqueue_dma source(%dma_start3A_87 : memref<120x128xf32, #tpu.memory_space<vmem_shared>>) target(%dma_start3A_85 : memref<120x128xf32, #tpu.memory_space<vmem>>) target_semaphore(%run_scoped3A : memref<!tpu.dma_semaphore, #tpu.memory_space<semaphore_mem>>)
        %dma_wait3A = arith.constant 0 : i32
        %dma_wait3A_88 = arith.constant 0 : i32
        %dma_wait3A_89 = tpu.memref_slice %arg20[%dma_wait3A, %dma_wait3A_88] : memref<128x128xf32, #tpu.memory_space<vmem>> -> memref<120x128xf32, #tpu.memory_space<vmem>>
        %dma_wait3A_90 = arith.constant 0 : i32
        %dma_wait3A_91 = tpu.memref_slice %arg22[%add3A_78, %dma_wait3A_90] : memref<10112x128xf32, #tpu.memory_space<vmem_shared>> -> memref<120x128xf32, #tpu.memory_space<vmem_shared>>
        %dma_wait3A_92 = arith.constant 0 : i32
        %dma_wait3A_93 = arith.constant 0 : i32
        %dma_wait3A_94 = tpu.memref_slice %arg20[%dma_wait3A_92, %dma_wait3A_93] : memref<128x128xf32, #tpu.memory_space<vmem>> -> memref<120x128xf32, #tpu.memory_space<vmem>>
        %dma_wait3A_95 = arith.constant 0 : i32
        %dma_wait3A_96 = tpu.memref_slice %arg22[%add3A_78, %dma_wait3A_95] : memref<10112x128xf32, #tpu.memory_space<vmem_shared>> -> memref<120x128xf32, #tpu.memory_space<vmem_shared>>
        tpu.wait_dma2 semaphore(%run_scoped3A : memref<!tpu.dma_semaphore, #tpu.memory_space<semaphore_mem>>) src(%dma_wait3A_96 : memref<120x128xf32, #tpu.memory_space<vmem_shared>>) dst(%dma_wait3A_94 : memref<120x128xf32, #tpu.memory_space<vmem>>)
        tpu.yield
      }) : () -> ()
      "tpu.region"() ({
        %run_scoped3A = tpu.sem_alloc : memref<!tpu.dma_semaphore, #tpu.memory_space<semaphore_mem>>
        %dma_start3A = arith.constant 0 : i32
        %dma_start3A_79 = arith.constant 0 : i32
        %dma_start3A_80 = tpu.memref_slice %arg20[%dma_start3A, %dma_start3A_79] : memref<128x128xf32, #tpu.memory_space<vmem>> -> memref<120x128xf32, #tpu.memory_space<vmem>>
        %dma_start3A_81 = arith.constant 0 : i32
        %dma_start3A_82 = tpu.memref_slice %arg13[%add3A_78, %dma_start3A_81] : memref<10112x128xf32, #tpu.memory_space<hbm>> -> memref<120x128xf32, #tpu.memory_space<hbm>>
        %dma_start3A_83 = arith.constant 0 : i32
        %dma_start3A_84 = tpu.memref_slice %arg13[%add3A_78, %dma_start3A_83] : memref<10112x128xf32, #tpu.memory_space<hbm>> -> memref<120x128xf32, #tpu.memory_space<hbm>>
        %dma_start3A_85 = arith.constant 0 : i32
        %dma_start3A_86 = arith.constant 0 : i32
        %dma_start3A_87 = tpu.memref_slice %arg20[%dma_start3A_85, %dma_start3A_86] : memref<128x128xf32, #tpu.memory_space<vmem>> -> memref<120x128xf32, #tpu.memory_space<vmem>>
        tpu.enqueue_dma source(%dma_start3A_87 : memref<120x128xf32, #tpu.memory_space<vmem>>) target(%dma_start3A_84 : memref<120x128xf32, #tpu.memory_space<hbm>>) target_semaphore(%run_scoped3A : memref<!tpu.dma_semaphore, #tpu.memory_space<semaphore_mem>>)
        %dma_wait3A = arith.constant 0 : i32
        %dma_wait3A_88 = arith.constant 0 : i32
        %dma_wait3A_89 = tpu.memref_slice %arg20[%dma_wait3A, %dma_wait3A_88] : memref<128x128xf32, #tpu.memory_space<vmem>> -> memref<120x128xf32, #tpu.memory_space<vmem>>
        %dma_wait3A_90 = arith.constant 0 : i32
        %dma_wait3A_91 = tpu.memref_slice %arg13[%add3A_78, %dma_wait3A_90] : memref<10112x128xf32, #tpu.memory_space<hbm>> -> memref<120x128xf32, #tpu.memory_space<hbm>>
        %dma_wait3A_92 = arith.constant 0 : i32
        %dma_wait3A_93 = tpu.memref_slice %arg13[%add3A_78, %dma_wait3A_92] : memref<10112x128xf32, #tpu.memory_space<hbm>> -> memref<120x128xf32, #tpu.memory_space<hbm>>
        %dma_wait3A_94 = arith.constant 0 : i32
        %dma_wait3A_95 = arith.constant 0 : i32
        %dma_wait3A_96 = tpu.memref_slice %arg20[%dma_wait3A_94, %dma_wait3A_95] : memref<128x128xf32, #tpu.memory_space<vmem>> -> memref<120x128xf32, #tpu.memory_space<vmem>>
        tpu.wait_dma2 semaphore(%run_scoped3A : memref<!tpu.dma_semaphore, #tpu.memory_space<semaphore_mem>>) src(%dma_wait3A_96 : memref<120x128xf32, #tpu.memory_space<vmem>>) dst(%dma_wait3A_93 : memref<120x128xf32, #tpu.memory_space<hbm>>)
        tpu.yield
      }) : () -> ()
    } else {
    }
    return
  }
}

module attributes {stable_mosaic.version = 14 : i64} {
  func.func @_update_body(%arg0: i32, %arg1: memref<1264x128xf32, #tpu.memory_space<vmem>>, %arg2: memref<1264x128xf32, #tpu.memory_space<vmem>>, %arg3: memref<1264x128xf32, #tpu.memory_space<vmem>>, %arg4: memref<128x128xf32, #tpu.memory_space<vmem>>, %arg5: memref<8x128xf32, #tpu.memory_space<vmem>>, %arg6: memref<1264x128xf32, #tpu.memory_space<vmem>>) attributes {dimension_semantics = [#tpu.dimension_semantics<arbitrary>], iteration_bounds = array<i64: 8>, scalar_prefetch = 0 : i64, scratch_operands = 0 : i64, tpu.core_type = #tpu.core_type<tc>, window_params = [{transform_indices = @transform_0, window_bounds = array<i64: 1264, 128>}, {transform_indices = @transform_1, window_bounds = array<i64: 1264, 128>}, {transform_indices = @transform_2, window_bounds = array<i64: 1264, 128>}, {pipeline_mode = #tpu.pipeline_mode<synchronous>, transform_indices = @transform_3, window_bounds = array<i64: 128, 128>}, {pipeline_mode = #tpu.pipeline_mode<synchronous>, transform_indices = @transform_4, window_bounds = array<i64: 8, 128>}, {transform_indices = @transform_5, window_bounds = array<i64: 1264, 128>}]} {
    %get3A = arith.constant 0 : index
    %get3A_0 = arith.constant 0 : index
    %get3A_1 = vector.load %arg2[%get3A, %get3A_0] : memref<1264x128xf32, #tpu.memory_space<vmem>>, vector<1264x1xf32>
    %max3A = arith.constant 1.000000e+00 : f32
    %max3A_2 = vector.broadcast %max3A : f32 to vector<1264x1xf32>
    %max3A_3 = arith.maximumf %get3A_1, %max3A_2 : vector<1264x1xf32>
    %get3A_4 = arith.constant 0 : index
    %get3A_5 = arith.constant 0 : index
    %get3A_6 = vector.load %arg1[%get3A_4, %get3A_5] : memref<1264x128xf32, #tpu.memory_space<vmem>>, vector<1264x128xf32>
    %div3A = vector.broadcast %max3A_3 : vector<1264x1xf32> to vector<1264x128xf32>
    %div3A_7 = arith.divf %get3A_6, %div3A : vector<1264x128xf32>
    %get3A_8 = arith.constant 0 : index
    %get3A_9 = arith.constant 0 : index
    %get3A_10 = vector.load %arg3[%get3A_8, %get3A_9] : memref<1264x128xf32, #tpu.memory_space<vmem>>, vector<1264x128xf32>
    %add3A = arith.addf %div3A_7, %get3A_10 : vector<1264x128xf32>
    %get3A_11 = arith.constant 0 : index
    %get3A_12 = arith.constant 0 : index
    %get3A_13 = vector.load %arg4[%get3A_11, %get3A_12] : memref<128x128xf32, #tpu.memory_space<vmem>>, vector<128x128xf32>
    %dot_general3A = arith.constant dense<0.000000e+00> : vector<1264x128xf32>
    %dot_general3A_14 = tpu.matmul %add3A, %get3A_13, %dot_general3A {dimension_numbers = #tpu.dot_dimension_numbers<[1], [1], [0], [0], [0, 0, 1, 0], [], []>, transpose_lhs_hint = false} : vector<1264x128xf32>, vector<128x128xf32>, vector<1264x128xf32> -> vector<1264x128xf32>
    %get3A_15 = arith.constant 0 : index
    %get3A_16 = arith.constant 0 : index
    %get3A_17 = vector.load %arg5[%get3A_15, %get3A_16] : memref<8x128xf32, #tpu.memory_space<vmem>>, vector<1x128xf32>
    %add3A_18 = vector.broadcast %get3A_17 : vector<1x128xf32> to vector<1264x128xf32>
    %add3A_19 = arith.addf %dot_general3A_14, %add3A_18 : vector<1264x128xf32>
    %reduce_sum3A = arith.constant dense<0.000000e+00> : vector<1264xf32>
    %reduce_sum3A_20 = vector.multi_reduction <add>, %add3A_19, %reduce_sum3A [1] : vector<1264x128xf32> to vector<1264xf32>
    %broadcast_in_dim3A = vector.shape_cast %reduce_sum3A_20 : vector<1264xf32> to vector<1264x1xf32>
    %div3A_21 = arith.constant 1.280000e+02 : f32
    %div3A_22 = vector.broadcast %div3A_21 : f32 to vector<1264x1xf32>
    %div3A_23 = arith.divf %broadcast_in_dim3A, %div3A_22 : vector<1264x1xf32>
    %sub3A = vector.broadcast %div3A_23 : vector<1264x1xf32> to vector<1264x128xf32>
    %sub3A_24 = arith.subf %add3A_19, %sub3A : vector<1264x128xf32>
    %mul3A = arith.mulf %sub3A_24, %sub3A_24 : vector<1264x128xf32>
    %reduce_sum3A_25 = arith.constant dense<0.000000e+00> : vector<1264xf32>
    %reduce_sum3A_26 = vector.multi_reduction <add>, %mul3A, %reduce_sum3A_25 [1] : vector<1264x128xf32> to vector<1264xf32>
    %broadcast_in_dim3A_27 = vector.shape_cast %reduce_sum3A_26 : vector<1264xf32> to vector<1264x1xf32>
    %div3A_28 = arith.constant 1.280000e+02 : f32
    %div3A_29 = vector.broadcast %div3A_28 : f32 to vector<1264x1xf32>
    %div3A_30 = arith.divf %broadcast_in_dim3A_27, %div3A_29 : vector<1264x1xf32>
    %add3A_31 = arith.constant 9.99999974E-6 : f32
    %add3A_32 = vector.broadcast %add3A_31 : f32 to vector<1264x1xf32>
    %add3A_33 = arith.addf %div3A_30, %add3A_32 : vector<1264x1xf32>
    %rsqrt3A = math.rsqrt %add3A_33 : vector<1264x1xf32>
    %mul3A_34 = vector.broadcast %rsqrt3A : vector<1264x1xf32> to vector<1264x128xf32>
    %mul3A_35 = arith.mulf %sub3A_24, %mul3A_34 : vector<1264x128xf32>
    %get3A_36 = arith.constant 1 : index
    %get3A_37 = arith.constant 0 : index
    %get3A_38 = vector.load %arg5[%get3A_36, %get3A_37] : memref<8x128xf32, #tpu.memory_space<vmem>>, vector<1x128xf32>
    %mul3A_39 = vector.broadcast %get3A_38 : vector<1x128xf32> to vector<1264x128xf32>
    %mul3A_40 = arith.mulf %mul3A_35, %mul3A_39 : vector<1264x128xf32>
    %get3A_41 = arith.constant 2 : index
    %get3A_42 = arith.constant 0 : index
    %get3A_43 = vector.load %arg5[%get3A_41, %get3A_42] : memref<8x128xf32, #tpu.memory_space<vmem>>, vector<1x128xf32>
    %add3A_44 = vector.broadcast %get3A_43 : vector<1x128xf32> to vector<1264x128xf32>
    %add3A_45 = arith.addf %mul3A_40, %add3A_44 : vector<1264x128xf32>
    %max3A_46 = arith.constant 0.000000e+00 : f32
    %max3A_47 = vector.broadcast %max3A_46 : f32 to vector<1264x128xf32>
    %max3A_48 = arith.maximumf %add3A_45, %max3A_47 : vector<1264x128xf32>
    %swap3A = arith.constant 0 : index
    %swap3A_49 = arith.constant 0 : index
    %swap3A_50 = vector.load %arg6[%swap3A, %swap3A_49] : memref<1264x128xf32, #tpu.memory_space<vmem>>, vector<1264x128xf32>
    tpu.vector_store %arg6[%swap3A, %swap3A_49], %max3A_48 {strides = array<i32>} : memref<1264x128xf32, #tpu.memory_space<vmem>>, vector<1264x128xf32>,
    return
  }
  func.func @transform_0(%arg0: i32) -> (i32, i32) {
    %c0_i32 = arith.constant 0 : i32
    %c0_i32_0 = arith.constant 0 : i32
    return %arg0, %c0_i32 : i32, i32
  }
  func.func @transform_1(%arg0: i32) -> (i32, i32) {
    %c0_i32 = arith.constant 0 : i32
    %c0_i32_0 = arith.constant 0 : i32
    return %arg0, %c0_i32 : i32, i32
  }
  func.func @transform_2(%arg0: i32) -> (i32, i32) {
    %c0_i32 = arith.constant 0 : i32
    %c0_i32_0 = arith.constant 0 : i32
    return %arg0, %c0_i32 : i32, i32
  }
  func.func @transform_3(%arg0: i32) -> (i32, i32) {
    %c0_i32 = arith.constant 0 : i32
    %c0_i32_0 = arith.constant 0 : i32
    %c0_i32_1 = arith.constant 0 : i32
    return %c0_i32, %c0_i32_0 : i32, i32
  }
  func.func @transform_4(%arg0: i32) -> (i32, i32) {
    %c0_i32 = arith.constant 0 : i32
    %c0_i32_0 = arith.constant 0 : i32
    %c0_i32_1 = arith.constant 0 : i32
    return %c0_i32, %c0_i32_0 : i32, i32
  }
  func.func @transform_5(%arg0: i32) -> (i32, i32) {
    %c0_i32 = arith.constant 0 : i32
    %c0_i32_0 = arith.constant 0 : i32
    return %arg0, %c0_i32 : i32, i32
  }
}

module attributes {stable_mosaic.version = 14 : i64} {
  func.func @_schema_body(%arg0: memref<2x128xf32, #tpu.memory_space<vmem>>, %arg1: memref<64x128xf32, #tpu.memory_space<vmem>>, %arg2: memref<64x64xf32, #tpu.memory_space<vmem>>, %arg3: memref<8x128xf32, #tpu.memory_space<vmem>>, %arg4: memref<8x128xf32, #tpu.memory_space<vmem>>, %arg5: memref<8x128x128xf32, #tpu.memory_space<vmem>>, %arg6: memref<8x128x128xf32, #tpu.memory_space<vmem>>, %arg7: memref<2x4xi32, #tpu.memory_space<smem>>, %arg8: memref<8x64xf32, #tpu.memory_space<vmem>>, %arg9: memref<2x64xf32, #tpu.memory_space<vmem>>, %arg10: memref<128x128xf32, #tpu.memory_space<vmem>>, %arg11: memref<128x128xf32, #tpu.memory_space<vmem>>, %arg12: memref<128x128xf32, #tpu.memory_space<vmem>>, %arg13: memref<128x128xf32, #tpu.memory_space<vmem>>) attributes {dimension_semantics = [], scalar_prefetch = 0 : i64, scratch_operands = 0 : i64, tpu.core_type = #tpu.core_type<tc>} {
    %get3A = arith.constant 0 : index
    %get3A_0 = arith.constant 0 : index
    %get3A_1 = vector.load %arg0[%get3A, %get3A_0] : memref<2x128xf32, #tpu.memory_space<vmem>>, vector<2x128xf32>
    %get3A_2 = arith.constant 0 : index
    %get3A_3 = arith.constant 0 : index
    %get3A_4 = vector.load %arg1[%get3A_2, %get3A_3] : memref<64x128xf32, #tpu.memory_space<vmem>>, vector<64x128xf32>
    %dot_general3A = arith.constant dense<0.000000e+00> : vector<2x64xf32>
    %dot_general3A_5 = tpu.matmul %get3A_1, %get3A_4, %dot_general3A {dimension_numbers = #tpu.dot_dimension_numbers<[1], [1], [0], [0], [0, 0, 1, 0], [], []>, transpose_lhs_hint = false} : vector<2x128xf32>, vector<64x128xf32>, vector<2x64xf32> -> vector<2x64xf32>
    %get3A_6 = arith.constant 0 : index
    %get3A_7 = arith.constant 0 : index
    %get3A_8 = vector.load %arg4[%get3A_6, %get3A_7] : memref<8x128xf32, #tpu.memory_space<vmem>>, vector<1x64xf32>
    %add3A = vector.broadcast %get3A_8 : vector<1x64xf32> to vector<2x64xf32>
    %add3A_9 = arith.addf %dot_general3A_5, %add3A : vector<2x64xf32>
    %swap3A = arith.constant 0 : index
    %swap3A_10 = arith.constant 0 : index
    %swap3A_11 = vector.load %arg9[%swap3A, %swap3A_10] : memref<2x64xf32, #tpu.memory_space<vmem>>, vector<2x64xf32>
    tpu.vector_store %arg9[%swap3A, %swap3A_10], %add3A_9 {strides = array<i32>} : memref<2x64xf32, #tpu.memory_space<vmem>>, vector<2x64xf32>,
    %get3A_12 = arith.constant 0 : index
    %get3A_13 = arith.constant 0 : index
    %get3A_14 = vector.load %arg2[%get3A_12, %get3A_13] : memref<64x64xf32, #tpu.memory_space<vmem>>, vector<64x64xf32>
    %dot_general3A_15 = arith.constant dense<0.000000e+00> : vector<2x64xf32>
    %dot_general3A_16 = tpu.matmul %add3A_9, %get3A_14, %dot_general3A_15 {dimension_numbers = #tpu.dot_dimension_numbers<[1], [1], [0], [0], [0, 0, 1, 0], [], []>, transpose_lhs_hint = false} : vector<2x64xf32>, vector<64x64xf32>, vector<2x64xf32> -> vector<2x64xf32>
    %get3A_17 = arith.constant 0 : index
    %get3A_18 = arith.constant 0 : index
    %get3A_19 = memref.load %arg7[%get3A_17, %get3A_18] : memref<2x4xi32, #tpu.memory_space<smem>>
    %get3A_20 = arith.constant 1 : index
    %get3A_21 = arith.constant 0 : index
    %get3A_22 = memref.load %arg7[%get3A_20, %get3A_21] : memref<2x4xi32, #tpu.memory_space<smem>>
    %eq3A = arith.constant 0 : i32
    %eq3A_23 = arith.cmpi eq, %get3A_22, %eq3A : i32
    %eq3A_24 = arith.constant 0 : i32
    %eq3A_25 = arith.cmpi eq, %get3A_19, %eq3A_24 : i32
    %and3A = arith.andi %eq3A_23, %eq3A_25 : i1
    %jit3A = arith.constant 1.000000e+00 : f32
    %jit3A_26 = arith.constant 0.000000e+00 : f32
    %select_n3A = arith.select %and3A, %jit3A, %jit3A_26 : f32
    %add3A_27 = arith.constant 1.000000e+00 : f32
    %add3A_28 = arith.addf %add3A_27, %select_n3A : f32
    %eq3A_29 = arith.constant 0 : i32
    %eq3A_30 = arith.cmpi eq, %get3A_22, %eq3A_29 : i32
    %eq3A_31 = arith.constant 1 : i32
    %eq3A_32 = arith.cmpi eq, %get3A_19, %eq3A_31 : i32
    %and3A_33 = arith.andi %eq3A_30, %eq3A_32 : i1
    %jit3A_34 = arith.constant 1.000000e+00 : f32
    %jit3A_35 = arith.constant 0.000000e+00 : f32
    %select_n3A_36 = arith.select %and3A_33, %jit3A_34, %jit3A_35 : f32
    %add3A_37 = arith.constant 0.000000e+00 : f32
    %add3A_38 = arith.addf %add3A_37, %select_n3A_36 : f32
    %eq3A_39 = arith.constant 1 : i32
    %eq3A_40 = arith.cmpi eq, %get3A_22, %eq3A_39 : i32
    %eq3A_41 = arith.constant 0 : i32
    %eq3A_42 = arith.cmpi eq, %get3A_19, %eq3A_41 : i32
    %and3A_43 = arith.andi %eq3A_40, %eq3A_42 : i1
    %jit3A_44 = arith.constant 1.000000e+00 : f32
    %jit3A_45 = arith.constant 0.000000e+00 : f32
    %select_n3A_46 = arith.select %and3A_43, %jit3A_44, %jit3A_45 : f32
    %add3A_47 = arith.constant 0.000000e+00 : f32
    %add3A_48 = arith.addf %add3A_47, %select_n3A_46 : f32
    %eq3A_49 = arith.constant 1 : i32
    %eq3A_50 = arith.cmpi eq, %get3A_22, %eq3A_49 : i32
    %eq3A_51 = arith.constant 1 : i32
    %eq3A_52 = arith.cmpi eq, %get3A_19, %eq3A_51 : i32
    %and3A_53 = arith.andi %eq3A_50, %eq3A_52 : i1
    %jit3A_54 = arith.constant 1.000000e+00 : f32
    %jit3A_55 = arith.constant 0.000000e+00 : f32
    %select_n3A_56 = arith.select %and3A_53, %jit3A_54, %jit3A_55 : f32
    %add3A_57 = arith.constant 1.000000e+00 : f32
    %add3A_58 = arith.addf %add3A_57, %select_n3A_56 : f32
    %get3A_59 = arith.constant 0 : index
    %get3A_60 = arith.constant 1 : index
    %get3A_61 = memref.load %arg7[%get3A_59, %get3A_60] : memref<2x4xi32, #tpu.memory_space<smem>>
    %get3A_62 = arith.constant 1 : index
    %get3A_63 = arith.constant 1 : index
    %get3A_64 = memref.load %arg7[%get3A_62, %get3A_63] : memref<2x4xi32, #tpu.memory_space<smem>>
    %eq3A_65 = arith.constant 0 : i32
    %eq3A_66 = arith.cmpi eq, %get3A_64, %eq3A_65 : i32
    %eq3A_67 = arith.constant 0 : i32
    %eq3A_68 = arith.cmpi eq, %get3A_61, %eq3A_67 : i32
    %and3A_69 = arith.andi %eq3A_66, %eq3A_68 : i1
    %jit3A_70 = arith.constant 1.000000e+00 : f32
    %jit3A_71 = arith.constant 0.000000e+00 : f32
    %select_n3A_72 = arith.select %and3A_69, %jit3A_70, %jit3A_71 : f32
    %add3A_73 = arith.addf %add3A_28, %select_n3A_72 : f32
    %eq3A_74 = arith.constant 0 : i32
    %eq3A_75 = arith.cmpi eq, %get3A_64, %eq3A_74 : i32
    %eq3A_76 = arith.constant 1 : i32
    %eq3A_77 = arith.cmpi eq, %get3A_61, %eq3A_76 : i32
    %and3A_78 = arith.andi %eq3A_75, %eq3A_77 : i1
    %jit3A_79 = arith.constant 1.000000e+00 : f32
    %jit3A_80 = arith.constant 0.000000e+00 : f32
    %select_n3A_81 = arith.select %and3A_78, %jit3A_79, %jit3A_80 : f32
    %add3A_82 = arith.addf %add3A_38, %select_n3A_81 : f32
    %eq3A_83 = arith.constant 1 : i32
    %eq3A_84 = arith.cmpi eq, %get3A_64, %eq3A_83 : i32
    %eq3A_85 = arith.constant 0 : i32
    %eq3A_86 = arith.cmpi eq, %get3A_61, %eq3A_85 : i32
    %and3A_87 = arith.andi %eq3A_84, %eq3A_86 : i1
    %jit3A_88 = arith.constant 1.000000e+00 : f32
    %jit3A_89 = arith.constant 0.000000e+00 : f32
    %select_n3A_90 = arith.select %and3A_87, %jit3A_88, %jit3A_89 : f32
    %add3A_91 = arith.addf %add3A_48, %select_n3A_90 : f32
    %eq3A_92 = arith.constant 1 : i32
    %eq3A_93 = arith.cmpi eq, %get3A_64, %eq3A_92 : i32
    %eq3A_94 = arith.constant 1 : i32
    %eq3A_95 = arith.cmpi eq, %get3A_61, %eq3A_94 : i32
    %and3A_96 = arith.andi %eq3A_93, %eq3A_95 : i1
    %jit3A_97 = arith.constant 1.000000e+00 : f32
    %jit3A_98 = arith.constant 0.000000e+00 : f32
    %select_n3A_99 = arith.select %and3A_96, %jit3A_97, %jit3A_98 : f32
    %add3A_100 = arith.addf %add3A_58, %select_n3A_99 : f32
    %get3A_101 = arith.constant 0 : index
    %get3A_102 = arith.constant 2 : index
    %get3A_103 = memref.load %arg7[%get3A_101, %get3A_102] : memref<2x4xi32, #tpu.memory_space<smem>>
    %get3A_104 = arith.constant 1 : index
    %get3A_105 = arith.constant 2 : index
    %get3A_106 = memref.load %arg7[%get3A_104, %get3A_105] : memref<2x4xi32, #tpu.memory_space<smem>>
    %eq3A_107 = arith.constant 0 : i32
    %eq3A_108 = arith.cmpi eq, %get3A_106, %eq3A_107 : i32
    %eq3A_109 = arith.constant 0 : i32
    %eq3A_110 = arith.cmpi eq, %get3A_103, %eq3A_109 : i32
    %and3A_111 = arith.andi %eq3A_108, %eq3A_110 : i1
    %jit3A_112 = arith.constant 1.000000e+00 : f32
    %jit3A_113 = arith.constant 0.000000e+00 : f32
    %select_n3A_114 = arith.select %and3A_111, %jit3A_112, %jit3A_113 : f32
    %add3A_115 = arith.addf %add3A_73, %select_n3A_114 : f32
    %eq3A_116 = arith.constant 0 : i32
    %eq3A_117 = arith.cmpi eq, %get3A_106, %eq3A_116 : i32
    %eq3A_118 = arith.constant 1 : i32
    %eq3A_119 = arith.cmpi eq, %get3A_103, %eq3A_118 : i32
    %and3A_120 = arith.andi %eq3A_117, %eq3A_119 : i1
    %jit3A_121 = arith.constant 1.000000e+00 : f32
    %jit3A_122 = arith.constant 0.000000e+00 : f32
    %select_n3A_123 = arith.select %and3A_120, %jit3A_121, %jit3A_122 : f32
    %add3A_124 = arith.addf %add3A_82, %select_n3A_123 : f32
    %eq3A_125 = arith.constant 1 : i32
    %eq3A_126 = arith.cmpi eq, %get3A_106, %eq3A_125 : i32
    %eq3A_127 = arith.constant 0 : i32
    %eq3A_128 = arith.cmpi eq, %get3A_103, %eq3A_127 : i32
    %and3A_129 = arith.andi %eq3A_126, %eq3A_128 : i1
    %jit3A_130 = arith.constant 1.000000e+00 : f32
    %jit3A_131 = arith.constant 0.000000e+00 : f32
    %select_n3A_132 = arith.select %and3A_129, %jit3A_130, %jit3A_131 : f32
    %add3A_133 = arith.addf %add3A_91, %select_n3A_132 : f32
    %eq3A_134 = arith.constant 1 : i32
    %eq3A_135 = arith.cmpi eq, %get3A_106, %eq3A_134 : i32
    %eq3A_136 = arith.constant 1 : i32
    %eq3A_137 = arith.cmpi eq, %get3A_103, %eq3A_136 : i32
    %and3A_138 = arith.andi %eq3A_135, %eq3A_137 : i1
    %jit3A_139 = arith.constant 1.000000e+00 : f32
    %jit3A_140 = arith.constant 0.000000e+00 : f32
    %select_n3A_141 = arith.select %and3A_138, %jit3A_139, %jit3A_140 : f32
    %add3A_142 = arith.addf %add3A_100, %select_n3A_141 : f32
    %get3A_143 = arith.constant 0 : index
    %get3A_144 = arith.constant 3 : index
    %get3A_145 = memref.load %arg7[%get3A_143, %get3A_144] : memref<2x4xi32, #tpu.memory_space<smem>>
    %get3A_146 = arith.constant 1 : index
    %get3A_147 = arith.constant 3 : index
    %get3A_148 = memref.load %arg7[%get3A_146, %get3A_147] : memref<2x4xi32, #tpu.memory_space<smem>>
    %eq3A_149 = arith.constant 0 : i32
    %eq3A_150 = arith.cmpi eq, %get3A_148, %eq3A_149 : i32
    %eq3A_151 = arith.constant 0 : i32
    %eq3A_152 = arith.cmpi eq, %get3A_145, %eq3A_151 : i32
    %and3A_153 = arith.andi %eq3A_150, %eq3A_152 : i1
    %jit3A_154 = arith.constant 1.000000e+00 : f32
    %jit3A_155 = arith.constant 0.000000e+00 : f32
    %select_n3A_156 = arith.select %and3A_153, %jit3A_154, %jit3A_155 : f32
    %add3A_157 = arith.addf %add3A_115, %select_n3A_156 : f32
    %eq3A_158 = arith.constant 0 : i32
    %eq3A_159 = arith.cmpi eq, %get3A_148, %eq3A_158 : i32
    %eq3A_160 = arith.constant 1 : i32
    %eq3A_161 = arith.cmpi eq, %get3A_145, %eq3A_160 : i32
    %and3A_162 = arith.andi %eq3A_159, %eq3A_161 : i1
    %jit3A_163 = arith.constant 1.000000e+00 : f32
    %jit3A_164 = arith.constant 0.000000e+00 : f32
    %select_n3A_165 = arith.select %and3A_162, %jit3A_163, %jit3A_164 : f32
    %add3A_166 = arith.addf %add3A_124, %select_n3A_165 : f32
    %eq3A_167 = arith.constant 1 : i32
    %eq3A_168 = arith.cmpi eq, %get3A_148, %eq3A_167 : i32
    %eq3A_169 = arith.constant 0 : i32
    %eq3A_170 = arith.cmpi eq, %get3A_145, %eq3A_169 : i32
    %and3A_171 = arith.andi %eq3A_168, %eq3A_170 : i1
    %jit3A_172 = arith.constant 1.000000e+00 : f32
    %jit3A_173 = arith.constant 0.000000e+00 : f32
    %select_n3A_174 = arith.select %and3A_171, %jit3A_172, %jit3A_173 : f32
    %add3A_175 = arith.addf %add3A_133, %select_n3A_174 : f32
    %eq3A_176 = arith.constant 1 : i32
    %eq3A_177 = arith.cmpi eq, %get3A_148, %eq3A_176 : i32
    %eq3A_178 = arith.constant 1 : i32
    %eq3A_179 = arith.cmpi eq, %get3A_145, %eq3A_178 : i32
    %and3A_180 = arith.andi %eq3A_177, %eq3A_179 : i1
    %jit3A_181 = arith.constant 1.000000e+00 : f32
    %jit3A_182 = arith.constant 0.000000e+00 : f32
    %select_n3A_183 = arith.select %and3A_180, %jit3A_181, %jit3A_182 : f32
    %add3A_184 = arith.addf %add3A_142, %select_n3A_183 : f32
    %add3A_185 = arith.addf %add3A_157, %add3A_166 : f32
    %add3A_186 = arith.addf %add3A_175, %add3A_184 : f32
    %rsqrt3A = math.rsqrt %add3A_185 : f32
    %rsqrt3A_187 = math.rsqrt %add3A_186 : f32
    %mul3A = arith.mulf %rsqrt3A, %add3A_157 : f32
    %mul3A_188 = arith.mulf %mul3A, %rsqrt3A : f32
    %mul3A_189 = arith.mulf %rsqrt3A, %add3A_166 : f32
    %mul3A_190 = arith.mulf %mul3A_189, %rsqrt3A_187 : f32
    %mul3A_191 = arith.mulf %rsqrt3A_187, %add3A_175 : f32
    %mul3A_192 = arith.mulf %mul3A_191, %rsqrt3A : f32
    %mul3A_193 = arith.mulf %rsqrt3A_187, %add3A_184 : f32
    %mul3A_194 = arith.mulf %mul3A_193, %rsqrt3A_187 : f32
    %get3A_195 = arith.constant 1 : index
    %get3A_196 = arith.constant 0 : index
    %get3A_197 = vector.load %arg4[%get3A_195, %get3A_196] : memref<8x128xf32, #tpu.memory_space<vmem>>, vector<1x64xf32>
    %slice3A = vector.extract_strided_slice %dot_general3A_16 {offsets = [0, 0], sizes = [1, 64], strides = [1, 1]} : vector<2x64xf32> to vector<1x64xf32>
    %mul3A_198 = vector.broadcast %mul3A_188 : f32 to vector<1x64xf32>
    %mul3A_199 = arith.mulf %mul3A_198, %slice3A : vector<1x64xf32>
    %slice3A_200 = vector.extract_strided_slice %dot_general3A_16 {offsets = [1, 0], sizes = [1, 64], strides = [1, 1]} : vector<2x64xf32> to vector<1x64xf32>
    %mul3A_201 = vector.broadcast %mul3A_190 : f32 to vector<1x64xf32>
    %mul3A_202 = arith.mulf %mul3A_201, %slice3A_200 : vector<1x64xf32>
    %add3A_203 = arith.addf %mul3A_199, %mul3A_202 : vector<1x64xf32>
    %add3A_204 = arith.addf %add3A_203, %get3A_197 : vector<1x64xf32>
    %slice3A_205 = vector.extract_strided_slice %dot_general3A_16 {offsets = [0, 0], sizes = [1, 64], strides = [1, 1]} : vector<2x64xf32> to vector<1x64xf32>
    %mul3A_206 = vector.broadcast %mul3A_192 : f32 to vector<1x64xf32>
    %mul3A_207 = arith.mulf %mul3A_206, %slice3A_205 : vector<1x64xf32>
    %slice3A_208 = vector.extract_strided_slice %dot_general3A_16 {offsets = [1, 0], sizes = [1, 64], strides = [1, 1]} : vector<2x64xf32> to vector<1x64xf32>
    %mul3A_209 = vector.broadcast %mul3A_194 : f32 to vector<1x64xf32>
    %mul3A_210 = arith.mulf %mul3A_209, %slice3A_208 : vector<1x64xf32>
    %add3A_211 = arith.addf %mul3A_207, %mul3A_210 : vector<1x64xf32>
    %add3A_212 = arith.addf %add3A_211, %get3A_197 : vector<1x64xf32>
    %broadcast_in_dim3A = arith.constant 0.000000e+00 : f32
    %broadcast_in_dim3A_213 = vector.broadcast %broadcast_in_dim3A : f32 to vector<6x64xf32>
    %concatenate3A = tpu.concatenate %add3A_204, %add3A_212, %broadcast_in_dim3A_213 in 0 : vector<1x64xf32>, vector<1x64xf32>, vector<6x64xf32> -> vector<8x64xf32>
    %max3A = arith.constant 0.000000e+00 : f32
    %max3A_214 = vector.broadcast %max3A : f32 to vector<8x64xf32>
    %max3A_215 = arith.maximumf %concatenate3A, %max3A_214 : vector<8x64xf32>
    %swap3A_216 = arith.constant 0 : index
    %swap3A_217 = arith.constant 0 : index
    %swap3A_218 = vector.load %arg8[%swap3A_216, %swap3A_217] : memref<8x64xf32, #tpu.memory_space<vmem>>, vector<8x64xf32>
    tpu.vector_store %arg8[%swap3A_216, %swap3A_217], %max3A_215 {strides = array<i32>} : memref<8x64xf32, #tpu.memory_space<vmem>>, vector<8x64xf32>,
    %get3A_219 = arith.constant 2 : index
    %get3A_220 = arith.constant 0 : index
    %get3A_221 = vector.load %arg4[%get3A_219, %get3A_220] : memref<8x128xf32, #tpu.memory_space<vmem>>, vector<1x8xf32>
    %slice3A_222 = vector.extract_strided_slice %max3A_215 {offsets = [0, 0], sizes = [1, 64], strides = [1, 1]} : vector<8x64xf32> to vector<1x64xf32>
    %slice3A_223 = vector.extract_strided_slice %max3A_215 {offsets = [1, 0], sizes = [1, 64], strides = [1, 1]} : vector<8x64xf32> to vector<1x64xf32>
    %concatenate3A_224 = tpu.concatenate %slice3A_222, %slice3A_223 in 1 : vector<1x64xf32>, vector<1x64xf32> -> vector<1x128xf32>
    %slice3A_225 = vector.extract_strided_slice %max3A_215 {offsets = [1, 0], sizes = [1, 64], strides = [1, 1]} : vector<8x64xf32> to vector<1x64xf32>
    %slice3A_226 = vector.extract_strided_slice %max3A_215 {offsets = [0, 0], sizes = [1, 64], strides = [1, 1]} : vector<8x64xf32> to vector<1x64xf32>
    %concatenate3A_227 = tpu.concatenate %slice3A_225, %slice3A_226 in 1 : vector<1x64xf32>, vector<1x64xf32> -> vector<1x128xf32>
    %get3A_228 = arith.constant 0 : index
    %get3A_229 = arith.constant 0 : index
    %get3A_230 = vector.load %arg3[%get3A_228, %get3A_229] : memref<8x128xf32, #tpu.memory_space<vmem>>, vector<8x128xf32>
    %dot_general3A_231 = arith.constant dense<0.000000e+00> : vector<1x8xf32>
    %dot_general3A_232 = tpu.matmul %concatenate3A_224, %get3A_230, %dot_general3A_231 {dimension_numbers = #tpu.dot_dimension_numbers<[1], [1], [0], [0], [0, 0, 1, 0], [], []>, transpose_lhs_hint = false} : vector<1x128xf32>, vector<8x128xf32>, vector<1x8xf32> -> vector<1x8xf32>
    %add3A_233 = arith.addf %dot_general3A_232, %get3A_221 : vector<1x8xf32>
    %get3A_234 = arith.constant 0 : index
    %get3A_235 = arith.constant 0 : index
    %get3A_236 = vector.load %arg3[%get3A_234, %get3A_235] : memref<8x128xf32, #tpu.memory_space<vmem>>, vector<8x128xf32>
    %dot_general3A_237 = arith.constant dense<0.000000e+00> : vector<1x8xf32>
    %dot_general3A_238 = tpu.matmul %concatenate3A_227, %get3A_236, %dot_general3A_237 {dimension_numbers = #tpu.dot_dimension_numbers<[1], [1], [0], [0], [0, 0, 1, 0], [], []>, transpose_lhs_hint = false} : vector<1x128xf32>, vector<8x128xf32>, vector<1x8xf32> -> vector<1x8xf32>
    %add3A_239 = arith.addf %dot_general3A_238, %get3A_221 : vector<1x8xf32>
    %broadcast_in_dim3A_240 = arith.constant 0.000000e+00 : f32
    %broadcast_in_dim3A_241 = vector.broadcast %broadcast_in_dim3A_240 : f32 to vector<128x128xf32>
    %slice3A_242 = vector.extract_strided_slice %add3A_233 {offsets = [0, 0], sizes = [1, 1], strides = [1, 1]} : vector<1x8xf32> to vector<1x1xf32>
    %get3A_243 = arith.constant 0 : index
    %get3A_244 = arith.constant 0 : index
    %get3A_245 = arith.constant 0 : index
    %get3A_246 = vector.load %arg5[%get3A_243, %get3A_244, %get3A_245] : memref<8x128x128xf32, #tpu.memory_space<vmem>>, vector<1x128x128xf32>
    %get3A_247 = vector.shape_cast %get3A_246 : vector<1x128x128xf32> to vector<128x128xf32>
    %mul3A_248 = vector.broadcast %slice3A_242 : vector<1x1xf32> to vector<128x128xf32>
    %mul3A_249 = arith.mulf %mul3A_248, %get3A_247 : vector<128x128xf32>
    %add3A_250 = arith.addf %broadcast_in_dim3A_241, %mul3A_249 : vector<128x128xf32>
    %slice3A_251 = vector.extract_strided_slice %add3A_233 {offsets = [0, 1], sizes = [1, 1], strides = [1, 1]} : vector<1x8xf32> to vector<1x1xf32>
    %get3A_252 = arith.constant 1 : index
    %get3A_253 = arith.constant 0 : index
    %get3A_254 = arith.constant 0 : index
    %get3A_255 = vector.load %arg5[%get3A_252, %get3A_253, %get3A_254] : memref<8x128x128xf32, #tpu.memory_space<vmem>>, vector<1x128x128xf32>
    %get3A_256 = vector.shape_cast %get3A_255 : vector<1x128x128xf32> to vector<128x128xf32>
    %mul3A_257 = vector.broadcast %slice3A_251 : vector<1x1xf32> to vector<128x128xf32>
    %mul3A_258 = arith.mulf %mul3A_257, %get3A_256 : vector<128x128xf32>
    %add3A_259 = arith.addf %add3A_250, %mul3A_258 : vector<128x128xf32>
    %slice3A_260 = vector.extract_strided_slice %add3A_233 {offsets = [0, 2], sizes = [1, 1], strides = [1, 1]} : vector<1x8xf32> to vector<1x1xf32>
    %get3A_261 = arith.constant 2 : index
    %get3A_262 = arith.constant 0 : index
    %get3A_263 = arith.constant 0 : index
    %get3A_264 = vector.load %arg5[%get3A_261, %get3A_262, %get3A_263] : memref<8x128x128xf32, #tpu.memory_space<vmem>>, vector<1x128x128xf32>
    %get3A_265 = vector.shape_cast %get3A_264 : vector<1x128x128xf32> to vector<128x128xf32>
    %mul3A_266 = vector.broadcast %slice3A_260 : vector<1x1xf32> to vector<128x128xf32>
    %mul3A_267 = arith.mulf %mul3A_266, %get3A_265 : vector<128x128xf32>
    %add3A_268 = arith.addf %add3A_259, %mul3A_267 : vector<128x128xf32>
    %slice3A_269 = vector.extract_strided_slice %add3A_233 {offsets = [0, 3], sizes = [1, 1], strides = [1, 1]} : vector<1x8xf32> to vector<1x1xf32>
    %get3A_270 = arith.constant 3 : index
    %get3A_271 = arith.constant 0 : index
    %get3A_272 = arith.constant 0 : index
    %get3A_273 = vector.load %arg5[%get3A_270, %get3A_271, %get3A_272] : memref<8x128x128xf32, #tpu.memory_space<vmem>>, vector<1x128x128xf32>
    %get3A_274 = vector.shape_cast %get3A_273 : vector<1x128x128xf32> to vector<128x128xf32>
    %mul3A_275 = vector.broadcast %slice3A_269 : vector<1x1xf32> to vector<128x128xf32>
    %mul3A_276 = arith.mulf %mul3A_275, %get3A_274 : vector<128x128xf32>
    %add3A_277 = arith.addf %add3A_268, %mul3A_276 : vector<128x128xf32>
    %slice3A_278 = vector.extract_strided_slice %add3A_233 {offsets = [0, 4], sizes = [1, 1], strides = [1, 1]} : vector<1x8xf32> to vector<1x1xf32>
    %get3A_279 = arith.constant 4 : index
    %get3A_280 = arith.constant 0 : index
    %get3A_281 = arith.constant 0 : index
    %get3A_282 = vector.load %arg5[%get3A_279, %get3A_280, %get3A_281] : memref<8x128x128xf32, #tpu.memory_space<vmem>>, vector<1x128x128xf32>
    %get3A_283 = vector.shape_cast %get3A_282 : vector<1x128x128xf32> to vector<128x128xf32>
    %mul3A_284 = vector.broadcast %slice3A_278 : vector<1x1xf32> to vector<128x128xf32>
    %mul3A_285 = arith.mulf %mul3A_284, %get3A_283 : vector<128x128xf32>
    %add3A_286 = arith.addf %add3A_277, %mul3A_285 : vector<128x128xf32>
    %slice3A_287 = vector.extract_strided_slice %add3A_233 {offsets = [0, 5], sizes = [1, 1], strides = [1, 1]} : vector<1x8xf32> to vector<1x1xf32>
    %get3A_288 = arith.constant 5 : index
    %get3A_289 = arith.constant 0 : index
    %get3A_290 = arith.constant 0 : index
    %get3A_291 = vector.load %arg5[%get3A_288, %get3A_289, %get3A_290] : memref<8x128x128xf32, #tpu.memory_space<vmem>>, vector<1x128x128xf32>
    %get3A_292 = vector.shape_cast %get3A_291 : vector<1x128x128xf32> to vector<128x128xf32>
    %mul3A_293 = vector.broadcast %slice3A_287 : vector<1x1xf32> to vector<128x128xf32>
    %mul3A_294 = arith.mulf %mul3A_293, %get3A_292 : vector<128x128xf32>
    %add3A_295 = arith.addf %add3A_286, %mul3A_294 : vector<128x128xf32>
    %slice3A_296 = vector.extract_strided_slice %add3A_233 {offsets = [0, 6], sizes = [1, 1], strides = [1, 1]} : vector<1x8xf32> to vector<1x1xf32>
    %get3A_297 = arith.constant 6 : index
    %get3A_298 = arith.constant 0 : index
    %get3A_299 = arith.constant 0 : index
    %get3A_300 = vector.load %arg5[%get3A_297, %get3A_298, %get3A_299] : memref<8x128x128xf32, #tpu.memory_space<vmem>>, vector<1x128x128xf32>
    %get3A_301 = vector.shape_cast %get3A_300 : vector<1x128x128xf32> to vector<128x128xf32>
    %mul3A_302 = vector.broadcast %slice3A_296 : vector<1x1xf32> to vector<128x128xf32>
    %mul3A_303 = arith.mulf %mul3A_302, %get3A_301 : vector<128x128xf32>
    %add3A_304 = arith.addf %add3A_295, %mul3A_303 : vector<128x128xf32>
    %slice3A_305 = vector.extract_strided_slice %add3A_233 {offsets = [0, 7], sizes = [1, 1], strides = [1, 1]} : vector<1x8xf32> to vector<1x1xf32>
    %get3A_306 = arith.constant 7 : index
    %get3A_307 = arith.constant 0 : index
    %get3A_308 = arith.constant 0 : index
    %get3A_309 = vector.load %arg5[%get3A_306, %get3A_307, %get3A_308] : memref<8x128x128xf32, #tpu.memory_space<vmem>>, vector<1x128x128xf32>
    %get3A_310 = vector.shape_cast %get3A_309 : vector<1x128x128xf32> to vector<128x128xf32>
    %mul3A_311 = vector.broadcast %slice3A_305 : vector<1x1xf32> to vector<128x128xf32>
    %mul3A_312 = arith.mulf %mul3A_311, %get3A_310 : vector<128x128xf32>
    %add3A_313 = arith.addf %add3A_304, %mul3A_312 : vector<128x128xf32>
    %swap3A_314 = arith.constant 0 : index
    %swap3A_315 = arith.constant 0 : index
    %swap3A_316 = vector.load %arg10[%swap3A_314, %swap3A_315] : memref<128x128xf32, #tpu.memory_space<vmem>>, vector<128x128xf32>
    tpu.vector_store %arg10[%swap3A_314, %swap3A_315], %add3A_313 {strides = array<i32>} : memref<128x128xf32, #tpu.memory_space<vmem>>, vector<128x128xf32>,
    %broadcast_in_dim3A_317 = arith.constant 0.000000e+00 : f32
    %broadcast_in_dim3A_318 = vector.broadcast %broadcast_in_dim3A_317 : f32 to vector<128x128xf32>
    %slice3A_319 = vector.extract_strided_slice %add3A_239 {offsets = [0, 0], sizes = [1, 1], strides = [1, 1]} : vector<1x8xf32> to vector<1x1xf32>
    %get3A_320 = arith.constant 0 : index
    %get3A_321 = arith.constant 0 : index
    %get3A_322 = arith.constant 0 : index
    %get3A_323 = vector.load %arg5[%get3A_320, %get3A_321, %get3A_322] : memref<8x128x128xf32, #tpu.memory_space<vmem>>, vector<1x128x128xf32>
    %get3A_324 = vector.shape_cast %get3A_323 : vector<1x128x128xf32> to vector<128x128xf32>
    %mul3A_325 = vector.broadcast %slice3A_319 : vector<1x1xf32> to vector<128x128xf32>
    %mul3A_326 = arith.mulf %mul3A_325, %get3A_324 : vector<128x128xf32>
    %add3A_327 = arith.addf %broadcast_in_dim3A_318, %mul3A_326 : vector<128x128xf32>
    %slice3A_328 = vector.extract_strided_slice %add3A_239 {offsets = [0, 1], sizes = [1, 1], strides = [1, 1]} : vector<1x8xf32> to vector<1x1xf32>
    %get3A_329 = arith.constant 1 : index
    %get3A_330 = arith.constant 0 : index
    %get3A_331 = arith.constant 0 : index
    %get3A_332 = vector.load %arg5[%get3A_329, %get3A_330, %get3A_331] : memref<8x128x128xf32, #tpu.memory_space<vmem>>, vector<1x128x128xf32>
    %get3A_333 = vector.shape_cast %get3A_332 : vector<1x128x128xf32> to vector<128x128xf32>
    %mul3A_334 = vector.broadcast %slice3A_328 : vector<1x1xf32> to vector<128x128xf32>
    %mul3A_335 = arith.mulf %mul3A_334, %get3A_333 : vector<128x128xf32>
    %add3A_336 = arith.addf %add3A_327, %mul3A_335 : vector<128x128xf32>
    %slice3A_337 = vector.extract_strided_slice %add3A_239 {offsets = [0, 2], sizes = [1, 1], strides = [1, 1]} : vector<1x8xf32> to vector<1x1xf32>
    %get3A_338 = arith.constant 2 : index
    %get3A_339 = arith.constant 0 : index
    %get3A_340 = arith.constant 0 : index
    %get3A_341 = vector.load %arg5[%get3A_338, %get3A_339, %get3A_340] : memref<8x128x128xf32, #tpu.memory_space<vmem>>, vector<1x128x128xf32>
    %get3A_342 = vector.shape_cast %get3A_341 : vector<1x128x128xf32> to vector<128x128xf32>
    %mul3A_343 = vector.broadcast %slice3A_337 : vector<1x1xf32> to vector<128x128xf32>
    %mul3A_344 = arith.mulf %mul3A_343, %get3A_342 : vector<128x128xf32>
    %add3A_345 = arith.addf %add3A_336, %mul3A_344 : vector<128x128xf32>
    %slice3A_346 = vector.extract_strided_slice %add3A_239 {offsets = [0, 3], sizes = [1, 1], strides = [1, 1]} : vector<1x8xf32> to vector<1x1xf32>
    %get3A_347 = arith.constant 3 : index
    %get3A_348 = arith.constant 0 : index
    %get3A_349 = arith.constant 0 : index
    %get3A_350 = vector.load %arg5[%get3A_347, %get3A_348, %get3A_349] : memref<8x128x128xf32, #tpu.memory_space<vmem>>, vector<1x128x128xf32>
    %get3A_351 = vector.shape_cast %get3A_350 : vector<1x128x128xf32> to vector<128x128xf32>
    %mul3A_352 = vector.broadcast %slice3A_346 : vector<1x1xf32> to vector<128x128xf32>
    %mul3A_353 = arith.mulf %mul3A_352, %get3A_351 : vector<128x128xf32>
    %add3A_354 = arith.addf %add3A_345, %mul3A_353 : vector<128x128xf32>
    %slice3A_355 = vector.extract_strided_slice %add3A_239 {offsets = [0, 4], sizes = [1, 1], strides = [1, 1]} : vector<1x8xf32> to vector<1x1xf32>
    %get3A_356 = arith.constant 4 : index
    %get3A_357 = arith.constant 0 : index
    %get3A_358 = arith.constant 0 : index
    %get3A_359 = vector.load %arg5[%get3A_356, %get3A_357, %get3A_358] : memref<8x128x128xf32, #tpu.memory_space<vmem>>, vector<1x128x128xf32>
    %get3A_360 = vector.shape_cast %get3A_359 : vector<1x128x128xf32> to vector<128x128xf32>
    %mul3A_361 = vector.broadcast %slice3A_355 : vector<1x1xf32> to vector<128x128xf32>
    %mul3A_362 = arith.mulf %mul3A_361, %get3A_360 : vector<128x128xf32>
    %add3A_363 = arith.addf %add3A_354, %mul3A_362 : vector<128x128xf32>
    %slice3A_364 = vector.extract_strided_slice %add3A_239 {offsets = [0, 5], sizes = [1, 1], strides = [1, 1]} : vector<1x8xf32> to vector<1x1xf32>
    %get3A_365 = arith.constant 5 : index
    %get3A_366 = arith.constant 0 : index
    %get3A_367 = arith.constant 0 : index
    %get3A_368 = vector.load %arg5[%get3A_365, %get3A_366, %get3A_367] : memref<8x128x128xf32, #tpu.memory_space<vmem>>, vector<1x128x128xf32>
    %get3A_369 = vector.shape_cast %get3A_368 : vector<1x128x128xf32> to vector<128x128xf32>
    %mul3A_370 = vector.broadcast %slice3A_364 : vector<1x1xf32> to vector<128x128xf32>
    %mul3A_371 = arith.mulf %mul3A_370, %get3A_369 : vector<128x128xf32>
    %add3A_372 = arith.addf %add3A_363, %mul3A_371 : vector<128x128xf32>
    %slice3A_373 = vector.extract_strided_slice %add3A_239 {offsets = [0, 6], sizes = [1, 1], strides = [1, 1]} : vector<1x8xf32> to vector<1x1xf32>
    %get3A_374 = arith.constant 6 : index
    %get3A_375 = arith.constant 0 : index
    %get3A_376 = arith.constant 0 : index
    %get3A_377 = vector.load %arg5[%get3A_374, %get3A_375, %get3A_376] : memref<8x128x128xf32, #tpu.memory_space<vmem>>, vector<1x128x128xf32>
    %get3A_378 = vector.shape_cast %get3A_377 : vector<1x128x128xf32> to vector<128x128xf32>
    %mul3A_379 = vector.broadcast %slice3A_373 : vector<1x1xf32> to vector<128x128xf32>
    %mul3A_380 = arith.mulf %mul3A_379, %get3A_378 : vector<128x128xf32>
    %add3A_381 = arith.addf %add3A_372, %mul3A_380 : vector<128x128xf32>
    %slice3A_382 = vector.extract_strided_slice %add3A_239 {offsets = [0, 7], sizes = [1, 1], strides = [1, 1]} : vector<1x8xf32> to vector<1x1xf32>
    %get3A_383 = arith.constant 7 : index
    %get3A_384 = arith.constant 0 : index
    %get3A_385 = arith.constant 0 : index
    %get3A_386 = vector.load %arg5[%get3A_383, %get3A_384, %get3A_385] : memref<8x128x128xf32, #tpu.memory_space<vmem>>, vector<1x128x128xf32>
    %get3A_387 = vector.shape_cast %get3A_386 : vector<1x128x128xf32> to vector<128x128xf32>
    %mul3A_388 = vector.broadcast %slice3A_382 : vector<1x1xf32> to vector<128x128xf32>
    %mul3A_389 = arith.mulf %mul3A_388, %get3A_387 : vector<128x128xf32>
    %add3A_390 = arith.addf %add3A_381, %mul3A_389 : vector<128x128xf32>
    %swap3A_391 = arith.constant 0 : index
    %swap3A_392 = arith.constant 0 : index
    %swap3A_393 = vector.load %arg11[%swap3A_391, %swap3A_392] : memref<128x128xf32, #tpu.memory_space<vmem>>, vector<128x128xf32>
    tpu.vector_store %arg11[%swap3A_391, %swap3A_392], %add3A_390 {strides = array<i32>} : memref<128x128xf32, #tpu.memory_space<vmem>>, vector<128x128xf32>,
    %broadcast_in_dim3A_394 = arith.constant 0.000000e+00 : f32
    %broadcast_in_dim3A_395 = vector.broadcast %broadcast_in_dim3A_394 : f32 to vector<128x128xf32>
    %slice3A_396 = vector.extract_strided_slice %add3A_233 {offsets = [0, 0], sizes = [1, 1], strides = [1, 1]} : vector<1x8xf32> to vector<1x1xf32>
    %get3A_397 = arith.constant 0 : index
    %get3A_398 = arith.constant 0 : index
    %get3A_399 = arith.constant 0 : index
    %get3A_400 = vector.load %arg6[%get3A_397, %get3A_398, %get3A_399] : memref<8x128x128xf32, #tpu.memory_space<vmem>>, vector<1x128x128xf32>
    %get3A_401 = vector.shape_cast %get3A_400 : vector<1x128x128xf32> to vector<128x128xf32>
    %mul3A_402 = vector.broadcast %slice3A_396 : vector<1x1xf32> to vector<128x128xf32>
    %mul3A_403 = arith.mulf %mul3A_402, %get3A_401 : vector<128x128xf32>
    %add3A_404 = arith.addf %broadcast_in_dim3A_395, %mul3A_403 : vector<128x128xf32>
    %slice3A_405 = vector.extract_strided_slice %add3A_233 {offsets = [0, 1], sizes = [1, 1], strides = [1, 1]} : vector<1x8xf32> to vector<1x1xf32>
    %get3A_406 = arith.constant 1 : index
    %get3A_407 = arith.constant 0 : index
    %get3A_408 = arith.constant 0 : index
    %get3A_409 = vector.load %arg6[%get3A_406, %get3A_407, %get3A_408] : memref<8x128x128xf32, #tpu.memory_space<vmem>>, vector<1x128x128xf32>
    %get3A_410 = vector.shape_cast %get3A_409 : vector<1x128x128xf32> to vector<128x128xf32>
    %mul3A_411 = vector.broadcast %slice3A_405 : vector<1x1xf32> to vector<128x128xf32>
    %mul3A_412 = arith.mulf %mul3A_411, %get3A_410 : vector<128x128xf32>
    %add3A_413 = arith.addf %add3A_404, %mul3A_412 : vector<128x128xf32>
    %slice3A_414 = vector.extract_strided_slice %add3A_233 {offsets = [0, 2], sizes = [1, 1], strides = [1, 1]} : vector<1x8xf32> to vector<1x1xf32>
    %get3A_415 = arith.constant 2 : index
    %get3A_416 = arith.constant 0 : index
    %get3A_417 = arith.constant 0 : index
    %get3A_418 = vector.load %arg6[%get3A_415, %get3A_416, %get3A_417] : memref<8x128x128xf32, #tpu.memory_space<vmem>>, vector<1x128x128xf32>
    %get3A_419 = vector.shape_cast %get3A_418 : vector<1x128x128xf32> to vector<128x128xf32>
    %mul3A_420 = vector.broadcast %slice3A_414 : vector<1x1xf32> to vector<128x128xf32>
    %mul3A_421 = arith.mulf %mul3A_420, %get3A_419 : vector<128x128xf32>
    %add3A_422 = arith.addf %add3A_413, %mul3A_421 : vector<128x128xf32>
    %slice3A_423 = vector.extract_strided_slice %add3A_233 {offsets = [0, 3], sizes = [1, 1], strides = [1, 1]} : vector<1x8xf32> to vector<1x1xf32>
    %get3A_424 = arith.constant 3 : index
    %get3A_425 = arith.constant 0 : index
    %get3A_426 = arith.constant 0 : index
    %get3A_427 = vector.load %arg6[%get3A_424, %get3A_425, %get3A_426] : memref<8x128x128xf32, #tpu.memory_space<vmem>>, vector<1x128x128xf32>
    %get3A_428 = vector.shape_cast %get3A_427 : vector<1x128x128xf32> to vector<128x128xf32>
    %mul3A_429 = vector.broadcast %slice3A_423 : vector<1x1xf32> to vector<128x128xf32>
    %mul3A_430 = arith.mulf %mul3A_429, %get3A_428 : vector<128x128xf32>
    %add3A_431 = arith.addf %add3A_422, %mul3A_430 : vector<128x128xf32>
    %slice3A_432 = vector.extract_strided_slice %add3A_233 {offsets = [0, 4], sizes = [1, 1], strides = [1, 1]} : vector<1x8xf32> to vector<1x1xf32>
    %get3A_433 = arith.constant 4 : index
    %get3A_434 = arith.constant 0 : index
    %get3A_435 = arith.constant 0 : index
    %get3A_436 = vector.load %arg6[%get3A_433, %get3A_434, %get3A_435] : memref<8x128x128xf32, #tpu.memory_space<vmem>>, vector<1x128x128xf32>
    %get3A_437 = vector.shape_cast %get3A_436 : vector<1x128x128xf32> to vector<128x128xf32>
    %mul3A_438 = vector.broadcast %slice3A_432 : vector<1x1xf32> to vector<128x128xf32>
    %mul3A_439 = arith.mulf %mul3A_438, %get3A_437 : vector<128x128xf32>
    %add3A_440 = arith.addf %add3A_431, %mul3A_439 : vector<128x128xf32>
    %slice3A_441 = vector.extract_strided_slice %add3A_233 {offsets = [0, 5], sizes = [1, 1], strides = [1, 1]} : vector<1x8xf32> to vector<1x1xf32>
    %get3A_442 = arith.constant 5 : index
    %get3A_443 = arith.constant 0 : index
    %get3A_444 = arith.constant 0 : index
    %get3A_445 = vector.load %arg6[%get3A_442, %get3A_443, %get3A_444] : memref<8x128x128xf32, #tpu.memory_space<vmem>>, vector<1x128x128xf32>
    %get3A_446 = vector.shape_cast %get3A_445 : vector<1x128x128xf32> to vector<128x128xf32>
    %mul3A_447 = vector.broadcast %slice3A_441 : vector<1x1xf32> to vector<128x128xf32>
    %mul3A_448 = arith.mulf %mul3A_447, %get3A_446 : vector<128x128xf32>
    %add3A_449 = arith.addf %add3A_440, %mul3A_448 : vector<128x128xf32>
    %slice3A_450 = vector.extract_strided_slice %add3A_233 {offsets = [0, 6], sizes = [1, 1], strides = [1, 1]} : vector<1x8xf32> to vector<1x1xf32>
    %get3A_451 = arith.constant 6 : index
    %get3A_452 = arith.constant 0 : index
    %get3A_453 = arith.constant 0 : index
    %get3A_454 = vector.load %arg6[%get3A_451, %get3A_452, %get3A_453] : memref<8x128x128xf32, #tpu.memory_space<vmem>>, vector<1x128x128xf32>
    %get3A_455 = vector.shape_cast %get3A_454 : vector<1x128x128xf32> to vector<128x128xf32>
    %mul3A_456 = vector.broadcast %slice3A_450 : vector<1x1xf32> to vector<128x128xf32>
    %mul3A_457 = arith.mulf %mul3A_456, %get3A_455 : vector<128x128xf32>
    %add3A_458 = arith.addf %add3A_449, %mul3A_457 : vector<128x128xf32>
    %slice3A_459 = vector.extract_strided_slice %add3A_233 {offsets = [0, 7], sizes = [1, 1], strides = [1, 1]} : vector<1x8xf32> to vector<1x1xf32>
    %get3A_460 = arith.constant 7 : index
    %get3A_461 = arith.constant 0 : index
    %get3A_462 = arith.constant 0 : index
    %get3A_463 = vector.load %arg6[%get3A_460, %get3A_461, %get3A_462] : memref<8x128x128xf32, #tpu.memory_space<vmem>>, vector<1x128x128xf32>
    %get3A_464 = vector.shape_cast %get3A_463 : vector<1x128x128xf32> to vector<128x128xf32>
    %mul3A_465 = vector.broadcast %slice3A_459 : vector<1x1xf32> to vector<128x128xf32>
    %mul3A_466 = arith.mulf %mul3A_465, %get3A_464 : vector<128x128xf32>
    %add3A_467 = arith.addf %add3A_458, %mul3A_466 : vector<128x128xf32>
    %swap3A_468 = arith.constant 0 : index
    %swap3A_469 = arith.constant 0 : index
    %swap3A_470 = vector.load %arg12[%swap3A_468, %swap3A_469] : memref<128x128xf32, #tpu.memory_space<vmem>>, vector<128x128xf32>
    tpu.vector_store %arg12[%swap3A_468, %swap3A_469], %add3A_467 {strides = array<i32>} : memref<128x128xf32, #tpu.memory_space<vmem>>, vector<128x128xf32>,
    %broadcast_in_dim3A_471 = arith.constant 0.000000e+00 : f32
    %broadcast_in_dim3A_472 = vector.broadcast %broadcast_in_dim3A_471 : f32 to vector<128x128xf32>
    %slice3A_473 = vector.extract_strided_slice %add3A_239 {offsets = [0, 0], sizes = [1, 1], strides = [1, 1]} : vector<1x8xf32> to vector<1x1xf32>
    %get3A_474 = arith.constant 0 : index
    %get3A_475 = arith.constant 0 : index
    %get3A_476 = arith.constant 0 : index
    %get3A_477 = vector.load %arg6[%get3A_474, %get3A_475, %get3A_476] : memref<8x128x128xf32, #tpu.memory_space<vmem>>, vector<1x128x128xf32>
    %get3A_478 = vector.shape_cast %get3A_477 : vector<1x128x128xf32> to vector<128x128xf32>
    %mul3A_479 = vector.broadcast %slice3A_473 : vector<1x1xf32> to vector<128x128xf32>
    %mul3A_480 = arith.mulf %mul3A_479, %get3A_478 : vector<128x128xf32>
    %add3A_481 = arith.addf %broadcast_in_dim3A_472, %mul3A_480 : vector<128x128xf32>
    %slice3A_482 = vector.extract_strided_slice %add3A_239 {offsets = [0, 1], sizes = [1, 1], strides = [1, 1]} : vector<1x8xf32> to vector<1x1xf32>
    %get3A_483 = arith.constant 1 : index
    %get3A_484 = arith.constant 0 : index
    %get3A_485 = arith.constant 0 : index
    %get3A_486 = vector.load %arg6[%get3A_483, %get3A_484, %get3A_485] : memref<8x128x128xf32, #tpu.memory_space<vmem>>, vector<1x128x128xf32>
    %get3A_487 = vector.shape_cast %get3A_486 : vector<1x128x128xf32> to vector<128x128xf32>
    %mul3A_488 = vector.broadcast %slice3A_482 : vector<1x1xf32> to vector<128x128xf32>
    %mul3A_489 = arith.mulf %mul3A_488, %get3A_487 : vector<128x128xf32>
    %add3A_490 = arith.addf %add3A_481, %mul3A_489 : vector<128x128xf32>
    %slice3A_491 = vector.extract_strided_slice %add3A_239 {offsets = [0, 2], sizes = [1, 1], strides = [1, 1]} : vector<1x8xf32> to vector<1x1xf32>
    %get3A_492 = arith.constant 2 : index
    %get3A_493 = arith.constant 0 : index
    %get3A_494 = arith.constant 0 : index
    %get3A_495 = vector.load %arg6[%get3A_492, %get3A_493, %get3A_494] : memref<8x128x128xf32, #tpu.memory_space<vmem>>, vector<1x128x128xf32>
    %get3A_496 = vector.shape_cast %get3A_495 : vector<1x128x128xf32> to vector<128x128xf32>
    %mul3A_497 = vector.broadcast %slice3A_491 : vector<1x1xf32> to vector<128x128xf32>
    %mul3A_498 = arith.mulf %mul3A_497, %get3A_496 : vector<128x128xf32>
    %add3A_499 = arith.addf %add3A_490, %mul3A_498 : vector<128x128xf32>
    %slice3A_500 = vector.extract_strided_slice %add3A_239 {offsets = [0, 3], sizes = [1, 1], strides = [1, 1]} : vector<1x8xf32> to vector<1x1xf32>
    %get3A_501 = arith.constant 3 : index
    %get3A_502 = arith.constant 0 : index
    %get3A_503 = arith.constant 0 : index
    %get3A_504 = vector.load %arg6[%get3A_501, %get3A_502, %get3A_503] : memref<8x128x128xf32, #tpu.memory_space<vmem>>, vector<1x128x128xf32>
    %get3A_505 = vector.shape_cast %get3A_504 : vector<1x128x128xf32> to vector<128x128xf32>
    %mul3A_506 = vector.broadcast %slice3A_500 : vector<1x1xf32> to vector<128x128xf32>
    %mul3A_507 = arith.mulf %mul3A_506, %get3A_505 : vector<128x128xf32>
    %add3A_508 = arith.addf %add3A_499, %mul3A_507 : vector<128x128xf32>
    %slice3A_509 = vector.extract_strided_slice %add3A_239 {offsets = [0, 4], sizes = [1, 1], strides = [1, 1]} : vector<1x8xf32> to vector<1x1xf32>
    %get3A_510 = arith.constant 4 : index
    %get3A_511 = arith.constant 0 : index
    %get3A_512 = arith.constant 0 : index
    %get3A_513 = vector.load %arg6[%get3A_510, %get3A_511, %get3A_512] : memref<8x128x128xf32, #tpu.memory_space<vmem>>, vector<1x128x128xf32>
    %get3A_514 = vector.shape_cast %get3A_513 : vector<1x128x128xf32> to vector<128x128xf32>
    %mul3A_515 = vector.broadcast %slice3A_509 : vector<1x1xf32> to vector<128x128xf32>
    %mul3A_516 = arith.mulf %mul3A_515, %get3A_514 : vector<128x128xf32>
    %add3A_517 = arith.addf %add3A_508, %mul3A_516 : vector<128x128xf32>
    %slice3A_518 = vector.extract_strided_slice %add3A_239 {offsets = [0, 5], sizes = [1, 1], strides = [1, 1]} : vector<1x8xf32> to vector<1x1xf32>
    %get3A_519 = arith.constant 5 : index
    %get3A_520 = arith.constant 0 : index
    %get3A_521 = arith.constant 0 : index
    %get3A_522 = vector.load %arg6[%get3A_519, %get3A_520, %get3A_521] : memref<8x128x128xf32, #tpu.memory_space<vmem>>, vector<1x128x128xf32>
    %get3A_523 = vector.shape_cast %get3A_522 : vector<1x128x128xf32> to vector<128x128xf32>
    %mul3A_524 = vector.broadcast %slice3A_518 : vector<1x1xf32> to vector<128x128xf32>
    %mul3A_525 = arith.mulf %mul3A_524, %get3A_523 : vector<128x128xf32>
    %add3A_526 = arith.addf %add3A_517, %mul3A_525 : vector<128x128xf32>
    %slice3A_527 = vector.extract_strided_slice %add3A_239 {offsets = [0, 6], sizes = [1, 1], strides = [1, 1]} : vector<1x8xf32> to vector<1x1xf32>
    %get3A_528 = arith.constant 6 : index
    %get3A_529 = arith.constant 0 : index
    %get3A_530 = arith.constant 0 : index
    %get3A_531 = vector.load %arg6[%get3A_528, %get3A_529, %get3A_530] : memref<8x128x128xf32, #tpu.memory_space<vmem>>, vector<1x128x128xf32>
    %get3A_532 = vector.shape_cast %get3A_531 : vector<1x128x128xf32> to vector<128x128xf32>
    %mul3A_533 = vector.broadcast %slice3A_527 : vector<1x1xf32> to vector<128x128xf32>
    %mul3A_534 = arith.mulf %mul3A_533, %get3A_532 : vector<128x128xf32>
    %add3A_535 = arith.addf %add3A_526, %mul3A_534 : vector<128x128xf32>
    %slice3A_536 = vector.extract_strided_slice %add3A_239 {offsets = [0, 7], sizes = [1, 1], strides = [1, 1]} : vector<1x8xf32> to vector<1x1xf32>
    %get3A_537 = arith.constant 7 : index
    %get3A_538 = arith.constant 0 : index
    %get3A_539 = arith.constant 0 : index
    %get3A_540 = vector.load %arg6[%get3A_537, %get3A_538, %get3A_539] : memref<8x128x128xf32, #tpu.memory_space<vmem>>, vector<1x128x128xf32>
    %get3A_541 = vector.shape_cast %get3A_540 : vector<1x128x128xf32> to vector<128x128xf32>
    %mul3A_542 = vector.broadcast %slice3A_536 : vector<1x1xf32> to vector<128x128xf32>
    %mul3A_543 = arith.mulf %mul3A_542, %get3A_541 : vector<128x128xf32>
    %add3A_544 = arith.addf %add3A_535, %mul3A_543 : vector<128x128xf32>
    %swap3A_545 = arith.constant 0 : index
    %swap3A_546 = arith.constant 0 : index
    %swap3A_547 = vector.load %arg13[%swap3A_545, %swap3A_546] : memref<128x128xf32, #tpu.memory_space<vmem>>, vector<128x128xf32>
    tpu.vector_store %arg13[%swap3A_545, %swap3A_546], %add3A_544 {strides = array<i32>} : memref<128x128xf32, #tpu.memory_space<vmem>>, vector<128x128xf32>,
    return
  }
}

</mosaic_0001>

<sc_bundles>
// kernel: kernel.12.cloned.1.call-start
scs
__scs_entry_jumppad:
0x0: {  	(pc) =	sbr.rel $0x88, $3  }
0x1: {  	(tag) =	ssettag $0x0;
	lr =	simm.s32 $0x1  }
0x2: {  	[smem:$0x3F87] =	sst lr;
	_ =	strace $0xD0000000  }
0x3: {  	_ = 	snop  }
0x4: {  	_ = 	snop  }
0x5: {  	_ = 	snop  }
0x6: {  	_ = 	snop  }
0x7: {  	_ = 	snop  }
__scs_overlays_trampoline_lowered:
0x8: {  	[smem:$0x3F96] =	sst s0  }
0x9: {  	[smem:$0x3F97] =	sst s1  }
0xa: {  	[smem:$0x3F98] =	sst s2  }
0xb: {  	[smem:$0x3F99] =	sst s3  }
0xc: {  	[smem:$0x3F9A] =	sst s4  }
0xd: {  	[smem:$0x3F9B] =	sst s5  }
0xe: {  	[smem:$0x3F9C] =	sst s6  }
0xf: {  	[smem:$0x3F9D] =	sst s7  }
0x10: {  	[smem:$0x3F9E] =	sst s8  }
0x11: {  	[smem:$0x3F9F] =	sst s9;
	s0 =	simm.s32 @!p0 $0x0  }
0x12: {  	s1 =	sld [smem:$0x3F85];
	s0 =	simm.s32 @p0 $0x1  }
0x13: {  	[smem:$0x3FA0] =	sst s0;
	s0 =	simm.s32 @!p1 $0x0  }
0x14: {  	s2 =	sld [smem:$0x3F84];
	s0 =	simm.s32 @p1 $0x1  }
0x15: {  	[smem:$0x3FA1] =	sst s0;
	s0 =	simm.s32 @!p2 $0x0  }
0x16: {  	s3 =	sld [smem:$0x3FDB];
	s0 =	simm.s32 @p2 $0x1  }
0x17: {  	s4 =	simm.s32 $0x1BF5;
	[smem:$0x3FA3] =	sst s0  }
0x18: {  	s0 =	sld [smem:$0x3F86];
	_ =	swait.ge [sflag:s4], $0x0  }
0x19: {  	s7 =	sld [smem:$0x3F87]  }
0x1a: {  	s8 =	sadd.s32 $0xFFFFE003, lr  }
0x1b: {  	s9 =	sadd.s32 $0xFFFFFEF7, lr;
	s5 =	simm.s32 $0xFFFFFFFF;
	p2 =	slt.u32 s8, $0xFFFFF086  }
0x1c: {  	p1 =	slt.u32 s9, $0xF7A;
	s5 =	simm.s32 @!p2 $0x0  }
0x1d: {  	s5 =	simm.s32 @p1 $0x1;
	p0 =	seq.s32 s7, s2  }
0x1e: {  	s7 =	smul.u32 @!p0 $0xF7A, s2;
	p2 =	seq.s32 @!p0 s5, $0x0  }
0x1f: {  	s9 =	smul.u32 $0xF7A, s1;
	s8 =	simm.s32 @!p0 $0x1BF5;
	p2 =	por !p2, p0  }
0x20: {  	[sflag:s8] =	ssyncset.s32 @!p0 $0xFFFFF086;
	s6 =	sadd.s32 @!p0 s3, s7;
	s7 =	simm.s32 @!p0 $0x108  }
0x21: {  	s3 =	sadd.s32 s3, s9;
	s6 =	sadd.s32 @!p0 $0x88, s6;
	s7 =	simm.s32 @p2 $0x1082  }
0x22: {  	[simem:s7], [sflag:s8] =	dma.local @!p0 [hbm:s6], $0xF7A  }
0x23: {  	s9 =	sor.u32 $0xD0000000, s2;
	s6 =	simm.s32 $0x108;
	_ =	swait.ge @!p0 [sflag:s8], $0x0  }
0x24: {  	s3 =	sadd.s32 $0x88, s3;
	s6 =	simm.s32 @!p1 $0x1082;
	[sflag:s4] =	ssyncset.s32 $0xFFFFF086  }
0x25: {  	[simem:s6], [sflag:s4] =	dma.local [hbm:s3], $0xF7A  }
0x26: {  	[smem:$0x3F87] =	sst s1;
	(tag) =	ssettag s2;
	_ =	strace s9  }
0x27: {  	s1 =	sld [smem:$0x3F97]  }
0x28: {  	s2 =	sld [smem:$0x3F98]  }
0x29: {  	s4 =	sld [smem:$0x3F9A]  }
0x2a: {  	p0 =	seq.s32 s5, $0x0;
	s5 =	sld [smem:$0x3F9B]  }
0x2b: {  	s6 =	sld [smem:$0x3F9C]  }
0x2c: {  	s7 =	sld [smem:$0x3F9D]  }
0x2d: {  	s3 =	simm.s32 $0x108;
	s8 =	sld [smem:$0x3F9E]  }
0x2e: {  	s3 =	simm.s32 @!p0 $0x1082;
	s9 =	sld [smem:$0x3F9F]  }
0x2f: {  	lr =	sadd.s32 s0, s3;
	s0 =	sld [smem:$0x3F96]  }
0x30: {  	s3 =	sld [smem:$0x3F99]  }
0x31: {  	[smem:$0x3FA2] =	sst s10  }
0x32: {  	s10 =	sld [smem:$0x3FA0];
	_ =	sdelay $0x3  }
0x33: {  	p0 =	seq.s32 s10, $0x1;
	s10 =	sld [smem:$0x3FA2];
	_ =	sdelay $0x3  }
0x34: {  	[smem:$0x3FA2] =	sst s10  }
0x35: {  	s10 =	sld [smem:$0x3FA1];
	_ =	sdelay $0x3  }
0x36: {  	p1 =	seq.s32 s10, $0x1;
	s10 =	sld [smem:$0x3FA2];
	_ =	sdelay $0x3  }
0x37: {  	[smem:$0x3FA2] =	sst s10  }
0x38: {  	s10 =	sld [smem:$0x3FA3]  }
0x39: {  	_ = 	snop;
	(pc) =	sbr.ind lr, $3  }
0x3a: {  	_ = 	snop  }
0x3b: {  	_ = 	snop  }
0x3c: {  	p2 =	seq.s32 s10, $0x1;
	s10 =	sld [smem:$0x3FA2]  }
0x3d: {  	_ =	shalt  }
0x3e: {  	_ =	shalt  }
0x3f: {  	_ =	shalt  }
0x40: {  	_ =	shalt  }
0x41: {  	_ =	shalt  }
0x42: {  	_ =	shalt  }
0x43: {  	_ =	shalt  }
0x44: {  	_ =	shalt  }
0x45: {  	_ =	shalt  }
0x46: {  	_ =	shalt  }
0x47: {  	_ =	shalt  }
0x48: {  	_ =	shalt  }
0x49: {  	_ =	shalt  }
0x4a: {  	_ =	shalt  }
0x4b: {  	_ =	shalt  }
0x4c: {  	_ =	shalt  }
0x4d: {  	_ =	shalt  }
0x4e: {  	_ =	shalt  }
0x4f: {  	_ =	shalt  }
0x50: {  	_ =	shalt  }
0x51: {  	_ =	shalt  }
0x52: {  	_ =	shalt  }
0x53: {  	_ =	shalt  }
0x54: {  	_ =	shalt  }
0x55: {  	_ =	shalt  }
0x56: {  	_ =	shalt  }
0x57: {  	_ =	shalt  }
0x58: {  	_ =	shalt  }
0x59: {  	_ =	shalt  }
0x5a: {  	_ =	shalt  }
0x5b: {  	_ =	shalt  }
0x5c: {  	_ =	shalt  }
0x5d: {  	_ =	shalt  }
0x5e: {  	_ =	shalt  }
0x5f: {  	_ =	shalt  }
0x60: {  	_ =	shalt  }
0x61: {  	_ =	shalt  }
0x62: {  	_ =	shalt  }
0x63: {  	_ =	shalt  }
0x64: {  	_ =	shalt  }
0x65: {  	_ =	shalt  }
0x66: {  	_ =	shalt  }
0x67: {  	_ =	shalt  }
0x68: {  	_ =	shalt  }
0x69: {  	_ =	shalt  }
0x6a: {  	_ =	shalt  }
0x6b: {  	_ =	shalt  }
0x6c: {  	_ =	shalt  }
0x6d: {  	_ =	shalt  }
0x6e: {  	_ =	shalt  }
0x6f: {  	_ =	shalt  }
0x70: {  	_ =	shalt  }
0x71: {  	_ =	shalt  }
0x72: {  	_ =	shalt  }
0x73: {  	_ =	shalt  }
0x74: {  	_ =	shalt  }
0x75: {  	_ =	shalt  }
0x76: {  	_ =	shalt  }
0x77: {  	_ =	shalt  }
0x78: {  	_ =	shalt  }
0x79: {  	_ =	shalt  }
0x7a: {  	_ =	shalt  }
0x7b: {  	_ =	shalt  }
0x7c: {  	_ =	shalt  }
0x7d: {  	_ =	shalt  }
0x7e: {  	_ =	shalt  }
0x7f: {  	_ =	shalt  }
0x80: {  	_ =	shalt  }
0x81: {  	_ =	shalt  }
0x82: {  	_ =	shalt  }
0x83: {  	_ =	shalt  }
0x84: {  	_ =	shalt  }
0x85: {  	_ =	shalt  }
0x86: {  	_ =	shalt  }
0x87: {  	_ =	shalt  }
.Lfunc_end0:
.L_simem_size_0:
called_computation.1_lowered:
.L_overlay_start_0:
0x88: {  	s2 =	sld [smem:$0x3FD9]  }
0x89: {  	s3 =	sld [smem:$0x3FFE];
	_ =	sdelay $0x1  }
0x8a: {  	s1 =	srdreg.scid  }
0x8b: {  	s0 =	sand.u32 $0x1, s1  }
0x8c: {  	s14 =	sshll.u32 s0, $0xA;
	s2 =	sadd.s32 s3, s2  }
0x8d: {  	s2 =	sadd.s32 s2, s14  }
0x8e: {  	[smem:$0x3FAE] =	sst s2  }
0x8f: {  	_ = 	snop  }
0x90: {  	s2 =	sld [smem:$0x3FD0];
	_ =	sdelay $0x2  }
0x91: {  	s15 =	simm.s32 $0xA;
	s4 =	simm.s32 $0x10  }
0x92: {  	[smem:s4], [sflag:s15] =	dma.local [hbm:s2], $0x1  }
0x93: {  	_ =	swait.eq [sflag:s15], $0x1  }
0x94: {  	s16 =	sld [smem:$0x10];
	[sflag:s15] =	ssyncset.done $0x0  }
0x95: {  	s17 =	sld [smem:$0x11];
	[sflag:s15] =	ssyncadd.s32 $0xFFFFFFFF  }
0x96: {  	s18 =	sld [smem:$0x15];
	(tm) =	ssettm $0x1  }
0x97: {  	s5 =	sld [smem:$0x3FFB];
	_ =	sdelay $0x3  }
0x98: {  	_ =	strace s5  }
0x99: {  	s5 =	sld [smem:$0x3FFC];
	_ =	sdelay $0x3  }
0x9a: {  	_ =	strace s5  }
0x9b: {  	s5 =	sld [smem:$0x3FFD];
	_ =	sdelay $0x3  }
0x9c: {  	_ =	strace s5  }
0x9d: {  	_ =	strace $0x8FFFFFFF  }
0x9e: {  	s19 =	sld [smem:$0x3FDB];
	_ =	sdelay $0x1  }
0x9f: {  	s6 =	simm.s32 $_scs_section_size  }
0xa0: {  	s7 =	simm.s32 $_size__tile_overlayer_lowered;
	s8 =	simm.s32 $_tile_overlayer_lowered  }
0xa1: {  	s22 =	simm.s32 $0x1BFF;
	s21 =	sshll.u32 s8, $0x1;
	s5 =	sadd.s32 s6, s19  }
0xa2: {  	s9 =	simm.s32 $0x0;
	s20 =	sshll.u32 s7, $0x1;
	s7 =	sadd.s32 s21, s5  }
0xa3: {  	[timem:s9], [sflag:s22] =	dma.local [hbm:s7], s20  }
0xa4: {  	_ =	swait.ge [sflag:s22], s20  }
0xa5: {  	s6 =	ssub.s32 $0x0, s20;
	[sflag:s22] =	ssyncset.done $0x0  }
0xa6: {  	[sflag:s22] =	ssyncadd.s32 s6;
	_ =	sdelay $0x1  }
0xa7: {  	s23 =	simm.s32 $0x1B8B  }
0xa8: {  	_ =	swait.ge [sflag:s23], $0x1  }
0xa9: {  	[sflag:s23] =	ssyncset.done $0x0  }
0xaa: {  	s25 =	simm.s32 $0x1B8E;
	s24 =	sld [smem:$0x3FFE];
	[sflag:s23] =	ssyncadd.s32 $0xFFFFFFFF  }
0xab: {  	s26 =	simm.s32 $execute0_lowered;
	[smem:$0x3FD2] =	sst s25  }
0xac: {  	s7 =	sshll.u32 s26, $0x1;
	_ =	strace $0x80000049;
	[dreg:$0x1] =	wrdreg $0xFFFFFFFF  }
0xad: {  	s28 =	simm.s32 $_size_execute0_lowered;
	s5 =	sadd.s32 s5, s7;
	[dreg:$0x0] =	wrdreg $0x0  }
0xae: {  	s7 =	sshll.u32 s28, $0x1;
	[dreg:$0x2] =	wrdreg s5  }
0xaf: {  	[dreg:$0x3] =	wrdreg s7  }
0xb0: {  	[dreg:$0x4] =	wrdreg $0xC0  }
0xb1: {  	_ =	task [dreg:s9], $0x5FFFF  }
0xb2: {  	[dreg:$0x1] =	wrdreg $0xFFFFFFFF  }
0xb3: {  	[dreg:$0x0] =	wrdreg $0x60  }
0xb4: {  	[dreg:$0x2] =	wrdreg s24  }
0xb5: {  	[dreg:$0x3] =	wrdreg s17  }
0xb6: {  	[dreg:$0x4] =	wrdreg s16  }
0xb7: {  	[dreg:$0x5] =	wrdreg s18  }
0xb8: {  	[dreg:$0x6] =	wrdreg $0x83000  }
0xb9: {  	[dreg:$0x7] =	wrdreg $0x9  }
0xba: {  	_ =	task.clear_ibuf [dreg:s9], $0x8FFFF;
	_ =	strace $0x90000049  }
0xbb: {  	s29 =	simm.s32 $0x9;
	_ =	strace $0x8000004B  }
0xbc: {  	_ =	swait.ge [sflag:s29], $0x1  }
0xbd: {  	[sflag:s29] =	ssyncadd.s32 $0xFFFFFFFF  }
0xbe: {  	_ =	strace $0x9000004B  }
0xbf: {  	_ =	sfence  }
0xc0: {  	s30 =	sld [smem:$0x0];
	_ =	sdelay $0x2  }
0xc1: {  	s31 =	sshll.u32 s1, $0xD;
	s1 =	sshrl.u32 s1, $0x2  }
0xc2: {  	s3 =	sand.u32 $0x4000, s31;
	s1 =	sadd.s32 s1, s30  }
0xc3: {  	s0 =	sor.u32 s3, s0;
	s1 =	sshll.u32 s1, $0x11  }
0xc4: {  	s0 =	sor.u32 s1, s0  }
0xc5: {  	s0 =	sadd.s32 $0x8F2B, s0  }
0xc6: {  	[sflag:s0] =	ssyncadd.remote.s32 $0x1  }
0xc7: {  	_ =	sfence.sel $0xFFFF  }
0xc8: {  	[dreg:$0x0] =	wrdreg $0xFFFFFFFF;
	(pc) =	sbr.abs _section_cstart, $3  }
0xc9: {  	[dreg:$0x1] =	wrdreg $0xFFFFFFFF  }
0xca: {  	_ =	task.clear_ibuf [dreg:s9], $0x2FFFF;
	_ =	strace $0x9FFFFFFF  }
0xcb: {  	(tm) =	ssettm $0x7FFFFFFF  }
tec
execute0_lowered:
.L_overlay_start_1:
0x0: {  	(tag) =	ssettag $0x1  }
0x1: {  	s0 =	rddreg [dreg:$0x0]  }
0x2: {  	s1 =	rddreg [dreg:$0x1]  }
0x3: {  	s2 =	rddreg [dreg:$0x2]  }
0x4: {  	s4 =	rddreg [dreg:$0x4];
	s5 =	simm.s32 $0x0  }
0x5: {  	s3 =	srdreg.scid;
	s22 =	stileid.u32;
	s28 =	simm.s32 $0x5  }
0x6: {  	s29 =	simm.s32 $0x200;
	s30 =	simm.s32 $0x3;
	s31 =	simm.s32 $0x2  }
0x7: {  	[smem:$0x7FF] =	sst s5;
	s7 =	sadd.s32 $0x1BE00, s0;
	s8 =	sadd.s32 $0x43600, s0  }
0x8: {  	s9 =	sadd.s32 $0x7E00, s0;
	s10 =	sadd.s32 $0x11E00, s0;
	s6 =	smul.u32 $0x278, s22  }
0x9: {  	s3 =	sand.u32 $0x1, s3;
	s11 =	sadd.s32 $0x6AE00, s0;
	s12 =	smul.u32 $0x4F000, s22  }
0xa: {  	s0 =	sadd.s32 $0x92600, s0;
	_ =	strace $0x8000004A;
	[dreg:$0x6] =	wrdreg s11  }
0xb: {  	s15 =	smul.u32 $0x5000, s22;
	s21 =	ssub.s32 $0x2, s3;
	[dreg:$0x7] =	wrdreg s0  }
0xc: {  	p0 =	sne.s32 s3, $0x0;
	s23 =	sshrl.u32 s21, $0x1;
	s19 =	sadd.s32 $0x80, s6  }
0xd: {  	s24 =	sshrl.u32 s12, $0x2;
	s26 =	sadd.s32 $0x100, s6;
	s20 =	sadd.s32 $0x180, s6  }
0xe: {  	s6 =	sadd.s32 $0x200, s6;
	s0 =	ssub.s32 s21, s23;
	s25 =	sshll.u32 s19, $0x7  }
0xf: {  	s13 =	sadd.s32 s24, s4;
	s16 =	sshll.u32 s26, $0x7;
	s17 =	sshll.u32 s20, $0x7  }
0x10: {  	s18 =	sshll.u32 s6, $0x7;
	s21 =	sshrl.u32 s15, $0x3;
	s24 =	sshll.u32 s19, $0x4  }
0x11: {  	s11 =	sshll.u32 s6, $0x4;
	s14 =	sadd.s32 s25, s4;
	[dreg:$0x9] =	wrdreg s24  }
0x12: {  	s16 =	sadd.s32 s16, s4;
	s23 =	sadd.s32 s9, s21;
	[dreg:$0xc] =	wrdreg s11  }
0x13: {  	s17 =	sadd.s32 s17, s4;
	s25 =	sshll.u32 s26, $0x4;
	[dreg:$0x8] =	wrdreg s23  }
0x14: {  	s18 =	sadd.s32 s18, s4;
	s26 =	sshll.u32 s20, $0x4;
	[dreg:$0xa] =	wrdreg s25  }
0x15: {  	s12 =	sadd.s32 s10, s21;
	s19 =	sor.u32 $0x10, s21;
	[dreg:$0xb] =	wrdreg s26  }
0x16: {  	s20 =	sadd.s32 s1, s21;
	s21 =	sadd.s32 s2, s21;
	[dreg:$0xd] =	wrdreg s12  }
0x17: {  	s0 =	smax.u32 s0, $0x1;
	s11 =	simm.s32 $0x4;
	[dreg:$0xe] =	wrdreg s20  }
0x18: {  	[dreg:$0xf] =	wrdreg s21;
	s23 =	sadd.s32 s9, s19;
	s24 =	sadd.s32 s10, s19  }
0x19: {  	s25 =	sadd.s32 s1, s19;
	[dreg:$0x14] =	wrdreg s0;
	s26 =	smul.u32 $0x2780, s22  }
.Ltmp0:
0x1a: {  	s3 =	sadd.s32 s2, s19;
	[dreg:$0x10] =	wrdreg s23;
	(pc) =	sbr.rel .LBB2_1-.Ltmp0, $4  }
0x1b: {  	s12 =	simm.s32 $0x100;
	s19 =	simm.s32 $0x80;
	[dreg:$0x11] =	wrdreg s24  }
0x1c: {  	s20 =	simm.s32 $0x280;
	s21 =	simm.s32 $0x0;
	[dreg:$0x12] =	wrdreg s25  }
0x1d: {  	[dreg:$0x13] =	wrdreg s3;
	s3 =	simm.s32 $0x300;
	s24 =	simm.s32 $0x1  }
0x1e: {  	s25 =	simm.s32 $0x180;
	[dreg:$0x15] =	wrdreg s26;
	s26 =	simm.s32 $0x4300  }
.LBB2_8:
0x1f: {  	s22 =	rddreg [dreg:$0x7]  }
.LBB2_9:
0x20: {  	_ =	swait.ge [sflag:s30], $0x4000  }
0x21: {  	[sflag:s30] =	ssyncset.done $0x0  }
0x22: {  	[sflag:s30] =	ssyncadd.s32 $0xFFFFC000  }
0x23: {  	_ =	swait.ge [sflag:s31], $0x4000  }
0x24: {  	[sflag:s31] =	ssyncset.done $0x0  }
0x25: {  	[sflag:s31] =	ssyncadd.s32 $0xFFFFC000  }
0x26: {  	[spmem:s4] =	stream.indirect.scatter.add.f32 [tilespmem:s26], [sflag:$0x4], $0x80, s20, s19, $0xb8;
	[tilespmem:$0x1BF00] =	vst v63  }
0x27: {  	_ =	swait.ge [sflag:s11], $0x4000  }
0x28: {  	[sflag:s11] =	ssyncset.done $0x0  }
0x29: {  	[sflag:s11] =	ssyncadd.s32 $0xFFFFC000  }
0x2a: {  	[bflag:$0x0] =	sbarrier.arrive $0xFFFF  }
0x2b: {  	[tilespmem:s3], [sflag:$0x4] =	stream.linear.gather [spmem:s13], $0x4000, $0x38;
	[tilespmem:$0x1BF00] =	vst v63  }
0x2c: {  	_ =	swait.ge [sflag:s11], $0x4000  }
0x2d: {  	[sflag:s11] =	ssyncset.done $0x0;
	s0 =	rddreg [dreg:$0x15]  }
0x2e: {  	s0 =	sadd.s32 s22, s0;
	[sflag:s11] =	ssyncadd.s32 $0xFFFFC000  }
0x2f: {  	[hbm4b:s0+s5] =	stream.linear.scatter [tilespmem:s3], [sflag:$0x4], $0x4000, $0x38;
	[tilespmem:$0x1BF00] =	vst v63  }
0x30: {  	_ =	swait.ge [sflag:s11], $0x4000  }
0x31: {  	[sflag:s11] =	ssyncset.done $0x0  }
0x32: {  	[sflag:s11] =	ssyncadd.s32 $0xFFFFC000  }
0x33: {  	[tilespmem:s3], [sflag:$0x4] =	stream.linear.gather [spmem:s14], $0x4000, $0x38;
	[tilespmem:$0x1BF00] =	vst v63  }
0x34: {  	_ =	swait.ge [sflag:s11], $0x4000  }
0x35: {  	[sflag:s11] =	ssyncset.done $0x0;
	s23 =	rddreg [dreg:$0x9]  }
0x36: {  	s0 =	sadd.s32 s22, s23;
	[sflag:s11] =	ssyncadd.s32 $0xFFFFC000  }
0x37: {  	[hbm4b:s0+s5] =	stream.linear.scatter [tilespmem:s3], [sflag:$0x4], $0x4000, $0x38;
	[tilespmem:$0x1BF00] =	vst v63  }
0x38: {  	_ =	swait.ge [sflag:s11], $0x4000  }
0x39: {  	[sflag:s11] =	ssyncset.done $0x0  }
0x3a: {  	[sflag:s11] =	ssyncadd.s32 $0xFFFFC000  }
0x3b: {  	[tilespmem:s3], [sflag:$0x4] =	stream.linear.gather [spmem:s16], $0x4000, $0x38;
	[tilespmem:$0x1BF00] =	vst v63  }
0x3c: {  	_ =	swait.ge [sflag:s11], $0x4000  }
0x3d: {  	[sflag:s11] =	ssyncset.done $0x0;
	s6 =	rddreg [dreg:$0xa]  }
0x3e: {  	s0 =	sadd.s32 s22, s6;
	[sflag:s11] =	ssyncadd.s32 $0xFFFFC000  }
0x3f: {  	[hbm4b:s0+s5] =	stream.linear.scatter [tilespmem:s3], [sflag:$0x4], $0x4000, $0x38;
	[tilespmem:$0x1BF00] =	vst v63  }
0x40: {  	_ =	swait.ge [sflag:s11], $0x4000  }
0x41: {  	[sflag:s11] =	ssyncset.done $0x0  }
0x42: {  	[sflag:s11] =	ssyncadd.s32 $0xFFFFC000  }
0x43: {  	[tilespmem:s3], [sflag:$0x4] =	stream.linear.gather [spmem:s17], $0x4000, $0x38;
	[tilespmem:$0x1BF00] =	vst v63  }
0x44: {  	_ =	swait.ge [sflag:s11], $0x4000  }
0x45: {  	[sflag:s11] =	ssyncset.done $0x0;
	s23 =	rddreg [dreg:$0xb]  }
0x46: {  	s0 =	sadd.s32 s22, s23;
	[sflag:s11] =	ssyncadd.s32 $0xFFFFC000  }
0x47: {  	[hbm4b:s0+s5] =	stream.linear.scatter [tilespmem:s3], [sflag:$0x4], $0x4000, $0x38;
	[tilespmem:$0x1BF00] =	vst v63  }
0x48: {  	_ =	swait.ge [sflag:s11], $0x4000  }
0x49: {  	[sflag:s11] =	ssyncset.done $0x0  }
0x4a: {  	[sflag:s11] =	ssyncadd.s32 $0xFFFFC000  }
0x4b: {  	[tilespmem:s3], [sflag:$0x4] =	stream.linear.gather [spmem:s18], $0x3C00, $0x38;
	[tilespmem:$0x1BF00] =	vst v63  }
0x4c: {  	_ =	swait.ge [sflag:s11], $0x3C00  }
0x4d: {  	[sflag:s11] =	ssyncset.done $0x0;
	s6 =	rddreg [dreg:$0xc]  }
0x4e: {  	s0 =	sadd.s32 s22, s6;
	[sflag:s11] =	ssyncadd.s32 $0xFFFFC400  }
0x4f: {  	[hbm4b:s0+s5] =	stream.linear.scatter [tilespmem:s3], [sflag:$0x4], $0x3C00, $0x38;
	[tilespmem:$0x1BF00] =	vst v63  }
0x50: {  	_ =	swait.ge [sflag:s11], $0x3C00  }
0x51: {  	s21 =	sadd.s32 $0x1, s21;
	s23 =	rddreg [dreg:$0x14]  }
0x52: {  	p1 =	sne.s32 s21, s23  }
.Ltmp1:
0x53: {  	_ = 	snop;
	(pc) =	sbr.rel @!p1 .LBB2_10-.Ltmp1, $3  }
0x54: {  	_ =	sdelay $0x1  }
0x55: {  	[sflag:s11] =	ssyncset.done $0x0  }
0x56: {  	[sflag:s11] =	ssyncadd.s32 $0xFFFFC400  }
.LBB2_1:
0x57: {  	s0 =	rddreg [dreg:$0x3]  }
0x58: {  	[tilespmem:s3], [sflag:$0x4] =	stream.linear.gather [hbm4b:s0+s5], $0x4000, $0x38;
	[tilespmem:$0x1BF00] =	vst v63  }
0x59: {  	_ =	swait.ge [sflag:s11], $0x4000  }
0x5a: {  	[sflag:s11] =	ssyncset.done $0x0  }
0x5b: {  	[sflag:s11] =	ssyncadd.s32 $0xFFFFC000  }
0x5c: {  	[spmem:s13] =	stream.linear.scatter [tilespmem:s3], [sflag:$0x4], $0x4000, $0x38;
	[tilespmem:$0x1BF00] =	vst v63  }
0x5d: {  	_ =	swait.ge [sflag:s11], $0x4000  }
0x5e: {  	[sflag:s11] =	ssyncset.done $0x0  }
0x5f: {  	[sflag:s11] =	ssyncadd.s32 $0xFFFFC000  }
0x60: {  	[spmem:s14] =	stream.linear.scatter [tilespmem:s3], [sflag:$0x4], $0x4000, $0x38;
	[tilespmem:$0x1BF00] =	vst v63  }
0x61: {  	_ =	swait.ge [sflag:s11], $0x4000  }
0x62: {  	[sflag:s11] =	ssyncset.done $0x0  }
0x63: {  	[sflag:s11] =	ssyncadd.s32 $0xFFFFC000  }
0x64: {  	[spmem:s16] =	stream.linear.scatter [tilespmem:s3], [sflag:$0x4], $0x4000, $0x38;
	[tilespmem:$0x1BF00] =	vst v63  }
0x65: {  	_ =	swait.ge [sflag:s11], $0x4000  }
0x66: {  	[sflag:s11] =	ssyncset.done $0x0  }
0x67: {  	[sflag:s11] =	ssyncadd.s32 $0xFFFFC000  }
0x68: {  	[spmem:s17] =	stream.linear.scatter [tilespmem:s3], [sflag:$0x4], $0x4000, $0x38;
	[tilespmem:$0x1BF00] =	vst v63  }
0x69: {  	_ =	swait.ge [sflag:s11], $0x4000  }
0x6a: {  	[sflag:s11] =	ssyncset.done $0x0  }
0x6b: {  	[sflag:s11] =	ssyncadd.s32 $0xFFFFC000  }
0x6c: {  	[spmem:s18] =	stream.linear.scatter [tilespmem:s3], [sflag:$0x4], $0x3C00, $0x38;
	[tilespmem:$0x1BF00] =	vst v63  }
.Ltmp2:
0x6d: {  	_ =	swait.ge [sflag:s11], $0x3C00;
	(pc) =	sbr.rel @p0 .LBB2_6-.Ltmp2, $4  }
0x6e: {  	[sflag:s11] =	ssyncset.done $0x0  }
0x6f: {  	[sflag:s11] =	ssyncadd.s32 $0xFFFFC400  }
0x70: {  	[bflag:$0x0] =	sbarrier.arrive $0xFFFF  }
0x71: {  	s22 =	simm.s32 $0x0  }
0x72: {  	s0 =	rddreg [dreg:$0xe]  }
0x73: {  	[tilespmem:s22], [sflag:$0x4] =	stream.linear.gather [hbm4b:s0+s22], $0x80, $0x38;
	[tilespmem:$0x1BF00] =	vst v63  }
0x74: {  	_ =	swait.ge [sflag:s11], $0x80  }
0x75: {  	[sflag:s11] =	ssyncset.done $0x0  }
0x76: {  	s23 =	rddreg [dreg:$0xf];
	[sflag:s11] =	ssyncadd.s32 $0xFFFFFF80  }
0x77: {  	[tilespmem:s12], [sflag:$0x4] =	stream.linear.gather [hbm4b:s23+s22], $0x80, $0x38;
	[tilespmem:$0x1BF00] =	vst v63  }
0x78: {  	_ =	swait.ge [sflag:s11], $0x80  }
0x79: {  	[sflag:s11] =	ssyncset.done $0x0  }
0x7a: {  	[sflag:s11] =	ssyncadd.s32 $0xFFFFFF80  }
0x7b: {  	[tilespmem:s3], [sflag:$0x1] =	stream.indirect.gather [hbm4b:s7+s19], $0x80, s22, s19, $0xb8;
	[tilespmem:$0x1BF00] =	vst v63  }
0x7c: {  	_ =	swait.ge [sflag:s24], $0x4000  }
0x7d: {  	[sflag:s24] =	ssyncset.done $0x0  }
0x7e: {  	s6 =	rddreg [dreg:$0x12];
	[sflag:s24] =	ssyncadd.s32 $0xFFFFC000  }
0x7f: {  	[tilespmem:s19], [sflag:$0x4] =	stream.linear.gather [hbm4b:s6+s22], $0x80, $0x38;
	[tilespmem:$0x1BF00] =	vst v63  }
0x80: {  	_ =	swait.ge [sflag:s11], $0x80  }
0x81: {  	[sflag:s11] =	ssyncset.done $0x0  }
0x82: {  	s23 =	rddreg [dreg:$0x13];
	[sflag:s11] =	ssyncadd.s32 $0xFFFFFF80  }
0x83: {  	[tilespmem:s25], [sflag:$0x4] =	stream.linear.gather [hbm4b:s23+s22], $0x80, $0x38;
	[tilespmem:$0x1BF00] =	vst v63  }
0x84: {  	_ =	swait.ge [sflag:s11], $0x80  }
0x85: {  	[sflag:s11] =	ssyncset.done $0x0  }
0x86: {  	[sflag:s11] =	ssyncadd.s32 $0xFFFFFF80  }
.LBB2_3:
0x87: {  	[tilespmem:s26], [sflag:$0x2] =	stream.indirect.gather [hbm4b:s7+s19], $0x80, s19, s19, $0xb8;
	[tilespmem:$0x1BF00] =	vst v63  }
0x88: {  	s23 =	sand.u32 $0x7C00, s22  }
0x89: {  	s0 =	sand.u32 $0x200, s22;
	s23 =	sadd.s32 s15, s23  }
0x8a: {  	[spmem:s4] =	stream.indirect.scatter.add.f32 [tilespmem:s3], [sflag:$0x3], $0x80, s12, s19, $0xb8;
	[tilespmem:$0x1BF00] =	vst v63  }
0x8b: {  	s0 =	sor.u32 s0, s23  }
0x8c: {  	s0 =	sshrl.u32 s0, $0x3  }
0x8d: {  	s23 =	sor.u32 $0x20, s0  }
0x8e: {  	s6 =	sadd.s32 s1, s23  }
0x8f: {  	[tilespmem:s5], [sflag:$0x5] =	stream.linear.gather [hbm4b:s6+s5], $0x80, $0x38;
	[tilespmem:$0x1BF00] =	vst v63  }
0x90: {  	_ =	swait.ge [sflag:s28], $0x80  }
0x91: {  	[sflag:s28] =	ssyncset.done $0x0  }
0x92: {  	s23 =	sadd.s32 s2, s23;
	[sflag:s28] =	ssyncadd.s32 $0xFFFFFF80  }
0x93: {  	[tilespmem:s29], [sflag:$0x5] =	stream.linear.gather [hbm4b:s23+s5], $0x80, $0x38;
	[tilespmem:$0x1BF00] =	vst v63  }
0x94: {  	_ =	swait.ge [sflag:s28], $0x80  }
0x95: {  	[sflag:s28] =	ssyncset.done $0x0  }
0x96: {  	[sflag:s28] =	ssyncadd.s32 $0xFFFFFF80  }
0x97: {  	_ =	swait.ge [sflag:s30], $0x4000  }
0x98: {  	[sflag:s30] =	ssyncset.done $0x0  }
0x99: {  	[sflag:s30] =	ssyncadd.s32 $0xFFFFC000  }
0x9a: {  	_ =	swait.ge [sflag:s31], $0x4000  }
0x9b: {  	[sflag:s31] =	ssyncset.done $0x0  }
0x9c: {  	[sflag:s31] =	ssyncadd.s32 $0xFFFFC000  }
0x9d: {  	[tilespmem:s3], [sflag:$0x1] =	stream.indirect.gather [hbm4b:s7+s19], $0x80, s5, s19, $0xb8;
	[tilespmem:$0x1BF00] =	vst v63  }
0x9e: {  	s0 =	sor.u32 $0x30, s0  }
0x9f: {  	[spmem:s4] =	stream.indirect.scatter.add.f32 [tilespmem:s26], [sflag:$0x3], $0x80, s25, s19, $0xb8;
	[tilespmem:$0x1BF00] =	vst v63  }
0xa0: {  	s23 =	sadd.s32 s1, s0  }
0xa1: {  	[tilespmem:s19], [sflag:$0x5] =	stream.linear.gather [hbm4b:s23+s5], $0x80, $0x38;
	[tilespmem:$0x1BF00] =	vst v63  }
0xa2: {  	_ =	swait.ge [sflag:s28], $0x80  }
0xa3: {  	[sflag:s28] =	ssyncset.done $0x0  }
0xa4: {  	s0 =	sadd.s32 s2, s0;
	[sflag:s28] =	ssyncadd.s32 $0xFFFFFF80  }
0xa5: {  	[tilespmem:s20], [sflag:$0x5] =	stream.linear.gather [hbm4b:s0+s5], $0x80, $0x38;
	[tilespmem:$0x1BF00] =	vst v63  }
0xa6: {  	_ =	swait.ge [sflag:s28], $0x80  }
0xa7: {  	[sflag:s28] =	ssyncset.done $0x0  }
0xa8: {  	[sflag:s28] =	ssyncadd.s32 $0xFFFFFF80  }
0xa9: {  	_ =	swait.ge [sflag:s30], $0x4000  }
0xaa: {  	[sflag:s30] =	ssyncset.done $0x0  }
0xab: {  	[sflag:s30] =	ssyncadd.s32 $0xFFFFC000  }
0xac: {  	p1 =	seq.s32 s22, $0x4E00;
	_ =	swait.ge [sflag:s24], $0x4000  }
.Ltmp3:
0xad: {  	[sflag:s24] =	ssyncset.done $0x0;
	(pc) =	sbr.rel @p1 .LBB2_4-.Ltmp3, $4  }
0xae: {  	[sflag:s24] =	ssyncadd.s32 $0xFFFFC000  }
0xaf: {  	[tilespmem:s26], [sflag:$0x2] =	stream.indirect.gather [hbm4b:s7+s19], $0x80, s19, s19, $0xb8;
	[tilespmem:$0x1BF00] =	vst v63  }
0xb0: {  	_ = 	snop  }
0xb1: {  	[spmem:s4] =	stream.indirect.scatter.add.f32 [tilespmem:s3], [sflag:$0x3], $0x80, s29, s19, $0xb8;
	[tilespmem:$0x1BF00] =	vst v63  }
0xb2: {  	s0 =	sadd.s32 $0x200, s22  }
0xb3: {  	s6 =	sand.u32 $0xFC00, s0  }
0xb4: {  	s23 =	sand.u32 $0x200, s0;
	s6 =	sadd.s32 s15, s6  }
0xb5: {  	s6 =	sor.u32 s23, s6  }
0xb6: {  	s6 =	sshrl.u32 s6, $0x3  }
0xb7: {  	s23 =	sadd.s32 s1, s6  }
0xb8: {  	[tilespmem:s5], [sflag:$0x5] =	stream.linear.gather [hbm4b:s23+s5], $0x80, $0x38;
	[tilespmem:$0x1BF00] =	vst v63  }
0xb9: {  	_ =	swait.ge [sflag:s28], $0x80  }
0xba: {  	[sflag:s28] =	ssyncset.done $0x0  }
0xbb: {  	s6 =	sadd.s32 s2, s6;
	[sflag:s28] =	ssyncadd.s32 $0xFFFFFF80  }
0xbc: {  	[tilespmem:s12], [sflag:$0x5] =	stream.linear.gather [hbm4b:s6+s5], $0x80, $0x38;
	[tilespmem:$0x1BF00] =	vst v63  }
0xbd: {  	_ =	swait.ge [sflag:s28], $0x80  }
0xbe: {  	[sflag:s28] =	ssyncset.done $0x0  }
0xbf: {  	[sflag:s28] =	ssyncadd.s32 $0xFFFFFF80  }
0xc0: {  	_ =	swait.ge [sflag:s30], $0x4000  }
0xc1: {  	[sflag:s30] =	ssyncset.done $0x0  }
0xc2: {  	s23 =	sadd.s32 $0x280, s22;
	[sflag:s30] =	ssyncadd.s32 $0xFFFFC000  }
0xc3: {  	s22 =	sand.u32 $0xFC00, s23;
	_ =	swait.ge [sflag:s31], $0x4000  }
0xc4: {  	s22 =	sadd.s32 s15, s22;
	s6 =	sand.u32 $0x280, s23;
	[sflag:s31] =	ssyncset.done $0x0  }
0xc5: {  	s6 =	sor.u32 s6, s22;
	[sflag:s31] =	ssyncadd.s32 $0xFFFFC000  }
0xc6: {  	[tilespmem:s3], [sflag:$0x1] =	stream.indirect.gather [hbm4b:s7+s19], $0x80, s5, s19, $0xb8;
	[tilespmem:$0x1BF00] =	vst v63  }
0xc7: {  	s6 =	sshrl.u32 s6, $0x3  }
0xc8: {  	[spmem:s4] =	stream.indirect.scatter.add.f32 [tilespmem:s26], [sflag:$0x3], $0x80, s20, s19, $0xb8;
	[tilespmem:$0x1BF00] =	vst v63  }
0xc9: {  	s23 =	sadd.s32 s1, s6  }
0xca: {  	[tilespmem:s19], [sflag:$0x5] =	stream.linear.gather [hbm4b:s23+s5], $0x80, $0x38;
	[tilespmem:$0x1BF00] =	vst v63  }
0xcb: {  	_ =	swait.ge [sflag:s28], $0x80  }
0xcc: {  	[sflag:s28] =	ssyncset.done $0x0  }
0xcd: {  	s6 =	sadd.s32 s2, s6;
	[sflag:s28] =	ssyncadd.s32 $0xFFFFFF80  }
0xce: {  	[tilespmem:s25], [sflag:$0x5] =	stream.linear.gather [hbm4b:s6+s5], $0x80, $0x38;
	[tilespmem:$0x1BF00] =	vst v63  }
0xcf: {  	_ =	swait.ge [sflag:s28], $0x80  }
0xd0: {  	[sflag:s28] =	ssyncset.done $0x0  }
0xd1: {  	[sflag:s28] =	ssyncadd.s32 $0xFFFFFF80  }
0xd2: {  	_ =	swait.ge [sflag:s30], $0x4000  }
.Ltmp4:
0xd3: {  	[sflag:s30] =	ssyncset.done $0x0;
	(pc) =	sbr.rel .LBB2_3-.Ltmp4, $4  }
0xd4: {  	[sflag:s30] =	ssyncadd.s32 $0xFFFFC000  }
0xd5: {  	_ =	swait.ge [sflag:s24], $0x4000  }
0xd6: {  	[sflag:s24] =	ssyncset.done $0x0  }
0xd7: {  	s22 =	smov.u32 s0;
	[sflag:s24] =	ssyncadd.s32 $0xFFFFC000  }
.LBB2_6:
0xd8: {  	s0 =	rddreg [dreg:$0x8]  }
0xd9: {  	[tilespmem:s22], [sflag:$0x4] =	stream.linear.gather [hbm4b:s0+s22], $0x80, $0x38;
	[tilespmem:$0x1BF00] =	vst v63  }
0xda: {  	_ =	swait.ge [sflag:s11], $0x80  }
0xdb: {  	[sflag:s11] =	ssyncset.done $0x0  }
0xdc: {  	s23 =	rddreg [dreg:$0xd];
	[sflag:s11] =	ssyncadd.s32 $0xFFFFFF80  }
0xdd: {  	[tilespmem:s12], [sflag:$0x4] =	stream.linear.gather [hbm4b:s23+s22], $0x80, $0x38;
	[tilespmem:$0x1BF00] =	vst v63  }
0xde: {  	_ =	swait.ge [sflag:s11], $0x80  }
0xdf: {  	[sflag:s11] =	ssyncset.done $0x0  }
0xe0: {  	[sflag:s11] =	ssyncadd.s32 $0xFFFFFF80  }
0xe1: {  	[tilespmem:s3], [sflag:$0x1] =	stream.indirect.gather [hbm4b:s8+s19], $0x80, s22, s19, $0xb8;
	[tilespmem:$0x1BF00] =	vst v63  }
0xe2: {  	_ =	swait.ge [sflag:s24], $0x4000  }
0xe3: {  	[sflag:s24] =	ssyncset.done $0x0  }
0xe4: {  	s6 =	rddreg [dreg:$0x10];
	[sflag:s24] =	ssyncadd.s32 $0xFFFFC000  }
0xe5: {  	[tilespmem:s19], [sflag:$0x4] =	stream.linear.gather [hbm4b:s6+s22], $0x80, $0x38;
	[tilespmem:$0x1BF00] =	vst v63  }
0xe6: {  	_ =	swait.ge [sflag:s11], $0x80  }
0xe7: {  	[sflag:s11] =	ssyncset.done $0x0  }
0xe8: {  	s23 =	rddreg [dreg:$0x11];
	[sflag:s11] =	ssyncadd.s32 $0xFFFFFF80  }
0xe9: {  	[tilespmem:s25], [sflag:$0x4] =	stream.linear.gather [hbm4b:s23+s22], $0x80, $0x38;
	[tilespmem:$0x1BF00] =	vst v63  }
0xea: {  	_ =	swait.ge [sflag:s11], $0x80  }
0xeb: {  	[sflag:s11] =	ssyncset.done $0x0  }
0xec: {  	[sflag:s11] =	ssyncadd.s32 $0xFFFFFF80  }
.LBB2_7:
0xed: {  	[tilespmem:s26], [sflag:$0x2] =	stream.indirect.gather [hbm4b:s8+s19], $0x80, s19, s19, $0xb8;
	[tilespmem:$0x1BF00] =	vst v63  }
0xee: {  	s0 =	sand.u32 $0x7C00, s22  }
0xef: {  	s6 =	sand.u32 $0x200, s22;
	s0 =	sadd.s32 s15, s0  }
0xf0: {  	[spmem:s4] =	stream.indirect.scatter.add.f32 [tilespmem:s3], [sflag:$0x3], $0x80, s12, s19, $0xb8;
	[tilespmem:$0x1BF00] =	vst v63  }
0xf1: {  	s0 =	sor.u32 s6, s0  }
0xf2: {  	s0 =	sshrl.u32 s0, $0x3  }
0xf3: {  	s6 =	sor.u32 $0x20, s0  }
0xf4: {  	s23 =	sadd.s32 s9, s6  }
0xf5: {  	[tilespmem:s5], [sflag:$0x5] =	stream.linear.gather [hbm4b:s23+s5], $0x80, $0x38;
	[tilespmem:$0x1BF00] =	vst v63  }
0xf6: {  	_ =	swait.ge [sflag:s28], $0x80  }
0xf7: {  	[sflag:s28] =	ssyncset.done $0x0  }
0xf8: {  	s6 =	sadd.s32 s10, s6;
	[sflag:s28] =	ssyncadd.s32 $0xFFFFFF80  }
0xf9: {  	[tilespmem:s29], [sflag:$0x5] =	stream.linear.gather [hbm4b:s6+s5], $0x80, $0x38;
	[tilespmem:$0x1BF00] =	vst v63  }
0xfa: {  	_ =	swait.ge [sflag:s28], $0x80  }
0xfb: {  	[sflag:s28] =	ssyncset.done $0x0  }
0xfc: {  	[sflag:s28] =	ssyncadd.s32 $0xFFFFFF80  }
0xfd: {  	_ =	swait.ge [sflag:s30], $0x4000  }
0xfe: {  	[sflag:s30] =	ssyncset.done $0x0  }
0xff: {  	[sflag:s30] =	ssyncadd.s32 $0xFFFFC000  }
0x100: {  	_ =	swait.ge [sflag:s31], $0x4000  }
0x101: {  	[sflag:s31] =	ssyncset.done $0x0  }
0x102: {  	[sflag:s31] =	ssyncadd.s32 $0xFFFFC000  }
0x103: {  	[tilespmem:s3], [sflag:$0x1] =	stream.indirect.gather [hbm4b:s8+s19], $0x80, s5, s19, $0xb8;
	[tilespmem:$0x1BF00] =	vst v63  }
0x104: {  	s0 =	sor.u32 $0x30, s0  }
0x105: {  	[spmem:s4] =	stream.indirect.scatter.add.f32 [tilespmem:s26], [sflag:$0x3], $0x80, s25, s19, $0xb8;
	[tilespmem:$0x1BF00] =	vst v63  }
0x106: {  	s23 =	sadd.s32 s9, s0  }
0x107: {  	[tilespmem:s19], [sflag:$0x5] =	stream.linear.gather [hbm4b:s23+s5], $0x80, $0x38;
	[tilespmem:$0x1BF00] =	vst v63  }
0x108: {  	_ =	swait.ge [sflag:s28], $0x80  }
0x109: {  	[sflag:s28] =	ssyncset.done $0x0  }
0x10a: {  	s0 =	sadd.s32 s10, s0;
	[sflag:s28] =	ssyncadd.s32 $0xFFFFFF80  }
0x10b: {  	[tilespmem:s20], [sflag:$0x5] =	stream.linear.gather [hbm4b:s0+s5], $0x80, $0x38;
	[tilespmem:$0x1BF00] =	vst v63  }
0x10c: {  	_ =	swait.ge [sflag:s28], $0x80  }
0x10d: {  	[sflag:s28] =	ssyncset.done $0x0  }
0x10e: {  	[sflag:s28] =	ssyncadd.s32 $0xFFFFFF80  }
0x10f: {  	_ =	swait.ge [sflag:s30], $0x4000  }
0x110: {  	[sflag:s30] =	ssyncset.done $0x0  }
0x111: {  	[sflag:s30] =	ssyncadd.s32 $0xFFFFC000  }
0x112: {  	p1 =	seq.s32 s22, $0x4E00;
	_ =	swait.ge [sflag:s24], $0x4000  }
.Ltmp5:
0x113: {  	[sflag:s24] =	ssyncset.done $0x0;
	(pc) =	sbr.rel @p1 .LBB2_8-.Ltmp5, $4  }
0x114: {  	[sflag:s24] =	ssyncadd.s32 $0xFFFFC000  }
0x115: {  	[tilespmem:s26], [sflag:$0x2] =	stream.indirect.gather [hbm4b:s8+s19], $0x80, s19, s19, $0xb8;
	[tilespmem:$0x1BF00] =	vst v63  }
0x116: {  	_ = 	snop  }
0x117: {  	[spmem:s4] =	stream.indirect.scatter.add.f32 [tilespmem:s3], [sflag:$0x3], $0x80, s29, s19, $0xb8;
	[tilespmem:$0x1BF00] =	vst v63  }
0x118: {  	s0 =	sadd.s32 $0x200, s22  }
0x119: {  	s6 =	sand.u32 $0xFC00, s0  }
0x11a: {  	s23 =	sand.u32 $0x200, s0;
	s6 =	sadd.s32 s15, s6  }
0x11b: {  	s6 =	sor.u32 s23, s6  }
0x11c: {  	s6 =	sshrl.u32 s6, $0x3  }
0x11d: {  	s23 =	sadd.s32 s9, s6  }
0x11e: {  	[tilespmem:s5], [sflag:$0x5] =	stream.linear.gather [hbm4b:s23+s5], $0x80, $0x38;
	[tilespmem:$0x1BF00] =	vst v63  }
0x11f: {  	_ =	swait.ge [sflag:s28], $0x80  }
0x120: {  	[sflag:s28] =	ssyncset.done $0x0  }
0x121: {  	s6 =	sadd.s32 s10, s6;
	[sflag:s28] =	ssyncadd.s32 $0xFFFFFF80  }
0x122: {  	[tilespmem:s12], [sflag:$0x5] =	stream.linear.gather [hbm4b:s6+s5], $0x80, $0x38;
	[tilespmem:$0x1BF00] =	vst v63  }
0x123: {  	_ =	swait.ge [sflag:s28], $0x80  }
0x124: {  	[sflag:s28] =	ssyncset.done $0x0  }
0x125: {  	[sflag:s28] =	ssyncadd.s32 $0xFFFFFF80  }
0x126: {  	_ =	swait.ge [sflag:s30], $0x4000  }
0x127: {  	[sflag:s30] =	ssyncset.done $0x0  }
0x128: {  	s23 =	sadd.s32 $0x280, s22;
	[sflag:s30] =	ssyncadd.s32 $0xFFFFC000  }
0x129: {  	s22 =	sand.u32 $0xFC00, s23;
	_ =	swait.ge [sflag:s31], $0x4000  }
0x12a: {  	s22 =	sadd.s32 s15, s22;
	s6 =	sand.u32 $0x280, s23;
	[sflag:s31] =	ssyncset.done $0x0  }
0x12b: {  	s6 =	sor.u32 s6, s22;
	[sflag:s31] =	ssyncadd.s32 $0xFFFFC000  }
0x12c: {  	[tilespmem:s3], [sflag:$0x1] =	stream.indirect.gather [hbm4b:s8+s19], $0x80, s5, s19, $0xb8;
	[tilespmem:$0x1BF00] =	vst v63  }
0x12d: {  	s6 =	sshrl.u32 s6, $0x3  }
0x12e: {  	[spmem:s4] =	stream.indirect.scatter.add.f32 [tilespmem:s26], [sflag:$0x3], $0x80, s20, s19, $0xb8;
	[tilespmem:$0x1BF00] =	vst v63  }
0x12f: {  	s23 =	sadd.s32 s9, s6  }
0x130: {  	[tilespmem:s19], [sflag:$0x5] =	stream.linear.gather [hbm4b:s23+s5], $0x80, $0x38;
	[tilespmem:$0x1BF00] =	vst v63  }
0x131: {  	_ =	swait.ge [sflag:s28], $0x80  }
0x132: {  	[sflag:s28] =	ssyncset.done $0x0  }
0x133: {  	s6 =	sadd.s32 s10, s6;
	[sflag:s28] =	ssyncadd.s32 $0xFFFFFF80  }
0x134: {  	[tilespmem:s25], [sflag:$0x5] =	stream.linear.gather [hbm4b:s6+s5], $0x80, $0x38;
	[tilespmem:$0x1BF00] =	vst v63  }
0x135: {  	_ =	swait.ge [sflag:s28], $0x80  }
0x136: {  	[sflag:s28] =	ssyncset.done $0x0  }
0x137: {  	[sflag:s28] =	ssyncadd.s32 $0xFFFFFF80  }
0x138: {  	_ =	swait.ge [sflag:s30], $0x4000  }
.Ltmp6:
0x139: {  	[sflag:s30] =	ssyncset.done $0x0;
	(pc) =	sbr.rel .LBB2_7-.Ltmp6, $4  }
0x13a: {  	[sflag:s30] =	ssyncadd.s32 $0xFFFFC000  }
0x13b: {  	_ =	swait.ge [sflag:s24], $0x4000  }
0x13c: {  	[sflag:s24] =	ssyncset.done $0x0  }
0x13d: {  	s22 =	smov.u32 s0;
	[sflag:s24] =	ssyncadd.s32 $0xFFFFC000  }
.LBB2_4:
.Ltmp7:
0x13e: {  	(pc) =	sbr.rel .LBB2_9-.Ltmp7, $2  }
0x13f: {  	_ =	sdelay $0x2  }
0x140: {  	s22 =	rddreg [dreg:$0x6]  }
.LBB2_10:
0x141: {  	_ =	sfence.sel $0x180000  }
0x142: {  	[bflag:$0x0] =	sbarrier.arrive $0xFFFF  }
0x143: {  	_ =	strace $0x9000004A  }
0x144: {  	s0 =	stileid.u32;
	[bflag:$0x2] =	sbarrier.arrive $0xFFFF  }
0x145: {  	p0 =	sne.s32 s0, $0x0;
	s0 =	rddreg [dreg:$0x5]  }
0x146: {  	s0 =	sadd.s32 @!p0 $0x100000, s0  }
0x147: {  	[sflag:s0] =	ssyncadd.tile.s32 @!p0 $0x1;
	_ =	shalt  }
.Lfunc_end2:
_tile_overlayer_lowered:
.L_overlay_start_2:
0x148: {  	(tag) =	ssettag $0x2  }
0x149: {  	s0 =	rddreg [dreg:$0x0];
	s2 =	stileid.u32  }
0x14a: {  	s1 =	rddreg [dreg:$0x1];
	p0 =	sne.s32 s2, $0x0  }
0x14b: {  	s3 =	rddreg [dreg:$0x2];
	[bflag:$0x3] =	sbarrier.arrive $0xFFFF;
	s2 =	simm.s32 @!p0 $0x1C04  }
0x14c: {  	[timem:s3], [sflag:s2] =	dma.local @!p0 [hbm:s0], s1  }
0x14d: {  	s0 =	simm.s32 @!p0 $0x4  }
0x14e: {  	_ =	swait.ge @!p0 [sflag:s0], s1  }
0x14f: {  	s1 =	ssub.s32 @!p0 $0x0, s1;
	[sflag:s0] =	ssyncset.done @!p0 $0x0  }
0x150: {  	[sflag:s0] =	ssyncadd.s32 @!p0 s1  }
0x151: {  	[bflag:$0x3] =	sbarrier.arrive $0xFFFF  }
0x152: {  	_ =	shalt  }

// kernel: kernel.9.cloned.1.call-start
scs
__scs_entry_jumppad:
0x0: {  	(pc) =	sbr.rel $0x88, $3  }
0x1: {  	(tag) =	ssettag $0x0;
	lr =	simm.s32 $0x1  }
0x2: {  	[smem:$0x3F87] =	sst lr;
	_ =	strace $0xD0000000  }
0x3: {  	_ = 	snop  }
0x4: {  	_ = 	snop  }
0x5: {  	_ = 	snop  }
0x6: {  	_ = 	snop  }
0x7: {  	_ = 	snop  }
__scs_overlays_trampoline_lowered:
0x8: {  	[smem:$0x3F96] =	sst s0  }
0x9: {  	[smem:$0x3F97] =	sst s1  }
0xa: {  	[smem:$0x3F98] =	sst s2  }
0xb: {  	[smem:$0x3F99] =	sst s3  }
0xc: {  	[smem:$0x3F9A] =	sst s4  }
0xd: {  	[smem:$0x3F9B] =	sst s5  }
0xe: {  	[smem:$0x3F9C] =	sst s6  }
0xf: {  	[smem:$0x3F9D] =	sst s7  }
0x10: {  	[smem:$0x3F9E] =	sst s8  }
0x11: {  	[smem:$0x3F9F] =	sst s9;
	s0 =	simm.s32 @!p0 $0x0  }
0x12: {  	s1 =	sld [smem:$0x3F85];
	s0 =	simm.s32 @p0 $0x1  }
0x13: {  	[smem:$0x3FA0] =	sst s0;
	s0 =	simm.s32 @!p1 $0x0  }
0x14: {  	s2 =	sld [smem:$0x3F84];
	s0 =	simm.s32 @p1 $0x1  }
0x15: {  	[smem:$0x3FA1] =	sst s0;
	s0 =	simm.s32 @!p2 $0x0  }
0x16: {  	s3 =	sld [smem:$0x3FDB];
	s0 =	simm.s32 @p2 $0x1  }
0x17: {  	s4 =	simm.s32 $0x1BF5;
	[smem:$0x3FA3] =	sst s0  }
0x18: {  	s0 =	sld [smem:$0x3F86];
	_ =	swait.ge [sflag:s4], $0x0  }
0x19: {  	s7 =	sld [smem:$0x3F87]  }
0x1a: {  	s8 =	sadd.s32 $0xFFFFE003, lr  }
0x1b: {  	s9 =	sadd.s32 $0xFFFFFEF7, lr;
	s5 =	simm.s32 $0xFFFFFFFF;
	p2 =	slt.u32 s8, $0xFFFFF086  }
0x1c: {  	p1 =	slt.u32 s9, $0xF7A;
	s5 =	simm.s32 @!p2 $0x0  }
0x1d: {  	s5 =	simm.s32 @p1 $0x1;
	p0 =	seq.s32 s7, s2  }
0x1e: {  	s7 =	smul.u32 @!p0 $0xF7A, s2;
	p2 =	seq.s32 @!p0 s5, $0x0  }
0x1f: {  	s9 =	smul.u32 $0xF7A, s1;
	s8 =	simm.s32 @!p0 $0x1BF5;
	p2 =	por !p2, p0  }
0x20: {  	[sflag:s8] =	ssyncset.s32 @!p0 $0xFFFFF086;
	s6 =	sadd.s32 @!p0 s3, s7;
	s7 =	simm.s32 @!p0 $0x108  }
0x21: {  	s3 =	sadd.s32 s3, s9;
	s6 =	sadd.s32 @!p0 $0x88, s6;
	s7 =	simm.s32 @p2 $0x1082  }
0x22: {  	[simem:s7], [sflag:s8] =	dma.local @!p0 [hbm:s6], $0xF7A  }
0x23: {  	s9 =	sor.u32 $0xD0000000, s2;
	s6 =	simm.s32 $0x108;
	_ =	swait.ge @!p0 [sflag:s8], $0x0  }
0x24: {  	s3 =	sadd.s32 $0x88, s3;
	s6 =	simm.s32 @!p1 $0x1082;
	[sflag:s4] =	ssyncset.s32 $0xFFFFF086  }
0x25: {  	[simem:s6], [sflag:s4] =	dma.local [hbm:s3], $0xF7A  }
0x26: {  	[smem:$0x3F87] =	sst s1;
	(tag) =	ssettag s2;
	_ =	strace s9  }
0x27: {  	s1 =	sld [smem:$0x3F97]  }
0x28: {  	s2 =	sld [smem:$0x3F98]  }
0x29: {  	s4 =	sld [smem:$0x3F9A]  }
0x2a: {  	p0 =	seq.s32 s5, $0x0;
	s5 =	sld [smem:$0x3F9B]  }
0x2b: {  	s6 =	sld [smem:$0x3F9C]  }
0x2c: {  	s7 =	sld [smem:$0x3F9D]  }
0x2d: {  	s3 =	simm.s32 $0x108;
	s8 =	sld [smem:$0x3F9E]  }
0x2e: {  	s3 =	simm.s32 @!p0 $0x1082;
	s9 =	sld [smem:$0x3F9F]  }
0x2f: {  	lr =	sadd.s32 s0, s3;
	s0 =	sld [smem:$0x3F96]  }
0x30: {  	s3 =	sld [smem:$0x3F99]  }
0x31: {  	[smem:$0x3FA2] =	sst s10  }
0x32: {  	s10 =	sld [smem:$0x3FA0];
	_ =	sdelay $0x3  }
0x33: {  	p0 =	seq.s32 s10, $0x1;
	s10 =	sld [smem:$0x3FA2];
	_ =	sdelay $0x3  }
0x34: {  	[smem:$0x3FA2] =	sst s10  }
0x35: {  	s10 =	sld [smem:$0x3FA1];
	_ =	sdelay $0x3  }
0x36: {  	p1 =	seq.s32 s10, $0x1;
	s10 =	sld [smem:$0x3FA2];
	_ =	sdelay $0x3  }
0x37: {  	[smem:$0x3FA2] =	sst s10  }
0x38: {  	s10 =	sld [smem:$0x3FA3]  }
0x39: {  	_ = 	snop;
	(pc) =	sbr.ind lr, $3  }
0x3a: {  	_ = 	snop  }
0x3b: {  	_ = 	snop  }
0x3c: {  	p2 =	seq.s32 s10, $0x1;
	s10 =	sld [smem:$0x3FA2]  }
0x3d: {  	_ =	shalt  }
0x3e: {  	_ =	shalt  }
0x3f: {  	_ =	shalt  }
0x40: {  	_ =	shalt  }
0x41: {  	_ =	shalt  }
0x42: {  	_ =	shalt  }
0x43: {  	_ =	shalt  }
0x44: {  	_ =	shalt  }
0x45: {  	_ =	shalt  }
0x46: {  	_ =	shalt  }
0x47: {  	_ =	shalt  }
0x48: {  	_ =	shalt  }
0x49: {  	_ =	shalt  }
0x4a: {  	_ =	shalt  }
0x4b: {  	_ =	shalt  }
0x4c: {  	_ =	shalt  }
0x4d: {  	_ =	shalt  }
0x4e: {  	_ =	shalt  }
0x4f: {  	_ =	shalt  }
0x50: {  	_ =	shalt  }
0x51: {  	_ =	shalt  }
0x52: {  	_ =	shalt  }
0x53: {  	_ =	shalt  }
0x54: {  	_ =	shalt  }
0x55: {  	_ =	shalt  }
0x56: {  	_ =	shalt  }
0x57: {  	_ =	shalt  }
0x58: {  	_ =	shalt  }
0x59: {  	_ =	shalt  }
0x5a: {  	_ =	shalt  }
0x5b: {  	_ =	shalt  }
0x5c: {  	_ =	shalt  }
0x5d: {  	_ =	shalt  }
0x5e: {  	_ =	shalt  }
0x5f: {  	_ =	shalt  }
0x60: {  	_ =	shalt  }
0x61: {  	_ =	shalt  }
0x62: {  	_ =	shalt  }
0x63: {  	_ =	shalt  }
0x64: {  	_ =	shalt  }
0x65: {  	_ =	shalt  }
0x66: {  	_ =	shalt  }
0x67: {  	_ =	shalt  }
0x68: {  	_ =	shalt  }
0x69: {  	_ =	shalt  }
0x6a: {  	_ =	shalt  }
0x6b: {  	_ =	shalt  }
0x6c: {  	_ =	shalt  }
0x6d: {  	_ =	shalt  }
0x6e: {  	_ =	shalt  }
0x6f: {  	_ =	shalt  }
0x70: {  	_ =	shalt  }
0x71: {  	_ =	shalt  }
0x72: {  	_ =	shalt  }
0x73: {  	_ =	shalt  }
0x74: {  	_ =	shalt  }
0x75: {  	_ =	shalt  }
0x76: {  	_ =	shalt  }
0x77: {  	_ =	shalt  }
0x78: {  	_ =	shalt  }
0x79: {  	_ =	shalt  }
0x7a: {  	_ =	shalt  }
0x7b: {  	_ =	shalt  }
0x7c: {  	_ =	shalt  }
0x7d: {  	_ =	shalt  }
0x7e: {  	_ =	shalt  }
0x7f: {  	_ =	shalt  }
0x80: {  	_ =	shalt  }
0x81: {  	_ =	shalt  }
0x82: {  	_ =	shalt  }
0x83: {  	_ =	shalt  }
0x84: {  	_ =	shalt  }
0x85: {  	_ =	shalt  }
0x86: {  	_ =	shalt  }
0x87: {  	_ =	shalt  }
.Lfunc_end0:
.L_simem_size_0:
called_computation_lowered:
.L_overlay_start_0:
0x88: {  	s2 =	sld [smem:$0x3FD9]  }
0x89: {  	s3 =	sld [smem:$0x3FFE];
	_ =	sdelay $0x1  }
0x8a: {  	s1 =	srdreg.scid  }
0x8b: {  	s0 =	sand.u32 $0x1, s1  }
0x8c: {  	s14 =	sshll.u32 s0, $0xA;
	s2 =	sadd.s32 s3, s2  }
0x8d: {  	s2 =	sadd.s32 s2, s14  }
0x8e: {  	[smem:$0x3FAE] =	sst s2  }
0x8f: {  	_ = 	snop  }
0x90: {  	s2 =	sld [smem:$0x3FD0];
	_ =	sdelay $0x2  }
0x91: {  	s15 =	simm.s32 $0xA;
	s4 =	simm.s32 $0x10  }
0x92: {  	[smem:s4], [sflag:s15] =	dma.local [hbm:s2], $0x1  }
0x93: {  	_ =	swait.eq [sflag:s15], $0x1  }
0x94: {  	s16 =	sld [smem:$0x10]  }
0x95: {  	s17 =	sld [smem:$0x11];
	[sflag:s15] =	ssyncset.done $0x0  }
0x96: {  	s5 =	sld [smem:$0x14];
	[sflag:s15] =	ssyncadd.s32 $0xFFFFFFFF  }
0x97: {  	s18 =	sld [smem:$0x15];
	(tm) =	ssettm $0x1  }
0x98: {  	s6 =	sld [smem:$0x3FFB];
	_ =	sdelay $0x3  }
0x99: {  	_ =	strace s6  }
0x9a: {  	s6 =	sld [smem:$0x3FFC];
	_ =	sdelay $0x3  }
0x9b: {  	_ =	strace s6  }
0x9c: {  	s6 =	sld [smem:$0x3FFD];
	_ =	sdelay $0x3  }
0x9d: {  	_ =	strace s6  }
0x9e: {  	_ =	strace $0x8FFFFFFF  }
0x9f: {  	s19 =	sld [smem:$0x3FDB];
	_ =	sdelay $0x1  }
0xa0: {  	s7 =	simm.s32 $_scs_section_size  }
0xa1: {  	s8 =	simm.s32 $_size__tile_overlayer_lowered;
	s9 =	simm.s32 $_tile_overlayer_lowered  }
0xa2: {  	s22 =	simm.s32 $0x1BFF;
	s21 =	sshll.u32 s9, $0x1;
	s6 =	sadd.s32 s7, s19  }
0xa3: {  	s10 =	simm.s32 $0x0;
	s20 =	sshll.u32 s8, $0x1;
	s8 =	sadd.s32 s21, s6  }
0xa4: {  	[timem:s10], [sflag:s22] =	dma.local [hbm:s8], s20  }
0xa5: {  	_ =	swait.ge [sflag:s22], s20  }
0xa6: {  	s7 =	ssub.s32 $0x0, s20;
	[sflag:s22] =	ssyncset.done $0x0  }
0xa7: {  	[sflag:s22] =	ssyncadd.s32 s7;
	_ =	sdelay $0x1  }
0xa8: {  	s23 =	simm.s32 $0x1B8B  }
0xa9: {  	_ =	swait.ge [sflag:s23], $0x1  }
0xaa: {  	[sflag:s23] =	ssyncset.done $0x0  }
0xab: {  	s25 =	simm.s32 $0x1B8E;
	s24 =	sld [smem:$0x3FFE];
	[sflag:s23] =	ssyncadd.s32 $0xFFFFFFFF  }
0xac: {  	s26 =	simm.s32 $execute0_lowered;
	[smem:$0x3FD2] =	sst s25  }
0xad: {  	s8 =	sshll.u32 s26, $0x1;
	_ =	strace $0x80000046;
	[dreg:$0x1] =	wrdreg $0xFFFFFFFF  }
0xae: {  	s28 =	simm.s32 $_size_execute0_lowered;
	s6 =	sadd.s32 s6, s8;
	[dreg:$0x0] =	wrdreg $0x0  }
0xaf: {  	s8 =	sshll.u32 s28, $0x1;
	[dreg:$0x2] =	wrdreg s6  }
0xb0: {  	[dreg:$0x3] =	wrdreg s8  }
0xb1: {  	[dreg:$0x4] =	wrdreg $0xC0  }
0xb2: {  	_ =	task [dreg:s10], $0x5FFFF  }
0xb3: {  	[dreg:$0x1] =	wrdreg $0xFFFFFFFF  }
0xb4: {  	[dreg:$0x0] =	wrdreg $0x60  }
0xb5: {  	[dreg:$0x2] =	wrdreg s24  }
0xb6: {  	[dreg:$0x3] =	wrdreg s17  }
0xb7: {  	[dreg:$0x4] =	wrdreg s16  }
0xb8: {  	[dreg:$0x5] =	wrdreg s18  }
0xb9: {  	[dreg:$0x6] =	wrdreg s5  }
0xba: {  	[dreg:$0x7] =	wrdreg $0x83000  }
0xbb: {  	[dreg:$0x8] =	wrdreg $0x9  }
0xbc: {  	_ =	task.clear_ibuf [dreg:s10], $0x9FFFF;
	_ =	strace $0x90000046  }
0xbd: {  	s29 =	simm.s32 $0x9;
	_ =	strace $0x80000048  }
0xbe: {  	_ =	swait.ge [sflag:s29], $0x1  }
0xbf: {  	[sflag:s29] =	ssyncadd.s32 $0xFFFFFFFF  }
0xc0: {  	_ =	strace $0x90000048  }
0xc1: {  	_ =	sfence  }
0xc2: {  	s30 =	sld [smem:$0x0];
	_ =	sdelay $0x2  }
0xc3: {  	s31 =	sshll.u32 s1, $0xD;
	s1 =	sshrl.u32 s1, $0x2  }
0xc4: {  	s3 =	sand.u32 $0x4000, s31;
	s1 =	sadd.s32 s1, s30  }
0xc5: {  	s0 =	sor.u32 s3, s0;
	s1 =	sshll.u32 s1, $0x11  }
0xc6: {  	s0 =	sor.u32 s1, s0  }
0xc7: {  	s0 =	sadd.s32 $0x8F2B, s0  }
0xc8: {  	[sflag:s0] =	ssyncadd.remote.s32 $0x1  }
0xc9: {  	_ =	sfence.sel $0xFFFF  }
0xca: {  	[dreg:$0x0] =	wrdreg $0xFFFFFFFF;
	(pc) =	sbr.abs _section_cstart, $3  }
0xcb: {  	[dreg:$0x1] =	wrdreg $0xFFFFFFFF  }
0xcc: {  	_ =	task.clear_ibuf [dreg:s10], $0x2FFFF;
	_ =	strace $0x9FFFFFFF  }
0xcd: {  	(tm) =	ssettm $0x7FFFFFFF  }
tec
execute0_lowered:
.L_overlay_start_1:
0x0: {  	(tag) =	ssettag $0x1  }
0x1: {  	s0 =	rddreg [dreg:$0x0]  }
0x2: {  	s1 =	rddreg [dreg:$0x1]  }
0x3: {  	s2 =	rddreg [dreg:$0x2]  }
0x4: {  	s17 =	rddreg [dreg:$0x3]  }
0x5: {  	s19 =	rddreg [dreg:$0x4]  }
0x6: {  	s5 =	rddreg [dreg:$0x5]  }
0x7: {  	s6 =	simm.s32 $0x0;
	s16 =	stileid.u32;
	s14 =	srdreg.scid  }
0x8: {  	s28 =	simm.s32 $0x100;
	s29 =	simm.s32 $0x80;
	s30 =	simm.s32 $0x1  }
0x9: {  	[smem:$0x7FF] =	sst s6;
	s8 =	sadd.s32 $0x1BE00, s0;
	s9 =	sadd.s32 $0x43600, s0  }
0xa: {  	s10 =	sadd.s32 $0x7E00, s0;
	s11 =	sadd.s32 $0x11E00, s0;
	s3 =	sadd.s32 $0x6AE00, s0  }
0xb: {  	s7 =	sadd.s32 $0x92600, s0;
	_ =	strace $0x80000047;
	[dreg:$0x7] =	wrdreg s3  }
0xc: {  	s4 =	smul.u32 $0x278, s16;
	s12 =	sadd.s32 $0xB9E00, s0;
	[dreg:$0x8] =	wrdreg s7  }
0xd: {  	s15 =	smul.u32 $0x4F000, s16;
	s0 =	sadd.s32 $0xE1600, s0;
	[dreg:$0x9] =	wrdreg s12  }
0xe: {  	s31 =	simm.s32 $0x200;
	s3 =	sand.u32 $0x1, s14;
	[dreg:$0xa] =	wrdreg s0  }
0xf: {  	s18 =	ssub.s32 $0x2, s3;
	s7 =	sshrl.u32 s15, $0x2;
	s13 =	sadd.s32 $0x80, s4  }
0x10: {  	s22 =	sadd.s32 $0x100, s4;
	s23 =	sadd.s32 $0x180, s4;
	s4 =	sadd.s32 $0x200, s4  }
0x11: {  	s20 =	sshrl.u32 s18, $0x1;
	s21 =	sshll.u32 s13, $0x7;
	s26 =	sshll.u32 s13, $0x4  }
0x12: {  	s25 =	sshll.u32 s4, $0x7;
	s13 =	sshll.u32 s23, $0x4;
	[dreg:$0xf] =	wrdreg s26  }
0x13: {  	s4 =	sshll.u32 s4, $0x4;
	s0 =	ssub.s32 s18, s20;
	[dreg:$0x11] =	wrdreg s13  }
0x14: {  	s20 =	sadd.s32 s7, s5;
	s7 =	sshll.u32 s22, $0x4;
	[dreg:$0x12] =	wrdreg s4  }
0x15: {  	s15 =	sshll.u32 s23, $0x7;
	s21 =	sadd.s32 s21, s5;
	[dreg:$0x10] =	wrdreg s7  }
0x16: {  	s18 =	smul.u32 $0x5000, s16;
	s24 =	sadd.s32 s15, s5;
	[dreg:$0xb] =	wrdreg s21  }
0x17: {  	p0 =	sne.s32 s3, $0x0;
	s25 =	sadd.s32 s25, s5;
	[dreg:$0xd] =	wrdreg s24  }
0x18: {  	s0 =	smax.u32 s0, $0x1;
	[dreg:$0xe] =	wrdreg s25;
	s3 =	sshrl.u32 s18, $0x3  }
0x19: {  	s14 =	sshll.u32 s22, $0x7;
	[dreg:$0x17] =	wrdreg s0;
	s12 =	sadd.s32 s10, s3  }
0x1a: {  	s15 =	sor.u32 $0x10, s3;
	s13 =	sadd.s32 s11, s3;
	[dreg:$0x18] =	wrdreg s12  }
0x1b: {  	s14 =	sadd.s32 s14, s5;
	s22 =	sadd.s32 s10, s15;
	[dreg:$0x19] =	wrdreg s13  }
0x1c: {  	s7 =	simm.s32 $0x3;
	s23 =	sadd.s32 s11, s15;
	[dreg:$0x13] =	wrdreg s22  }
0x1d: {  	s0 =	simm.s32 $0x180;
	s26 =	sadd.s32 s1, s15;
	[dreg:$0x14] =	wrdreg s23  }
0x1e: {  	s4 =	sadd.s32 s2, s15;
	s15 =	sadd.s32 s1, s3;
	[dreg:$0x15] =	wrdreg s26  }
0x1f: {  	s12 =	simm.s32 $0x2;
	s13 =	simm.s32 $0x280;
	[dreg:$0x16] =	wrdreg s4  }
.Ltmp0:
0x20: {  	[dreg:$0x1a] =	wrdreg s15;
	s22 =	sadd.s32 s2, s3;
	(pc) =	sbr.rel .LBB2_1-.Ltmp0, $4  }
0x21: {  	s23 =	sadd.s32 $0x9F0, s3;
	s26 =	smul.u32 $0x2780, s16;
	[dreg:$0x1b] =	wrdreg s22  }
0x22: {  	s16 =	smov.u32 s14;
	s15 =	simm.s32 $0x300;
	[dreg:$0x1c] =	wrdreg s23  }
0x23: {  	s4 =	simm.s32 $0x4300;
	s3 =	simm.s32 $0x5;
	[dreg:$0xc] =	wrdreg s16  }
0x24: {  	s22 =	simm.s32 $0x0;
	[dreg:$0x1d] =	wrdreg s26;
	s26 =	simm.s32 $0x4  }
.LBB2_15:
0x25: {  	_ =	swait.ge [sflag:s7], $0x4000  }
0x26: {  	s14 =	sor.u32 $0x80, s25;
	[sflag:s7] =	ssyncset.done $0x0  }
0x27: {  	s14 =	sshrl.u32 s14, $0x3;
	[sflag:s7] =	ssyncadd.s32 $0xFFFFC000  }
0x28: {  	[spmem:s5] =	stream.indirect.scatter.add.f32 [tilespmem:s15], [sflag:$0x3], $0x80, s28, s29, $0xb8;
	[tilespmem:$0x1BF00] =	vst v63  }
0x29: {  	s14 =	sadd.s32 s11, s14  }
0x2a: {  	[tilespmem:s0], [sflag:$0x5] =	stream.linear.gather [hbm4b:s14+s6], $0x80, $0x38;
	[tilespmem:$0x1BF00] =	vst v63  }
0x2b: {  	_ =	swait.ge [sflag:s3], $0x80  }
0x2c: {  	[sflag:s3] =	ssyncset.done $0x0  }
0x2d: {  	s25 =	sand.u32 $0xFC00, s23;
	[sflag:s3] =	ssyncadd.s32 $0xFFFFFF80  }
0x2e: {  	s16 =	sand.u32 $0x300, s23;
	s14 =	sadd.s32 s18, s25;
	_ =	swait.ge [sflag:s7], $0x4000  }
0x2f: {  	s14 =	sor.u32 s16, s14;
	[sflag:s7] =	ssyncset.done $0x0  }
0x30: {  	s14 =	sshrl.u32 s14, $0x3;
	[sflag:s7] =	ssyncadd.s32 $0xFFFFC000  }
0x31: {  	[spmem:s5] =	stream.indirect.scatter.add.f32 [tilespmem:s15], [sflag:$0x3], $0x80, s0, s29, $0xb8;
	[tilespmem:$0x1BF00] =	vst v63  }
0x32: {  	s14 =	sadd.s32 s11, s14  }
0x33: {  	[tilespmem:s28], [sflag:$0x5] =	stream.linear.gather [hbm4b:s14+s6], $0x80, $0x38;
	[tilespmem:$0x1BF00] =	vst v63  }
0x34: {  	_ =	swait.ge [sflag:s3], $0x80  }
0x35: {  	[sflag:s3] =	ssyncset.done $0x0  }
0x36: {  	[sflag:s3] =	ssyncadd.s32 $0xFFFFFF80  }
0x37: {  	s24 =	smov.u32 s11;
	s17 =	smov.u32 s19;
	_ =	swait.ge [sflag:s7], $0x4000  }
0x38: {  	s19 =	smov.u32 s20;
	[sflag:s7] =	ssyncset.done $0x0;
	s23 =	rddreg [dreg:$0xa]  }
0x39: {  	s20 =	smov.u32 s21;
	s21 =	rddreg [dreg:$0xb];
	[sflag:s7] =	ssyncadd.s32 $0xFFFFC000  }
.LBB2_16:
0x3a: {  	[spmem:s5] =	stream.indirect.scatter.add.f32 [tilespmem:s15], [sflag:$0x3], $0x80, s28, s29, $0xb8;
	[tilespmem:$0x1BF00] =	vst v63  }
0x3b: {  	s14 =	rddreg [dreg:$0x1c]  }
0x3c: {  	s14 =	sadd.s32 s24, s14  }
0x3d: {  	[tilespmem:s0], [sflag:$0x5] =	stream.linear.gather [hbm4b:s14+s6], $0x80, $0x38;
	[tilespmem:$0x1BF00] =	vst v63  }
0x3e: {  	_ =	swait.ge [sflag:s3], $0x80  }
0x3f: {  	[sflag:s3] =	ssyncset.done $0x0  }
0x40: {  	[sflag:s3] =	ssyncadd.s32 $0xFFFFFF80  }
0x41: {  	_ =	swait.ge [sflag:s7], $0x4000  }
0x42: {  	[sflag:s7] =	ssyncset.done $0x0  }
0x43: {  	[sflag:s7] =	ssyncadd.s32 $0xFFFFC000  }
0x44: {  	[spmem:s5] =	stream.indirect.scatter.add.f32 [tilespmem:s15], [sflag:$0x4], $0x80, s0, s29, $0xb8;
	[tilespmem:$0x1BF00] =	vst v63  }
0x45: {  	_ =	swait.ge [sflag:s26], $0x4000  }
0x46: {  	[sflag:s26] =	ssyncset.done $0x0  }
0x47: {  	[sflag:s26] =	ssyncadd.s32 $0xFFFFC000  }
0x48: {  	[bflag:$0x0] =	sbarrier.arrive $0xFFFF  }
0x49: {  	[tilespmem:s15], [sflag:$0x4] =	stream.linear.gather [spmem:s20], $0x4000, $0x38;
	[tilespmem:$0x1BF00] =	vst v63  }
0x4a: {  	_ =	swait.ge [sflag:s26], $0x4000  }
0x4b: {  	[sflag:s26] =	ssyncset.done $0x0;
	s25 =	rddreg [dreg:$0x1d]  }
0x4c: {  	s14 =	sadd.s32 s23, s25;
	[sflag:s26] =	ssyncadd.s32 $0xFFFFC000  }
0x4d: {  	[hbm4b:s14+s6] =	stream.linear.scatter [tilespmem:s15], [sflag:$0x4], $0x4000, $0x38;
	[tilespmem:$0x1BF00] =	vst v63  }
0x4e: {  	_ =	swait.ge [sflag:s26], $0x4000  }
0x4f: {  	[sflag:s26] =	ssyncset.done $0x0  }
0x50: {  	[sflag:s26] =	ssyncadd.s32 $0xFFFFC000  }
0x51: {  	[tilespmem:s15], [sflag:$0x4] =	stream.linear.gather [spmem:s21], $0x4000, $0x38;
	[tilespmem:$0x1BF00] =	vst v63  }
0x52: {  	_ =	swait.ge [sflag:s26], $0x4000  }
0x53: {  	[sflag:s26] =	ssyncset.done $0x0;
	s16 =	rddreg [dreg:$0xf]  }
0x54: {  	s14 =	sadd.s32 s23, s16;
	[sflag:s26] =	ssyncadd.s32 $0xFFFFC000  }
0x55: {  	[hbm4b:s14+s6] =	stream.linear.scatter [tilespmem:s15], [sflag:$0x4], $0x4000, $0x38;
	[tilespmem:$0x1BF00] =	vst v63  }
0x56: {  	_ =	swait.ge [sflag:s26], $0x4000  }
0x57: {  	[sflag:s26] =	ssyncset.done $0x0  }
0x58: {  	s16 =	rddreg [dreg:$0xc];
	[sflag:s26] =	ssyncadd.s32 $0xFFFFC000  }
0x59: {  	[tilespmem:s15], [sflag:$0x4] =	stream.linear.gather [spmem:s16], $0x4000, $0x38;
	[tilespmem:$0x1BF00] =	vst v63  }
0x5a: {  	_ =	swait.ge [sflag:s26], $0x4000  }
0x5b: {  	[sflag:s26] =	ssyncset.done $0x0;
	s24 =	rddreg [dreg:$0x10]  }
0x5c: {  	s14 =	sadd.s32 s23, s24;
	[sflag:s26] =	ssyncadd.s32 $0xFFFFC000  }
0x5d: {  	[hbm4b:s14+s6] =	stream.linear.scatter [tilespmem:s15], [sflag:$0x4], $0x4000, $0x38;
	[tilespmem:$0x1BF00] =	vst v63  }
0x5e: {  	_ =	swait.ge [sflag:s26], $0x4000  }
0x5f: {  	[sflag:s26] =	ssyncset.done $0x0  }
0x60: {  	s24 =	rddreg [dreg:$0xd];
	[sflag:s26] =	ssyncadd.s32 $0xFFFFC000  }
0x61: {  	[tilespmem:s15], [sflag:$0x4] =	stream.linear.gather [spmem:s24], $0x4000, $0x38;
	[tilespmem:$0x1BF00] =	vst v63  }
0x62: {  	_ =	swait.ge [sflag:s26], $0x4000  }
0x63: {  	[sflag:s26] =	ssyncset.done $0x0;
	s25 =	rddreg [dreg:$0x11]  }
0x64: {  	s14 =	sadd.s32 s23, s25;
	[sflag:s26] =	ssyncadd.s32 $0xFFFFC000  }
0x65: {  	[hbm4b:s14+s6] =	stream.linear.scatter [tilespmem:s15], [sflag:$0x4], $0x4000, $0x38;
	[tilespmem:$0x1BF00] =	vst v63  }
0x66: {  	_ =	swait.ge [sflag:s26], $0x4000  }
0x67: {  	[sflag:s26] =	ssyncset.done $0x0  }
0x68: {  	s25 =	rddreg [dreg:$0xe];
	[sflag:s26] =	ssyncadd.s32 $0xFFFFC000  }
0x69: {  	[tilespmem:s15], [sflag:$0x4] =	stream.linear.gather [spmem:s25], $0x3C00, $0x38;
	[tilespmem:$0x1BF00] =	vst v63  }
0x6a: {  	_ =	swait.ge [sflag:s26], $0x3C00  }
0x6b: {  	[sflag:s26] =	ssyncset.done $0x0;
	s14 =	rddreg [dreg:$0x12]  }
0x6c: {  	s14 =	sadd.s32 s23, s14;
	[sflag:s26] =	ssyncadd.s32 $0xFFFFC400  }
0x6d: {  	[hbm4b:s14+s6] =	stream.linear.scatter [tilespmem:s15], [sflag:$0x4], $0x3C00, $0x38;
	[tilespmem:$0x1BF00] =	vst v63  }
0x6e: {  	_ =	swait.ge [sflag:s26], $0x3C00  }
0x6f: {  	s22 =	sadd.s32 $0x1, s22;
	s23 =	rddreg [dreg:$0x17]  }
0x70: {  	p1 =	sne.s32 s22, s23  }
.Ltmp1:
0x71: {  	_ = 	snop;
	(pc) =	sbr.rel @!p1 .LBB2_17-.Ltmp1, $3  }
0x72: {  	_ =	sdelay $0x1  }
0x73: {  	[sflag:s26] =	ssyncset.done $0x0  }
0x74: {  	[sflag:s26] =	ssyncadd.s32 $0xFFFFC400  }
.LBB2_1:
0x75: {  	[tilespmem:s15], [sflag:$0x4] =	stream.linear.gather [hbm4b:s17+s6], $0x4000, $0x38;
	[tilespmem:$0x1BF00] =	vst v63  }
0x76: {  	_ =	swait.ge [sflag:s26], $0x4000  }
0x77: {  	[sflag:s26] =	ssyncset.done $0x0  }
0x78: {  	[sflag:s26] =	ssyncadd.s32 $0xFFFFC000  }
0x79: {  	[spmem:s20] =	stream.linear.scatter [tilespmem:s15], [sflag:$0x4], $0x4000, $0x38;
	[tilespmem:$0x1BF00] =	vst v63  }
0x7a: {  	_ =	swait.ge [sflag:s26], $0x4000  }
0x7b: {  	[sflag:s26] =	ssyncset.done $0x0  }
0x7c: {  	[sflag:s26] =	ssyncadd.s32 $0xFFFFC000  }
0x7d: {  	[spmem:s21] =	stream.linear.scatter [tilespmem:s15], [sflag:$0x4], $0x4000, $0x38;
	[tilespmem:$0x1BF00] =	vst v63  }
0x7e: {  	_ =	swait.ge [sflag:s26], $0x4000  }
0x7f: {  	[sflag:s26] =	ssyncset.done $0x0  }
0x80: {  	[sflag:s26] =	ssyncadd.s32 $0xFFFFC000  }
0x81: {  	[spmem:s16] =	stream.linear.scatter [tilespmem:s15], [sflag:$0x4], $0x4000, $0x38;
	[tilespmem:$0x1BF00] =	vst v63  }
0x82: {  	_ =	swait.ge [sflag:s26], $0x4000  }
0x83: {  	[sflag:s26] =	ssyncset.done $0x0  }
0x84: {  	[sflag:s26] =	ssyncadd.s32 $0xFFFFC000  }
0x85: {  	[spmem:s24] =	stream.linear.scatter [tilespmem:s15], [sflag:$0x4], $0x4000, $0x38;
	[tilespmem:$0x1BF00] =	vst v63  }
0x86: {  	_ =	swait.ge [sflag:s26], $0x4000  }
0x87: {  	[sflag:s26] =	ssyncset.done $0x0  }
0x88: {  	[sflag:s26] =	ssyncadd.s32 $0xFFFFC000  }
0x89: {  	[spmem:s25] =	stream.linear.scatter [tilespmem:s15], [sflag:$0x4], $0x3C00, $0x38;
	[tilespmem:$0x1BF00] =	vst v63  }
.Ltmp2:
0x8a: {  	_ =	swait.ge [sflag:s26], $0x3C00;
	(pc) =	sbr.rel @p0 .LBB2_6-.Ltmp2, $4  }
0x8b: {  	[sflag:s26] =	ssyncset.done $0x0  }
0x8c: {  	[sflag:s26] =	ssyncadd.s32 $0xFFFFC400  }
0x8d: {  	[bflag:$0x0] =	sbarrier.arrive $0xFFFF  }
0x8e: {  	s23 =	simm.s32 $0x0  }
0x8f: {  	s14 =	rddreg [dreg:$0x1a]  }
0x90: {  	[tilespmem:s23], [sflag:$0x4] =	stream.linear.gather [hbm4b:s14+s23], $0x80, $0x38;
	[tilespmem:$0x1BF00] =	vst v63  }
0x91: {  	_ =	swait.ge [sflag:s26], $0x80  }
0x92: {  	[sflag:s26] =	ssyncset.done $0x0  }
0x93: {  	s25 =	rddreg [dreg:$0x1b];
	[sflag:s26] =	ssyncadd.s32 $0xFFFFFF80  }
0x94: {  	[tilespmem:s28], [sflag:$0x4] =	stream.linear.gather [hbm4b:s25+s23], $0x80, $0x38;
	[tilespmem:$0x1BF00] =	vst v63  }
0x95: {  	_ =	swait.ge [sflag:s26], $0x80  }
0x96: {  	[sflag:s26] =	ssyncset.done $0x0  }
0x97: {  	[sflag:s26] =	ssyncadd.s32 $0xFFFFFF80  }
0x98: {  	[tilespmem:s15], [sflag:$0x1] =	stream.indirect.gather [hbm4b:s8+s29], $0x80, s23, s29, $0xb8;
	[tilespmem:$0x1BF00] =	vst v63  }
0x99: {  	_ =	swait.ge [sflag:s30], $0x4000  }
0x9a: {  	[sflag:s30] =	ssyncset.done $0x0  }
0x9b: {  	s24 =	rddreg [dreg:$0x15];
	[sflag:s30] =	ssyncadd.s32 $0xFFFFC000  }
0x9c: {  	[tilespmem:s29], [sflag:$0x4] =	stream.linear.gather [hbm4b:s24+s23], $0x80, $0x38;
	[tilespmem:$0x1BF00] =	vst v63  }
0x9d: {  	_ =	swait.ge [sflag:s26], $0x80  }
0x9e: {  	[sflag:s26] =	ssyncset.done $0x0  }
0x9f: {  	s25 =	rddreg [dreg:$0x16];
	[sflag:s26] =	ssyncadd.s32 $0xFFFFFF80  }
0xa0: {  	[tilespmem:s0], [sflag:$0x4] =	stream.linear.gather [hbm4b:s25+s23], $0x80, $0x38;
	[tilespmem:$0x1BF00] =	vst v63  }
0xa1: {  	_ =	swait.ge [sflag:s26], $0x80  }
0xa2: {  	[sflag:s26] =	ssyncset.done $0x0  }
0xa3: {  	[sflag:s26] =	ssyncadd.s32 $0xFFFFFF80  }
.LBB2_3:
0xa4: {  	[tilespmem:s4], [sflag:$0x2] =	stream.indirect.gather [hbm4b:s8+s29], $0x80, s29, s29, $0xb8;
	[tilespmem:$0x1BF00] =	vst v63  }
0xa5: {  	s24 =	sand.u32 $0x7C00, s23  }
0xa6: {  	s25 =	sand.u32 $0x200, s23;
	s24 =	sadd.s32 s18, s24  }
0xa7: {  	[spmem:s5] =	stream.indirect.scatter.add.f32 [tilespmem:s15], [sflag:$0x3], $0x80, s28, s29, $0xb8;
	[tilespmem:$0x1BF00] =	vst v63  }
0xa8: {  	s24 =	sor.u32 s25, s24  }
0xa9: {  	s24 =	sshrl.u32 s24, $0x3  }
0xaa: {  	s25 =	sor.u32 $0x20, s24  }
0xab: {  	s14 =	sadd.s32 s1, s25  }
0xac: {  	[tilespmem:s6], [sflag:$0x5] =	stream.linear.gather [hbm4b:s14+s6], $0x80, $0x38;
	[tilespmem:$0x1BF00] =	vst v63  }
0xad: {  	_ =	swait.ge [sflag:s3], $0x80  }
0xae: {  	[sflag:s3] =	ssyncset.done $0x0  }
0xaf: {  	s25 =	sadd.s32 s2, s25;
	[sflag:s3] =	ssyncadd.s32 $0xFFFFFF80  }
0xb0: {  	[tilespmem:s31], [sflag:$0x5] =	stream.linear.gather [hbm4b:s25+s6], $0x80, $0x38;
	[tilespmem:$0x1BF00] =	vst v63  }
0xb1: {  	_ =	swait.ge [sflag:s3], $0x80  }
0xb2: {  	[sflag:s3] =	ssyncset.done $0x0  }
0xb3: {  	[sflag:s3] =	ssyncadd.s32 $0xFFFFFF80  }
0xb4: {  	_ =	swait.ge [sflag:s7], $0x4000  }
0xb5: {  	[sflag:s7] =	ssyncset.done $0x0  }
0xb6: {  	[sflag:s7] =	ssyncadd.s32 $0xFFFFC000  }
0xb7: {  	_ =	swait.ge [sflag:s12], $0x4000  }
0xb8: {  	[sflag:s12] =	ssyncset.done $0x0  }
0xb9: {  	[sflag:s12] =	ssyncadd.s32 $0xFFFFC000  }
0xba: {  	[tilespmem:s15], [sflag:$0x1] =	stream.indirect.gather [hbm4b:s8+s29], $0x80, s6, s29, $0xb8;
	[tilespmem:$0x1BF00] =	vst v63  }
0xbb: {  	s25 =	sor.u32 $0x30, s24  }
0xbc: {  	[spmem:s5] =	stream.indirect.scatter.add.f32 [tilespmem:s4], [sflag:$0x3], $0x80, s0, s29, $0xb8;
	[tilespmem:$0x1BF00] =	vst v63  }
0xbd: {  	s24 =	sadd.s32 s1, s25  }
0xbe: {  	[tilespmem:s29], [sflag:$0x5] =	stream.linear.gather [hbm4b:s24+s6], $0x80, $0x38;
	[tilespmem:$0x1BF00] =	vst v63  }
0xbf: {  	_ =	swait.ge [sflag:s3], $0x80  }
0xc0: {  	[sflag:s3] =	ssyncset.done $0x0  }
0xc1: {  	s14 =	sadd.s32 s2, s25;
	[sflag:s3] =	ssyncadd.s32 $0xFFFFFF80  }
0xc2: {  	[tilespmem:s13], [sflag:$0x5] =	stream.linear.gather [hbm4b:s14+s6], $0x80, $0x38;
	[tilespmem:$0x1BF00] =	vst v63  }
0xc3: {  	_ =	swait.ge [sflag:s3], $0x80  }
0xc4: {  	[sflag:s3] =	ssyncset.done $0x0  }
0xc5: {  	[sflag:s3] =	ssyncadd.s32 $0xFFFFFF80  }
0xc6: {  	_ =	swait.ge [sflag:s7], $0x4000  }
0xc7: {  	[sflag:s7] =	ssyncset.done $0x0  }
0xc8: {  	[sflag:s7] =	ssyncadd.s32 $0xFFFFC000  }
0xc9: {  	p1 =	seq.s32 s23, $0x4E00;
	_ =	swait.ge [sflag:s30], $0x4000  }
.Ltmp3:
0xca: {  	[sflag:s30] =	ssyncset.done $0x0;
	(pc) =	sbr.rel @p1 .LBB2_4-.Ltmp3, $4  }
0xcb: {  	[sflag:s30] =	ssyncadd.s32 $0xFFFFC000  }
0xcc: {  	[tilespmem:s4], [sflag:$0x2] =	stream.indirect.gather [hbm4b:s8+s29], $0x80, s29, s29, $0xb8;
	[tilespmem:$0x1BF00] =	vst v63  }
0xcd: {  	_ = 	snop  }
0xce: {  	[spmem:s5] =	stream.indirect.scatter.add.f32 [tilespmem:s15], [sflag:$0x3], $0x80, s31, s29, $0xb8;
	[tilespmem:$0x1BF00] =	vst v63  }
0xcf: {  	s14 =	sadd.s32 $0x200, s23  }
0xd0: {  	s24 =	sand.u32 $0xFC00, s14  }
0xd1: {  	s25 =	sand.u32 $0x200, s14;
	s24 =	sadd.s32 s18, s24  }
0xd2: {  	s24 =	sor.u32 s25, s24  }
0xd3: {  	s24 =	sshrl.u32 s24, $0x3  }
0xd4: {  	s25 =	sadd.s32 s1, s24  }
0xd5: {  	[tilespmem:s6], [sflag:$0x5] =	stream.linear.gather [hbm4b:s25+s6], $0x80, $0x38;
	[tilespmem:$0x1BF00] =	vst v63  }
0xd6: {  	_ =	swait.ge [sflag:s3], $0x80  }
0xd7: {  	[sflag:s3] =	ssyncset.done $0x0  }
0xd8: {  	s24 =	sadd.s32 s2, s24;
	[sflag:s3] =	ssyncadd.s32 $0xFFFFFF80  }
0xd9: {  	[tilespmem:s28], [sflag:$0x5] =	stream.linear.gather [hbm4b:s24+s6], $0x80, $0x38;
	[tilespmem:$0x1BF00] =	vst v63  }
0xda: {  	_ =	swait.ge [sflag:s3], $0x80  }
0xdb: {  	[sflag:s3] =	ssyncset.done $0x0  }
0xdc: {  	[sflag:s3] =	ssyncadd.s32 $0xFFFFFF80  }
0xdd: {  	_ =	swait.ge [sflag:s7], $0x4000  }
0xde: {  	[sflag:s7] =	ssyncset.done $0x0  }
0xdf: {  	s23 =	sadd.s32 $0x280, s23;
	[sflag:s7] =	ssyncadd.s32 $0xFFFFC000  }
0xe0: {  	s25 =	sand.u32 $0xFC00, s23;
	_ =	swait.ge [sflag:s12], $0x4000  }
0xe1: {  	s23 =	sand.u32 $0x280, s23;
	s24 =	sadd.s32 s18, s25;
	[sflag:s12] =	ssyncset.done $0x0  }
0xe2: {  	s23 =	sor.u32 s23, s24;
	[sflag:s12] =	ssyncadd.s32 $0xFFFFC000  }
0xe3: {  	[tilespmem:s15], [sflag:$0x1] =	stream.indirect.gather [hbm4b:s8+s29], $0x80, s6, s29, $0xb8;
	[tilespmem:$0x1BF00] =	vst v63  }
0xe4: {  	s23 =	sshrl.u32 s23, $0x3  }
0xe5: {  	[spmem:s5] =	stream.indirect.scatter.add.f32 [tilespmem:s4], [sflag:$0x3], $0x80, s13, s29, $0xb8;
	[tilespmem:$0x1BF00] =	vst v63  }
0xe6: {  	s25 =	sadd.s32 s1, s23  }
0xe7: {  	[tilespmem:s29], [sflag:$0x5] =	stream.linear.gather [hbm4b:s25+s6], $0x80, $0x38;
	[tilespmem:$0x1BF00] =	vst v63  }
0xe8: {  	_ =	swait.ge [sflag:s3], $0x80  }
0xe9: {  	[sflag:s3] =	ssyncset.done $0x0  }
0xea: {  	s23 =	sadd.s32 s2, s23;
	[sflag:s3] =	ssyncadd.s32 $0xFFFFFF80  }
0xeb: {  	[tilespmem:s0], [sflag:$0x5] =	stream.linear.gather [hbm4b:s23+s6], $0x80, $0x38;
	[tilespmem:$0x1BF00] =	vst v63  }
0xec: {  	_ =	swait.ge [sflag:s3], $0x80  }
0xed: {  	[sflag:s3] =	ssyncset.done $0x0  }
0xee: {  	[sflag:s3] =	ssyncadd.s32 $0xFFFFFF80  }
0xef: {  	_ =	swait.ge [sflag:s7], $0x4000  }
.Ltmp4:
0xf0: {  	[sflag:s7] =	ssyncset.done $0x0;
	(pc) =	sbr.rel .LBB2_3-.Ltmp4, $4  }
0xf1: {  	[sflag:s7] =	ssyncadd.s32 $0xFFFFC000  }
0xf2: {  	_ =	swait.ge [sflag:s30], $0x4000  }
0xf3: {  	[sflag:s30] =	ssyncset.done $0x0  }
0xf4: {  	s23 =	smov.u32 s14;
	[sflag:s30] =	ssyncadd.s32 $0xFFFFC000  }
.LBB2_6:
0xf5: {  	s14 =	rddreg [dreg:$0x18]  }
0xf6: {  	[tilespmem:s23], [sflag:$0x4] =	stream.linear.gather [hbm4b:s14+s23], $0x80, $0x38;
	[tilespmem:$0x1BF00] =	vst v63  }
0xf7: {  	_ =	swait.ge [sflag:s26], $0x80  }
0xf8: {  	[sflag:s26] =	ssyncset.done $0x0  }
0xf9: {  	s25 =	rddreg [dreg:$0x19];
	[sflag:s26] =	ssyncadd.s32 $0xFFFFFF80  }
0xfa: {  	[tilespmem:s28], [sflag:$0x4] =	stream.linear.gather [hbm4b:s25+s23], $0x80, $0x38;
	[tilespmem:$0x1BF00] =	vst v63  }
0xfb: {  	_ =	swait.ge [sflag:s26], $0x80  }
0xfc: {  	[sflag:s26] =	ssyncset.done $0x0  }
0xfd: {  	[sflag:s26] =	ssyncadd.s32 $0xFFFFFF80  }
0xfe: {  	[tilespmem:s15], [sflag:$0x1] =	stream.indirect.gather [hbm4b:s9+s29], $0x80, s23, s29, $0xb8;
	[tilespmem:$0x1BF00] =	vst v63  }
0xff: {  	_ =	swait.ge [sflag:s30], $0x4000  }
0x100: {  	[sflag:s30] =	ssyncset.done $0x0  }
0x101: {  	s24 =	rddreg [dreg:$0x13];
	[sflag:s30] =	ssyncadd.s32 $0xFFFFC000  }
0x102: {  	[tilespmem:s29], [sflag:$0x4] =	stream.linear.gather [hbm4b:s24+s23], $0x80, $0x38;
	[tilespmem:$0x1BF00] =	vst v63  }
0x103: {  	_ =	swait.ge [sflag:s26], $0x80  }
0x104: {  	[sflag:s26] =	ssyncset.done $0x0  }
0x105: {  	s25 =	rddreg [dreg:$0x14];
	[sflag:s26] =	ssyncadd.s32 $0xFFFFFF80  }
0x106: {  	[tilespmem:s0], [sflag:$0x4] =	stream.linear.gather [hbm4b:s25+s23], $0x80, $0x38;
	[tilespmem:$0x1BF00] =	vst v63  }
0x107: {  	_ =	swait.ge [sflag:s26], $0x80  }
0x108: {  	[sflag:s26] =	ssyncset.done $0x0  }
0x109: {  	[sflag:s26] =	ssyncadd.s32 $0xFFFFFF80  }
.LBB2_7:
0x10a: {  	[tilespmem:s4], [sflag:$0x2] =	stream.indirect.gather [hbm4b:s9+s29], $0x80, s29, s29, $0xb8;
	[tilespmem:$0x1BF00] =	vst v63  }
0x10b: {  	s14 =	sand.u32 $0x7C00, s23  }
0x10c: {  	s24 =	sand.u32 $0x200, s23;
	s14 =	sadd.s32 s18, s14  }
0x10d: {  	[spmem:s5] =	stream.indirect.scatter.add.f32 [tilespmem:s15], [sflag:$0x3], $0x80, s28, s29, $0xb8;
	[tilespmem:$0x1BF00] =	vst v63  }
0x10e: {  	s14 =	sor.u32 s24, s14  }
0x10f: {  	s14 =	sshrl.u32 s14, $0x3  }
0x110: {  	s24 =	sor.u32 $0x20, s14  }
0x111: {  	s25 =	sadd.s32 s10, s24  }
0x112: {  	[tilespmem:s6], [sflag:$0x5] =	stream.linear.gather [hbm4b:s25+s6], $0x80, $0x38;
	[tilespmem:$0x1BF00] =	vst v63  }
0x113: {  	_ =	swait.ge [sflag:s3], $0x80  }
0x114: {  	[sflag:s3] =	ssyncset.done $0x0  }
0x115: {  	s24 =	sadd.s32 s11, s24;
	[sflag:s3] =	ssyncadd.s32 $0xFFFFFF80  }
0x116: {  	[tilespmem:s31], [sflag:$0x5] =	stream.linear.gather [hbm4b:s24+s6], $0x80, $0x38;
	[tilespmem:$0x1BF00] =	vst v63  }
0x117: {  	_ =	swait.ge [sflag:s3], $0x80  }
0x118: {  	[sflag:s3] =	ssyncset.done $0x0  }
0x119: {  	[sflag:s3] =	ssyncadd.s32 $0xFFFFFF80  }
0x11a: {  	_ =	swait.ge [sflag:s7], $0x4000  }
0x11b: {  	[sflag:s7] =	ssyncset.done $0x0  }
0x11c: {  	[sflag:s7] =	ssyncadd.s32 $0xFFFFC000  }
0x11d: {  	_ =	swait.ge [sflag:s12], $0x4000  }
0x11e: {  	[sflag:s12] =	ssyncset.done $0x0  }
0x11f: {  	[sflag:s12] =	ssyncadd.s32 $0xFFFFC000  }
0x120: {  	[tilespmem:s15], [sflag:$0x1] =	stream.indirect.gather [hbm4b:s9+s29], $0x80, s6, s29, $0xb8;
	[tilespmem:$0x1BF00] =	vst v63  }
0x121: {  	s14 =	sor.u32 $0x30, s14  }
0x122: {  	[spmem:s5] =	stream.indirect.scatter.add.f32 [tilespmem:s4], [sflag:$0x3], $0x80, s0, s29, $0xb8;
	[tilespmem:$0x1BF00] =	vst v63  }
0x123: {  	s25 =	sadd.s32 s10, s14  }
0x124: {  	[tilespmem:s29], [sflag:$0x5] =	stream.linear.gather [hbm4b:s25+s6], $0x80, $0x38;
	[tilespmem:$0x1BF00] =	vst v63  }
0x125: {  	_ =	swait.ge [sflag:s3], $0x80  }
0x126: {  	[sflag:s3] =	ssyncset.done $0x0  }
0x127: {  	s14 =	sadd.s32 s11, s14;
	[sflag:s3] =	ssyncadd.s32 $0xFFFFFF80  }
0x128: {  	[tilespmem:s13], [sflag:$0x5] =	stream.linear.gather [hbm4b:s14+s6], $0x80, $0x38;
	[tilespmem:$0x1BF00] =	vst v63  }
0x129: {  	_ =	swait.ge [sflag:s3], $0x80  }
0x12a: {  	[sflag:s3] =	ssyncset.done $0x0  }
0x12b: {  	[sflag:s3] =	ssyncadd.s32 $0xFFFFFF80  }
0x12c: {  	_ =	swait.ge [sflag:s7], $0x4000  }
0x12d: {  	[sflag:s7] =	ssyncset.done $0x0  }
0x12e: {  	[sflag:s7] =	ssyncadd.s32 $0xFFFFC000  }
0x12f: {  	p1 =	seq.s32 s23, $0x4E00;
	_ =	swait.ge [sflag:s30], $0x4000  }
.Ltmp5:
0x130: {  	[sflag:s30] =	ssyncset.done $0x0;
	(pc) =	sbr.rel @p1 .LBB2_8-.Ltmp5, $4  }
0x131: {  	[sflag:s30] =	ssyncadd.s32 $0xFFFFC000  }
0x132: {  	[tilespmem:s4], [sflag:$0x2] =	stream.indirect.gather [hbm4b:s9+s29], $0x80, s29, s29, $0xb8;
	[tilespmem:$0x1BF00] =	vst v63  }
0x133: {  	_ = 	snop  }
0x134: {  	[spmem:s5] =	stream.indirect.scatter.add.f32 [tilespmem:s15], [sflag:$0x3], $0x80, s31, s29, $0xb8;
	[tilespmem:$0x1BF00] =	vst v63  }
0x135: {  	s14 =	sadd.s32 $0x200, s23  }
0x136: {  	s24 =	sand.u32 $0xFC00, s14  }
0x137: {  	s25 =	sand.u32 $0x200, s14;
	s24 =	sadd.s32 s18, s24  }
0x138: {  	s24 =	sor.u32 s25, s24  }
0x139: {  	s24 =	sshrl.u32 s24, $0x3  }
0x13a: {  	s25 =	sadd.s32 s10, s24  }
0x13b: {  	[tilespmem:s6], [sflag:$0x5] =	stream.linear.gather [hbm4b:s25+s6], $0x80, $0x38;
	[tilespmem:$0x1BF00] =	vst v63  }
0x13c: {  	_ =	swait.ge [sflag:s3], $0x80  }
0x13d: {  	[sflag:s3] =	ssyncset.done $0x0  }
0x13e: {  	s24 =	sadd.s32 s11, s24;
	[sflag:s3] =	ssyncadd.s32 $0xFFFFFF80  }
0x13f: {  	[tilespmem:s28], [sflag:$0x5] =	stream.linear.gather [hbm4b:s24+s6], $0x80, $0x38;
	[tilespmem:$0x1BF00] =	vst v63  }
0x140: {  	_ =	swait.ge [sflag:s3], $0x80  }
0x141: {  	[sflag:s3] =	ssyncset.done $0x0  }
0x142: {  	[sflag:s3] =	ssyncadd.s32 $0xFFFFFF80  }
0x143: {  	_ =	swait.ge [sflag:s7], $0x4000  }
0x144: {  	[sflag:s7] =	ssyncset.done $0x0  }
0x145: {  	s23 =	sadd.s32 $0x280, s23;
	[sflag:s7] =	ssyncadd.s32 $0xFFFFC000  }
0x146: {  	s25 =	sand.u32 $0xFC00, s23;
	_ =	swait.ge [sflag:s12], $0x4000  }
0x147: {  	s23 =	sand.u32 $0x280, s23;
	s24 =	sadd.s32 s18, s25;
	[sflag:s12] =	ssyncset.done $0x0  }
0x148: {  	s23 =	sor.u32 s23, s24;
	[sflag:s12] =	ssyncadd.s32 $0xFFFFC000  }
0x149: {  	[tilespmem:s15], [sflag:$0x1] =	stream.indirect.gather [hbm4b:s9+s29], $0x80, s6, s29, $0xb8;
	[tilespmem:$0x1BF00] =	vst v63  }
0x14a: {  	s23 =	sshrl.u32 s23, $0x3  }
0x14b: {  	[spmem:s5] =	stream.indirect.scatter.add.f32 [tilespmem:s4], [sflag:$0x3], $0x80, s13, s29, $0xb8;
	[tilespmem:$0x1BF00] =	vst v63  }
0x14c: {  	s25 =	sadd.s32 s10, s23  }
0x14d: {  	[tilespmem:s29], [sflag:$0x5] =	stream.linear.gather [hbm4b:s25+s6], $0x80, $0x38;
	[tilespmem:$0x1BF00] =	vst v63  }
0x14e: {  	_ =	swait.ge [sflag:s3], $0x80  }
0x14f: {  	[sflag:s3] =	ssyncset.done $0x0  }
0x150: {  	s23 =	sadd.s32 s11, s23;
	[sflag:s3] =	ssyncadd.s32 $0xFFFFFF80  }
0x151: {  	[tilespmem:s0], [sflag:$0x5] =	stream.linear.gather [hbm4b:s23+s6], $0x80, $0x38;
	[tilespmem:$0x1BF00] =	vst v63  }
0x152: {  	_ =	swait.ge [sflag:s3], $0x80  }
0x153: {  	[sflag:s3] =	ssyncset.done $0x0  }
0x154: {  	[sflag:s3] =	ssyncadd.s32 $0xFFFFFF80  }
0x155: {  	_ =	swait.ge [sflag:s7], $0x4000  }
.Ltmp6:
0x156: {  	[sflag:s7] =	ssyncset.done $0x0;
	(pc) =	sbr.rel .LBB2_7-.Ltmp6, $4  }
0x157: {  	[sflag:s7] =	ssyncadd.s32 $0xFFFFC000  }
0x158: {  	_ =	swait.ge [sflag:s30], $0x4000  }
0x159: {  	[sflag:s30] =	ssyncset.done $0x0  }
0x15a: {  	s23 =	smov.u32 s14;
	[sflag:s30] =	ssyncadd.s32 $0xFFFFC000  }
.LBB2_4:
.Ltmp7:
0x15b: {  	(pc) =	sbr.rel .LBB2_9-.Ltmp7, $2  }
0x15c: {  	_ =	sdelay $0x2  }
0x15d: {  	s23 =	rddreg [dreg:$0x7]  }
.LBB2_8:
0x15e: {  	s23 =	rddreg [dreg:$0x8]  }
.LBB2_9:
0x15f: {  	_ =	swait.ge [sflag:s7], $0x4000  }
0x160: {  	[sflag:s7] =	ssyncset.done $0x0  }
0x161: {  	[sflag:s7] =	ssyncadd.s32 $0xFFFFC000  }
0x162: {  	_ =	swait.ge [sflag:s12], $0x4000  }
0x163: {  	[sflag:s12] =	ssyncset.done $0x0  }
0x164: {  	[sflag:s12] =	ssyncadd.s32 $0xFFFFC000  }
0x165: {  	[spmem:s5] =	stream.indirect.scatter.add.f32 [tilespmem:s4], [sflag:$0x4], $0x80, s13, s29, $0xb8;
	[tilespmem:$0x1BF00] =	vst v63  }
0x166: {  	_ =	swait.ge [sflag:s26], $0x4000  }
0x167: {  	[sflag:s26] =	ssyncset.done $0x0  }
0x168: {  	[sflag:s26] =	ssyncadd.s32 $0xFFFFC000  }
0x169: {  	[bflag:$0x0] =	sbarrier.arrive $0xFFFF  }
0x16a: {  	[tilespmem:s15], [sflag:$0x4] =	stream.linear.gather [spmem:s20], $0x4000, $0x38;
	[tilespmem:$0x1BF00] =	vst v63  }
0x16b: {  	_ =	swait.ge [sflag:s26], $0x4000  }
0x16c: {  	[sflag:s26] =	ssyncset.done $0x0;
	s14 =	rddreg [dreg:$0x1d]  }
0x16d: {  	s14 =	sadd.s32 s23, s14;
	[sflag:s26] =	ssyncadd.s32 $0xFFFFC000  }
0x16e: {  	[hbm4b:s14+s6] =	stream.linear.scatter [tilespmem:s15], [sflag:$0x4], $0x4000, $0x38;
	[tilespmem:$0x1BF00] =	vst v63  }
0x16f: {  	_ =	swait.ge [sflag:s26], $0x4000  }
0x170: {  	[sflag:s26] =	ssyncset.done $0x0  }
0x171: {  	[sflag:s26] =	ssyncadd.s32 $0xFFFFC000  }
0x172: {  	[tilespmem:s15], [sflag:$0x4] =	stream.linear.gather [spmem:s21], $0x4000, $0x38;
	[tilespmem:$0x1BF00] =	vst v63  }
0x173: {  	_ =	swait.ge [sflag:s26], $0x4000  }
0x174: {  	[sflag:s26] =	ssyncset.done $0x0;
	s25 =	rddreg [dreg:$0xf]  }
0x175: {  	s14 =	sadd.s32 s23, s25;
	[sflag:s26] =	ssyncadd.s32 $0xFFFFC000  }
0x176: {  	[hbm4b:s14+s6] =	stream.linear.scatter [tilespmem:s15], [sflag:$0x4], $0x4000, $0x38;
	[tilespmem:$0x1BF00] =	vst v63  }
0x177: {  	_ =	swait.ge [sflag:s26], $0x4000  }
0x178: {  	[sflag:s26] =	ssyncset.done $0x0  }
0x179: {  	[sflag:s26] =	ssyncadd.s32 $0xFFFFC000  }
0x17a: {  	[tilespmem:s15], [sflag:$0x4] =	stream.linear.gather [spmem:s16], $0x4000, $0x38;
	[tilespmem:$0x1BF00] =	vst v63  }
0x17b: {  	_ =	swait.ge [sflag:s26], $0x4000  }
0x17c: {  	[sflag:s26] =	ssyncset.done $0x0;
	s24 =	rddreg [dreg:$0x10]  }
0x17d: {  	s14 =	sadd.s32 s23, s24;
	[sflag:s26] =	ssyncadd.s32 $0xFFFFC000  }
0x17e: {  	[hbm4b:s14+s6] =	stream.linear.scatter [tilespmem:s15], [sflag:$0x4], $0x4000, $0x38;
	[tilespmem:$0x1BF00] =	vst v63  }
0x17f: {  	_ =	swait.ge [sflag:s26], $0x4000  }
0x180: {  	[sflag:s26] =	ssyncset.done $0x0  }
0x181: {  	s24 =	rddreg [dreg:$0xd];
	[sflag:s26] =	ssyncadd.s32 $0xFFFFC000  }
0x182: {  	[tilespmem:s15], [sflag:$0x4] =	stream.linear.gather [spmem:s24], $0x4000, $0x38;
	[tilespmem:$0x1BF00] =	vst v63  }
0x183: {  	_ =	swait.ge [sflag:s26], $0x4000  }
0x184: {  	[sflag:s26] =	ssyncset.done $0x0;
	s25 =	rddreg [dreg:$0x11]  }
0x185: {  	s14 =	sadd.s32 s23, s25;
	[sflag:s26] =	ssyncadd.s32 $0xFFFFC000  }
0x186: {  	[hbm4b:s14+s6] =	stream.linear.scatter [tilespmem:s15], [sflag:$0x4], $0x4000, $0x38;
	[tilespmem:$0x1BF00] =	vst v63  }
0x187: {  	_ =	swait.ge [sflag:s26], $0x4000  }
0x188: {  	[sflag:s26] =	ssyncset.done $0x0  }
0x189: {  	s25 =	rddreg [dreg:$0xe];
	[sflag:s26] =	ssyncadd.s32 $0xFFFFC000  }
0x18a: {  	[tilespmem:s15], [sflag:$0x4] =	stream.linear.gather [spmem:s25], $0x3C00, $0x38;
	[tilespmem:$0x1BF00] =	vst v63  }
0x18b: {  	_ =	swait.ge [sflag:s26], $0x3C00  }
0x18c: {  	[sflag:s26] =	ssyncset.done $0x0;
	s14 =	rddreg [dreg:$0x12]  }
0x18d: {  	s14 =	sadd.s32 s23, s14;
	[sflag:s26] =	ssyncadd.s32 $0xFFFFC400  }
0x18e: {  	[hbm4b:s14+s6] =	stream.linear.scatter [tilespmem:s15], [sflag:$0x4], $0x3C00, $0x38;
	[tilespmem:$0x1BF00] =	vst v63  }
0x18f: {  	_ =	swait.ge [sflag:s26], $0x3C00  }
0x190: {  	[sflag:s26] =	ssyncset.done $0x0  }
0x191: {  	[sflag:s26] =	ssyncadd.s32 $0xFFFFC400  }
0x192: {  	[bflag:$0x0] =	sbarrier.arrive $0xFFFF  }
0x193: {  	[tilespmem:s15], [sflag:$0x4] =	stream.linear.gather [hbm4b:s17+s6], $0x4000, $0x38;
	[tilespmem:$0x1BF00] =	vst v63  }
0x194: {  	_ =	swait.ge [sflag:s26], $0x4000  }
0x195: {  	[sflag:s26] =	ssyncset.done $0x0  }
0x196: {  	[sflag:s26] =	ssyncadd.s32 $0xFFFFC000  }
0x197: {  	[spmem:s20] =	stream.linear.scatter [tilespmem:s15], [sflag:$0x4], $0x4000, $0x38;
	[tilespmem:$0x1BF00] =	vst v63  }
0x198: {  	_ =	swait.ge [sflag:s26], $0x4000  }
0x199: {  	[sflag:s26] =	ssyncset.done $0x0  }
0x19a: {  	[sflag:s26] =	ssyncadd.s32 $0xFFFFC000  }
0x19b: {  	[spmem:s21] =	stream.linear.scatter [tilespmem:s15], [sflag:$0x4], $0x4000, $0x38;
	[tilespmem:$0x1BF00] =	vst v63  }
0x19c: {  	_ =	swait.ge [sflag:s26], $0x4000  }
0x19d: {  	[sflag:s26] =	ssyncset.done $0x0  }
0x19e: {  	[sflag:s26] =	ssyncadd.s32 $0xFFFFC000  }
0x19f: {  	[spmem:s16] =	stream.linear.scatter [tilespmem:s15], [sflag:$0x4], $0x4000, $0x38;
	[tilespmem:$0x1BF00] =	vst v63  }
0x1a0: {  	_ =	swait.ge [sflag:s26], $0x4000  }
0x1a1: {  	[sflag:s26] =	ssyncset.done $0x0  }
0x1a2: {  	[sflag:s26] =	ssyncadd.s32 $0xFFFFC000  }
0x1a3: {  	[spmem:s24] =	stream.linear.scatter [tilespmem:s15], [sflag:$0x4], $0x4000, $0x38;
	[tilespmem:$0x1BF00] =	vst v63  }
0x1a4: {  	_ =	swait.ge [sflag:s26], $0x4000  }
0x1a5: {  	[sflag:s26] =	ssyncset.done $0x0  }
0x1a6: {  	[sflag:s26] =	ssyncadd.s32 $0xFFFFC000  }
0x1a7: {  	[spmem:s25] =	stream.linear.scatter [tilespmem:s15], [sflag:$0x4], $0x3C00, $0x38;
	[tilespmem:$0x1BF00] =	vst v63  }
0x1a8: {  	_ =	swait.ge [sflag:s26], $0x3C00  }
0x1a9: {  	[sflag:s26] =	ssyncset.done $0x0  }
0x1aa: {  	[sflag:s26] =	ssyncadd.s32 $0xFFFFC400  }
.Ltmp8:
0x1ab: {  	[bflag:$0x0] =	sbarrier.arrive $0xFFFF;
	(pc) =	sbr.rel @p0 .LBB2_13-.Ltmp8, $4  }
0x1ac: {  	[tilespmem:s15], [sflag:$0x4] =	stream.linear.gather [hbm4b:s19+s6], $0x4000, $0x38;
	[tilespmem:$0x1BF00] =	vst v63  }
0x1ad: {  	_ =	swait.ge [sflag:s26], $0x4000  }
0x1ae: {  	[sflag:s26] =	ssyncset.done $0x0  }
0x1af: {  	[sflag:s26] =	ssyncadd.s32 $0xFFFFC000  }
0x1b0: {  	s14 =	simm.s32 $0x100;
	s16 =	rddreg [dreg:$0x1b];
	s23 =	simm.s32 $0x0  }
0x1b1: {  	[tilespmem:s14], [sflag:$0x4] =	stream.linear.gather [hbm4b:s16+s6], $0x80, $0x38;
	[tilespmem:$0x1BF00] =	vst v63  }
0x1b2: {  	s24 =	sand.u32 $0x7C00, s23  }
0x1b3: {  	s23 =	sand.u32 $0x300, s23;
	s24 =	sadd.s32 s18, s24  }
0x1b4: {  	_ =	swait.ge [sflag:s26], $0x80;
	s23 =	sor.u32 s24, s23  }
0x1b5: {  	[sflag:s26] =	ssyncset.done $0x0;
	s23 =	sor.u32 $0x80, s23  }
0x1b6: {  	[sflag:s26] =	ssyncadd.s32 $0xFFFFFF80;
	s23 =	sshrl.u32 s23, $0x3  }
0x1b7: {  	[spmem:s5] =	stream.indirect.scatter.add.f32 [tilespmem:s15], [sflag:$0x3], $0x80, s28, s29, $0xb8;
	[tilespmem:$0x1BF00] =	vst v63  }
0x1b8: {  	s23 =	sadd.s32 s2, s23  }
0x1b9: {  	[tilespmem:s0], [sflag:$0x5] =	stream.linear.gather [hbm4b:s23+s6], $0x80, $0x38;
	[tilespmem:$0x1BF00] =	vst v63  }
0x1ba: {  	_ =	swait.ge [sflag:s3], $0x80  }
0x1bb: {  	[sflag:s3] =	ssyncset.done $0x0  }
0x1bc: {  	s25 =	sand.u32 $0xFC00, s14;
	[sflag:s3] =	ssyncadd.s32 $0xFFFFFF80  }
0x1bd: {  	s14 =	sand.u32 $0x300, s14;
	s23 =	sadd.s32 s18, s25;
	_ =	swait.ge [sflag:s7], $0x4000  }
0x1be: {  	s14 =	sor.u32 s14, s23;
	[sflag:s7] =	ssyncset.done $0x0  }
0x1bf: {  	s14 =	sshrl.u32 s14, $0x3;
	[sflag:s7] =	ssyncadd.s32 $0xFFFFC000  }
0x1c0: {  	[spmem:s5] =	stream.indirect.scatter.add.f32 [tilespmem:s15], [sflag:$0x3], $0x80, s0, s29, $0xb8;
	[tilespmem:$0x1BF00] =	vst v63  }
0x1c1: {  	s16 =	simm.s32 $0x100;
	s14 =	sadd.s32 s2, s14  }
0x1c2: {  	[tilespmem:s28], [sflag:$0x5] =	stream.linear.gather [hbm4b:s14+s6], $0x80, $0x38;
	[tilespmem:$0x1BF00] =	vst v63  }
0x1c3: {  	s24 =	simm.s32 $0x300;
	s25 =	sand.u32 $0x7C00, s16;
	_ =	swait.ge [sflag:s3], $0x80  }
0x1c4: {  	s14 =	sadd.s32 s18, s25;
	s25 =	sand.u32 $0x300, s16;
	[sflag:s3] =	ssyncset.done $0x0  }
0x1c5: {  	s23 =	simm.s32 $0x200;
	s25 =	sor.u32 s14, s25;
	[sflag:s3] =	ssyncadd.s32 $0xFFFFFF80  }
.LBB2_11:
0x1c6: {  	s14 =	sor.u32 $0x80, s25  }
0x1c7: {  	_ =	swait.ge [sflag:s7], $0x4000;
	s25 =	smov.u32 s24;
	s16 =	sadd.s32 $0x100, s24  }
0x1c8: {  	p1 =	seq.s32 s24, $0x4F00;
	s14 =	sshrl.u32 s14, $0x3;
	[sflag:s7] =	ssyncset.done $0x0  }
0x1c9: {  	s14 =	sadd.s32 s2, s14;
	[sflag:s7] =	ssyncadd.s32 $0xFFFFC000  }
0x1ca: {  	[spmem:s5] =	stream.indirect.scatter.add.f32 [tilespmem:s15], [sflag:$0x3], $0x80, s28, s29, $0xb8;
	[tilespmem:$0x1BF00] =	vst v63  }
0x1cb: {  	_ = 	snop  }
0x1cc: {  	[tilespmem:s0], [sflag:$0x5] =	stream.linear.gather [hbm4b:s14+s6], $0x80, $0x38;
	[tilespmem:$0x1BF00] =	vst v63  }
0x1cd: {  	_ =	swait.ge [sflag:s3], $0x80  }
0x1ce: {  	s14 =	sand.u32 $0xFC00, s23;
	[sflag:s3] =	ssyncset.done $0x0  }
0x1cf: {  	s23 =	sand.u32 $0x300, s23;
	s14 =	sadd.s32 s18, s14;
	[sflag:s3] =	ssyncadd.s32 $0xFFFFFF80  }
0x1d0: {  	s14 =	sor.u32 s23, s14;
	s23 =	smov.u32 s25;
	_ =	swait.ge [sflag:s7], $0x4000  }
0x1d1: {  	s14 =	sshrl.u32 s14, $0x3;
	[sflag:s7] =	ssyncset.done $0x0  }
0x1d2: {  	s14 =	sadd.s32 s2, s14;
	[sflag:s7] =	ssyncadd.s32 $0xFFFFC000  }
0x1d3: {  	[spmem:s5] =	stream.indirect.scatter.add.f32 [tilespmem:s15], [sflag:$0x3], $0x80, s0, s29, $0xb8;
	[tilespmem:$0x1BF00] =	vst v63  }
.Ltmp9:
0x1d4: {  	s24 =	sadd.s32 $0xFFFFFF00, s23;
	(pc) =	sbr.rel @!p1 .LBB2_11-.Ltmp9, $4  }
0x1d5: {  	[tilespmem:s28], [sflag:$0x5] =	stream.linear.gather [hbm4b:s14+s6], $0x80, $0x38;
	[tilespmem:$0x1BF00] =	vst v63  }
0x1d6: {  	s14 =	sand.u32 $0x7C00, s24;
	_ =	swait.ge [sflag:s3], $0x80  }
0x1d7: {  	s24 =	sand.u32 $0x300, s24;
	s14 =	sadd.s32 s18, s14;
	[sflag:s3] =	ssyncset.done $0x0  }
0x1d8: {  	s25 =	sor.u32 s14, s24;
	s24 =	smov.u32 s16;
	[sflag:s3] =	ssyncadd.s32 $0xFFFFFF80  }
0x1d9: {  	_ =	swait.ge [sflag:s7], $0x4000  }
0x1da: {  	s14 =	sor.u32 $0x80, s25;
	[sflag:s7] =	ssyncset.done $0x0  }
0x1db: {  	s14 =	sshrl.u32 s14, $0x3;
	[sflag:s7] =	ssyncadd.s32 $0xFFFFC000  }
0x1dc: {  	[spmem:s5] =	stream.indirect.scatter.add.f32 [tilespmem:s15], [sflag:$0x3], $0x80, s28, s29, $0xb8;
	[tilespmem:$0x1BF00] =	vst v63  }
0x1dd: {  	s14 =	sadd.s32 s2, s14  }
0x1de: {  	[tilespmem:s0], [sflag:$0x5] =	stream.linear.gather [hbm4b:s14+s6], $0x80, $0x38;
	[tilespmem:$0x1BF00] =	vst v63  }
0x1df: {  	_ =	swait.ge [sflag:s3], $0x80  }
0x1e0: {  	[sflag:s3] =	ssyncset.done $0x0  }
0x1e1: {  	s25 =	sand.u32 $0xFC00, s23;
	[sflag:s3] =	ssyncadd.s32 $0xFFFFFF80  }
0x1e2: {  	s16 =	sand.u32 $0x300, s23;
	s14 =	sadd.s32 s18, s25;
	_ =	swait.ge [sflag:s7], $0x4000  }
0x1e3: {  	s14 =	sor.u32 s16, s14;
	[sflag:s7] =	ssyncset.done $0x0  }
0x1e4: {  	s14 =	sshrl.u32 s14, $0x3;
	[sflag:s7] =	ssyncadd.s32 $0xFFFFC000  }
0x1e5: {  	[spmem:s5] =	stream.indirect.scatter.add.f32 [tilespmem:s15], [sflag:$0x3], $0x80, s0, s29, $0xb8;
	[tilespmem:$0x1BF00] =	vst v63  }
0x1e6: {  	s14 =	sadd.s32 s2, s14  }
0x1e7: {  	[tilespmem:s28], [sflag:$0x5] =	stream.linear.gather [hbm4b:s14+s6], $0x80, $0x38;
	[tilespmem:$0x1BF00] =	vst v63  }
0x1e8: {  	_ =	swait.ge [sflag:s3], $0x80  }
.Ltmp10:
0x1e9: {  	[sflag:s3] =	ssyncset.done $0x0;
	(pc) =	sbr.rel .LBB2_16-.Ltmp10, $4  }
0x1ea: {  	[sflag:s3] =	ssyncadd.s32 $0xFFFFFF80  }
0x1eb: {  	_ =	swait.ge [sflag:s7], $0x4000  }
0x1ec: {  	[sflag:s7] =	ssyncset.done $0x0  }
0x1ed: {  	s24 =	smov.u32 s2;
	s23 =	rddreg [dreg:$0x9];
	[sflag:s7] =	ssyncadd.s32 $0xFFFFC000  }
.LBB2_13:
0x1ee: {  	s21 =	smov.u32 s20;
	s20 =	smov.u32 s19;
	s19 =	smov.u32 s17  }
0x1ef: {  	s14 =	simm.s32 $0x100;
	s16 =	rddreg [dreg:$0x19];
	s17 =	simm.s32 $0x0  }
0x1f0: {  	[tilespmem:s14], [sflag:$0x4] =	stream.linear.gather [hbm4b:s16+s6], $0x80, $0x38;
	[tilespmem:$0x1BF00] =	vst v63  }
0x1f1: {  	s23 =	sand.u32 $0x7C00, s17  }
0x1f2: {  	s16 =	sand.u32 $0x300, s17;
	s23 =	sadd.s32 s18, s23  }
0x1f3: {  	_ =	swait.ge [sflag:s26], $0x80;
	s16 =	sor.u32 s23, s16  }
0x1f4: {  	[sflag:s26] =	ssyncset.done $0x0;
	s16 =	sor.u32 $0x80, s16  }
0x1f5: {  	[sflag:s26] =	ssyncadd.s32 $0xFFFFFF80;
	s16 =	sshrl.u32 s16, $0x3  }
0x1f6: {  	[spmem:s5] =	stream.indirect.scatter.add.f32 [tilespmem:s15], [sflag:$0x3], $0x80, s28, s29, $0xb8;
	[tilespmem:$0x1BF00] =	vst v63  }
0x1f7: {  	s16 =	sadd.s32 s11, s16  }
0x1f8: {  	[tilespmem:s0], [sflag:$0x5] =	stream.linear.gather [hbm4b:s16+s6], $0x80, $0x38;
	[tilespmem:$0x1BF00] =	vst v63  }
0x1f9: {  	_ =	swait.ge [sflag:s3], $0x80  }
0x1fa: {  	[sflag:s3] =	ssyncset.done $0x0  }
0x1fb: {  	s23 =	sand.u32 $0xFC00, s14;
	[sflag:s3] =	ssyncadd.s32 $0xFFFFFF80  }
0x1fc: {  	s14 =	sand.u32 $0x300, s14;
	s16 =	sadd.s32 s18, s23;
	_ =	swait.ge [sflag:s7], $0x4000  }
0x1fd: {  	s14 =	sor.u32 s14, s16;
	[sflag:s7] =	ssyncset.done $0x0  }
0x1fe: {  	s14 =	sshrl.u32 s14, $0x3;
	[sflag:s7] =	ssyncadd.s32 $0xFFFFC000  }
0x1ff: {  	[spmem:s5] =	stream.indirect.scatter.add.f32 [tilespmem:s15], [sflag:$0x3], $0x80, s0, s29, $0xb8;
	[tilespmem:$0x1BF00] =	vst v63  }
0x200: {  	s24 =	simm.s32 $0x100;
	s14 =	sadd.s32 s11, s14  }
0x201: {  	[tilespmem:s28], [sflag:$0x5] =	stream.linear.gather [hbm4b:s14+s6], $0x80, $0x38;
	[tilespmem:$0x1BF00] =	vst v63  }
0x202: {  	s25 =	sand.u32 $0x7C00, s24;
	s23 =	simm.s32 $0x200;
	_ =	swait.ge [sflag:s3], $0x80  }
0x203: {  	s16 =	sand.u32 $0x300, s24;
	s14 =	sadd.s32 s18, s25;
	[sflag:s3] =	ssyncset.done $0x0  }
0x204: {  	s24 =	simm.s32 $0x300;
	s25 =	sor.u32 s14, s16;
	[sflag:s3] =	ssyncadd.s32 $0xFFFFFF80  }
.LBB2_14:
0x205: {  	s14 =	sor.u32 $0x80, s25  }
0x206: {  	_ =	swait.ge [sflag:s7], $0x4000;
	s16 =	smov.u32 s24;
	s17 =	sadd.s32 $0x100, s24  }
0x207: {  	p1 =	sne.s32 s24, $0x4F00;
	s14 =	sshrl.u32 s14, $0x3;
	[sflag:s7] =	ssyncset.done $0x0  }
0x208: {  	s14 =	sadd.s32 s11, s14;
	[sflag:s7] =	ssyncadd.s32 $0xFFFFC000  }
0x209: {  	[spmem:s5] =	stream.indirect.scatter.add.f32 [tilespmem:s15], [sflag:$0x3], $0x80, s28, s29, $0xb8;
	[tilespmem:$0x1BF00] =	vst v63  }
0x20a: {  	_ = 	snop  }
0x20b: {  	[tilespmem:s0], [sflag:$0x5] =	stream.linear.gather [hbm4b:s14+s6], $0x80, $0x38;
	[tilespmem:$0x1BF00] =	vst v63  }
0x20c: {  	_ =	swait.ge [sflag:s3], $0x80  }
0x20d: {  	s14 =	sand.u32 $0xFC00, s23;
	[sflag:s3] =	ssyncset.done $0x0  }
0x20e: {  	s23 =	sand.u32 $0x300, s23;
	s14 =	sadd.s32 s18, s14;
	[sflag:s3] =	ssyncadd.s32 $0xFFFFFF80  }
0x20f: {  	s14 =	sor.u32 s23, s14;
	s23 =	smov.u32 s16;
	_ =	swait.ge [sflag:s7], $0x4000  }
0x210: {  	s14 =	sshrl.u32 s14, $0x3;
	[sflag:s7] =	ssyncset.done $0x0  }
0x211: {  	s14 =	sadd.s32 s11, s14;
	[sflag:s7] =	ssyncadd.s32 $0xFFFFC000  }
0x212: {  	[spmem:s5] =	stream.indirect.scatter.add.f32 [tilespmem:s15], [sflag:$0x3], $0x80, s0, s29, $0xb8;
	[tilespmem:$0x1BF00] =	vst v63  }
.Ltmp11:
0x213: {  	s16 =	sadd.s32 $0xFFFFFF00, s23;
	(pc) =	sbr.rel @p1 .LBB2_14-.Ltmp11, $4  }
0x214: {  	[tilespmem:s28], [sflag:$0x5] =	stream.linear.gather [hbm4b:s14+s6], $0x80, $0x38;
	[tilespmem:$0x1BF00] =	vst v63  }
0x215: {  	s14 =	sand.u32 $0x7C00, s16;
	_ =	swait.ge [sflag:s3], $0x80  }
0x216: {  	s16 =	sand.u32 $0x300, s16;
	s14 =	sadd.s32 s18, s14;
	[sflag:s3] =	ssyncset.done $0x0  }
0x217: {  	s24 =	smov.u32 s17;
	s25 =	sor.u32 s14, s16;
	[sflag:s3] =	ssyncadd.s32 $0xFFFFFF80  }
.Ltmp12:
0x218: {  	_ = 	snop;
	(pc) =	sbr.rel .LBB2_15-.Ltmp12, $1  }
0x219: {  	_ =	sdelay $0x3  }
.LBB2_17:
0x21a: {  	_ =	sfence.sel $0x180000  }
0x21b: {  	[bflag:$0x0] =	sbarrier.arrive $0xFFFF  }
0x21c: {  	_ =	strace $0x90000047  }
0x21d: {  	s0 =	stileid.u32;
	[bflag:$0x2] =	sbarrier.arrive $0xFFFF  }
0x21e: {  	p0 =	sne.s32 s0, $0x0;
	s0 =	rddreg [dreg:$0x6]  }
0x21f: {  	s0 =	sadd.s32 @!p0 $0x100000, s0  }
0x220: {  	[sflag:s0] =	ssyncadd.tile.s32 @!p0 $0x1;
	_ =	shalt  }
.Lfunc_end2:
_tile_overlayer_lowered:
.L_overlay_start_2:
0x221: {  	(tag) =	ssettag $0x2  }
0x222: {  	s0 =	rddreg [dreg:$0x0];
	s2 =	stileid.u32  }
0x223: {  	s1 =	rddreg [dreg:$0x1];
	p0 =	sne.s32 s2, $0x0  }
0x224: {  	s3 =	rddreg [dreg:$0x2];
	[bflag:$0x3] =	sbarrier.arrive $0xFFFF;
	s2 =	simm.s32 @!p0 $0x1C04  }
0x225: {  	[timem:s3], [sflag:s2] =	dma.local @!p0 [hbm:s0], s1  }
0x226: {  	s0 =	simm.s32 @!p0 $0x4  }
0x227: {  	_ =	swait.ge @!p0 [sflag:s0], s1  }
0x228: {  	s1 =	ssub.s32 @!p0 $0x0, s1;
	[sflag:s0] =	ssyncset.done @!p0 $0x0  }
0x229: {  	[sflag:s0] =	ssyncadd.s32 @!p0 s1  }
0x22a: {  	[bflag:$0x3] =	sbarrier.arrive $0xFFFF  }
0x22b: {  	_ =	shalt  }

</sc_bundles>
